<compile_context>
chip_gen: v7x
topology: tpu7x:2x2x1
jax: 0.10.2.dev20260603
libtpu: 0.0.44.dev20260713+nightly
codegen_flags: <defaults>
</compile_context>

<pallas_src>
import jax
import jax.numpy as jnp
from jax import lax
from jax.experimental import pallas as pl
from jax.experimental.pallas import tpu as pltpu
from jax.experimental.pallas import tpu_sc as plsc

B, N, FC = 4, 100000, 200000
BN = B * N
NF = B * FC
NC, NS, L = 2, 16, 16
NW = NC * NS
CH = 400
NSUB = 8
NCH = NF // (NSUB * CH)
CPW = -(-NCH // NW)
INNER = CH // L
ZROWS = 5000
NZ = BN // NS // ZROWS
SPT = BN // NS


def _rsqrt(q):
    yi = jnp.int32(0x5F3759DF) - lax.shift_right_arithmetic(
        lax.bitcast_convert_type(q, jnp.int32), 1)
    y = lax.bitcast_convert_type(yi, jnp.float32)
    h = q * 0.5
    y = y * (1.5 - h * y * y)
    y = y * (1.5 - h * y * y)
    y = y * (1.5 - h * y * y)
    return y


def _sc_body(vt_hbm, fall_hbm, z_hbm, out_hbm,
             accx, accy, accz,
             idx0, px0, py0, pz0, idx1, px1, py1, pz1,
             idx2, px2, py2, pz2, idx3, px3, py3, pz3,
             idx4, px4, py4, pz4, idx5, px5, py5, pz5,
             idx6, px6, py6, pz6, idx7, px7, py7, pz7, tmp,
             sem_i, sem_g0, sem_g1, sem_g2, sem_g3,
             sem_g4, sem_g5, sem_g6, sem_g7,
             sem_s0, sem_s1, sem_s2, sem_s3,
             sem_s4, sem_s5, sem_s6, sem_s7):
    c = lax.axis_index("c")
    s = lax.axis_index("s")
    w = c * NS + s
    acc = (accx, accy, accz)

    pltpu.sync_copy(z_hbm, tmp)
    row0 = s * SPT
    for ax in range(3):
        for j in range(NZ):
            pltpu.sync_copy(tmp, acc[ax].at[pl.ds(row0 + j * ZROWS, ZROWS)])

    plsc.subcore_barrier()

    def _compute(pxyz):
        def _faces(i, _):
            o = i * L
            p0 = [pxyz[ax][pl.ds(o, L)] for ax in range(3)]
            p1 = [pxyz[ax][pl.ds(CH + o, L)] for ax in range(3)]
            p2 = [pxyz[ax][pl.ds(2 * CH + o, L)] for ax in range(3)]
            e01 = [p0[j] - p1[j] for j in range(3)]
            e12 = [p1[j] - p2[j] for j in range(3)]
            e20 = [p2[j] - p0[j] for j in range(3)]
            a = sum(e12[j] * e12[j] for j in range(3))
            b = sum(e20[j] * e20[j] for j in range(3))
            cc = sum(e01[j] * e01[j] for j in range(3))
            t = a + b + cc
            q = t * t - 2.0 * (a * a + b * b + cc * cc)
            r2 = 0.5 * _rsqrt(q)
            c0 = (t - a - a) * r2
            c1 = (t - b - b) * r2
            c2 = (t - cc - cc) * r2
            for j in range(3):
                t0 = c0 * e12[j]
                t1 = c1 * e20[j]
                t2 = c2 * e01[j]
                pxyz[j][pl.ds(o, L)] = t1 - t2
                pxyz[j][pl.ds(CH + o, L)] = t2 - t0
                pxyz[j][pl.ds(2 * CH + o, L)] = t0 - t1
            return 0
        lax.fori_loop(0, INNER, _faces, 0)

    idxq = (idx0, idx1, idx2, idx3, idx4, idx5, idx6, idx7)
    pq = ((px0, py0, pz0), (px1, py1, pz1), (px2, py2, pz2), (px3, py3, pz3),
          (px4, py4, pz4), (px5, py5, pz5), (px6, py6, pz6), (px7, py7, pz7))
    sgq = (sem_g0, sem_g1, sem_g2, sem_g3, sem_g4, sem_g5, sem_g6, sem_g7)
    ssq = (sem_s0, sem_s1, sem_s2, sem_s3, sem_s4, sem_s5, sem_s6, sem_s7)

    def _chunk(k, _):
        cid = k * NW + w

        @pl.when(cid < NCH)
        def _():
            base = cid * (NSUB * CH)
            d_i = [[pltpu.async_copy(
                fall_hbm.at[pl.ds(v * NF + base + qq * CH, CH)],
                idxq[qq].at[pl.ds(v * CH, CH)], sem_i) for v in range(3)]
                for qq in range(NSUB)]
            d_g = []
            for qq in range(NSUB):
                for d in d_i[qq]:
                    d.wait()
                d_g.append([pltpu.async_copy(
                    vt_hbm.at[pl.ds(ax * BN, BN)].at[idxq[qq]],
                    pq[qq][ax], sgq[qq])
                    for ax in range(3)])
            d_s = []
            for qq in range(NSUB):
                for d in d_g[qq]:
                    d.wait()
                _compute(pq[qq])
                d_s.append([pltpu.async_copy(
                    pq[qq][ax], acc[ax].at[idxq[qq]], ssq[qq], add=True)
                    for ax in range(3)])
            for qq in range(NSUB):
                for d in d_s[qq]:
                    d.wait()
        return 0
    lax.fori_loop(0, CPW, _chunk, 0)

    plsc.subcore_barrier()

    for ax in range(3):
        for j in range(NZ):
            r = row0 + j * ZROWS
            pltpu.sync_copy(acc[ax].at[pl.ds(r, ZROWS)], tmp)
            pltpu.sync_copy(tmp, out_hbm.at[pl.ds((c * 3 + ax) * BN + r, ZROWS)])


_sc_call = pl.kernel(
    _sc_body,
    out_type=jax.ShapeDtypeStruct((NC * 3 * BN,), jnp.float32),
    mesh=plsc.VectorSubcoreMesh(core_axis_name="c", subcore_axis_name="s"),
    scratch_types=(
        [pltpu.VMEM_SHARED((BN,), jnp.float32)] * 3
        + ([pltpu.VMEM((3 * CH,), jnp.int32)]
           + [pltpu.VMEM((3 * CH,), jnp.float32)] * 3) * 8
        + [pltpu.VMEM((ZROWS,), jnp.float32)]
        + [pltpu.SemaphoreType.DMA] * 17
    ),
)


def _tc_add_body(a_ref, o_ref):
    o_ref[...] = a_ref[0] + a_ref[1]


def kernel(V, F):
    vt = V.reshape(BN, 3).T.reshape(3 * BN)
    off = (jnp.arange(B, dtype=jnp.int32) * N)[:, None, None]
    fall = (F.astype(jnp.int32) + off).transpose(2, 0, 1).reshape(3 * NF)
    z = jnp.zeros((ZROWS,), jnp.float32)
    parts = _sc_call(vt, fall, z)
    summed = pl.pallas_call(
        _tc_add_body,
        out_shape=jax.ShapeDtypeStruct((3 * BN // 128, 128), jnp.float32),
    )(parts.reshape(NC, 3 * BN // 128, 128))
    return summed.reshape(3, BN).T

# --- scband reference (transcript-rebuilt; emitter-appended) ---
"""Pipeline reference for scband-cot-laplacian-39814346834441 (READ-ONLY COPY).

The authoritative reference and input builder live on the scoring server;
editing this copy changes nothing except your own understanding.
"""

import jax, jax.numpy as jnp
import numpy as np

B, N, FC = 4, 100000, 200000


def setup_inputs(seed: int = 0) -> dict:
    key = jax.random.key(seed)
    k1, k2, k3, k4 = jax.random.split(key, 4)
    V = jax.random.normal(k1, (B, N, 3), dtype=jnp.float32)
    # faces: random int indices in [0, N); constructed so the 3 vertices of each
    # face are distinct (a degenerate face with duplicated vertices has zero area
    # and produces NaN cotangents in the original module as well)
    i0 = jax.random.randint(k2, (B, FC), 0, N)
    r1 = jax.random.randint(k3, (B, FC), 1, N)
    r2 = jax.random.randint(k4, (B, FC), 1, N - 1)
    r2 = jnp.where(r2 >= r1, r2 + 1, r2)
    F = jnp.stack([i0, (i0 + r1) % N, (i0 + r2) % N], axis=2)
    return {"V": V, "F": F}


def cotangent(V, F):
    # V: (B,N,3) float, F: (B,FC,3) int
    b, n, _ = V.shape
    Vf = V.reshape(-1, 3)
    off = (jnp.arange(b) * n)[:, None, None]
    Fo = F + off
    v1 = Vf[Fo[:, :, 0]]
    v2 = Vf[Fo[:, :, 1]]
    v3 = Vf[Fo[:, :, 2]]
    l1 = jnp.sqrt(((v2 - v3) ** 2).sum(2))
    l2 = jnp.sqrt(((v3 - v1) ** 2).sum(2))
    l3 = jnp.sqrt(((v1 - v2) ** 2).sum(2))
    sp = (l1 + l2 + l3) * 0.5
    A = 2 * jnp.sqrt(sp * (sp - l1) * (sp - l2) * (sp - l3))
    cot23 = l2 ** 2 + l3 ** 2 - l1 ** 2
    cot31 = l1 ** 2 + l3 ** 2 - l2 ** 2
    cot12 = l1 ** 2 + l2 ** 2 - l3 ** 2
    C = jnp.stack([cot23, cot31, cot12], 2) / A[:, :, None] / 4
    return C


def reference(V, F):
    b, n, _ = V.shape
    C = cotangent(V, F)
    off = (jnp.arange(b) * n)[:, None, None]
    batchF = (F + off).reshape(-1, 3)
    rows = batchF[:, jnp.array([1, 2, 0])].reshape(-1)
    cols = batchF[:, jnp.array([2, 0, 1])].reshape(-1)
    vals = C.reshape(-1)
    BN = b * n
    Vf = V.reshape(-1, 3)
    # Lx = (S + S.T - diag(rowsum(S + S.T))) @ Vf, with S the COO matrix (rows,cols,vals)
    Lx = jnp.zeros((BN, 3), dtype=V.dtype).at[rows].add(vals[:, None] * Vf[cols])
    Lx = Lx.at[cols].add(vals[:, None] * Vf[rows])
    deg = jnp.zeros((BN,), dtype=V.dtype).at[rows].add(vals)
    deg = deg.at[cols].add(vals)
    Lx = Lx - deg[:, None] * Vf
    return Lx

if __name__ == "__main__":
    import jax
    _d = setup_inputs()
    print(jax.jit(kernel)(*tuple(_d.values())))

</pallas_src>

<mosaic_0001>
#map = affine_map<(d0, d1) -> (0)>
module attributes {stable_mosaic.version = 14 : i64} {
  func.func @_sc_body(%arg0: i32, %arg1: i32, %arg2: memref<1200000xf32, #tpu.memory_space<hbm>>, %arg3: memref<2400000xi32, #tpu.memory_space<hbm>>, %arg4: memref<5000xf32, #tpu.memory_space<hbm>>, %arg5: memref<2400000xf32, #tpu.memory_space<hbm>>, %arg6: memref<400000xf32, #tpu.memory_space<vmem_shared>>, %arg7: memref<400000xf32, #tpu.memory_space<vmem_shared>>, %arg8: memref<400000xf32, #tpu.memory_space<vmem_shared>>, %arg9: memref<1200xi32, #tpu.memory_space<vmem>>, %arg10: memref<1200xf32, #tpu.memory_space<vmem>>, %arg11: memref<1200xf32, #tpu.memory_space<vmem>>, %arg12: memref<1200xf32, #tpu.memory_space<vmem>>, %arg13: memref<1200xi32, #tpu.memory_space<vmem>>, %arg14: memref<1200xf32, #tpu.memory_space<vmem>>, %arg15: memref<1200xf32, #tpu.memory_space<vmem>>, %arg16: memref<1200xf32, #tpu.memory_space<vmem>>, %arg17: memref<1200xi32, #tpu.memory_space<vmem>>, %arg18: memref<1200xf32, #tpu.memory_space<vmem>>, %arg19: memref<1200xf32, #tpu.memory_space<vmem>>, %arg20: memref<1200xf32, #tpu.memory_space<vmem>>, %arg21: memref<1200xi32, #tpu.memory_space<vmem>>, %arg22: memref<1200xf32, #tpu.memory_space<vmem>>, %arg23: memref<1200xf32, #tpu.memory_space<vmem>>, %arg24: memref<1200xf32, #tpu.memory_space<vmem>>, %arg25: memref<1200xi32, #tpu.memory_space<vmem>>, %arg26: memref<1200xf32, #tpu.memory_space<vmem>>, %arg27: memref<1200xf32, #tpu.memory_space<vmem>>, %arg28: memref<1200xf32, #tpu.memory_space<vmem>>, %arg29: memref<1200xi32, #tpu.memory_space<vmem>>, %arg30: memref<1200xf32, #tpu.memory_space<vmem>>, %arg31: memref<1200xf32, #tpu.memory_space<vmem>>, %arg32: memref<1200xf32, #tpu.memory_space<vmem>>, %arg33: memref<1200xi32, #tpu.memory_space<vmem>>, %arg34: memref<1200xf32, #tpu.memory_space<vmem>>, %arg35: memref<1200xf32, #tpu.memory_space<vmem>>, %arg36: memref<1200xf32, #tpu.memory_space<vmem>>, %arg37: memref<1200xi32, #tpu.memory_space<vmem>>, %arg38: memref<1200xf32, #tpu.memory_space<vmem>>, %arg39: memref<1200xf32, #tpu.memory_space<vmem>>, %arg40: memref<1200xf32, #tpu.memory_space<vmem>>, %arg41: memref<5000xf32, #tpu.memory_space<vmem>>, %arg42: memref<!tpu.dma_semaphore, #tpu.memory_space<semaphore_mem>>, %arg43: memref<!tpu.dma_semaphore, #tpu.memory_space<semaphore_mem>>, %arg44: memref<!tpu.dma_semaphore, #tpu.memory_space<semaphore_mem>>, %arg45: memref<!tpu.dma_semaphore, #tpu.memory_space<semaphore_mem>>, %arg46: memref<!tpu.dma_semaphore, #tpu.memory_space<semaphore_mem>>, %arg47: memref<!tpu.dma_semaphore, #tpu.memory_space<semaphore_mem>>, %arg48: memref<!tpu.dma_semaphore, #tpu.memory_space<semaphore_mem>>, %arg49: memref<!tpu.dma_semaphore, #tpu.memory_space<semaphore_mem>>, %arg50: memref<!tpu.dma_semaphore, #tpu.memory_space<semaphore_mem>>, %arg51: memref<!tpu.dma_semaphore, #tpu.memory_space<semaphore_mem>>, %arg52: memref<!tpu.dma_semaphore, #tpu.memory_space<semaphore_mem>>, %arg53: memref<!tpu.dma_semaphore, #tpu.memory_space<semaphore_mem>>, %arg54: memref<!tpu.dma_semaphore, #tpu.memory_space<semaphore_mem>>, %arg55: memref<!tpu.dma_semaphore, #tpu.memory_space<semaphore_mem>>, %arg56: memref<!tpu.dma_semaphore, #tpu.memory_space<semaphore_mem>>, %arg57: memref<!tpu.dma_semaphore, #tpu.memory_space<semaphore_mem>>, %arg58: memref<!tpu.dma_semaphore, #tpu.memory_space<semaphore_mem>>) attributes {dimension_semantics = [#tpu.dimension_semantics<core_parallel>, #tpu.dimension_semantics<subcore_parallel>], iteration_bounds = array<i64: 2, 16>, scalar_prefetch = 0 : i64, scratch_operands = 53 : i64, tpu.core_type = #tpu.core_type<sc_vector_subcore>, window_params = [{transform_indices = #map}, {transform_indices = #map}, {transform_indices = #map}, {transform_indices = #map}]} {
    %mul3A = arith.constant 16 : i32
    %mul3A_0 = arith.muli %arg0, %mul3A : i32
    %add3A = arith.addi %mul3A_0, %arg1 : i32
    "tpu.region"() ({
      %run_scoped3A = tpu.sem_alloc : memref<!tpu.dma_semaphore, #tpu.memory_space<semaphore_mem>>
      tpu.enqueue_dma source(%arg4 : memref<5000xf32, #tpu.memory_space<hbm>>) target(%arg41 : memref<5000xf32, #tpu.memory_space<vmem>>) target_semaphore(%run_scoped3A : memref<!tpu.dma_semaphore, #tpu.memory_space<semaphore_mem>>)
      tpu.wait_dma2 semaphore(%run_scoped3A : memref<!tpu.dma_semaphore, #tpu.memory_space<semaphore_mem>>) src(%arg4 : memref<5000xf32, #tpu.memory_space<hbm>>) dst(%arg41 : memref<5000xf32, #tpu.memory_space<vmem>>)
      tpu.yield
    }) : () -> ()
    %mul3A_1 = arith.constant 25000 : i32
    %mul3A_2 = arith.muli %arg1, %mul3A_1 : i32
    %add3A_3 = arith.constant 0 : i32
    %add3A_4 = arith.addi %mul3A_2, %add3A_3 : i32
    "tpu.region"() ({
      %run_scoped3A = tpu.sem_alloc : memref<!tpu.dma_semaphore, #tpu.memory_space<semaphore_mem>>
      %dma_start3A = tpu.memref_slice %arg6[%add3A_4] : memref<400000xf32, #tpu.memory_space<vmem_shared>> -> memref<5000xf32, #tpu.memory_space<vmem_shared>>
      %dma_start3A_175 = tpu.memref_slice %arg6[%add3A_4] : memref<400000xf32, #tpu.memory_space<vmem_shared>> -> memref<5000xf32, #tpu.memory_space<vmem_shared>>
      tpu.enqueue_dma source(%arg41 : memref<5000xf32, #tpu.memory_space<vmem>>) target(%dma_start3A_175 : memref<5000xf32, #tpu.memory_space<vmem_shared>>) target_semaphore(%run_scoped3A : memref<!tpu.dma_semaphore, #tpu.memory_space<semaphore_mem>>)
      %dma_wait3A = tpu.memref_slice %arg6[%add3A_4] : memref<400000xf32, #tpu.memory_space<vmem_shared>> -> memref<5000xf32, #tpu.memory_space<vmem_shared>>
      %dma_wait3A_176 = tpu.memref_slice %arg6[%add3A_4] : memref<400000xf32, #tpu.memory_space<vmem_shared>> -> memref<5000xf32, #tpu.memory_space<vmem_shared>>
      tpu.wait_dma2 semaphore(%run_scoped3A : memref<!tpu.dma_semaphore, #tpu.memory_space<semaphore_mem>>) src(%arg41 : memref<5000xf32, #tpu.memory_space<vmem>>) dst(%dma_wait3A_176 : memref<5000xf32, #tpu.memory_space<vmem_shared>>)
      tpu.yield
    }) : () -> ()
    %add3A_5 = arith.constant 5000 : i32
    %add3A_6 = arith.addi %mul3A_2, %add3A_5 : i32
    "tpu.region"() ({
      %run_scoped3A = tpu.sem_alloc : memref<!tpu.dma_semaphore, #tpu.memory_space<semaphore_mem>>
      %dma_start3A = tpu.memref_slice %arg6[%add3A_6] : memref<400000xf32, #tpu.memory_space<vmem_shared>> -> memref<5000xf32, #tpu.memory_space<vmem_shared>>
      %dma_start3A_175 = tpu.memref_slice %arg6[%add3A_6] : memref<400000xf32, #tpu.memory_space<vmem_shared>> -> memref<5000xf32, #tpu.memory_space<vmem_shared>>
      tpu.enqueue_dma source(%arg41 : memref<5000xf32, #tpu.memory_space<vmem>>) target(%dma_start3A_175 : memref<5000xf32, #tpu.memory_space<vmem_shared>>) target_semaphore(%run_scoped3A : memref<!tpu.dma_semaphore, #tpu.memory_space<semaphore_mem>>)
      %dma_wait3A = tpu.memref_slice %arg6[%add3A_6] : memref<400000xf32, #tpu.memory_space<vmem_shared>> -> memref<5000xf32, #tpu.memory_space<vmem_shared>>
      %dma_wait3A_176 = tpu.memref_slice %arg6[%add3A_6] : memref<400000xf32, #tpu.memory_space<vmem_shared>> -> memref<5000xf32, #tpu.memory_space<vmem_shared>>
      tpu.wait_dma2 semaphore(%run_scoped3A : memref<!tpu.dma_semaphore, #tpu.memory_space<semaphore_mem>>) src(%arg41 : memref<5000xf32, #tpu.memory_space<vmem>>) dst(%dma_wait3A_176 : memref<5000xf32, #tpu.memory_space<vmem_shared>>)
      tpu.yield
    }) : () -> ()
    %add3A_7 = arith.constant 10000 : i32
    %add3A_8 = arith.addi %mul3A_2, %add3A_7 : i32
    "tpu.region"() ({
      %run_scoped3A = tpu.sem_alloc : memref<!tpu.dma_semaphore, #tpu.memory_space<semaphore_mem>>
      %dma_start3A = tpu.memref_slice %arg6[%add3A_8] : memref<400000xf32, #tpu.memory_space<vmem_shared>> -> memref<5000xf32, #tpu.memory_space<vmem_shared>>
      %dma_start3A_175 = tpu.memref_slice %arg6[%add3A_8] : memref<400000xf32, #tpu.memory_space<vmem_shared>> -> memref<5000xf32, #tpu.memory_space<vmem_shared>>
      tpu.enqueue_dma source(%arg41 : memref<5000xf32, #tpu.memory_space<vmem>>) target(%dma_start3A_175 : memref<5000xf32, #tpu.memory_space<vmem_shared>>) target_semaphore(%run_scoped3A : memref<!tpu.dma_semaphore, #tpu.memory_space<semaphore_mem>>)
      %dma_wait3A = tpu.memref_slice %arg6[%add3A_8] : memref<400000xf32, #tpu.memory_space<vmem_shared>> -> memref<5000xf32, #tpu.memory_space<vmem_shared>>
      %dma_wait3A_176 = tpu.memref_slice %arg6[%add3A_8] : memref<400000xf32, #tpu.memory_space<vmem_shared>> -> memref<5000xf32, #tpu.memory_space<vmem_shared>>
      tpu.wait_dma2 semaphore(%run_scoped3A : memref<!tpu.dma_semaphore, #tpu.memory_space<semaphore_mem>>) src(%arg41 : memref<5000xf32, #tpu.memory_space<vmem>>) dst(%dma_wait3A_176 : memref<5000xf32, #tpu.memory_space<vmem_shared>>)
      tpu.yield
    }) : () -> ()
    %add3A_9 = arith.constant 15000 : i32
    %add3A_10 = arith.addi %mul3A_2, %add3A_9 : i32
    "tpu.region"() ({
      %run_scoped3A = tpu.sem_alloc : memref<!tpu.dma_semaphore, #tpu.memory_space<semaphore_mem>>
      %dma_start3A = tpu.memref_slice %arg6[%add3A_10] : memref<400000xf32, #tpu.memory_space<vmem_shared>> -> memref<5000xf32, #tpu.memory_space<vmem_shared>>
      %dma_start3A_175 = tpu.memref_slice %arg6[%add3A_10] : memref<400000xf32, #tpu.memory_space<vmem_shared>> -> memref<5000xf32, #tpu.memory_space<vmem_shared>>
      tpu.enqueue_dma source(%arg41 : memref<5000xf32, #tpu.memory_space<vmem>>) target(%dma_start3A_175 : memref<5000xf32, #tpu.memory_space<vmem_shared>>) target_semaphore(%run_scoped3A : memref<!tpu.dma_semaphore, #tpu.memory_space<semaphore_mem>>)
      %dma_wait3A = tpu.memref_slice %arg6[%add3A_10] : memref<400000xf32, #tpu.memory_space<vmem_shared>> -> memref<5000xf32, #tpu.memory_space<vmem_shared>>
      %dma_wait3A_176 = tpu.memref_slice %arg6[%add3A_10] : memref<400000xf32, #tpu.memory_space<vmem_shared>> -> memref<5000xf32, #tpu.memory_space<vmem_shared>>
      tpu.wait_dma2 semaphore(%run_scoped3A : memref<!tpu.dma_semaphore, #tpu.memory_space<semaphore_mem>>) src(%arg41 : memref<5000xf32, #tpu.memory_space<vmem>>) dst(%dma_wait3A_176 : memref<5000xf32, #tpu.memory_space<vmem_shared>>)
      tpu.yield
    }) : () -> ()
    %add3A_11 = arith.constant 20000 : i32
    %add3A_12 = arith.addi %mul3A_2, %add3A_11 : i32
    "tpu.region"() ({
      %run_scoped3A = tpu.sem_alloc : memref<!tpu.dma_semaphore, #tpu.memory_space<semaphore_mem>>
      %dma_start3A = tpu.memref_slice %arg6[%add3A_12] : memref<400000xf32, #tpu.memory_space<vmem_shared>> -> memref<5000xf32, #tpu.memory_space<vmem_shared>>
      %dma_start3A_175 = tpu.memref_slice %arg6[%add3A_12] : memref<400000xf32, #tpu.memory_space<vmem_shared>> -> memref<5000xf32, #tpu.memory_space<vmem_shared>>
      tpu.enqueue_dma source(%arg41 : memref<5000xf32, #tpu.memory_space<vmem>>) target(%dma_start3A_175 : memref<5000xf32, #tpu.memory_space<vmem_shared>>) target_semaphore(%run_scoped3A : memref<!tpu.dma_semaphore, #tpu.memory_space<semaphore_mem>>)
      %dma_wait3A = tpu.memref_slice %arg6[%add3A_12] : memref<400000xf32, #tpu.memory_space<vmem_shared>> -> memref<5000xf32, #tpu.memory_space<vmem_shared>>
      %dma_wait3A_176 = tpu.memref_slice %arg6[%add3A_12] : memref<400000xf32, #tpu.memory_space<vmem_shared>> -> memref<5000xf32, #tpu.memory_space<vmem_shared>>
      tpu.wait_dma2 semaphore(%run_scoped3A : memref<!tpu.dma_semaphore, #tpu.memory_space<semaphore_mem>>) src(%arg41 : memref<5000xf32, #tpu.memory_space<vmem>>) dst(%dma_wait3A_176 : memref<5000xf32, #tpu.memory_space<vmem_shared>>)
      tpu.yield
    }) : () -> ()
    %add3A_13 = arith.constant 0 : i32
    %add3A_14 = arith.addi %mul3A_2, %add3A_13 : i32
    "tpu.region"() ({
      %run_scoped3A = tpu.sem_alloc : memref<!tpu.dma_semaphore, #tpu.memory_space<semaphore_mem>>
      %dma_start3A = tpu.memref_slice %arg7[%add3A_14] : memref<400000xf32, #tpu.memory_space<vmem_shared>> -> memref<5000xf32, #tpu.memory_space<vmem_shared>>
      %dma_start3A_175 = tpu.memref_slice %arg7[%add3A_14] : memref<400000xf32, #tpu.memory_space<vmem_shared>> -> memref<5000xf32, #tpu.memory_space<vmem_shared>>
      tpu.enqueue_dma source(%arg41 : memref<5000xf32, #tpu.memory_space<vmem>>) target(%dma_start3A_175 : memref<5000xf32, #tpu.memory_space<vmem_shared>>) target_semaphore(%run_scoped3A : memref<!tpu.dma_semaphore, #tpu.memory_space<semaphore_mem>>)
      %dma_wait3A = tpu.memref_slice %arg7[%add3A_14] : memref<400000xf32, #tpu.memory_space<vmem_shared>> -> memref<5000xf32, #tpu.memory_space<vmem_shared>>
      %dma_wait3A_176 = tpu.memref_slice %arg7[%add3A_14] : memref<400000xf32, #tpu.memory_space<vmem_shared>> -> memref<5000xf32, #tpu.memory_space<vmem_shared>>
      tpu.wait_dma2 semaphore(%run_scoped3A : memref<!tpu.dma_semaphore, #tpu.memory_space<semaphore_mem>>) src(%arg41 : memref<5000xf32, #tpu.memory_space<vmem>>) dst(%dma_wait3A_176 : memref<5000xf32, #tpu.memory_space<vmem_shared>>)
      tpu.yield
    }) : () -> ()
    %add3A_15 = arith.constant 5000 : i32
    %add3A_16 = arith.addi %mul3A_2, %add3A_15 : i32
    "tpu.region"() ({
      %run_scoped3A = tpu.sem_alloc : memref<!tpu.dma_semaphore, #tpu.memory_space<semaphore_mem>>
      %dma_start3A = tpu.memref_slice %arg7[%add3A_16] : memref<400000xf32, #tpu.memory_space<vmem_shared>> -> memref<5000xf32, #tpu.memory_space<vmem_shared>>
      %dma_start3A_175 = tpu.memref_slice %arg7[%add3A_16] : memref<400000xf32, #tpu.memory_space<vmem_shared>> -> memref<5000xf32, #tpu.memory_space<vmem_shared>>
      tpu.enqueue_dma source(%arg41 : memref<5000xf32, #tpu.memory_space<vmem>>) target(%dma_start3A_175 : memref<5000xf32, #tpu.memory_space<vmem_shared>>) target_semaphore(%run_scoped3A : memref<!tpu.dma_semaphore, #tpu.memory_space<semaphore_mem>>)
      %dma_wait3A = tpu.memref_slice %arg7[%add3A_16] : memref<400000xf32, #tpu.memory_space<vmem_shared>> -> memref<5000xf32, #tpu.memory_space<vmem_shared>>
      %dma_wait3A_176 = tpu.memref_slice %arg7[%add3A_16] : memref<400000xf32, #tpu.memory_space<vmem_shared>> -> memref<5000xf32, #tpu.memory_space<vmem_shared>>
      tpu.wait_dma2 semaphore(%run_scoped3A : memref<!tpu.dma_semaphore, #tpu.memory_space<semaphore_mem>>) src(%arg41 : memref<5000xf32, #tpu.memory_space<vmem>>) dst(%dma_wait3A_176 : memref<5000xf32, #tpu.memory_space<vmem_shared>>)
      tpu.yield
    }) : () -> ()
    %add3A_17 = arith.constant 10000 : i32
    %add3A_18 = arith.addi %mul3A_2, %add3A_17 : i32
    "tpu.region"() ({
      %run_scoped3A = tpu.sem_alloc : memref<!tpu.dma_semaphore, #tpu.memory_space<semaphore_mem>>
      %dma_start3A = tpu.memref_slice %arg7[%add3A_18] : memref<400000xf32, #tpu.memory_space<vmem_shared>> -> memref<5000xf32, #tpu.memory_space<vmem_shared>>
      %dma_start3A_175 = tpu.memref_slice %arg7[%add3A_18] : memref<400000xf32, #tpu.memory_space<vmem_shared>> -> memref<5000xf32, #tpu.memory_space<vmem_shared>>
      tpu.enqueue_dma source(%arg41 : memref<5000xf32, #tpu.memory_space<vmem>>) target(%dma_start3A_175 : memref<5000xf32, #tpu.memory_space<vmem_shared>>) target_semaphore(%run_scoped3A : memref<!tpu.dma_semaphore, #tpu.memory_space<semaphore_mem>>)
      %dma_wait3A = tpu.memref_slice %arg7[%add3A_18] : memref<400000xf32, #tpu.memory_space<vmem_shared>> -> memref<5000xf32, #tpu.memory_space<vmem_shared>>
      %dma_wait3A_176 = tpu.memref_slice %arg7[%add3A_18] : memref<400000xf32, #tpu.memory_space<vmem_shared>> -> memref<5000xf32, #tpu.memory_space<vmem_shared>>
      tpu.wait_dma2 semaphore(%run_scoped3A : memref<!tpu.dma_semaphore, #tpu.memory_space<semaphore_mem>>) src(%arg41 : memref<5000xf32, #tpu.memory_space<vmem>>) dst(%dma_wait3A_176 : memref<5000xf32, #tpu.memory_space<vmem_shared>>)
      tpu.yield
    }) : () -> ()
    %add3A_19 = arith.constant 15000 : i32
    %add3A_20 = arith.addi %mul3A_2, %add3A_19 : i32
    "tpu.region"() ({
      %run_scoped3A = tpu.sem_alloc : memref<!tpu.dma_semaphore, #tpu.memory_space<semaphore_mem>>
      %dma_start3A = tpu.memref_slice %arg7[%add3A_20] : memref<400000xf32, #tpu.memory_space<vmem_shared>> -> memref<5000xf32, #tpu.memory_space<vmem_shared>>
      %dma_start3A_175 = tpu.memref_slice %arg7[%add3A_20] : memref<400000xf32, #tpu.memory_space<vmem_shared>> -> memref<5000xf32, #tpu.memory_space<vmem_shared>>
      tpu.enqueue_dma source(%arg41 : memref<5000xf32, #tpu.memory_space<vmem>>) target(%dma_start3A_175 : memref<5000xf32, #tpu.memory_space<vmem_shared>>) target_semaphore(%run_scoped3A : memref<!tpu.dma_semaphore, #tpu.memory_space<semaphore_mem>>)
      %dma_wait3A = tpu.memref_slice %arg7[%add3A_20] : memref<400000xf32, #tpu.memory_space<vmem_shared>> -> memref<5000xf32, #tpu.memory_space<vmem_shared>>
      %dma_wait3A_176 = tpu.memref_slice %arg7[%add3A_20] : memref<400000xf32, #tpu.memory_space<vmem_shared>> -> memref<5000xf32, #tpu.memory_space<vmem_shared>>
      tpu.wait_dma2 semaphore(%run_scoped3A : memref<!tpu.dma_semaphore, #tpu.memory_space<semaphore_mem>>) src(%arg41 : memref<5000xf32, #tpu.memory_space<vmem>>) dst(%dma_wait3A_176 : memref<5000xf32, #tpu.memory_space<vmem_shared>>)
      tpu.yield
    }) : () -> ()
    %add3A_21 = arith.constant 20000 : i32
    %add3A_22 = arith.addi %mul3A_2, %add3A_21 : i32
    "tpu.region"() ({
      %run_scoped3A = tpu.sem_alloc : memref<!tpu.dma_semaphore, #tpu.memory_space<semaphore_mem>>
      %dma_start3A = tpu.memref_slice %arg7[%add3A_22] : memref<400000xf32, #tpu.memory_space<vmem_shared>> -> memref<5000xf32, #tpu.memory_space<vmem_shared>>
      %dma_start3A_175 = tpu.memref_slice %arg7[%add3A_22] : memref<400000xf32, #tpu.memory_space<vmem_shared>> -> memref<5000xf32, #tpu.memory_space<vmem_shared>>
      tpu.enqueue_dma source(%arg41 : memref<5000xf32, #tpu.memory_space<vmem>>) target(%dma_start3A_175 : memref<5000xf32, #tpu.memory_space<vmem_shared>>) target_semaphore(%run_scoped3A : memref<!tpu.dma_semaphore, #tpu.memory_space<semaphore_mem>>)
      %dma_wait3A = tpu.memref_slice %arg7[%add3A_22] : memref<400000xf32, #tpu.memory_space<vmem_shared>> -> memref<5000xf32, #tpu.memory_space<vmem_shared>>
      %dma_wait3A_176 = tpu.memref_slice %arg7[%add3A_22] : memref<400000xf32, #tpu.memory_space<vmem_shared>> -> memref<5000xf32, #tpu.memory_space<vmem_shared>>
      tpu.wait_dma2 semaphore(%run_scoped3A : memref<!tpu.dma_semaphore, #tpu.memory_space<semaphore_mem>>) src(%arg41 : memref<5000xf32, #tpu.memory_space<vmem>>) dst(%dma_wait3A_176 : memref<5000xf32, #tpu.memory_space<vmem_shared>>)
      tpu.yield
    }) : () -> ()
    %add3A_23 = arith.constant 0 : i32
    %add3A_24 = arith.addi %mul3A_2, %add3A_23 : i32
    "tpu.region"() ({
      %run_scoped3A = tpu.sem_alloc : memref<!tpu.dma_semaphore, #tpu.memory_space<semaphore_mem>>
      %dma_start3A = tpu.memref_slice %arg8[%add3A_24] : memref<400000xf32, #tpu.memory_space<vmem_shared>> -> memref<5000xf32, #tpu.memory_space<vmem_shared>>
      %dma_start3A_175 = tpu.memref_slice %arg8[%add3A_24] : memref<400000xf32, #tpu.memory_space<vmem_shared>> -> memref<5000xf32, #tpu.memory_space<vmem_shared>>
      tpu.enqueue_dma source(%arg41 : memref<5000xf32, #tpu.memory_space<vmem>>) target(%dma_start3A_175 : memref<5000xf32, #tpu.memory_space<vmem_shared>>) target_semaphore(%run_scoped3A : memref<!tpu.dma_semaphore, #tpu.memory_space<semaphore_mem>>)
      %dma_wait3A = tpu.memref_slice %arg8[%add3A_24] : memref<400000xf32, #tpu.memory_space<vmem_shared>> -> memref<5000xf32, #tpu.memory_space<vmem_shared>>
      %dma_wait3A_176 = tpu.memref_slice %arg8[%add3A_24] : memref<400000xf32, #tpu.memory_space<vmem_shared>> -> memref<5000xf32, #tpu.memory_space<vmem_shared>>
      tpu.wait_dma2 semaphore(%run_scoped3A : memref<!tpu.dma_semaphore, #tpu.memory_space<semaphore_mem>>) src(%arg41 : memref<5000xf32, #tpu.memory_space<vmem>>) dst(%dma_wait3A_176 : memref<5000xf32, #tpu.memory_space<vmem_shared>>)
      tpu.yield
    }) : () -> ()
    %add3A_25 = arith.constant 5000 : i32
    %add3A_26 = arith.addi %mul3A_2, %add3A_25 : i32
    "tpu.region"() ({
      %run_scoped3A = tpu.sem_alloc : memref<!tpu.dma_semaphore, #tpu.memory_space<semaphore_mem>>
      %dma_start3A = tpu.memref_slice %arg8[%add3A_26] : memref<400000xf32, #tpu.memory_space<vmem_shared>> -> memref<5000xf32, #tpu.memory_space<vmem_shared>>
      %dma_start3A_175 = tpu.memref_slice %arg8[%add3A_26] : memref<400000xf32, #tpu.memory_space<vmem_shared>> -> memref<5000xf32, #tpu.memory_space<vmem_shared>>
      tpu.enqueue_dma source(%arg41 : memref<5000xf32, #tpu.memory_space<vmem>>) target(%dma_start3A_175 : memref<5000xf32, #tpu.memory_space<vmem_shared>>) target_semaphore(%run_scoped3A : memref<!tpu.dma_semaphore, #tpu.memory_space<semaphore_mem>>)
      %dma_wait3A = tpu.memref_slice %arg8[%add3A_26] : memref<400000xf32, #tpu.memory_space<vmem_shared>> -> memref<5000xf32, #tpu.memory_space<vmem_shared>>
      %dma_wait3A_176 = tpu.memref_slice %arg8[%add3A_26] : memref<400000xf32, #tpu.memory_space<vmem_shared>> -> memref<5000xf32, #tpu.memory_space<vmem_shared>>
      tpu.wait_dma2 semaphore(%run_scoped3A : memref<!tpu.dma_semaphore, #tpu.memory_space<semaphore_mem>>) src(%arg41 : memref<5000xf32, #tpu.memory_space<vmem>>) dst(%dma_wait3A_176 : memref<5000xf32, #tpu.memory_space<vmem_shared>>)
      tpu.yield
    }) : () -> ()
    %add3A_27 = arith.constant 10000 : i32
    %add3A_28 = arith.addi %mul3A_2, %add3A_27 : i32
    "tpu.region"() ({
      %run_scoped3A = tpu.sem_alloc : memref<!tpu.dma_semaphore, #tpu.memory_space<semaphore_mem>>
      %dma_start3A = tpu.memref_slice %arg8[%add3A_28] : memref<400000xf32, #tpu.memory_space<vmem_shared>> -> memref<5000xf32, #tpu.memory_space<vmem_shared>>
      %dma_start3A_175 = tpu.memref_slice %arg8[%add3A_28] : memref<400000xf32, #tpu.memory_space<vmem_shared>> -> memref<5000xf32, #tpu.memory_space<vmem_shared>>
      tpu.enqueue_dma source(%arg41 : memref<5000xf32, #tpu.memory_space<vmem>>) target(%dma_start3A_175 : memref<5000xf32, #tpu.memory_space<vmem_shared>>) target_semaphore(%run_scoped3A : memref<!tpu.dma_semaphore, #tpu.memory_space<semaphore_mem>>)
      %dma_wait3A = tpu.memref_slice %arg8[%add3A_28] : memref<400000xf32, #tpu.memory_space<vmem_shared>> -> memref<5000xf32, #tpu.memory_space<vmem_shared>>
      %dma_wait3A_176 = tpu.memref_slice %arg8[%add3A_28] : memref<400000xf32, #tpu.memory_space<vmem_shared>> -> memref<5000xf32, #tpu.memory_space<vmem_shared>>
      tpu.wait_dma2 semaphore(%run_scoped3A : memref<!tpu.dma_semaphore, #tpu.memory_space<semaphore_mem>>) src(%arg41 : memref<5000xf32, #tpu.memory_space<vmem>>) dst(%dma_wait3A_176 : memref<5000xf32, #tpu.memory_space<vmem_shared>>)
      tpu.yield
    }) : () -> ()
    %add3A_29 = arith.constant 15000 : i32
    %add3A_30 = arith.addi %mul3A_2, %add3A_29 : i32
    "tpu.region"() ({
      %run_scoped3A = tpu.sem_alloc : memref<!tpu.dma_semaphore, #tpu.memory_space<semaphore_mem>>
      %dma_start3A = tpu.memref_slice %arg8[%add3A_30] : memref<400000xf32, #tpu.memory_space<vmem_shared>> -> memref<5000xf32, #tpu.memory_space<vmem_shared>>
      %dma_start3A_175 = tpu.memref_slice %arg8[%add3A_30] : memref<400000xf32, #tpu.memory_space<vmem_shared>> -> memref<5000xf32, #tpu.memory_space<vmem_shared>>
      tpu.enqueue_dma source(%arg41 : memref<5000xf32, #tpu.memory_space<vmem>>) target(%dma_start3A_175 : memref<5000xf32, #tpu.memory_space<vmem_shared>>) target_semaphore(%run_scoped3A : memref<!tpu.dma_semaphore, #tpu.memory_space<semaphore_mem>>)
      %dma_wait3A = tpu.memref_slice %arg8[%add3A_30] : memref<400000xf32, #tpu.memory_space<vmem_shared>> -> memref<5000xf32, #tpu.memory_space<vmem_shared>>
      %dma_wait3A_176 = tpu.memref_slice %arg8[%add3A_30] : memref<400000xf32, #tpu.memory_space<vmem_shared>> -> memref<5000xf32, #tpu.memory_space<vmem_shared>>
      tpu.wait_dma2 semaphore(%run_scoped3A : memref<!tpu.dma_semaphore, #tpu.memory_space<semaphore_mem>>) src(%arg41 : memref<5000xf32, #tpu.memory_space<vmem>>) dst(%dma_wait3A_176 : memref<5000xf32, #tpu.memory_space<vmem_shared>>)
      tpu.yield
    }) : () -> ()
    %add3A_31 = arith.constant 20000 : i32
    %add3A_32 = arith.addi %mul3A_2, %add3A_31 : i32
    "tpu.region"() ({
      %run_scoped3A = tpu.sem_alloc : memref<!tpu.dma_semaphore, #tpu.memory_space<semaphore_mem>>
      %dma_start3A = tpu.memref_slice %arg8[%add3A_32] : memref<400000xf32, #tpu.memory_space<vmem_shared>> -> memref<5000xf32, #tpu.memory_space<vmem_shared>>
      %dma_start3A_175 = tpu.memref_slice %arg8[%add3A_32] : memref<400000xf32, #tpu.memory_space<vmem_shared>> -> memref<5000xf32, #tpu.memory_space<vmem_shared>>
      tpu.enqueue_dma source(%arg41 : memref<5000xf32, #tpu.memory_space<vmem>>) target(%dma_start3A_175 : memref<5000xf32, #tpu.memory_space<vmem_shared>>) target_semaphore(%run_scoped3A : memref<!tpu.dma_semaphore, #tpu.memory_space<semaphore_mem>>)
      %dma_wait3A = tpu.memref_slice %arg8[%add3A_32] : memref<400000xf32, #tpu.memory_space<vmem_shared>> -> memref<5000xf32, #tpu.memory_space<vmem_shared>>
      %dma_wait3A_176 = tpu.memref_slice %arg8[%add3A_32] : memref<400000xf32, #tpu.memory_space<vmem_shared>> -> memref<5000xf32, #tpu.memory_space<vmem_shared>>
      tpu.wait_dma2 semaphore(%run_scoped3A : memref<!tpu.dma_semaphore, #tpu.memory_space<semaphore_mem>>) src(%arg41 : memref<5000xf32, #tpu.memory_space<vmem>>) dst(%dma_wait3A_176 : memref<5000xf32, #tpu.memory_space<vmem_shared>>)
      tpu.yield
    }) : () -> ()
    %barrier3A = arith.constant 0 : index
    tpu.barrier barrier_id(%barrier3A)
    %scan3A = arith.constant 0 : i32
    %scan3A_33 = arith.constant 0 : i32
    %scan3A_34 = arith.constant 8 : i32
    %scan3A_35 = arith.addi %scan3A_33, %scan3A_34 : i32
    %scan3A_36 = arith.constant 1 : i32
    %scan3A_37 = scf.for %scan3A_175 = %scan3A_33 to %scan3A_35 step %scan3A_36 iter_args(%scan3A_176 = %scan3A) -> (i32)  : i32 {
      %mul3A_177 = arith.constant 32 : i32
      %mul3A_178 = arith.muli %scan3A_175, %mul3A_177 : i32
      %add3A_179 = arith.addi %mul3A_178, %add3A : i32
      %lt3A = arith.constant 250 : i32
      %lt3A_180 = arith.cmpi slt, %add3A_179, %lt3A : i32
      %convert_element_type3A = arith.extui %lt3A_180 : i1 to i32
      %cond3A = arith.constant 0 : i32
      %cond3A_181 = arith.cmpi ne, %convert_element_type3A, %cond3A : i32
      scf.if %cond3A_181 {
        %mul3A_183 = arith.constant 3200 : i32
        %mul3A_184 = arith.muli %add3A_179, %mul3A_183 : i32
        %add3A_185 = arith.constant 0 : i32
        %add3A_186 = arith.addi %add3A_185, %mul3A_184 : i32
        %add3A_187 = arith.constant 0 : i32
        %add3A_188 = arith.addi %add3A_186, %add3A_187 : i32
        %dma_start3A = arith.constant 0 : i32
        %dma_start3A_189 = tpu.memref_slice %arg9[%dma_start3A] : memref<1200xi32, #tpu.memory_space<vmem>> -> memref<400xi32, #tpu.memory_space<vmem>>
        %dma_start3A_190 = tpu.memref_slice %arg3[%add3A_188] : memref<2400000xi32, #tpu.memory_space<hbm>> -> memref<400xi32, #tpu.memory_space<hbm>>
        %dma_start3A_191 = arith.constant 0 : i32
        %dma_start3A_192 = tpu.memref_slice %arg9[%dma_start3A_191] : memref<1200xi32, #tpu.memory_space<vmem>> -> memref<400xi32, #tpu.memory_space<vmem>>
        %dma_start3A_193 = tpu.memref_slice %arg3[%add3A_188] : memref<2400000xi32, #tpu.memory_space<hbm>> -> memref<400xi32, #tpu.memory_space<hbm>>
        tpu.enqueue_dma source(%dma_start3A_193 : memref<400xi32, #tpu.memory_space<hbm>>) target(%dma_start3A_192 : memref<400xi32, #tpu.memory_space<vmem>>) target_semaphore(%arg42 : memref<!tpu.dma_semaphore, #tpu.memory_space<semaphore_mem>>)
        %add3A_194 = arith.constant 800000 : i32
        %add3A_195 = arith.addi %add3A_194, %mul3A_184 : i32
        %add3A_196 = arith.constant 0 : i32
        %add3A_197 = arith.addi %add3A_195, %add3A_196 : i32
        %dma_start3A_198 = arith.constant 400 : i32
        %dma_start3A_199 = tpu.memref_slice %arg9[%dma_start3A_198] : memref<1200xi32, #tpu.memory_space<vmem>> -> memref<400xi32, #tpu.memory_space<vmem>>
        %dma_start3A_200 = tpu.memref_slice %arg3[%add3A_197] : memref<2400000xi32, #tpu.memory_space<hbm>> -> memref<400xi32, #tpu.memory_space<hbm>>
        %dma_start3A_201 = arith.constant 400 : i32
        %dma_start3A_202 = tpu.memref_slice %arg9[%dma_start3A_201] : memref<1200xi32, #tpu.memory_space<vmem>> -> memref<400xi32, #tpu.memory_space<vmem>>
        %dma_start3A_203 = tpu.memref_slice %arg3[%add3A_197] : memref<2400000xi32, #tpu.memory_space<hbm>> -> memref<400xi32, #tpu.memory_space<hbm>>
        tpu.enqueue_dma source(%dma_start3A_203 : memref<400xi32, #tpu.memory_space<hbm>>) target(%dma_start3A_202 : memref<400xi32, #tpu.memory_space<vmem>>) target_semaphore(%arg42 : memref<!tpu.dma_semaphore, #tpu.memory_space<semaphore_mem>>)
        %add3A_204 = arith.constant 1600000 : i32
        %add3A_205 = arith.addi %add3A_204, %mul3A_184 : i32
        %add3A_206 = arith.constant 0 : i32
        %add3A_207 = arith.addi %add3A_205, %add3A_206 : i32
        %dma_start3A_208 = arith.constant 800 : i32
        %dma_start3A_209 = tpu.memref_slice %arg9[%dma_start3A_208] : memref<1200xi32, #tpu.memory_space<vmem>> -> memref<400xi32, #tpu.memory_space<vmem>>
        %dma_start3A_210 = tpu.memref_slice %arg3[%add3A_207] : memref<2400000xi32, #tpu.memory_space<hbm>> -> memref<400xi32, #tpu.memory_space<hbm>>
        %dma_start3A_211 = arith.constant 800 : i32
        %dma_start3A_212 = tpu.memref_slice %arg9[%dma_start3A_211] : memref<1200xi32, #tpu.memory_space<vmem>> -> memref<400xi32, #tpu.memory_space<vmem>>
        %dma_start3A_213 = tpu.memref_slice %arg3[%add3A_207] : memref<2400000xi32, #tpu.memory_space<hbm>> -> memref<400xi32, #tpu.memory_space<hbm>>
        tpu.enqueue_dma source(%dma_start3A_213 : memref<400xi32, #tpu.memory_space<hbm>>) target(%dma_start3A_212 : memref<400xi32, #tpu.memory_space<vmem>>) target_semaphore(%arg42 : memref<!tpu.dma_semaphore, #tpu.memory_space<semaphore_mem>>)
        %add3A_214 = arith.constant 0 : i32
        %add3A_215 = arith.addi %add3A_214, %mul3A_184 : i32
        %add3A_216 = arith.constant 400 : i32
        %add3A_217 = arith.addi %add3A_215, %add3A_216 : i32
        %dma_start3A_218 = arith.constant 0 : i32
        %dma_start3A_219 = tpu.memref_slice %arg13[%dma_start3A_218] : memref<1200xi32, #tpu.memory_space<vmem>> -> memref<400xi32, #tpu.memory_space<vmem>>
        %dma_start3A_220 = tpu.memref_slice %arg3[%add3A_217] : memref<2400000xi32, #tpu.memory_space<hbm>> -> memref<400xi32, #tpu.memory_space<hbm>>
        %dma_start3A_221 = arith.constant 0 : i32
        %dma_start3A_222 = tpu.memref_slice %arg13[%dma_start3A_221] : memref<1200xi32, #tpu.memory_space<vmem>> -> memref<400xi32, #tpu.memory_space<vmem>>
        %dma_start3A_223 = tpu.memref_slice %arg3[%add3A_217] : memref<2400000xi32, #tpu.memory_space<hbm>> -> memref<400xi32, #tpu.memory_space<hbm>>
        tpu.enqueue_dma source(%dma_start3A_223 : memref<400xi32, #tpu.memory_space<hbm>>) target(%dma_start3A_222 : memref<400xi32, #tpu.memory_space<vmem>>) target_semaphore(%arg42 : memref<!tpu.dma_semaphore, #tpu.memory_space<semaphore_mem>>)
        %add3A_224 = arith.constant 800000 : i32
        %add3A_225 = arith.addi %add3A_224, %mul3A_184 : i32
        %add3A_226 = arith.constant 400 : i32
        %add3A_227 = arith.addi %add3A_225, %add3A_226 : i32
        %dma_start3A_228 = arith.constant 400 : i32
        %dma_start3A_229 = tpu.memref_slice %arg13[%dma_start3A_228] : memref<1200xi32, #tpu.memory_space<vmem>> -> memref<400xi32, #tpu.memory_space<vmem>>
        %dma_start3A_230 = tpu.memref_slice %arg3[%add3A_227] : memref<2400000xi32, #tpu.memory_space<hbm>> -> memref<400xi32, #tpu.memory_space<hbm>>
        %dma_start3A_231 = arith.constant 400 : i32
        %dma_start3A_232 = tpu.memref_slice %arg13[%dma_start3A_231] : memref<1200xi32, #tpu.memory_space<vmem>> -> memref<400xi32, #tpu.memory_space<vmem>>
        %dma_start3A_233 = tpu.memref_slice %arg3[%add3A_227] : memref<2400000xi32, #tpu.memory_space<hbm>> -> memref<400xi32, #tpu.memory_space<hbm>>
        tpu.enqueue_dma source(%dma_start3A_233 : memref<400xi32, #tpu.memory_space<hbm>>) target(%dma_start3A_232 : memref<400xi32, #tpu.memory_space<vmem>>) target_semaphore(%arg42 : memref<!tpu.dma_semaphore, #tpu.memory_space<semaphore_mem>>)
        %add3A_234 = arith.constant 1600000 : i32
        %add3A_235 = arith.addi %add3A_234, %mul3A_184 : i32
        %add3A_236 = arith.constant 400 : i32
        %add3A_237 = arith.addi %add3A_235, %add3A_236 : i32
        %dma_start3A_238 = arith.constant 800 : i32
        %dma_start3A_239 = tpu.memref_slice %arg13[%dma_start3A_238] : memref<1200xi32, #tpu.memory_space<vmem>> -> memref<400xi32, #tpu.memory_space<vmem>>
        %dma_start3A_240 = tpu.memref_slice %arg3[%add3A_237] : memref<2400000xi32, #tpu.memory_space<hbm>> -> memref<400xi32, #tpu.memory_space<hbm>>
        %dma_start3A_241 = arith.constant 800 : i32
        %dma_start3A_242 = tpu.memref_slice %arg13[%dma_start3A_241] : memref<1200xi32, #tpu.memory_space<vmem>> -> memref<400xi32, #tpu.memory_space<vmem>>
        %dma_start3A_243 = tpu.memref_slice %arg3[%add3A_237] : memref<2400000xi32, #tpu.memory_space<hbm>> -> memref<400xi32, #tpu.memory_space<hbm>>
        tpu.enqueue_dma source(%dma_start3A_243 : memref<400xi32, #tpu.memory_space<hbm>>) target(%dma_start3A_242 : memref<400xi32, #tpu.memory_space<vmem>>) target_semaphore(%arg42 : memref<!tpu.dma_semaphore, #tpu.memory_space<semaphore_mem>>)
        %add3A_244 = arith.constant 0 : i32
        %add3A_245 = arith.addi %add3A_244, %mul3A_184 : i32
        %add3A_246 = arith.constant 800 : i32
        %add3A_247 = arith.addi %add3A_245, %add3A_246 : i32
        %dma_start3A_248 = arith.constant 0 : i32
        %dma_start3A_249 = tpu.memref_slice %arg17[%dma_start3A_248] : memref<1200xi32, #tpu.memory_space<vmem>> -> memref<400xi32, #tpu.memory_space<vmem>>
        %dma_start3A_250 = tpu.memref_slice %arg3[%add3A_247] : memref<2400000xi32, #tpu.memory_space<hbm>> -> memref<400xi32, #tpu.memory_space<hbm>>
        %dma_start3A_251 = arith.constant 0 : i32
        %dma_start3A_252 = tpu.memref_slice %arg17[%dma_start3A_251] : memref<1200xi32, #tpu.memory_space<vmem>> -> memref<400xi32, #tpu.memory_space<vmem>>
        %dma_start3A_253 = tpu.memref_slice %arg3[%add3A_247] : memref<2400000xi32, #tpu.memory_space<hbm>> -> memref<400xi32, #tpu.memory_space<hbm>>
        tpu.enqueue_dma source(%dma_start3A_253 : memref<400xi32, #tpu.memory_space<hbm>>) target(%dma_start3A_252 : memref<400xi32, #tpu.memory_space<vmem>>) target_semaphore(%arg42 : memref<!tpu.dma_semaphore, #tpu.memory_space<semaphore_mem>>)
        %add3A_254 = arith.constant 800000 : i32
        %add3A_255 = arith.addi %add3A_254, %mul3A_184 : i32
        %add3A_256 = arith.constant 800 : i32
        %add3A_257 = arith.addi %add3A_255, %add3A_256 : i32
        %dma_start3A_258 = arith.constant 400 : i32
        %dma_start3A_259 = tpu.memref_slice %arg17[%dma_start3A_258] : memref<1200xi32, #tpu.memory_space<vmem>> -> memref<400xi32, #tpu.memory_space<vmem>>
        %dma_start3A_260 = tpu.memref_slice %arg3[%add3A_257] : memref<2400000xi32, #tpu.memory_space<hbm>> -> memref<400xi32, #tpu.memory_space<hbm>>
        %dma_start3A_261 = arith.constant 400 : i32
        %dma_start3A_262 = tpu.memref_slice %arg17[%dma_start3A_261] : memref<1200xi32, #tpu.memory_space<vmem>> -> memref<400xi32, #tpu.memory_space<vmem>>
        %dma_start3A_263 = tpu.memref_slice %arg3[%add3A_257] : memref<2400000xi32, #tpu.memory_space<hbm>> -> memref<400xi32, #tpu.memory_space<hbm>>
        tpu.enqueue_dma source(%dma_start3A_263 : memref<400xi32, #tpu.memory_space<hbm>>) target(%dma_start3A_262 : memref<400xi32, #tpu.memory_space<vmem>>) target_semaphore(%arg42 : memref<!tpu.dma_semaphore, #tpu.memory_space<semaphore_mem>>)
        %add3A_264 = arith.constant 1600000 : i32
        %add3A_265 = arith.addi %add3A_264, %mul3A_184 : i32
        %add3A_266 = arith.constant 800 : i32
        %add3A_267 = arith.addi %add3A_265, %add3A_266 : i32
        %dma_start3A_268 = arith.constant 800 : i32
        %dma_start3A_269 = tpu.memref_slice %arg17[%dma_start3A_268] : memref<1200xi32, #tpu.memory_space<vmem>> -> memref<400xi32, #tpu.memory_space<vmem>>
        %dma_start3A_270 = tpu.memref_slice %arg3[%add3A_267] : memref<2400000xi32, #tpu.memory_space<hbm>> -> memref<400xi32, #tpu.memory_space<hbm>>
        %dma_start3A_271 = arith.constant 800 : i32
        %dma_start3A_272 = tpu.memref_slice %arg17[%dma_start3A_271] : memref<1200xi32, #tpu.memory_space<vmem>> -> memref<400xi32, #tpu.memory_space<vmem>>
        %dma_start3A_273 = tpu.memref_slice %arg3[%add3A_267] : memref<2400000xi32, #tpu.memory_space<hbm>> -> memref<400xi32, #tpu.memory_space<hbm>>
        tpu.enqueue_dma source(%dma_start3A_273 : memref<400xi32, #tpu.memory_space<hbm>>) target(%dma_start3A_272 : memref<400xi32, #tpu.memory_space<vmem>>) target_semaphore(%arg42 : memref<!tpu.dma_semaphore, #tpu.memory_space<semaphore_mem>>)
        %add3A_274 = arith.constant 0 : i32
        %add3A_275 = arith.addi %add3A_274, %mul3A_184 : i32
        %add3A_276 = arith.constant 1200 : i32
        %add3A_277 = arith.addi %add3A_275, %add3A_276 : i32
        %dma_start3A_278 = arith.constant 0 : i32
        %dma_start3A_279 = tpu.memref_slice %arg21[%dma_start3A_278] : memref<1200xi32, #tpu.memory_space<vmem>> -> memref<400xi32, #tpu.memory_space<vmem>>
        %dma_start3A_280 = tpu.memref_slice %arg3[%add3A_277] : memref<2400000xi32, #tpu.memory_space<hbm>> -> memref<400xi32, #tpu.memory_space<hbm>>
        %dma_start3A_281 = arith.constant 0 : i32
        %dma_start3A_282 = tpu.memref_slice %arg21[%dma_start3A_281] : memref<1200xi32, #tpu.memory_space<vmem>> -> memref<400xi32, #tpu.memory_space<vmem>>
        %dma_start3A_283 = tpu.memref_slice %arg3[%add3A_277] : memref<2400000xi32, #tpu.memory_space<hbm>> -> memref<400xi32, #tpu.memory_space<hbm>>
        tpu.enqueue_dma source(%dma_start3A_283 : memref<400xi32, #tpu.memory_space<hbm>>) target(%dma_start3A_282 : memref<400xi32, #tpu.memory_space<vmem>>) target_semaphore(%arg42 : memref<!tpu.dma_semaphore, #tpu.memory_space<semaphore_mem>>)
        %add3A_284 = arith.constant 800000 : i32
        %add3A_285 = arith.addi %add3A_284, %mul3A_184 : i32
        %add3A_286 = arith.constant 1200 : i32
        %add3A_287 = arith.addi %add3A_285, %add3A_286 : i32
        %dma_start3A_288 = arith.constant 400 : i32
        %dma_start3A_289 = tpu.memref_slice %arg21[%dma_start3A_288] : memref<1200xi32, #tpu.memory_space<vmem>> -> memref<400xi32, #tpu.memory_space<vmem>>
        %dma_start3A_290 = tpu.memref_slice %arg3[%add3A_287] : memref<2400000xi32, #tpu.memory_space<hbm>> -> memref<400xi32, #tpu.memory_space<hbm>>
        %dma_start3A_291 = arith.constant 400 : i32
        %dma_start3A_292 = tpu.memref_slice %arg21[%dma_start3A_291] : memref<1200xi32, #tpu.memory_space<vmem>> -> memref<400xi32, #tpu.memory_space<vmem>>
        %dma_start3A_293 = tpu.memref_slice %arg3[%add3A_287] : memref<2400000xi32, #tpu.memory_space<hbm>> -> memref<400xi32, #tpu.memory_space<hbm>>
        tpu.enqueue_dma source(%dma_start3A_293 : memref<400xi32, #tpu.memory_space<hbm>>) target(%dma_start3A_292 : memref<400xi32, #tpu.memory_space<vmem>>) target_semaphore(%arg42 : memref<!tpu.dma_semaphore, #tpu.memory_space<semaphore_mem>>)
        %add3A_294 = arith.constant 1600000 : i32
        %add3A_295 = arith.addi %add3A_294, %mul3A_184 : i32
        %add3A_296 = arith.constant 1200 : i32
        %add3A_297 = arith.addi %add3A_295, %add3A_296 : i32
        %dma_start3A_298 = arith.constant 800 : i32
        %dma_start3A_299 = tpu.memref_slice %arg21[%dma_start3A_298] : memref<1200xi32, #tpu.memory_space<vmem>> -> memref<400xi32, #tpu.memory_space<vmem>>
        %dma_start3A_300 = tpu.memref_slice %arg3[%add3A_297] : memref<2400000xi32, #tpu.memory_space<hbm>> -> memref<400xi32, #tpu.memory_space<hbm>>
        %dma_start3A_301 = arith.constant 800 : i32
        %dma_start3A_302 = tpu.memref_slice %arg21[%dma_start3A_301] : memref<1200xi32, #tpu.memory_space<vmem>> -> memref<400xi32, #tpu.memory_space<vmem>>
        %dma_start3A_303 = tpu.memref_slice %arg3[%add3A_297] : memref<2400000xi32, #tpu.memory_space<hbm>> -> memref<400xi32, #tpu.memory_space<hbm>>
        tpu.enqueue_dma source(%dma_start3A_303 : memref<400xi32, #tpu.memory_space<hbm>>) target(%dma_start3A_302 : memref<400xi32, #tpu.memory_space<vmem>>) target_semaphore(%arg42 : memref<!tpu.dma_semaphore, #tpu.memory_space<semaphore_mem>>)
        %add3A_304 = arith.constant 0 : i32
        %add3A_305 = arith.addi %add3A_304, %mul3A_184 : i32
        %add3A_306 = arith.constant 1600 : i32
        %add3A_307 = arith.addi %add3A_305, %add3A_306 : i32
        %dma_start3A_308 = arith.constant 0 : i32
        %dma_start3A_309 = tpu.memref_slice %arg25[%dma_start3A_308] : memref<1200xi32, #tpu.memory_space<vmem>> -> memref<400xi32, #tpu.memory_space<vmem>>
        %dma_start3A_310 = tpu.memref_slice %arg3[%add3A_307] : memref<2400000xi32, #tpu.memory_space<hbm>> -> memref<400xi32, #tpu.memory_space<hbm>>
        %dma_start3A_311 = arith.constant 0 : i32
        %dma_start3A_312 = tpu.memref_slice %arg25[%dma_start3A_311] : memref<1200xi32, #tpu.memory_space<vmem>> -> memref<400xi32, #tpu.memory_space<vmem>>
        %dma_start3A_313 = tpu.memref_slice %arg3[%add3A_307] : memref<2400000xi32, #tpu.memory_space<hbm>> -> memref<400xi32, #tpu.memory_space<hbm>>
        tpu.enqueue_dma source(%dma_start3A_313 : memref<400xi32, #tpu.memory_space<hbm>>) target(%dma_start3A_312 : memref<400xi32, #tpu.memory_space<vmem>>) target_semaphore(%arg42 : memref<!tpu.dma_semaphore, #tpu.memory_space<semaphore_mem>>)
        %add3A_314 = arith.constant 800000 : i32
        %add3A_315 = arith.addi %add3A_314, %mul3A_184 : i32
        %add3A_316 = arith.constant 1600 : i32
        %add3A_317 = arith.addi %add3A_315, %add3A_316 : i32
        %dma_start3A_318 = arith.constant 400 : i32
        %dma_start3A_319 = tpu.memref_slice %arg25[%dma_start3A_318] : memref<1200xi32, #tpu.memory_space<vmem>> -> memref<400xi32, #tpu.memory_space<vmem>>
        %dma_start3A_320 = tpu.memref_slice %arg3[%add3A_317] : memref<2400000xi32, #tpu.memory_space<hbm>> -> memref<400xi32, #tpu.memory_space<hbm>>
        %dma_start3A_321 = arith.constant 400 : i32
        %dma_start3A_322 = tpu.memref_slice %arg25[%dma_start3A_321] : memref<1200xi32, #tpu.memory_space<vmem>> -> memref<400xi32, #tpu.memory_space<vmem>>
        %dma_start3A_323 = tpu.memref_slice %arg3[%add3A_317] : memref<2400000xi32, #tpu.memory_space<hbm>> -> memref<400xi32, #tpu.memory_space<hbm>>
        tpu.enqueue_dma source(%dma_start3A_323 : memref<400xi32, #tpu.memory_space<hbm>>) target(%dma_start3A_322 : memref<400xi32, #tpu.memory_space<vmem>>) target_semaphore(%arg42 : memref<!tpu.dma_semaphore, #tpu.memory_space<semaphore_mem>>)
        %add3A_324 = arith.constant 1600000 : i32
        %add3A_325 = arith.addi %add3A_324, %mul3A_184 : i32
        %add3A_326 = arith.constant 1600 : i32
        %add3A_327 = arith.addi %add3A_325, %add3A_326 : i32
        %dma_start3A_328 = arith.constant 800 : i32
        %dma_start3A_329 = tpu.memref_slice %arg25[%dma_start3A_328] : memref<1200xi32, #tpu.memory_space<vmem>> -> memref<400xi32, #tpu.memory_space<vmem>>
        %dma_start3A_330 = tpu.memref_slice %arg3[%add3A_327] : memref<2400000xi32, #tpu.memory_space<hbm>> -> memref<400xi32, #tpu.memory_space<hbm>>
        %dma_start3A_331 = arith.constant 800 : i32
        %dma_start3A_332 = tpu.memref_slice %arg25[%dma_start3A_331] : memref<1200xi32, #tpu.memory_space<vmem>> -> memref<400xi32, #tpu.memory_space<vmem>>
        %dma_start3A_333 = tpu.memref_slice %arg3[%add3A_327] : memref<2400000xi32, #tpu.memory_space<hbm>> -> memref<400xi32, #tpu.memory_space<hbm>>
        tpu.enqueue_dma source(%dma_start3A_333 : memref<400xi32, #tpu.memory_space<hbm>>) target(%dma_start3A_332 : memref<400xi32, #tpu.memory_space<vmem>>) target_semaphore(%arg42 : memref<!tpu.dma_semaphore, #tpu.memory_space<semaphore_mem>>)
        %add3A_334 = arith.constant 0 : i32
        %add3A_335 = arith.addi %add3A_334, %mul3A_184 : i32
        %add3A_336 = arith.constant 2000 : i32
        %add3A_337 = arith.addi %add3A_335, %add3A_336 : i32
        %dma_start3A_338 = arith.constant 0 : i32
        %dma_start3A_339 = tpu.memref_slice %arg29[%dma_start3A_338] : memref<1200xi32, #tpu.memory_space<vmem>> -> memref<400xi32, #tpu.memory_space<vmem>>
        %dma_start3A_340 = tpu.memref_slice %arg3[%add3A_337] : memref<2400000xi32, #tpu.memory_space<hbm>> -> memref<400xi32, #tpu.memory_space<hbm>>
        %dma_start3A_341 = arith.constant 0 : i32
        %dma_start3A_342 = tpu.memref_slice %arg29[%dma_start3A_341] : memref<1200xi32, #tpu.memory_space<vmem>> -> memref<400xi32, #tpu.memory_space<vmem>>
        %dma_start3A_343 = tpu.memref_slice %arg3[%add3A_337] : memref<2400000xi32, #tpu.memory_space<hbm>> -> memref<400xi32, #tpu.memory_space<hbm>>
        tpu.enqueue_dma source(%dma_start3A_343 : memref<400xi32, #tpu.memory_space<hbm>>) target(%dma_start3A_342 : memref<400xi32, #tpu.memory_space<vmem>>) target_semaphore(%arg42 : memref<!tpu.dma_semaphore, #tpu.memory_space<semaphore_mem>>)
        %add3A_344 = arith.constant 800000 : i32
        %add3A_345 = arith.addi %add3A_344, %mul3A_184 : i32
        %add3A_346 = arith.constant 2000 : i32
        %add3A_347 = arith.addi %add3A_345, %add3A_346 : i32
        %dma_start3A_348 = arith.constant 400 : i32
        %dma_start3A_349 = tpu.memref_slice %arg29[%dma_start3A_348] : memref<1200xi32, #tpu.memory_space<vmem>> -> memref<400xi32, #tpu.memory_space<vmem>>
        %dma_start3A_350 = tpu.memref_slice %arg3[%add3A_347] : memref<2400000xi32, #tpu.memory_space<hbm>> -> memref<400xi32, #tpu.memory_space<hbm>>
        %dma_start3A_351 = arith.constant 400 : i32
        %dma_start3A_352 = tpu.memref_slice %arg29[%dma_start3A_351] : memref<1200xi32, #tpu.memory_space<vmem>> -> memref<400xi32, #tpu.memory_space<vmem>>
        %dma_start3A_353 = tpu.memref_slice %arg3[%add3A_347] : memref<2400000xi32, #tpu.memory_space<hbm>> -> memref<400xi32, #tpu.memory_space<hbm>>
        tpu.enqueue_dma source(%dma_start3A_353 : memref<400xi32, #tpu.memory_space<hbm>>) target(%dma_start3A_352 : memref<400xi32, #tpu.memory_space<vmem>>) target_semaphore(%arg42 : memref<!tpu.dma_semaphore, #tpu.memory_space<semaphore_mem>>)
        %add3A_354 = arith.constant 1600000 : i32
        %add3A_355 = arith.addi %add3A_354, %mul3A_184 : i32
        %add3A_356 = arith.constant 2000 : i32
        %add3A_357 = arith.addi %add3A_355, %add3A_356 : i32
        %dma_start3A_358 = arith.constant 800 : i32
        %dma_start3A_359 = tpu.memref_slice %arg29[%dma_start3A_358] : memref<1200xi32, #tpu.memory_space<vmem>> -> memref<400xi32, #tpu.memory_space<vmem>>
        %dma_start3A_360 = tpu.memref_slice %arg3[%add3A_357] : memref<2400000xi32, #tpu.memory_space<hbm>> -> memref<400xi32, #tpu.memory_space<hbm>>
        %dma_start3A_361 = arith.constant 800 : i32
        %dma_start3A_362 = tpu.memref_slice %arg29[%dma_start3A_361] : memref<1200xi32, #tpu.memory_space<vmem>> -> memref<400xi32, #tpu.memory_space<vmem>>
        %dma_start3A_363 = tpu.memref_slice %arg3[%add3A_357] : memref<2400000xi32, #tpu.memory_space<hbm>> -> memref<400xi32, #tpu.memory_space<hbm>>
        tpu.enqueue_dma source(%dma_start3A_363 : memref<400xi32, #tpu.memory_space<hbm>>) target(%dma_start3A_362 : memref<400xi32, #tpu.memory_space<vmem>>) target_semaphore(%arg42 : memref<!tpu.dma_semaphore, #tpu.memory_space<semaphore_mem>>)
        %add3A_364 = arith.constant 0 : i32
        %add3A_365 = arith.addi %add3A_364, %mul3A_184 : i32
        %add3A_366 = arith.constant 2400 : i32
        %add3A_367 = arith.addi %add3A_365, %add3A_366 : i32
        %dma_start3A_368 = arith.constant 0 : i32
        %dma_start3A_369 = tpu.memref_slice %arg33[%dma_start3A_368] : memref<1200xi32, #tpu.memory_space<vmem>> -> memref<400xi32, #tpu.memory_space<vmem>>
        %dma_start3A_370 = tpu.memref_slice %arg3[%add3A_367] : memref<2400000xi32, #tpu.memory_space<hbm>> -> memref<400xi32, #tpu.memory_space<hbm>>
        %dma_start3A_371 = arith.constant 0 : i32
        %dma_start3A_372 = tpu.memref_slice %arg33[%dma_start3A_371] : memref<1200xi32, #tpu.memory_space<vmem>> -> memref<400xi32, #tpu.memory_space<vmem>>
        %dma_start3A_373 = tpu.memref_slice %arg3[%add3A_367] : memref<2400000xi32, #tpu.memory_space<hbm>> -> memref<400xi32, #tpu.memory_space<hbm>>
        tpu.enqueue_dma source(%dma_start3A_373 : memref<400xi32, #tpu.memory_space<hbm>>) target(%dma_start3A_372 : memref<400xi32, #tpu.memory_space<vmem>>) target_semaphore(%arg42 : memref<!tpu.dma_semaphore, #tpu.memory_space<semaphore_mem>>)
        %add3A_374 = arith.constant 800000 : i32
        %add3A_375 = arith.addi %add3A_374, %mul3A_184 : i32
        %add3A_376 = arith.constant 2400 : i32
        %add3A_377 = arith.addi %add3A_375, %add3A_376 : i32
        %dma_start3A_378 = arith.constant 400 : i32
        %dma_start3A_379 = tpu.memref_slice %arg33[%dma_start3A_378] : memref<1200xi32, #tpu.memory_space<vmem>> -> memref<400xi32, #tpu.memory_space<vmem>>
        %dma_start3A_380 = tpu.memref_slice %arg3[%add3A_377] : memref<2400000xi32, #tpu.memory_space<hbm>> -> memref<400xi32, #tpu.memory_space<hbm>>
        %dma_start3A_381 = arith.constant 400 : i32
        %dma_start3A_382 = tpu.memref_slice %arg33[%dma_start3A_381] : memref<1200xi32, #tpu.memory_space<vmem>> -> memref<400xi32, #tpu.memory_space<vmem>>
        %dma_start3A_383 = tpu.memref_slice %arg3[%add3A_377] : memref<2400000xi32, #tpu.memory_space<hbm>> -> memref<400xi32, #tpu.memory_space<hbm>>
        tpu.enqueue_dma source(%dma_start3A_383 : memref<400xi32, #tpu.memory_space<hbm>>) target(%dma_start3A_382 : memref<400xi32, #tpu.memory_space<vmem>>) target_semaphore(%arg42 : memref<!tpu.dma_semaphore, #tpu.memory_space<semaphore_mem>>)
        %add3A_384 = arith.constant 1600000 : i32
        %add3A_385 = arith.addi %add3A_384, %mul3A_184 : i32
        %add3A_386 = arith.constant 2400 : i32
        %add3A_387 = arith.addi %add3A_385, %add3A_386 : i32
        %dma_start3A_388 = arith.constant 800 : i32
        %dma_start3A_389 = tpu.memref_slice %arg33[%dma_start3A_388] : memref<1200xi32, #tpu.memory_space<vmem>> -> memref<400xi32, #tpu.memory_space<vmem>>
        %dma_start3A_390 = tpu.memref_slice %arg3[%add3A_387] : memref<2400000xi32, #tpu.memory_space<hbm>> -> memref<400xi32, #tpu.memory_space<hbm>>
        %dma_start3A_391 = arith.constant 800 : i32
        %dma_start3A_392 = tpu.memref_slice %arg33[%dma_start3A_391] : memref<1200xi32, #tpu.memory_space<vmem>> -> memref<400xi32, #tpu.memory_space<vmem>>
        %dma_start3A_393 = tpu.memref_slice %arg3[%add3A_387] : memref<2400000xi32, #tpu.memory_space<hbm>> -> memref<400xi32, #tpu.memory_space<hbm>>
        tpu.enqueue_dma source(%dma_start3A_393 : memref<400xi32, #tpu.memory_space<hbm>>) target(%dma_start3A_392 : memref<400xi32, #tpu.memory_space<vmem>>) target_semaphore(%arg42 : memref<!tpu.dma_semaphore, #tpu.memory_space<semaphore_mem>>)
        %add3A_394 = arith.constant 0 : i32
        %add3A_395 = arith.addi %add3A_394, %mul3A_184 : i32
        %add3A_396 = arith.constant 2800 : i32
        %add3A_397 = arith.addi %add3A_395, %add3A_396 : i32
        %dma_start3A_398 = arith.constant 0 : i32
        %dma_start3A_399 = tpu.memref_slice %arg37[%dma_start3A_398] : memref<1200xi32, #tpu.memory_space<vmem>> -> memref<400xi32, #tpu.memory_space<vmem>>
        %dma_start3A_400 = tpu.memref_slice %arg3[%add3A_397] : memref<2400000xi32, #tpu.memory_space<hbm>> -> memref<400xi32, #tpu.memory_space<hbm>>
        %dma_start3A_401 = arith.constant 0 : i32
        %dma_start3A_402 = tpu.memref_slice %arg37[%dma_start3A_401] : memref<1200xi32, #tpu.memory_space<vmem>> -> memref<400xi32, #tpu.memory_space<vmem>>
        %dma_start3A_403 = tpu.memref_slice %arg3[%add3A_397] : memref<2400000xi32, #tpu.memory_space<hbm>> -> memref<400xi32, #tpu.memory_space<hbm>>
        tpu.enqueue_dma source(%dma_start3A_403 : memref<400xi32, #tpu.memory_space<hbm>>) target(%dma_start3A_402 : memref<400xi32, #tpu.memory_space<vmem>>) target_semaphore(%arg42 : memref<!tpu.dma_semaphore, #tpu.memory_space<semaphore_mem>>)
        %add3A_404 = arith.constant 800000 : i32
        %add3A_405 = arith.addi %add3A_404, %mul3A_184 : i32
        %add3A_406 = arith.constant 2800 : i32
        %add3A_407 = arith.addi %add3A_405, %add3A_406 : i32
        %dma_start3A_408 = arith.constant 400 : i32
        %dma_start3A_409 = tpu.memref_slice %arg37[%dma_start3A_408] : memref<1200xi32, #tpu.memory_space<vmem>> -> memref<400xi32, #tpu.memory_space<vmem>>
        %dma_start3A_410 = tpu.memref_slice %arg3[%add3A_407] : memref<2400000xi32, #tpu.memory_space<hbm>> -> memref<400xi32, #tpu.memory_space<hbm>>
        %dma_start3A_411 = arith.constant 400 : i32
        %dma_start3A_412 = tpu.memref_slice %arg37[%dma_start3A_411] : memref<1200xi32, #tpu.memory_space<vmem>> -> memref<400xi32, #tpu.memory_space<vmem>>
        %dma_start3A_413 = tpu.memref_slice %arg3[%add3A_407] : memref<2400000xi32, #tpu.memory_space<hbm>> -> memref<400xi32, #tpu.memory_space<hbm>>
        tpu.enqueue_dma source(%dma_start3A_413 : memref<400xi32, #tpu.memory_space<hbm>>) target(%dma_start3A_412 : memref<400xi32, #tpu.memory_space<vmem>>) target_semaphore(%arg42 : memref<!tpu.dma_semaphore, #tpu.memory_space<semaphore_mem>>)
        %add3A_414 = arith.constant 1600000 : i32
        %add3A_415 = arith.addi %add3A_414, %mul3A_184 : i32
        %add3A_416 = arith.constant 2800 : i32
        %add3A_417 = arith.addi %add3A_415, %add3A_416 : i32
        %dma_start3A_418 = arith.constant 800 : i32
        %dma_start3A_419 = tpu.memref_slice %arg37[%dma_start3A_418] : memref<1200xi32, #tpu.memory_space<vmem>> -> memref<400xi32, #tpu.memory_space<vmem>>
        %dma_start3A_420 = tpu.memref_slice %arg3[%add3A_417] : memref<2400000xi32, #tpu.memory_space<hbm>> -> memref<400xi32, #tpu.memory_space<hbm>>
        %dma_start3A_421 = arith.constant 800 : i32
        %dma_start3A_422 = tpu.memref_slice %arg37[%dma_start3A_421] : memref<1200xi32, #tpu.memory_space<vmem>> -> memref<400xi32, #tpu.memory_space<vmem>>
        %dma_start3A_423 = tpu.memref_slice %arg3[%add3A_417] : memref<2400000xi32, #tpu.memory_space<hbm>> -> memref<400xi32, #tpu.memory_space<hbm>>
        tpu.enqueue_dma source(%dma_start3A_423 : memref<400xi32, #tpu.memory_space<hbm>>) target(%dma_start3A_422 : memref<400xi32, #tpu.memory_space<vmem>>) target_semaphore(%arg42 : memref<!tpu.dma_semaphore, #tpu.memory_space<semaphore_mem>>)
        %dma_wait3A = arith.constant 0 : i32
        %dma_wait3A_424 = tpu.memref_slice %arg9[%dma_wait3A] : memref<1200xi32, #tpu.memory_space<vmem>> -> memref<400xi32, #tpu.memory_space<vmem>>
        %dma_wait3A_425 = tpu.memref_slice %arg3[%add3A_188] : memref<2400000xi32, #tpu.memory_space<hbm>> -> memref<400xi32, #tpu.memory_space<hbm>>
        %dma_wait3A_426 = arith.constant 0 : i32
        %dma_wait3A_427 = tpu.memref_slice %arg9[%dma_wait3A_426] : memref<1200xi32, #tpu.memory_space<vmem>> -> memref<400xi32, #tpu.memory_space<vmem>>
        %dma_wait3A_428 = tpu.memref_slice %arg3[%add3A_188] : memref<2400000xi32, #tpu.memory_space<hbm>> -> memref<400xi32, #tpu.memory_space<hbm>>
        tpu.wait_dma2 semaphore(%arg42 : memref<!tpu.dma_semaphore, #tpu.memory_space<semaphore_mem>>) src(%dma_wait3A_428 : memref<400xi32, #tpu.memory_space<hbm>>) dst(%dma_wait3A_427 : memref<400xi32, #tpu.memory_space<vmem>>)
        %dma_wait3A_429 = arith.constant 400 : i32
        %dma_wait3A_430 = tpu.memref_slice %arg9[%dma_wait3A_429] : memref<1200xi32, #tpu.memory_space<vmem>> -> memref<400xi32, #tpu.memory_space<vmem>>
        %dma_wait3A_431 = tpu.memref_slice %arg3[%add3A_197] : memref<2400000xi32, #tpu.memory_space<hbm>> -> memref<400xi32, #tpu.memory_space<hbm>>
        %dma_wait3A_432 = arith.constant 400 : i32
        %dma_wait3A_433 = tpu.memref_slice %arg9[%dma_wait3A_432] : memref<1200xi32, #tpu.memory_space<vmem>> -> memref<400xi32, #tpu.memory_space<vmem>>
        %dma_wait3A_434 = tpu.memref_slice %arg3[%add3A_197] : memref<2400000xi32, #tpu.memory_space<hbm>> -> memref<400xi32, #tpu.memory_space<hbm>>
        tpu.wait_dma2 semaphore(%arg42 : memref<!tpu.dma_semaphore, #tpu.memory_space<semaphore_mem>>) src(%dma_wait3A_434 : memref<400xi32, #tpu.memory_space<hbm>>) dst(%dma_wait3A_433 : memref<400xi32, #tpu.memory_space<vmem>>)
        %dma_wait3A_435 = arith.constant 800 : i32
        %dma_wait3A_436 = tpu.memref_slice %arg9[%dma_wait3A_435] : memref<1200xi32, #tpu.memory_space<vmem>> -> memref<400xi32, #tpu.memory_space<vmem>>
        %dma_wait3A_437 = tpu.memref_slice %arg3[%add3A_207] : memref<2400000xi32, #tpu.memory_space<hbm>> -> memref<400xi32, #tpu.memory_space<hbm>>
        %dma_wait3A_438 = arith.constant 800 : i32
        %dma_wait3A_439 = tpu.memref_slice %arg9[%dma_wait3A_438] : memref<1200xi32, #tpu.memory_space<vmem>> -> memref<400xi32, #tpu.memory_space<vmem>>
        %dma_wait3A_440 = tpu.memref_slice %arg3[%add3A_207] : memref<2400000xi32, #tpu.memory_space<hbm>> -> memref<400xi32, #tpu.memory_space<hbm>>
        tpu.wait_dma2 semaphore(%arg42 : memref<!tpu.dma_semaphore, #tpu.memory_space<semaphore_mem>>) src(%dma_wait3A_440 : memref<400xi32, #tpu.memory_space<hbm>>) dst(%dma_wait3A_439 : memref<400xi32, #tpu.memory_space<vmem>>)
        %dma_start3A_441 = arith.constant 0 : i32
        %dma_start3A_442 = tpu.memref_slice %arg2[%dma_start3A_441] : memref<1200000xf32, #tpu.memory_space<hbm>> -> memref<400000xf32, #tpu.memory_space<hbm>>
        %dma_start3A_443 = arith.constant 0 : i32
        %dma_start3A_444 = tpu.memref_slice %dma_start3A_442[%dma_start3A_443] : memref<400000xf32, #tpu.memory_space<hbm>> -> memref<400000xf32, #tpu.memory_space<hbm>>
        tpu.enqueue_indirect_dma source(%dma_start3A_444 : memref<400000xf32, #tpu.memory_space<hbm>>) target(%arg10 : memref<1200xf32, #tpu.memory_space<vmem>>) offsets(%arg9 : memref<1200xi32, #tpu.memory_space<vmem>>) semaphore(%arg43 : memref<!tpu.dma_semaphore, #tpu.memory_space<semaphore_mem>>)
        %dma_start3A_445 = arith.constant 400000 : i32
        %dma_start3A_446 = tpu.memref_slice %arg2[%dma_start3A_445] : memref<1200000xf32, #tpu.memory_space<hbm>> -> memref<400000xf32, #tpu.memory_space<hbm>>
        %dma_start3A_447 = arith.constant 0 : i32
        %dma_start3A_448 = tpu.memref_slice %dma_start3A_446[%dma_start3A_447] : memref<400000xf32, #tpu.memory_space<hbm>> -> memref<400000xf32, #tpu.memory_space<hbm>>
        tpu.enqueue_indirect_dma source(%dma_start3A_448 : memref<400000xf32, #tpu.memory_space<hbm>>) target(%arg11 : memref<1200xf32, #tpu.memory_space<vmem>>) offsets(%arg9 : memref<1200xi32, #tpu.memory_space<vmem>>) semaphore(%arg43 : memref<!tpu.dma_semaphore, #tpu.memory_space<semaphore_mem>>)
        %dma_start3A_449 = arith.constant 800000 : i32
        %dma_start3A_450 = tpu.memref_slice %arg2[%dma_start3A_449] : memref<1200000xf32, #tpu.memory_space<hbm>> -> memref<400000xf32, #tpu.memory_space<hbm>>
        %dma_start3A_451 = arith.constant 0 : i32
        %dma_start3A_452 = tpu.memref_slice %dma_start3A_450[%dma_start3A_451] : memref<400000xf32, #tpu.memory_space<hbm>> -> memref<400000xf32, #tpu.memory_space<hbm>>
        tpu.enqueue_indirect_dma source(%dma_start3A_452 : memref<400000xf32, #tpu.memory_space<hbm>>) target(%arg12 : memref<1200xf32, #tpu.memory_space<vmem>>) offsets(%arg9 : memref<1200xi32, #tpu.memory_space<vmem>>) semaphore(%arg43 : memref<!tpu.dma_semaphore, #tpu.memory_space<semaphore_mem>>)
        %dma_wait3A_453 = arith.constant 0 : i32
        %dma_wait3A_454 = tpu.memref_slice %arg13[%dma_wait3A_453] : memref<1200xi32, #tpu.memory_space<vmem>> -> memref<400xi32, #tpu.memory_space<vmem>>
        %dma_wait3A_455 = tpu.memref_slice %arg3[%add3A_217] : memref<2400000xi32, #tpu.memory_space<hbm>> -> memref<400xi32, #tpu.memory_space<hbm>>
        %dma_wait3A_456 = arith.constant 0 : i32
        %dma_wait3A_457 = tpu.memref_slice %arg13[%dma_wait3A_456] : memref<1200xi32, #tpu.memory_space<vmem>> -> memref<400xi32, #tpu.memory_space<vmem>>
        %dma_wait3A_458 = tpu.memref_slice %arg3[%add3A_217] : memref<2400000xi32, #tpu.memory_space<hbm>> -> memref<400xi32, #tpu.memory_space<hbm>>
        tpu.wait_dma2 semaphore(%arg42 : memref<!tpu.dma_semaphore, #tpu.memory_space<semaphore_mem>>) src(%dma_wait3A_458 : memref<400xi32, #tpu.memory_space<hbm>>) dst(%dma_wait3A_457 : memref<400xi32, #tpu.memory_space<vmem>>)
        %dma_wait3A_459 = arith.constant 400 : i32
        %dma_wait3A_460 = tpu.memref_slice %arg13[%dma_wait3A_459] : memref<1200xi32, #tpu.memory_space<vmem>> -> memref<400xi32, #tpu.memory_space<vmem>>
        %dma_wait3A_461 = tpu.memref_slice %arg3[%add3A_227] : memref<2400000xi32, #tpu.memory_space<hbm>> -> memref<400xi32, #tpu.memory_space<hbm>>
        %dma_wait3A_462 = arith.constant 400 : i32
        %dma_wait3A_463 = tpu.memref_slice %arg13[%dma_wait3A_462] : memref<1200xi32, #tpu.memory_space<vmem>> -> memref<400xi32, #tpu.memory_space<vmem>>
        %dma_wait3A_464 = tpu.memref_slice %arg3[%add3A_227] : memref<2400000xi32, #tpu.memory_space<hbm>> -> memref<400xi32, #tpu.memory_space<hbm>>
        tpu.wait_dma2 semaphore(%arg42 : memref<!tpu.dma_semaphore, #tpu.memory_space<semaphore_mem>>) src(%dma_wait3A_464 : memref<400xi32, #tpu.memory_space<hbm>>) dst(%dma_wait3A_463 : memref<400xi32, #tpu.memory_space<vmem>>)
        %dma_wait3A_465 = arith.constant 800 : i32
        %dma_wait3A_466 = tpu.memref_slice %arg13[%dma_wait3A_465] : memref<1200xi32, #tpu.memory_space<vmem>> -> memref<400xi32, #tpu.memory_space<vmem>>
        %dma_wait3A_467 = tpu.memref_slice %arg3[%add3A_237] : memref<2400000xi32, #tpu.memory_space<hbm>> -> memref<400xi32, #tpu.memory_space<hbm>>
        %dma_wait3A_468 = arith.constant 800 : i32
        %dma_wait3A_469 = tpu.memref_slice %arg13[%dma_wait3A_468] : memref<1200xi32, #tpu.memory_space<vmem>> -> memref<400xi32, #tpu.memory_space<vmem>>
        %dma_wait3A_470 = tpu.memref_slice %arg3[%add3A_237] : memref<2400000xi32, #tpu.memory_space<hbm>> -> memref<400xi32, #tpu.memory_space<hbm>>
        tpu.wait_dma2 semaphore(%arg42 : memref<!tpu.dma_semaphore, #tpu.memory_space<semaphore_mem>>) src(%dma_wait3A_470 : memref<400xi32, #tpu.memory_space<hbm>>) dst(%dma_wait3A_469 : memref<400xi32, #tpu.memory_space<vmem>>)
        %dma_start3A_471 = arith.constant 0 : i32
        %dma_start3A_472 = tpu.memref_slice %arg2[%dma_start3A_471] : memref<1200000xf32, #tpu.memory_space<hbm>> -> memref<400000xf32, #tpu.memory_space<hbm>>
        %dma_start3A_473 = arith.constant 0 : i32
        %dma_start3A_474 = tpu.memref_slice %dma_start3A_472[%dma_start3A_473] : memref<400000xf32, #tpu.memory_space<hbm>> -> memref<400000xf32, #tpu.memory_space<hbm>>
        tpu.enqueue_indirect_dma source(%dma_start3A_474 : memref<400000xf32, #tpu.memory_space<hbm>>) target(%arg14 : memref<1200xf32, #tpu.memory_space<vmem>>) offsets(%arg13 : memref<1200xi32, #tpu.memory_space<vmem>>) semaphore(%arg44 : memref<!tpu.dma_semaphore, #tpu.memory_space<semaphore_mem>>)
        %dma_start3A_475 = arith.constant 400000 : i32
        %dma_start3A_476 = tpu.memref_slice %arg2[%dma_start3A_475] : memref<1200000xf32, #tpu.memory_space<hbm>> -> memref<400000xf32, #tpu.memory_space<hbm>>
        %dma_start3A_477 = arith.constant 0 : i32
        %dma_start3A_478 = tpu.memref_slice %dma_start3A_476[%dma_start3A_477] : memref<400000xf32, #tpu.memory_space<hbm>> -> memref<400000xf32, #tpu.memory_space<hbm>>
        tpu.enqueue_indirect_dma source(%dma_start3A_478 : memref<400000xf32, #tpu.memory_space<hbm>>) target(%arg15 : memref<1200xf32, #tpu.memory_space<vmem>>) offsets(%arg13 : memref<1200xi32, #tpu.memory_space<vmem>>) semaphore(%arg44 : memref<!tpu.dma_semaphore, #tpu.memory_space<semaphore_mem>>)
        %dma_start3A_479 = arith.constant 800000 : i32
        %dma_start3A_480 = tpu.memref_slice %arg2[%dma_start3A_479] : memref<1200000xf32, #tpu.memory_space<hbm>> -> memref<400000xf32, #tpu.memory_space<hbm>>
        %dma_start3A_481 = arith.constant 0 : i32
        %dma_start3A_482 = tpu.memref_slice %dma_start3A_480[%dma_start3A_481] : memref<400000xf32, #tpu.memory_space<hbm>> -> memref<400000xf32, #tpu.memory_space<hbm>>
        tpu.enqueue_indirect_dma source(%dma_start3A_482 : memref<400000xf32, #tpu.memory_space<hbm>>) target(%arg16 : memref<1200xf32, #tpu.memory_space<vmem>>) offsets(%arg13 : memref<1200xi32, #tpu.memory_space<vmem>>) semaphore(%arg44 : memref<!tpu.dma_semaphore, #tpu.memory_space<semaphore_mem>>)
        %dma_wait3A_483 = arith.constant 0 : i32
        %dma_wait3A_484 = tpu.memref_slice %arg17[%dma_wait3A_483] : memref<1200xi32, #tpu.memory_space<vmem>> -> memref<400xi32, #tpu.memory_space<vmem>>
        %dma_wait3A_485 = tpu.memref_slice %arg3[%add3A_247] : memref<2400000xi32, #tpu.memory_space<hbm>> -> memref<400xi32, #tpu.memory_space<hbm>>
        %dma_wait3A_486 = arith.constant 0 : i32
        %dma_wait3A_487 = tpu.memref_slice %arg17[%dma_wait3A_486] : memref<1200xi32, #tpu.memory_space<vmem>> -> memref<400xi32, #tpu.memory_space<vmem>>
        %dma_wait3A_488 = tpu.memref_slice %arg3[%add3A_247] : memref<2400000xi32, #tpu.memory_space<hbm>> -> memref<400xi32, #tpu.memory_space<hbm>>
        tpu.wait_dma2 semaphore(%arg42 : memref<!tpu.dma_semaphore, #tpu.memory_space<semaphore_mem>>) src(%dma_wait3A_488 : memref<400xi32, #tpu.memory_space<hbm>>) dst(%dma_wait3A_487 : memref<400xi32, #tpu.memory_space<vmem>>)
        %dma_wait3A_489 = arith.constant 400 : i32
        %dma_wait3A_490 = tpu.memref_slice %arg17[%dma_wait3A_489] : memref<1200xi32, #tpu.memory_space<vmem>> -> memref<400xi32, #tpu.memory_space<vmem>>
        %dma_wait3A_491 = tpu.memref_slice %arg3[%add3A_257] : memref<2400000xi32, #tpu.memory_space<hbm>> -> memref<400xi32, #tpu.memory_space<hbm>>
        %dma_wait3A_492 = arith.constant 400 : i32
        %dma_wait3A_493 = tpu.memref_slice %arg17[%dma_wait3A_492] : memref<1200xi32, #tpu.memory_space<vmem>> -> memref<400xi32, #tpu.memory_space<vmem>>
        %dma_wait3A_494 = tpu.memref_slice %arg3[%add3A_257] : memref<2400000xi32, #tpu.memory_space<hbm>> -> memref<400xi32, #tpu.memory_space<hbm>>
        tpu.wait_dma2 semaphore(%arg42 : memref<!tpu.dma_semaphore, #tpu.memory_space<semaphore_mem>>) src(%dma_wait3A_494 : memref<400xi32, #tpu.memory_space<hbm>>) dst(%dma_wait3A_493 : memref<400xi32, #tpu.memory_space<vmem>>)
        %dma_wait3A_495 = arith.constant 800 : i32
        %dma_wait3A_496 = tpu.memref_slice %arg17[%dma_wait3A_495] : memref<1200xi32, #tpu.memory_space<vmem>> -> memref<400xi32, #tpu.memory_space<vmem>>
        %dma_wait3A_497 = tpu.memref_slice %arg3[%add3A_267] : memref<2400000xi32, #tpu.memory_space<hbm>> -> memref<400xi32, #tpu.memory_space<hbm>>
        %dma_wait3A_498 = arith.constant 800 : i32
        %dma_wait3A_499 = tpu.memref_slice %arg17[%dma_wait3A_498] : memref<1200xi32, #tpu.memory_space<vmem>> -> memref<400xi32, #tpu.memory_space<vmem>>
        %dma_wait3A_500 = tpu.memref_slice %arg3[%add3A_267] : memref<2400000xi32, #tpu.memory_space<hbm>> -> memref<400xi32, #tpu.memory_space<hbm>>
        tpu.wait_dma2 semaphore(%arg42 : memref<!tpu.dma_semaphore, #tpu.memory_space<semaphore_mem>>) src(%dma_wait3A_500 : memref<400xi32, #tpu.memory_space<hbm>>) dst(%dma_wait3A_499 : memref<400xi32, #tpu.memory_space<vmem>>)
        %dma_start3A_501 = arith.constant 0 : i32
        %dma_start3A_502 = tpu.memref_slice %arg2[%dma_start3A_501] : memref<1200000xf32, #tpu.memory_space<hbm>> -> memref<400000xf32, #tpu.memory_space<hbm>>
        %dma_start3A_503 = arith.constant 0 : i32
        %dma_start3A_504 = tpu.memref_slice %dma_start3A_502[%dma_start3A_503] : memref<400000xf32, #tpu.memory_space<hbm>> -> memref<400000xf32, #tpu.memory_space<hbm>>
        tpu.enqueue_indirect_dma source(%dma_start3A_504 : memref<400000xf32, #tpu.memory_space<hbm>>) target(%arg18 : memref<1200xf32, #tpu.memory_space<vmem>>) offsets(%arg17 : memref<1200xi32, #tpu.memory_space<vmem>>) semaphore(%arg45 : memref<!tpu.dma_semaphore, #tpu.memory_space<semaphore_mem>>)
        %dma_start3A_505 = arith.constant 400000 : i32
        %dma_start3A_506 = tpu.memref_slice %arg2[%dma_start3A_505] : memref<1200000xf32, #tpu.memory_space<hbm>> -> memref<400000xf32, #tpu.memory_space<hbm>>
        %dma_start3A_507 = arith.constant 0 : i32
        %dma_start3A_508 = tpu.memref_slice %dma_start3A_506[%dma_start3A_507] : memref<400000xf32, #tpu.memory_space<hbm>> -> memref<400000xf32, #tpu.memory_space<hbm>>
        tpu.enqueue_indirect_dma source(%dma_start3A_508 : memref<400000xf32, #tpu.memory_space<hbm>>) target(%arg19 : memref<1200xf32, #tpu.memory_space<vmem>>) offsets(%arg17 : memref<1200xi32, #tpu.memory_space<vmem>>) semaphore(%arg45 : memref<!tpu.dma_semaphore, #tpu.memory_space<semaphore_mem>>)
        %dma_start3A_509 = arith.constant 800000 : i32
        %dma_start3A_510 = tpu.memref_slice %arg2[%dma_start3A_509] : memref<1200000xf32, #tpu.memory_space<hbm>> -> memref<400000xf32, #tpu.memory_space<hbm>>
        %dma_start3A_511 = arith.constant 0 : i32
        %dma_start3A_512 = tpu.memref_slice %dma_start3A_510[%dma_start3A_511] : memref<400000xf32, #tpu.memory_space<hbm>> -> memref<400000xf32, #tpu.memory_space<hbm>>
        tpu.enqueue_indirect_dma source(%dma_start3A_512 : memref<400000xf32, #tpu.memory_space<hbm>>) target(%arg20 : memref<1200xf32, #tpu.memory_space<vmem>>) offsets(%arg17 : memref<1200xi32, #tpu.memory_space<vmem>>) semaphore(%arg45 : memref<!tpu.dma_semaphore, #tpu.memory_space<semaphore_mem>>)
        %dma_wait3A_513 = arith.constant 0 : i32
        %dma_wait3A_514 = tpu.memref_slice %arg21[%dma_wait3A_513] : memref<1200xi32, #tpu.memory_space<vmem>> -> memref<400xi32, #tpu.memory_space<vmem>>
        %dma_wait3A_515 = tpu.memref_slice %arg3[%add3A_277] : memref<2400000xi32, #tpu.memory_space<hbm>> -> memref<400xi32, #tpu.memory_space<hbm>>
        %dma_wait3A_516 = arith.constant 0 : i32
        %dma_wait3A_517 = tpu.memref_slice %arg21[%dma_wait3A_516] : memref<1200xi32, #tpu.memory_space<vmem>> -> memref<400xi32, #tpu.memory_space<vmem>>
        %dma_wait3A_518 = tpu.memref_slice %arg3[%add3A_277] : memref<2400000xi32, #tpu.memory_space<hbm>> -> memref<400xi32, #tpu.memory_space<hbm>>
        tpu.wait_dma2 semaphore(%arg42 : memref<!tpu.dma_semaphore, #tpu.memory_space<semaphore_mem>>) src(%dma_wait3A_518 : memref<400xi32, #tpu.memory_space<hbm>>) dst(%dma_wait3A_517 : memref<400xi32, #tpu.memory_space<vmem>>)
        %dma_wait3A_519 = arith.constant 400 : i32
        %dma_wait3A_520 = tpu.memref_slice %arg21[%dma_wait3A_519] : memref<1200xi32, #tpu.memory_space<vmem>> -> memref<400xi32, #tpu.memory_space<vmem>>
        %dma_wait3A_521 = tpu.memref_slice %arg3[%add3A_287] : memref<2400000xi32, #tpu.memory_space<hbm>> -> memref<400xi32, #tpu.memory_space<hbm>>
        %dma_wait3A_522 = arith.constant 400 : i32
        %dma_wait3A_523 = tpu.memref_slice %arg21[%dma_wait3A_522] : memref<1200xi32, #tpu.memory_space<vmem>> -> memref<400xi32, #tpu.memory_space<vmem>>
        %dma_wait3A_524 = tpu.memref_slice %arg3[%add3A_287] : memref<2400000xi32, #tpu.memory_space<hbm>> -> memref<400xi32, #tpu.memory_space<hbm>>
        tpu.wait_dma2 semaphore(%arg42 : memref<!tpu.dma_semaphore, #tpu.memory_space<semaphore_mem>>) src(%dma_wait3A_524 : memref<400xi32, #tpu.memory_space<hbm>>) dst(%dma_wait3A_523 : memref<400xi32, #tpu.memory_space<vmem>>)
        %dma_wait3A_525 = arith.constant 800 : i32
        %dma_wait3A_526 = tpu.memref_slice %arg21[%dma_wait3A_525] : memref<1200xi32, #tpu.memory_space<vmem>> -> memref<400xi32, #tpu.memory_space<vmem>>
        %dma_wait3A_527 = tpu.memref_slice %arg3[%add3A_297] : memref<2400000xi32, #tpu.memory_space<hbm>> -> memref<400xi32, #tpu.memory_space<hbm>>
        %dma_wait3A_528 = arith.constant 800 : i32
        %dma_wait3A_529 = tpu.memref_slice %arg21[%dma_wait3A_528] : memref<1200xi32, #tpu.memory_space<vmem>> -> memref<400xi32, #tpu.memory_space<vmem>>
        %dma_wait3A_530 = tpu.memref_slice %arg3[%add3A_297] : memref<2400000xi32, #tpu.memory_space<hbm>> -> memref<400xi32, #tpu.memory_space<hbm>>
        tpu.wait_dma2 semaphore(%arg42 : memref<!tpu.dma_semaphore, #tpu.memory_space<semaphore_mem>>) src(%dma_wait3A_530 : memref<400xi32, #tpu.memory_space<hbm>>) dst(%dma_wait3A_529 : memref<400xi32, #tpu.memory_space<vmem>>)
        %dma_start3A_531 = arith.constant 0 : i32
        %dma_start3A_532 = tpu.memref_slice %arg2[%dma_start3A_531] : memref<1200000xf32, #tpu.memory_space<hbm>> -> memref<400000xf32, #tpu.memory_space<hbm>>
        %dma_start3A_533 = arith.constant 0 : i32
        %dma_start3A_534 = tpu.memref_slice %dma_start3A_532[%dma_start3A_533] : memref<400000xf32, #tpu.memory_space<hbm>> -> memref<400000xf32, #tpu.memory_space<hbm>>
        tpu.enqueue_indirect_dma source(%dma_start3A_534 : memref<400000xf32, #tpu.memory_space<hbm>>) target(%arg22 : memref<1200xf32, #tpu.memory_space<vmem>>) offsets(%arg21 : memref<1200xi32, #tpu.memory_space<vmem>>) semaphore(%arg46 : memref<!tpu.dma_semaphore, #tpu.memory_space<semaphore_mem>>)
        %dma_start3A_535 = arith.constant 400000 : i32
        %dma_start3A_536 = tpu.memref_slice %arg2[%dma_start3A_535] : memref<1200000xf32, #tpu.memory_space<hbm>> -> memref<400000xf32, #tpu.memory_space<hbm>>
        %dma_start3A_537 = arith.constant 0 : i32
        %dma_start3A_538 = tpu.memref_slice %dma_start3A_536[%dma_start3A_537] : memref<400000xf32, #tpu.memory_space<hbm>> -> memref<400000xf32, #tpu.memory_space<hbm>>
        tpu.enqueue_indirect_dma source(%dma_start3A_538 : memref<400000xf32, #tpu.memory_space<hbm>>) target(%arg23 : memref<1200xf32, #tpu.memory_space<vmem>>) offsets(%arg21 : memref<1200xi32, #tpu.memory_space<vmem>>) semaphore(%arg46 : memref<!tpu.dma_semaphore, #tpu.memory_space<semaphore_mem>>)
        %dma_start3A_539 = arith.constant 800000 : i32
        %dma_start3A_540 = tpu.memref_slice %arg2[%dma_start3A_539] : memref<1200000xf32, #tpu.memory_space<hbm>> -> memref<400000xf32, #tpu.memory_space<hbm>>
        %dma_start3A_541 = arith.constant 0 : i32
        %dma_start3A_542 = tpu.memref_slice %dma_start3A_540[%dma_start3A_541] : memref<400000xf32, #tpu.memory_space<hbm>> -> memref<400000xf32, #tpu.memory_space<hbm>>
        tpu.enqueue_indirect_dma source(%dma_start3A_542 : memref<400000xf32, #tpu.memory_space<hbm>>) target(%arg24 : memref<1200xf32, #tpu.memory_space<vmem>>) offsets(%arg21 : memref<1200xi32, #tpu.memory_space<vmem>>) semaphore(%arg46 : memref<!tpu.dma_semaphore, #tpu.memory_space<semaphore_mem>>)
        %dma_wait3A_543 = arith.constant 0 : i32
        %dma_wait3A_544 = tpu.memref_slice %arg25[%dma_wait3A_543] : memref<1200xi32, #tpu.memory_space<vmem>> -> memref<400xi32, #tpu.memory_space<vmem>>
        %dma_wait3A_545 = tpu.memref_slice %arg3[%add3A_307] : memref<2400000xi32, #tpu.memory_space<hbm>> -> memref<400xi32, #tpu.memory_space<hbm>>
        %dma_wait3A_546 = arith.constant 0 : i32
        %dma_wait3A_547 = tpu.memref_slice %arg25[%dma_wait3A_546] : memref<1200xi32, #tpu.memory_space<vmem>> -> memref<400xi32, #tpu.memory_space<vmem>>
        %dma_wait3A_548 = tpu.memref_slice %arg3[%add3A_307] : memref<2400000xi32, #tpu.memory_space<hbm>> -> memref<400xi32, #tpu.memory_space<hbm>>
        tpu.wait_dma2 semaphore(%arg42 : memref<!tpu.dma_semaphore, #tpu.memory_space<semaphore_mem>>) src(%dma_wait3A_548 : memref<400xi32, #tpu.memory_space<hbm>>) dst(%dma_wait3A_547 : memref<400xi32, #tpu.memory_space<vmem>>)
        %dma_wait3A_549 = arith.constant 400 : i32
        %dma_wait3A_550 = tpu.memref_slice %arg25[%dma_wait3A_549] : memref<1200xi32, #tpu.memory_space<vmem>> -> memref<400xi32, #tpu.memory_space<vmem>>
        %dma_wait3A_551 = tpu.memref_slice %arg3[%add3A_317] : memref<2400000xi32, #tpu.memory_space<hbm>> -> memref<400xi32, #tpu.memory_space<hbm>>
        %dma_wait3A_552 = arith.constant 400 : i32
        %dma_wait3A_553 = tpu.memref_slice %arg25[%dma_wait3A_552] : memref<1200xi32, #tpu.memory_space<vmem>> -> memref<400xi32, #tpu.memory_space<vmem>>
        %dma_wait3A_554 = tpu.memref_slice %arg3[%add3A_317] : memref<2400000xi32, #tpu.memory_space<hbm>> -> memref<400xi32, #tpu.memory_space<hbm>>
        tpu.wait_dma2 semaphore(%arg42 : memref<!tpu.dma_semaphore, #tpu.memory_space<semaphore_mem>>) src(%dma_wait3A_554 : memref<400xi32, #tpu.memory_space<hbm>>) dst(%dma_wait3A_553 : memref<400xi32, #tpu.memory_space<vmem>>)
        %dma_wait3A_555 = arith.constant 800 : i32
        %dma_wait3A_556 = tpu.memref_slice %arg25[%dma_wait3A_555] : memref<1200xi32, #tpu.memory_space<vmem>> -> memref<400xi32, #tpu.memory_space<vmem>>
        %dma_wait3A_557 = tpu.memref_slice %arg3[%add3A_327] : memref<2400000xi32, #tpu.memory_space<hbm>> -> memref<400xi32, #tpu.memory_space<hbm>>
        %dma_wait3A_558 = arith.constant 800 : i32
        %dma_wait3A_559 = tpu.memref_slice %arg25[%dma_wait3A_558] : memref<1200xi32, #tpu.memory_space<vmem>> -> memref<400xi32, #tpu.memory_space<vmem>>
        %dma_wait3A_560 = tpu.memref_slice %arg3[%add3A_327] : memref<2400000xi32, #tpu.memory_space<hbm>> -> memref<400xi32, #tpu.memory_space<hbm>>
        tpu.wait_dma2 semaphore(%arg42 : memref<!tpu.dma_semaphore, #tpu.memory_space<semaphore_mem>>) src(%dma_wait3A_560 : memref<400xi32, #tpu.memory_space<hbm>>) dst(%dma_wait3A_559 : memref<400xi32, #tpu.memory_space<vmem>>)
        %dma_start3A_561 = arith.constant 0 : i32
        %dma_start3A_562 = tpu.memref_slice %arg2[%dma_start3A_561] : memref<1200000xf32, #tpu.memory_space<hbm>> -> memref<400000xf32, #tpu.memory_space<hbm>>
        %dma_start3A_563 = arith.constant 0 : i32
        %dma_start3A_564 = tpu.memref_slice %dma_start3A_562[%dma_start3A_563] : memref<400000xf32, #tpu.memory_space<hbm>> -> memref<400000xf32, #tpu.memory_space<hbm>>
        tpu.enqueue_indirect_dma source(%dma_start3A_564 : memref<400000xf32, #tpu.memory_space<hbm>>) target(%arg26 : memref<1200xf32, #tpu.memory_space<vmem>>) offsets(%arg25 : memref<1200xi32, #tpu.memory_space<vmem>>) semaphore(%arg47 : memref<!tpu.dma_semaphore, #tpu.memory_space<semaphore_mem>>)
        %dma_start3A_565 = arith.constant 400000 : i32
        %dma_start3A_566 = tpu.memref_slice %arg2[%dma_start3A_565] : memref<1200000xf32, #tpu.memory_space<hbm>> -> memref<400000xf32, #tpu.memory_space<hbm>>
        %dma_start3A_567 = arith.constant 0 : i32
        %dma_start3A_568 = tpu.memref_slice %dma_start3A_566[%dma_start3A_567] : memref<400000xf32, #tpu.memory_space<hbm>> -> memref<400000xf32, #tpu.memory_space<hbm>>
        tpu.enqueue_indirect_dma source(%dma_start3A_568 : memref<400000xf32, #tpu.memory_space<hbm>>) target(%arg27 : memref<1200xf32, #tpu.memory_space<vmem>>) offsets(%arg25 : memref<1200xi32, #tpu.memory_space<vmem>>) semaphore(%arg47 : memref<!tpu.dma_semaphore, #tpu.memory_space<semaphore_mem>>)
        %dma_start3A_569 = arith.constant 800000 : i32
        %dma_start3A_570 = tpu.memref_slice %arg2[%dma_start3A_569] : memref<1200000xf32, #tpu.memory_space<hbm>> -> memref<400000xf32, #tpu.memory_space<hbm>>
        %dma_start3A_571 = arith.constant 0 : i32
        %dma_start3A_572 = tpu.memref_slice %dma_start3A_570[%dma_start3A_571] : memref<400000xf32, #tpu.memory_space<hbm>> -> memref<400000xf32, #tpu.memory_space<hbm>>
        tpu.enqueue_indirect_dma source(%dma_start3A_572 : memref<400000xf32, #tpu.memory_space<hbm>>) target(%arg28 : memref<1200xf32, #tpu.memory_space<vmem>>) offsets(%arg25 : memref<1200xi32, #tpu.memory_space<vmem>>) semaphore(%arg47 : memref<!tpu.dma_semaphore, #tpu.memory_space<semaphore_mem>>)
        %dma_wait3A_573 = arith.constant 0 : i32
        %dma_wait3A_574 = tpu.memref_slice %arg29[%dma_wait3A_573] : memref<1200xi32, #tpu.memory_space<vmem>> -> memref<400xi32, #tpu.memory_space<vmem>>
        %dma_wait3A_575 = tpu.memref_slice %arg3[%add3A_337] : memref<2400000xi32, #tpu.memory_space<hbm>> -> memref<400xi32, #tpu.memory_space<hbm>>
        %dma_wait3A_576 = arith.constant 0 : i32
        %dma_wait3A_577 = tpu.memref_slice %arg29[%dma_wait3A_576] : memref<1200xi32, #tpu.memory_space<vmem>> -> memref<400xi32, #tpu.memory_space<vmem>>
        %dma_wait3A_578 = tpu.memref_slice %arg3[%add3A_337] : memref<2400000xi32, #tpu.memory_space<hbm>> -> memref<400xi32, #tpu.memory_space<hbm>>
        tpu.wait_dma2 semaphore(%arg42 : memref<!tpu.dma_semaphore, #tpu.memory_space<semaphore_mem>>) src(%dma_wait3A_578 : memref<400xi32, #tpu.memory_space<hbm>>) dst(%dma_wait3A_577 : memref<400xi32, #tpu.memory_space<vmem>>)
        %dma_wait3A_579 = arith.constant 400 : i32
        %dma_wait3A_580 = tpu.memref_slice %arg29[%dma_wait3A_579] : memref<1200xi32, #tpu.memory_space<vmem>> -> memref<400xi32, #tpu.memory_space<vmem>>
        %dma_wait3A_581 = tpu.memref_slice %arg3[%add3A_347] : memref<2400000xi32, #tpu.memory_space<hbm>> -> memref<400xi32, #tpu.memory_space<hbm>>
        %dma_wait3A_582 = arith.constant 400 : i32
        %dma_wait3A_583 = tpu.memref_slice %arg29[%dma_wait3A_582] : memref<1200xi32, #tpu.memory_space<vmem>> -> memref<400xi32, #tpu.memory_space<vmem>>
        %dma_wait3A_584 = tpu.memref_slice %arg3[%add3A_347] : memref<2400000xi32, #tpu.memory_space<hbm>> -> memref<400xi32, #tpu.memory_space<hbm>>
        tpu.wait_dma2 semaphore(%arg42 : memref<!tpu.dma_semaphore, #tpu.memory_space<semaphore_mem>>) src(%dma_wait3A_584 : memref<400xi32, #tpu.memory_space<hbm>>) dst(%dma_wait3A_583 : memref<400xi32, #tpu.memory_space<vmem>>)
        %dma_wait3A_585 = arith.constant 800 : i32
        %dma_wait3A_586 = tpu.memref_slice %arg29[%dma_wait3A_585] : memref<1200xi32, #tpu.memory_space<vmem>> -> memref<400xi32, #tpu.memory_space<vmem>>
        %dma_wait3A_587 = tpu.memref_slice %arg3[%add3A_357] : memref<2400000xi32, #tpu.memory_space<hbm>> -> memref<400xi32, #tpu.memory_space<hbm>>
        %dma_wait3A_588 = arith.constant 800 : i32
        %dma_wait3A_589 = tpu.memref_slice %arg29[%dma_wait3A_588] : memref<1200xi32, #tpu.memory_space<vmem>> -> memref<400xi32, #tpu.memory_space<vmem>>
        %dma_wait3A_590 = tpu.memref_slice %arg3[%add3A_357] : memref<2400000xi32, #tpu.memory_space<hbm>> -> memref<400xi32, #tpu.memory_space<hbm>>
        tpu.wait_dma2 semaphore(%arg42 : memref<!tpu.dma_semaphore, #tpu.memory_space<semaphore_mem>>) src(%dma_wait3A_590 : memref<400xi32, #tpu.memory_space<hbm>>) dst(%dma_wait3A_589 : memref<400xi32, #tpu.memory_space<vmem>>)
        %dma_start3A_591 = arith.constant 0 : i32
        %dma_start3A_592 = tpu.memref_slice %arg2[%dma_start3A_591] : memref<1200000xf32, #tpu.memory_space<hbm>> -> memref<400000xf32, #tpu.memory_space<hbm>>
        %dma_start3A_593 = arith.constant 0 : i32
        %dma_start3A_594 = tpu.memref_slice %dma_start3A_592[%dma_start3A_593] : memref<400000xf32, #tpu.memory_space<hbm>> -> memref<400000xf32, #tpu.memory_space<hbm>>
        tpu.enqueue_indirect_dma source(%dma_start3A_594 : memref<400000xf32, #tpu.memory_space<hbm>>) target(%arg30 : memref<1200xf32, #tpu.memory_space<vmem>>) offsets(%arg29 : memref<1200xi32, #tpu.memory_space<vmem>>) semaphore(%arg48 : memref<!tpu.dma_semaphore, #tpu.memory_space<semaphore_mem>>)
        %dma_start3A_595 = arith.constant 400000 : i32
        %dma_start3A_596 = tpu.memref_slice %arg2[%dma_start3A_595] : memref<1200000xf32, #tpu.memory_space<hbm>> -> memref<400000xf32, #tpu.memory_space<hbm>>
        %dma_start3A_597 = arith.constant 0 : i32
        %dma_start3A_598 = tpu.memref_slice %dma_start3A_596[%dma_start3A_597] : memref<400000xf32, #tpu.memory_space<hbm>> -> memref<400000xf32, #tpu.memory_space<hbm>>
        tpu.enqueue_indirect_dma source(%dma_start3A_598 : memref<400000xf32, #tpu.memory_space<hbm>>) target(%arg31 : memref<1200xf32, #tpu.memory_space<vmem>>) offsets(%arg29 : memref<1200xi32, #tpu.memory_space<vmem>>) semaphore(%arg48 : memref<!tpu.dma_semaphore, #tpu.memory_space<semaphore_mem>>)
        %dma_start3A_599 = arith.constant 800000 : i32
        %dma_start3A_600 = tpu.memref_slice %arg2[%dma_start3A_599] : memref<1200000xf32, #tpu.memory_space<hbm>> -> memref<400000xf32, #tpu.memory_space<hbm>>
        %dma_start3A_601 = arith.constant 0 : i32
        %dma_start3A_602 = tpu.memref_slice %dma_start3A_600[%dma_start3A_601] : memref<400000xf32, #tpu.memory_space<hbm>> -> memref<400000xf32, #tpu.memory_space<hbm>>
        tpu.enqueue_indirect_dma source(%dma_start3A_602 : memref<400000xf32, #tpu.memory_space<hbm>>) target(%arg32 : memref<1200xf32, #tpu.memory_space<vmem>>) offsets(%arg29 : memref<1200xi32, #tpu.memory_space<vmem>>) semaphore(%arg48 : memref<!tpu.dma_semaphore, #tpu.memory_space<semaphore_mem>>)
        %dma_wait3A_603 = arith.constant 0 : i32
        %dma_wait3A_604 = tpu.memref_slice %arg33[%dma_wait3A_603] : memref<1200xi32, #tpu.memory_space<vmem>> -> memref<400xi32, #tpu.memory_space<vmem>>
        %dma_wait3A_605 = tpu.memref_slice %arg3[%add3A_367] : memref<2400000xi32, #tpu.memory_space<hbm>> -> memref<400xi32, #tpu.memory_space<hbm>>
        %dma_wait3A_606 = arith.constant 0 : i32
        %dma_wait3A_607 = tpu.memref_slice %arg33[%dma_wait3A_606] : memref<1200xi32, #tpu.memory_space<vmem>> -> memref<400xi32, #tpu.memory_space<vmem>>
        %dma_wait3A_608 = tpu.memref_slice %arg3[%add3A_367] : memref<2400000xi32, #tpu.memory_space<hbm>> -> memref<400xi32, #tpu.memory_space<hbm>>
        tpu.wait_dma2 semaphore(%arg42 : memref<!tpu.dma_semaphore, #tpu.memory_space<semaphore_mem>>) src(%dma_wait3A_608 : memref<400xi32, #tpu.memory_space<hbm>>) dst(%dma_wait3A_607 : memref<400xi32, #tpu.memory_space<vmem>>)
        %dma_wait3A_609 = arith.constant 400 : i32
        %dma_wait3A_610 = tpu.memref_slice %arg33[%dma_wait3A_609] : memref<1200xi32, #tpu.memory_space<vmem>> -> memref<400xi32, #tpu.memory_space<vmem>>
        %dma_wait3A_611 = tpu.memref_slice %arg3[%add3A_377] : memref<2400000xi32, #tpu.memory_space<hbm>> -> memref<400xi32, #tpu.memory_space<hbm>>
        %dma_wait3A_612 = arith.constant 400 : i32
        %dma_wait3A_613 = tpu.memref_slice %arg33[%dma_wait3A_612] : memref<1200xi32, #tpu.memory_space<vmem>> -> memref<400xi32, #tpu.memory_space<vmem>>
        %dma_wait3A_614 = tpu.memref_slice %arg3[%add3A_377] : memref<2400000xi32, #tpu.memory_space<hbm>> -> memref<400xi32, #tpu.memory_space<hbm>>
        tpu.wait_dma2 semaphore(%arg42 : memref<!tpu.dma_semaphore, #tpu.memory_space<semaphore_mem>>) src(%dma_wait3A_614 : memref<400xi32, #tpu.memory_space<hbm>>) dst(%dma_wait3A_613 : memref<400xi32, #tpu.memory_space<vmem>>)
        %dma_wait3A_615 = arith.constant 800 : i32
        %dma_wait3A_616 = tpu.memref_slice %arg33[%dma_wait3A_615] : memref<1200xi32, #tpu.memory_space<vmem>> -> memref<400xi32, #tpu.memory_space<vmem>>
        %dma_wait3A_617 = tpu.memref_slice %arg3[%add3A_387] : memref<2400000xi32, #tpu.memory_space<hbm>> -> memref<400xi32, #tpu.memory_space<hbm>>
        %dma_wait3A_618 = arith.constant 800 : i32
        %dma_wait3A_619 = tpu.memref_slice %arg33[%dma_wait3A_618] : memref<1200xi32, #tpu.memory_space<vmem>> -> memref<400xi32, #tpu.memory_space<vmem>>
        %dma_wait3A_620 = tpu.memref_slice %arg3[%add3A_387] : memref<2400000xi32, #tpu.memory_space<hbm>> -> memref<400xi32, #tpu.memory_space<hbm>>
        tpu.wait_dma2 semaphore(%arg42 : memref<!tpu.dma_semaphore, #tpu.memory_space<semaphore_mem>>) src(%dma_wait3A_620 : memref<400xi32, #tpu.memory_space<hbm>>) dst(%dma_wait3A_619 : memref<400xi32, #tpu.memory_space<vmem>>)
        %dma_start3A_621 = arith.constant 0 : i32
        %dma_start3A_622 = tpu.memref_slice %arg2[%dma_start3A_621] : memref<1200000xf32, #tpu.memory_space<hbm>> -> memref<400000xf32, #tpu.memory_space<hbm>>
        %dma_start3A_623 = arith.constant 0 : i32
        %dma_start3A_624 = tpu.memref_slice %dma_start3A_622[%dma_start3A_623] : memref<400000xf32, #tpu.memory_space<hbm>> -> memref<400000xf32, #tpu.memory_space<hbm>>
        tpu.enqueue_indirect_dma source(%dma_start3A_624 : memref<400000xf32, #tpu.memory_space<hbm>>) target(%arg34 : memref<1200xf32, #tpu.memory_space<vmem>>) offsets(%arg33 : memref<1200xi32, #tpu.memory_space<vmem>>) semaphore(%arg49 : memref<!tpu.dma_semaphore, #tpu.memory_space<semaphore_mem>>)
        %dma_start3A_625 = arith.constant 400000 : i32
        %dma_start3A_626 = tpu.memref_slice %arg2[%dma_start3A_625] : memref<1200000xf32, #tpu.memory_space<hbm>> -> memref<400000xf32, #tpu.memory_space<hbm>>
        %dma_start3A_627 = arith.constant 0 : i32
        %dma_start3A_628 = tpu.memref_slice %dma_start3A_626[%dma_start3A_627] : memref<400000xf32, #tpu.memory_space<hbm>> -> memref<400000xf32, #tpu.memory_space<hbm>>
        tpu.enqueue_indirect_dma source(%dma_start3A_628 : memref<400000xf32, #tpu.memory_space<hbm>>) target(%arg35 : memref<1200xf32, #tpu.memory_space<vmem>>) offsets(%arg33 : memref<1200xi32, #tpu.memory_space<vmem>>) semaphore(%arg49 : memref<!tpu.dma_semaphore, #tpu.memory_space<semaphore_mem>>)
        %dma_start3A_629 = arith.constant 800000 : i32
        %dma_start3A_630 = tpu.memref_slice %arg2[%dma_start3A_629] : memref<1200000xf32, #tpu.memory_space<hbm>> -> memref<400000xf32, #tpu.memory_space<hbm>>
        %dma_start3A_631 = arith.constant 0 : i32
        %dma_start3A_632 = tpu.memref_slice %dma_start3A_630[%dma_start3A_631] : memref<400000xf32, #tpu.memory_space<hbm>> -> memref<400000xf32, #tpu.memory_space<hbm>>
        tpu.enqueue_indirect_dma source(%dma_start3A_632 : memref<400000xf32, #tpu.memory_space<hbm>>) target(%arg36 : memref<1200xf32, #tpu.memory_space<vmem>>) offsets(%arg33 : memref<1200xi32, #tpu.memory_space<vmem>>) semaphore(%arg49 : memref<!tpu.dma_semaphore, #tpu.memory_space<semaphore_mem>>)
        %dma_wait3A_633 = arith.constant 0 : i32
        %dma_wait3A_634 = tpu.memref_slice %arg37[%dma_wait3A_633] : memref<1200xi32, #tpu.memory_space<vmem>> -> memref<400xi32, #tpu.memory_space<vmem>>
        %dma_wait3A_635 = tpu.memref_slice %arg3[%add3A_397] : memref<2400000xi32, #tpu.memory_space<hbm>> -> memref<400xi32, #tpu.memory_space<hbm>>
        %dma_wait3A_636 = arith.constant 0 : i32
        %dma_wait3A_637 = tpu.memref_slice %arg37[%dma_wait3A_636] : memref<1200xi32, #tpu.memory_space<vmem>> -> memref<400xi32, #tpu.memory_space<vmem>>
        %dma_wait3A_638 = tpu.memref_slice %arg3[%add3A_397] : memref<2400000xi32, #tpu.memory_space<hbm>> -> memref<400xi32, #tpu.memory_space<hbm>>
        tpu.wait_dma2 semaphore(%arg42 : memref<!tpu.dma_semaphore, #tpu.memory_space<semaphore_mem>>) src(%dma_wait3A_638 : memref<400xi32, #tpu.memory_space<hbm>>) dst(%dma_wait3A_637 : memref<400xi32, #tpu.memory_space<vmem>>)
        %dma_wait3A_639 = arith.constant 400 : i32
        %dma_wait3A_640 = tpu.memref_slice %arg37[%dma_wait3A_639] : memref<1200xi32, #tpu.memory_space<vmem>> -> memref<400xi32, #tpu.memory_space<vmem>>
        %dma_wait3A_641 = tpu.memref_slice %arg3[%add3A_407] : memref<2400000xi32, #tpu.memory_space<hbm>> -> memref<400xi32, #tpu.memory_space<hbm>>
        %dma_wait3A_642 = arith.constant 400 : i32
        %dma_wait3A_643 = tpu.memref_slice %arg37[%dma_wait3A_642] : memref<1200xi32, #tpu.memory_space<vmem>> -> memref<400xi32, #tpu.memory_space<vmem>>
        %dma_wait3A_644 = tpu.memref_slice %arg3[%add3A_407] : memref<2400000xi32, #tpu.memory_space<hbm>> -> memref<400xi32, #tpu.memory_space<hbm>>
        tpu.wait_dma2 semaphore(%arg42 : memref<!tpu.dma_semaphore, #tpu.memory_space<semaphore_mem>>) src(%dma_wait3A_644 : memref<400xi32, #tpu.memory_space<hbm>>) dst(%dma_wait3A_643 : memref<400xi32, #tpu.memory_space<vmem>>)
        %dma_wait3A_645 = arith.constant 800 : i32
        %dma_wait3A_646 = tpu.memref_slice %arg37[%dma_wait3A_645] : memref<1200xi32, #tpu.memory_space<vmem>> -> memref<400xi32, #tpu.memory_space<vmem>>
        %dma_wait3A_647 = tpu.memref_slice %arg3[%add3A_417] : memref<2400000xi32, #tpu.memory_space<hbm>> -> memref<400xi32, #tpu.memory_space<hbm>>
        %dma_wait3A_648 = arith.constant 800 : i32
        %dma_wait3A_649 = tpu.memref_slice %arg37[%dma_wait3A_648] : memref<1200xi32, #tpu.memory_space<vmem>> -> memref<400xi32, #tpu.memory_space<vmem>>
        %dma_wait3A_650 = tpu.memref_slice %arg3[%add3A_417] : memref<2400000xi32, #tpu.memory_space<hbm>> -> memref<400xi32, #tpu.memory_space<hbm>>
        tpu.wait_dma2 semaphore(%arg42 : memref<!tpu.dma_semaphore, #tpu.memory_space<semaphore_mem>>) src(%dma_wait3A_650 : memref<400xi32, #tpu.memory_space<hbm>>) dst(%dma_wait3A_649 : memref<400xi32, #tpu.memory_space<vmem>>)
        %dma_start3A_651 = arith.constant 0 : i32
        %dma_start3A_652 = tpu.memref_slice %arg2[%dma_start3A_651] : memref<1200000xf32, #tpu.memory_space<hbm>> -> memref<400000xf32, #tpu.memory_space<hbm>>
        %dma_start3A_653 = arith.constant 0 : i32
        %dma_start3A_654 = tpu.memref_slice %dma_start3A_652[%dma_start3A_653] : memref<400000xf32, #tpu.memory_space<hbm>> -> memref<400000xf32, #tpu.memory_space<hbm>>
        tpu.enqueue_indirect_dma source(%dma_start3A_654 : memref<400000xf32, #tpu.memory_space<hbm>>) target(%arg38 : memref<1200xf32, #tpu.memory_space<vmem>>) offsets(%arg37 : memref<1200xi32, #tpu.memory_space<vmem>>) semaphore(%arg50 : memref<!tpu.dma_semaphore, #tpu.memory_space<semaphore_mem>>)
        %dma_start3A_655 = arith.constant 400000 : i32
        %dma_start3A_656 = tpu.memref_slice %arg2[%dma_start3A_655] : memref<1200000xf32, #tpu.memory_space<hbm>> -> memref<400000xf32, #tpu.memory_space<hbm>>
        %dma_start3A_657 = arith.constant 0 : i32
        %dma_start3A_658 = tpu.memref_slice %dma_start3A_656[%dma_start3A_657] : memref<400000xf32, #tpu.memory_space<hbm>> -> memref<400000xf32, #tpu.memory_space<hbm>>
        tpu.enqueue_indirect_dma source(%dma_start3A_658 : memref<400000xf32, #tpu.memory_space<hbm>>) target(%arg39 : memref<1200xf32, #tpu.memory_space<vmem>>) offsets(%arg37 : memref<1200xi32, #tpu.memory_space<vmem>>) semaphore(%arg50 : memref<!tpu.dma_semaphore, #tpu.memory_space<semaphore_mem>>)
        %dma_start3A_659 = arith.constant 800000 : i32
        %dma_start3A_660 = tpu.memref_slice %arg2[%dma_start3A_659] : memref<1200000xf32, #tpu.memory_space<hbm>> -> memref<400000xf32, #tpu.memory_space<hbm>>
        %dma_start3A_661 = arith.constant 0 : i32
        %dma_start3A_662 = tpu.memref_slice %dma_start3A_660[%dma_start3A_661] : memref<400000xf32, #tpu.memory_space<hbm>> -> memref<400000xf32, #tpu.memory_space<hbm>>
        tpu.enqueue_indirect_dma source(%dma_start3A_662 : memref<400000xf32, #tpu.memory_space<hbm>>) target(%arg40 : memref<1200xf32, #tpu.memory_space<vmem>>) offsets(%arg37 : memref<1200xi32, #tpu.memory_space<vmem>>) semaphore(%arg50 : memref<!tpu.dma_semaphore, #tpu.memory_space<semaphore_mem>>)
        %dma_wait3A_663 = arith.constant 0 : i32
        %dma_wait3A_664 = tpu.memref_slice %arg2[%dma_wait3A_663] : memref<1200000xf32, #tpu.memory_space<hbm>> -> memref<400000xf32, #tpu.memory_space<hbm>>
        %dma_wait3A_665 = arith.constant 0 : i32
        %dma_wait3A_666 = tpu.memref_slice %dma_wait3A_664[%dma_wait3A_665] : memref<400000xf32, #tpu.memory_space<hbm>> -> memref<400000xf32, #tpu.memory_space<hbm>>
        tpu.wait_indirect_dma semaphore(%arg43 : memref<!tpu.dma_semaphore, #tpu.memory_space<semaphore_mem>>) src(%dma_wait3A_666 : memref<400000xf32, #tpu.memory_space<hbm>>) dst(%arg10 : memref<1200xf32, #tpu.memory_space<vmem>>)
        %dma_wait3A_667 = arith.constant 400000 : i32
        %dma_wait3A_668 = tpu.memref_slice %arg2[%dma_wait3A_667] : memref<1200000xf32, #tpu.memory_space<hbm>> -> memref<400000xf32, #tpu.memory_space<hbm>>
        %dma_wait3A_669 = arith.constant 0 : i32
        %dma_wait3A_670 = tpu.memref_slice %dma_wait3A_668[%dma_wait3A_669] : memref<400000xf32, #tpu.memory_space<hbm>> -> memref<400000xf32, #tpu.memory_space<hbm>>
        tpu.wait_indirect_dma semaphore(%arg43 : memref<!tpu.dma_semaphore, #tpu.memory_space<semaphore_mem>>) src(%dma_wait3A_670 : memref<400000xf32, #tpu.memory_space<hbm>>) dst(%arg11 : memref<1200xf32, #tpu.memory_space<vmem>>)
        %dma_wait3A_671 = arith.constant 800000 : i32
        %dma_wait3A_672 = tpu.memref_slice %arg2[%dma_wait3A_671] : memref<1200000xf32, #tpu.memory_space<hbm>> -> memref<400000xf32, #tpu.memory_space<hbm>>
        %dma_wait3A_673 = arith.constant 0 : i32
        %dma_wait3A_674 = tpu.memref_slice %dma_wait3A_672[%dma_wait3A_673] : memref<400000xf32, #tpu.memory_space<hbm>> -> memref<400000xf32, #tpu.memory_space<hbm>>
        tpu.wait_indirect_dma semaphore(%arg43 : memref<!tpu.dma_semaphore, #tpu.memory_space<semaphore_mem>>) src(%dma_wait3A_674 : memref<400000xf32, #tpu.memory_space<hbm>>) dst(%arg12 : memref<1200xf32, #tpu.memory_space<vmem>>)
        %scan3A_675 = arith.constant 0 : i32
        %scan3A_676 = arith.constant 0 : i32
        %scan3A_677 = arith.constant 25 : i32
        %scan3A_678 = arith.addi %scan3A_676, %scan3A_677 : i32
        %scan3A_679 = arith.constant 1 : i32
        %scan3A_680 = scf.for %scan3A_911 = %scan3A_676 to %scan3A_678 step %scan3A_679 iter_args(%scan3A_912 = %scan3A_675) -> (i32)  : i32 {
          %mul3A_913 = arith.constant 16 : i32
          %mul3A_914 = arith.muli %scan3A_911, %mul3A_913 : i32
          %get3A = arith.index_cast %mul3A_914 : i32 to index
          %get3A_915 = tpu.vector_load %arg10[%get3A] {strides = array<i32>} : memref<1200xf32, #tpu.memory_space<vmem>>, vector<16xf32>,
          %get3A_916 = vector.shape_cast %get3A_915 : vector<16xf32> to vector<16xf32>
          %get3A_917 = arith.index_cast %mul3A_914 : i32 to index
          %get3A_918 = tpu.vector_load %arg11[%get3A_917] {strides = array<i32>} : memref<1200xf32, #tpu.memory_space<vmem>>, vector<16xf32>,
          %get3A_919 = vector.shape_cast %get3A_918 : vector<16xf32> to vector<16xf32>
          %get3A_920 = arith.index_cast %mul3A_914 : i32 to index
          %get3A_921 = tpu.vector_load %arg12[%get3A_920] {strides = array<i32>} : memref<1200xf32, #tpu.memory_space<vmem>>, vector<16xf32>,
          %get3A_922 = vector.shape_cast %get3A_921 : vector<16xf32> to vector<16xf32>
          %add3A_923 = arith.constant 400 : i32
          %add3A_924 = arith.addi %add3A_923, %mul3A_914 : i32
          %get3A_925 = arith.index_cast %add3A_924 : i32 to index
          %get3A_926 = tpu.vector_load %arg10[%get3A_925] {strides = array<i32>} : memref<1200xf32, #tpu.memory_space<vmem>>, vector<16xf32>,
          %get3A_927 = vector.shape_cast %get3A_926 : vector<16xf32> to vector<16xf32>
          %add3A_928 = arith.constant 400 : i32
          %add3A_929 = arith.addi %add3A_928, %mul3A_914 : i32
          %get3A_930 = arith.index_cast %add3A_929 : i32 to index
          %get3A_931 = tpu.vector_load %arg11[%get3A_930] {strides = array<i32>} : memref<1200xf32, #tpu.memory_space<vmem>>, vector<16xf32>,
          %get3A_932 = vector.shape_cast %get3A_931 : vector<16xf32> to vector<16xf32>
          %add3A_933 = arith.constant 400 : i32
          %add3A_934 = arith.addi %add3A_933, %mul3A_914 : i32
          %get3A_935 = arith.index_cast %add3A_934 : i32 to index
          %get3A_936 = tpu.vector_load %arg12[%get3A_935] {strides = array<i32>} : memref<1200xf32, #tpu.memory_space<vmem>>, vector<16xf32>,
          %get3A_937 = vector.shape_cast %get3A_936 : vector<16xf32> to vector<16xf32>
          %add3A_938 = arith.constant 800 : i32
          %add3A_939 = arith.addi %add3A_938, %mul3A_914 : i32
          %get3A_940 = arith.index_cast %add3A_939 : i32 to index
          %get3A_941 = tpu.vector_load %arg10[%get3A_940] {strides = array<i32>} : memref<1200xf32, #tpu.memory_space<vmem>>, vector<16xf32>,
          %get3A_942 = vector.shape_cast %get3A_941 : vector<16xf32> to vector<16xf32>
          %add3A_943 = arith.constant 800 : i32
          %add3A_944 = arith.addi %add3A_943, %mul3A_914 : i32
          %get3A_945 = arith.index_cast %add3A_944 : i32 to index
          %get3A_946 = tpu.vector_load %arg11[%get3A_945] {strides = array<i32>} : memref<1200xf32, #tpu.memory_space<vmem>>, vector<16xf32>,
          %get3A_947 = vector.shape_cast %get3A_946 : vector<16xf32> to vector<16xf32>
          %add3A_948 = arith.constant 800 : i32
          %add3A_949 = arith.addi %add3A_948, %mul3A_914 : i32
          %get3A_950 = arith.index_cast %add3A_949 : i32 to index
          %get3A_951 = tpu.vector_load %arg12[%get3A_950] {strides = array<i32>} : memref<1200xf32, #tpu.memory_space<vmem>>, vector<16xf32>,
          %get3A_952 = vector.shape_cast %get3A_951 : vector<16xf32> to vector<16xf32>
          %sub3A = arith.subf %get3A_916, %get3A_927 : vector<16xf32>
          %sub3A_953 = arith.subf %get3A_919, %get3A_932 : vector<16xf32>
          %sub3A_954 = arith.subf %get3A_922, %get3A_937 : vector<16xf32>
          %sub3A_955 = arith.subf %get3A_927, %get3A_942 : vector<16xf32>
          %sub3A_956 = arith.subf %get3A_932, %get3A_947 : vector<16xf32>
          %sub3A_957 = arith.subf %get3A_937, %get3A_952 : vector<16xf32>
          %sub3A_958 = arith.subf %get3A_942, %get3A_916 : vector<16xf32>
          %sub3A_959 = arith.subf %get3A_947, %get3A_919 : vector<16xf32>
          %sub3A_960 = arith.subf %get3A_952, %get3A_922 : vector<16xf32>
          %mul3A_961 = arith.mulf %sub3A_955, %sub3A_955 : vector<16xf32>
          %add3A_962 = arith.constant 0.000000e+00 : f32
          %add3A_963 = vector.broadcast %add3A_962 : f32 to vector<16xf32>
          %add3A_964 = arith.addf %add3A_963, %mul3A_961 : vector<16xf32>
          %mul3A_965 = arith.mulf %sub3A_956, %sub3A_956 : vector<16xf32>
          %add3A_966 = arith.addf %add3A_964, %mul3A_965 : vector<16xf32>
          %mul3A_967 = arith.mulf %sub3A_957, %sub3A_957 : vector<16xf32>
          %add3A_968 = arith.addf %add3A_966, %mul3A_967 : vector<16xf32>
          %mul3A_969 = arith.mulf %sub3A_958, %sub3A_958 : vector<16xf32>
          %add3A_970 = arith.constant 0.000000e+00 : f32
          %add3A_971 = vector.broadcast %add3A_970 : f32 to vector<16xf32>
          %add3A_972 = arith.addf %add3A_971, %mul3A_969 : vector<16xf32>
          %mul3A_973 = arith.mulf %sub3A_959, %sub3A_959 : vector<16xf32>
          %add3A_974 = arith.addf %add3A_972, %mul3A_973 : vector<16xf32>
          %mul3A_975 = arith.mulf %sub3A_960, %sub3A_960 : vector<16xf32>
          %add3A_976 = arith.addf %add3A_974, %mul3A_975 : vector<16xf32>
          %mul3A_977 = arith.mulf %sub3A, %sub3A : vector<16xf32>
          %add3A_978 = arith.constant 0.000000e+00 : f32
          %add3A_979 = vector.broadcast %add3A_978 : f32 to vector<16xf32>
          %add3A_980 = arith.addf %add3A_979, %mul3A_977 : vector<16xf32>
          %mul3A_981 = arith.mulf %sub3A_953, %sub3A_953 : vector<16xf32>
          %add3A_982 = arith.addf %add3A_980, %mul3A_981 : vector<16xf32>
          %mul3A_983 = arith.mulf %sub3A_954, %sub3A_954 : vector<16xf32>
          %add3A_984 = arith.addf %add3A_982, %mul3A_983 : vector<16xf32>
          %add3A_985 = arith.addf %add3A_968, %add3A_976 : vector<16xf32>
          %add3A_986 = arith.addf %add3A_985, %add3A_984 : vector<16xf32>
          %mul3A_987 = arith.mulf %add3A_986, %add3A_986 : vector<16xf32>
          %mul3A_988 = arith.mulf %add3A_968, %add3A_968 : vector<16xf32>
          %mul3A_989 = arith.mulf %add3A_976, %add3A_976 : vector<16xf32>
          %add3A_990 = arith.addf %mul3A_988, %mul3A_989 : vector<16xf32>
          %mul3A_991 = arith.mulf %add3A_984, %add3A_984 : vector<16xf32>
          %add3A_992 = arith.addf %add3A_990, %mul3A_991 : vector<16xf32>
          %mul3A_993 = arith.constant 2.000000e+00 : f32
          %mul3A_994 = vector.broadcast %mul3A_993 : f32 to vector<16xf32>
          %mul3A_995 = arith.mulf %mul3A_994, %add3A_992 : vector<16xf32>
          %sub3A_996 = arith.subf %mul3A_987, %mul3A_995 : vector<16xf32>
          %bitcast_convert_type3A = tpu.bitcast %sub3A_996 : vector<16xf32> -> vector<16xi32>
          %shift_right_arithmetic3A = arith.constant 1 : i32
          %shift_right_arithmetic3A_997 = vector.broadcast %shift_right_arithmetic3A : i32 to vector<16xi32>
          %shift_right_arithmetic3A_998 = arith.shrsi %bitcast_convert_type3A, %shift_right_arithmetic3A_997 : vector<16xi32>
          %sub3A_999 = arith.constant 1597463007 : i32
          %sub3A_1000 = vector.broadcast %sub3A_999 : i32 to vector<16xi32>
          %sub3A_1001 = arith.subi %sub3A_1000, %shift_right_arithmetic3A_998 : vector<16xi32>
          %bitcast_convert_type3A_1002 = tpu.bitcast %sub3A_1001 : vector<16xi32> -> vector<16xf32>
          %mul3A_1003 = arith.constant 5.000000e-01 : f32
          %mul3A_1004 = vector.broadcast %mul3A_1003 : f32 to vector<16xf32>
          %mul3A_1005 = arith.mulf %sub3A_996, %mul3A_1004 : vector<16xf32>
          %mul3A_1006 = arith.mulf %mul3A_1005, %bitcast_convert_type3A_1002 : vector<16xf32>
          %mul3A_1007 = arith.mulf %mul3A_1006, %bitcast_convert_type3A_1002 : vector<16xf32>
          %sub3A_1008 = arith.constant 1.500000e+00 : f32
          %sub3A_1009 = vector.broadcast %sub3A_1008 : f32 to vector<16xf32>
          %sub3A_1010 = arith.subf %sub3A_1009, %mul3A_1007 : vector<16xf32>
          %mul3A_1011 = arith.mulf %bitcast_convert_type3A_1002, %sub3A_1010 : vector<16xf32>
          %mul3A_1012 = arith.mulf %mul3A_1005, %mul3A_1011 : vector<16xf32>
          %mul3A_1013 = arith.mulf %mul3A_1012, %mul3A_1011 : vector<16xf32>
          %sub3A_1014 = arith.constant 1.500000e+00 : f32
          %sub3A_1015 = vector.broadcast %sub3A_1014 : f32 to vector<16xf32>
          %sub3A_1016 = arith.subf %sub3A_1015, %mul3A_1013 : vector<16xf32>
          %mul3A_1017 = arith.mulf %mul3A_1011, %sub3A_1016 : vector<16xf32>
          %mul3A_1018 = arith.mulf %mul3A_1005, %mul3A_1017 : vector<16xf32>
          %mul3A_1019 = arith.mulf %mul3A_1018, %mul3A_1017 : vector<16xf32>
          %sub3A_1020 = arith.constant 1.500000e+00 : f32
          %sub3A_1021 = vector.broadcast %sub3A_1020 : f32 to vector<16xf32>
          %sub3A_1022 = arith.subf %sub3A_1021, %mul3A_1019 : vector<16xf32>
          %mul3A_1023 = arith.mulf %mul3A_1017, %sub3A_1022 : vector<16xf32>
          %mul3A_1024 = arith.constant 5.000000e-01 : f32
          %mul3A_1025 = vector.broadcast %mul3A_1024 : f32 to vector<16xf32>
          %mul3A_1026 = arith.mulf %mul3A_1025, %mul3A_1023 : vector<16xf32>
          %sub3A_1027 = arith.subf %add3A_986, %add3A_968 : vector<16xf32>
          %sub3A_1028 = arith.subf %sub3A_1027, %add3A_968 : vector<16xf32>
          %mul3A_1029 = arith.mulf %sub3A_1028, %mul3A_1026 : vector<16xf32>
          %sub3A_1030 = arith.subf %add3A_986, %add3A_976 : vector<16xf32>
          %sub3A_1031 = arith.subf %sub3A_1030, %add3A_976 : vector<16xf32>
          %mul3A_1032 = arith.mulf %sub3A_1031, %mul3A_1026 : vector<16xf32>
          %sub3A_1033 = arith.subf %add3A_986, %add3A_984 : vector<16xf32>
          %sub3A_1034 = arith.subf %sub3A_1033, %add3A_984 : vector<16xf32>
          %mul3A_1035 = arith.mulf %sub3A_1034, %mul3A_1026 : vector<16xf32>
          %mul3A_1036 = arith.mulf %mul3A_1029, %sub3A_955 : vector<16xf32>
          %mul3A_1037 = arith.mulf %mul3A_1032, %sub3A_958 : vector<16xf32>
          %mul3A_1038 = arith.mulf %mul3A_1035, %sub3A : vector<16xf32>
          %sub3A_1039 = arith.subf %mul3A_1037, %mul3A_1038 : vector<16xf32>
          %swap3A = arith.index_cast %mul3A_914 : i32 to index
          %swap3A_1040 = tpu.vector_load %arg10[%swap3A] {strides = array<i32>} : memref<1200xf32, #tpu.memory_space<vmem>>, vector<16xf32>,
          %swap3A_1041 = vector.shape_cast %swap3A_1040 : vector<16xf32> to vector<16xf32>
          %swap3A_1042 = vector.shape_cast %sub3A_1039 : vector<16xf32> to vector<16xf32>
          tpu.vector_store %arg10[%swap3A], %swap3A_1042 {strides = array<i32>} : memref<1200xf32, #tpu.memory_space<vmem>>, vector<16xf32>,
          %sub3A_1043 = arith.subf %mul3A_1038, %mul3A_1036 : vector<16xf32>
          %add3A_1044 = arith.constant 400 : i32
          %add3A_1045 = arith.addi %add3A_1044, %mul3A_914 : i32
          %swap3A_1046 = arith.index_cast %add3A_1045 : i32 to index
          %swap3A_1047 = tpu.vector_load %arg10[%swap3A_1046] {strides = array<i32>} : memref<1200xf32, #tpu.memory_space<vmem>>, vector<16xf32>,
          %swap3A_1048 = vector.shape_cast %swap3A_1047 : vector<16xf32> to vector<16xf32>
          %swap3A_1049 = vector.shape_cast %sub3A_1043 : vector<16xf32> to vector<16xf32>
          tpu.vector_store %arg10[%swap3A_1046], %swap3A_1049 {strides = array<i32>} : memref<1200xf32, #tpu.memory_space<vmem>>, vector<16xf32>,
          %sub3A_1050 = arith.subf %mul3A_1036, %mul3A_1037 : vector<16xf32>
          %add3A_1051 = arith.constant 800 : i32
          %add3A_1052 = arith.addi %add3A_1051, %mul3A_914 : i32
          %swap3A_1053 = arith.index_cast %add3A_1052 : i32 to index
          %swap3A_1054 = tpu.vector_load %arg10[%swap3A_1053] {strides = array<i32>} : memref<1200xf32, #tpu.memory_space<vmem>>, vector<16xf32>,
          %swap3A_1055 = vector.shape_cast %swap3A_1054 : vector<16xf32> to vector<16xf32>
          %swap3A_1056 = vector.shape_cast %sub3A_1050 : vector<16xf32> to vector<16xf32>
          tpu.vector_store %arg10[%swap3A_1053], %swap3A_1056 {strides = array<i32>} : memref<1200xf32, #tpu.memory_space<vmem>>, vector<16xf32>,
          %mul3A_1057 = arith.mulf %mul3A_1029, %sub3A_956 : vector<16xf32>
          %mul3A_1058 = arith.mulf %mul3A_1032, %sub3A_959 : vector<16xf32>
          %mul3A_1059 = arith.mulf %mul3A_1035, %sub3A_953 : vector<16xf32>
          %sub3A_1060 = arith.subf %mul3A_1058, %mul3A_1059 : vector<16xf32>
          %swap3A_1061 = arith.index_cast %mul3A_914 : i32 to index
          %swap3A_1062 = tpu.vector_load %arg11[%swap3A_1061] {strides = array<i32>} : memref<1200xf32, #tpu.memory_space<vmem>>, vector<16xf32>,
          %swap3A_1063 = vector.shape_cast %swap3A_1062 : vector<16xf32> to vector<16xf32>
          %swap3A_1064 = vector.shape_cast %sub3A_1060 : vector<16xf32> to vector<16xf32>
          tpu.vector_store %arg11[%swap3A_1061], %swap3A_1064 {strides = array<i32>} : memref<1200xf32, #tpu.memory_space<vmem>>, vector<16xf32>,
          %sub3A_1065 = arith.subf %mul3A_1059, %mul3A_1057 : vector<16xf32>
          %add3A_1066 = arith.constant 400 : i32
          %add3A_1067 = arith.addi %add3A_1066, %mul3A_914 : i32
          %swap3A_1068 = arith.index_cast %add3A_1067 : i32 to index
          %swap3A_1069 = tpu.vector_load %arg11[%swap3A_1068] {strides = array<i32>} : memref<1200xf32, #tpu.memory_space<vmem>>, vector<16xf32>,
          %swap3A_1070 = vector.shape_cast %swap3A_1069 : vector<16xf32> to vector<16xf32>
          %swap3A_1071 = vector.shape_cast %sub3A_1065 : vector<16xf32> to vector<16xf32>
          tpu.vector_store %arg11[%swap3A_1068], %swap3A_1071 {strides = array<i32>} : memref<1200xf32, #tpu.memory_space<vmem>>, vector<16xf32>,
          %sub3A_1072 = arith.subf %mul3A_1057, %mul3A_1058 : vector<16xf32>
          %add3A_1073 = arith.constant 800 : i32
          %add3A_1074 = arith.addi %add3A_1073, %mul3A_914 : i32
          %swap3A_1075 = arith.index_cast %add3A_1074 : i32 to index
          %swap3A_1076 = tpu.vector_load %arg11[%swap3A_1075] {strides = array<i32>} : memref<1200xf32, #tpu.memory_space<vmem>>, vector<16xf32>,
          %swap3A_1077 = vector.shape_cast %swap3A_1076 : vector<16xf32> to vector<16xf32>
          %swap3A_1078 = vector.shape_cast %sub3A_1072 : vector<16xf32> to vector<16xf32>
          tpu.vector_store %arg11[%swap3A_1075], %swap3A_1078 {strides = array<i32>} : memref<1200xf32, #tpu.memory_space<vmem>>, vector<16xf32>,
          %mul3A_1079 = arith.mulf %mul3A_1029, %sub3A_957 : vector<16xf32>
          %mul3A_1080 = arith.mulf %mul3A_1032, %sub3A_960 : vector<16xf32>
          %mul3A_1081 = arith.mulf %mul3A_1035, %sub3A_954 : vector<16xf32>
          %sub3A_1082 = arith.subf %mul3A_1080, %mul3A_1081 : vector<16xf32>
          %swap3A_1083 = arith.index_cast %mul3A_914 : i32 to index
          %swap3A_1084 = tpu.vector_load %arg12[%swap3A_1083] {strides = array<i32>} : memref<1200xf32, #tpu.memory_space<vmem>>, vector<16xf32>,
          %swap3A_1085 = vector.shape_cast %swap3A_1084 : vector<16xf32> to vector<16xf32>
          %swap3A_1086 = vector.shape_cast %sub3A_1082 : vector<16xf32> to vector<16xf32>
          tpu.vector_store %arg12[%swap3A_1083], %swap3A_1086 {strides = array<i32>} : memref<1200xf32, #tpu.memory_space<vmem>>, vector<16xf32>,
          %sub3A_1087 = arith.subf %mul3A_1081, %mul3A_1079 : vector<16xf32>
          %add3A_1088 = arith.constant 400 : i32
          %add3A_1089 = arith.addi %add3A_1088, %mul3A_914 : i32
          %swap3A_1090 = arith.index_cast %add3A_1089 : i32 to index
          %swap3A_1091 = tpu.vector_load %arg12[%swap3A_1090] {strides = array<i32>} : memref<1200xf32, #tpu.memory_space<vmem>>, vector<16xf32>,
          %swap3A_1092 = vector.shape_cast %swap3A_1091 : vector<16xf32> to vector<16xf32>
          %swap3A_1093 = vector.shape_cast %sub3A_1087 : vector<16xf32> to vector<16xf32>
          tpu.vector_store %arg12[%swap3A_1090], %swap3A_1093 {strides = array<i32>} : memref<1200xf32, #tpu.memory_space<vmem>>, vector<16xf32>,
          %sub3A_1094 = arith.subf %mul3A_1079, %mul3A_1080 : vector<16xf32>
          %add3A_1095 = arith.constant 800 : i32
          %add3A_1096 = arith.addi %add3A_1095, %mul3A_914 : i32
          %swap3A_1097 = arith.index_cast %add3A_1096 : i32 to index
          %swap3A_1098 = tpu.vector_load %arg12[%swap3A_1097] {strides = array<i32>} : memref<1200xf32, #tpu.memory_space<vmem>>, vector<16xf32>,
          %swap3A_1099 = vector.shape_cast %swap3A_1098 : vector<16xf32> to vector<16xf32>
          %swap3A_1100 = vector.shape_cast %sub3A_1094 : vector<16xf32> to vector<16xf32>
          tpu.vector_store %arg12[%swap3A_1097], %swap3A_1100 {strides = array<i32>} : memref<1200xf32, #tpu.memory_space<vmem>>, vector<16xf32>,
          %scan3A_1101 = arith.constant 0 : i32
          scf.yield %scan3A_1101 : i32
        }
        %scan3A_681 = arith.constant 25 : i32
        %dma_start3A_682 = arith.constant 0 : i32
        %dma_start3A_683 = tpu.memref_slice %arg6[%dma_start3A_682] : memref<400000xf32, #tpu.memory_space<vmem_shared>> -> memref<400000xf32, #tpu.memory_space<vmem_shared>>
        tpu.enqueue_indirect_dma source(%arg10 : memref<1200xf32, #tpu.memory_space<vmem>>) target(%dma_start3A_683 : memref<400000xf32, #tpu.memory_space<vmem_shared>>) offsets(%arg9 : memref<1200xi32, #tpu.memory_space<vmem>>) semaphore(%arg51 : memref<!tpu.dma_semaphore, #tpu.memory_space<semaphore_mem>>) {add = true}
        %dma_start3A_684 = arith.constant 0 : i32
        %dma_start3A_685 = tpu.memref_slice %arg7[%dma_start3A_684] : memref<400000xf32, #tpu.memory_space<vmem_shared>> -> memref<400000xf32, #tpu.memory_space<vmem_shared>>
        tpu.enqueue_indirect_dma source(%arg11 : memref<1200xf32, #tpu.memory_space<vmem>>) target(%dma_start3A_685 : memref<400000xf32, #tpu.memory_space<vmem_shared>>) offsets(%arg9 : memref<1200xi32, #tpu.memory_space<vmem>>) semaphore(%arg51 : memref<!tpu.dma_semaphore, #tpu.memory_space<semaphore_mem>>) {add = true}
        %dma_start3A_686 = arith.constant 0 : i32
        %dma_start3A_687 = tpu.memref_slice %arg8[%dma_start3A_686] : memref<400000xf32, #tpu.memory_space<vmem_shared>> -> memref<400000xf32, #tpu.memory_space<vmem_shared>>
        tpu.enqueue_indirect_dma source(%arg12 : memref<1200xf32, #tpu.memory_space<vmem>>) target(%dma_start3A_687 : memref<400000xf32, #tpu.memory_space<vmem_shared>>) offsets(%arg9 : memref<1200xi32, #tpu.memory_space<vmem>>) semaphore(%arg51 : memref<!tpu.dma_semaphore, #tpu.memory_space<semaphore_mem>>) {add = true}
        %dma_wait3A_688 = arith.constant 0 : i32
        %dma_wait3A_689 = tpu.memref_slice %arg2[%dma_wait3A_688] : memref<1200000xf32, #tpu.memory_space<hbm>> -> memref<400000xf32, #tpu.memory_space<hbm>>
        %dma_wait3A_690 = arith.constant 0 : i32
        %dma_wait3A_691 = tpu.memref_slice %dma_wait3A_689[%dma_wait3A_690] : memref<400000xf32, #tpu.memory_space<hbm>> -> memref<400000xf32, #tpu.memory_space<hbm>>
        tpu.wait_indirect_dma semaphore(%arg44 : memref<!tpu.dma_semaphore, #tpu.memory_space<semaphore_mem>>) src(%dma_wait3A_691 : memref<400000xf32, #tpu.memory_space<hbm>>) dst(%arg14 : memref<1200xf32, #tpu.memory_space<vmem>>)
        %dma_wait3A_692 = arith.constant 400000 : i32
        %dma_wait3A_693 = tpu.memref_slice %arg2[%dma_wait3A_692] : memref<1200000xf32, #tpu.memory_space<hbm>> -> memref<400000xf32, #tpu.memory_space<hbm>>
        %dma_wait3A_694 = arith.constant 0 : i32
        %dma_wait3A_695 = tpu.memref_slice %dma_wait3A_693[%dma_wait3A_694] : memref<400000xf32, #tpu.memory_space<hbm>> -> memref<400000xf32, #tpu.memory_space<hbm>>
        tpu.wait_indirect_dma semaphore(%arg44 : memref<!tpu.dma_semaphore, #tpu.memory_space<semaphore_mem>>) src(%dma_wait3A_695 : memref<400000xf32, #tpu.memory_space<hbm>>) dst(%arg15 : memref<1200xf32, #tpu.memory_space<vmem>>)
        %dma_wait3A_696 = arith.constant 800000 : i32
        %dma_wait3A_697 = tpu.memref_slice %arg2[%dma_wait3A_696] : memref<1200000xf32, #tpu.memory_space<hbm>> -> memref<400000xf32, #tpu.memory_space<hbm>>
        %dma_wait3A_698 = arith.constant 0 : i32
        %dma_wait3A_699 = tpu.memref_slice %dma_wait3A_697[%dma_wait3A_698] : memref<400000xf32, #tpu.memory_space<hbm>> -> memref<400000xf32, #tpu.memory_space<hbm>>
        tpu.wait_indirect_dma semaphore(%arg44 : memref<!tpu.dma_semaphore, #tpu.memory_space<semaphore_mem>>) src(%dma_wait3A_699 : memref<400000xf32, #tpu.memory_space<hbm>>) dst(%arg16 : memref<1200xf32, #tpu.memory_space<vmem>>)
        %scan3A_700 = arith.constant 0 : i32
        %scan3A_701 = arith.constant 0 : i32
        %scan3A_702 = arith.constant 25 : i32
        %scan3A_703 = arith.addi %scan3A_701, %scan3A_702 : i32
        %scan3A_704 = arith.constant 1 : i32
        %scan3A_705 = scf.for %scan3A_911 = %scan3A_701 to %scan3A_703 step %scan3A_704 iter_args(%scan3A_912 = %scan3A_700) -> (i32)  : i32 {
          %mul3A_913 = arith.constant 16 : i32
          %mul3A_914 = arith.muli %scan3A_911, %mul3A_913 : i32
          %get3A = arith.index_cast %mul3A_914 : i32 to index
          %get3A_915 = tpu.vector_load %arg14[%get3A] {strides = array<i32>} : memref<1200xf32, #tpu.memory_space<vmem>>, vector<16xf32>,
          %get3A_916 = vector.shape_cast %get3A_915 : vector<16xf32> to vector<16xf32>
          %get3A_917 = arith.index_cast %mul3A_914 : i32 to index
          %get3A_918 = tpu.vector_load %arg15[%get3A_917] {strides = array<i32>} : memref<1200xf32, #tpu.memory_space<vmem>>, vector<16xf32>,
          %get3A_919 = vector.shape_cast %get3A_918 : vector<16xf32> to vector<16xf32>
          %get3A_920 = arith.index_cast %mul3A_914 : i32 to index
          %get3A_921 = tpu.vector_load %arg16[%get3A_920] {strides = array<i32>} : memref<1200xf32, #tpu.memory_space<vmem>>, vector<16xf32>,
          %get3A_922 = vector.shape_cast %get3A_921 : vector<16xf32> to vector<16xf32>
          %add3A_923 = arith.constant 400 : i32
          %add3A_924 = arith.addi %add3A_923, %mul3A_914 : i32
          %get3A_925 = arith.index_cast %add3A_924 : i32 to index
          %get3A_926 = tpu.vector_load %arg14[%get3A_925] {strides = array<i32>} : memref<1200xf32, #tpu.memory_space<vmem>>, vector<16xf32>,
          %get3A_927 = vector.shape_cast %get3A_926 : vector<16xf32> to vector<16xf32>
          %add3A_928 = arith.constant 400 : i32
          %add3A_929 = arith.addi %add3A_928, %mul3A_914 : i32
          %get3A_930 = arith.index_cast %add3A_929 : i32 to index
          %get3A_931 = tpu.vector_load %arg15[%get3A_930] {strides = array<i32>} : memref<1200xf32, #tpu.memory_space<vmem>>, vector<16xf32>,
          %get3A_932 = vector.shape_cast %get3A_931 : vector<16xf32> to vector<16xf32>
          %add3A_933 = arith.constant 400 : i32
          %add3A_934 = arith.addi %add3A_933, %mul3A_914 : i32
          %get3A_935 = arith.index_cast %add3A_934 : i32 to index
          %get3A_936 = tpu.vector_load %arg16[%get3A_935] {strides = array<i32>} : memref<1200xf32, #tpu.memory_space<vmem>>, vector<16xf32>,
          %get3A_937 = vector.shape_cast %get3A_936 : vector<16xf32> to vector<16xf32>
          %add3A_938 = arith.constant 800 : i32
          %add3A_939 = arith.addi %add3A_938, %mul3A_914 : i32
          %get3A_940 = arith.index_cast %add3A_939 : i32 to index
          %get3A_941 = tpu.vector_load %arg14[%get3A_940] {strides = array<i32>} : memref<1200xf32, #tpu.memory_space<vmem>>, vector<16xf32>,
          %get3A_942 = vector.shape_cast %get3A_941 : vector<16xf32> to vector<16xf32>
          %add3A_943 = arith.constant 800 : i32
          %add3A_944 = arith.addi %add3A_943, %mul3A_914 : i32
          %get3A_945 = arith.index_cast %add3A_944 : i32 to index
          %get3A_946 = tpu.vector_load %arg15[%get3A_945] {strides = array<i32>} : memref<1200xf32, #tpu.memory_space<vmem>>, vector<16xf32>,
          %get3A_947 = vector.shape_cast %get3A_946 : vector<16xf32> to vector<16xf32>
          %add3A_948 = arith.constant 800 : i32
          %add3A_949 = arith.addi %add3A_948, %mul3A_914 : i32
          %get3A_950 = arith.index_cast %add3A_949 : i32 to index
          %get3A_951 = tpu.vector_load %arg16[%get3A_950] {strides = array<i32>} : memref<1200xf32, #tpu.memory_space<vmem>>, vector<16xf32>,
          %get3A_952 = vector.shape_cast %get3A_951 : vector<16xf32> to vector<16xf32>
          %sub3A = arith.subf %get3A_916, %get3A_927 : vector<16xf32>
          %sub3A_953 = arith.subf %get3A_919, %get3A_932 : vector<16xf32>
          %sub3A_954 = arith.subf %get3A_922, %get3A_937 : vector<16xf32>
          %sub3A_955 = arith.subf %get3A_927, %get3A_942 : vector<16xf32>
          %sub3A_956 = arith.subf %get3A_932, %get3A_947 : vector<16xf32>
          %sub3A_957 = arith.subf %get3A_937, %get3A_952 : vector<16xf32>
          %sub3A_958 = arith.subf %get3A_942, %get3A_916 : vector<16xf32>
          %sub3A_959 = arith.subf %get3A_947, %get3A_919 : vector<16xf32>
          %sub3A_960 = arith.subf %get3A_952, %get3A_922 : vector<16xf32>
          %mul3A_961 = arith.mulf %sub3A_955, %sub3A_955 : vector<16xf32>
          %add3A_962 = arith.constant 0.000000e+00 : f32
          %add3A_963 = vector.broadcast %add3A_962 : f32 to vector<16xf32>
          %add3A_964 = arith.addf %add3A_963, %mul3A_961 : vector<16xf32>
          %mul3A_965 = arith.mulf %sub3A_956, %sub3A_956 : vector<16xf32>
          %add3A_966 = arith.addf %add3A_964, %mul3A_965 : vector<16xf32>
          %mul3A_967 = arith.mulf %sub3A_957, %sub3A_957 : vector<16xf32>
          %add3A_968 = arith.addf %add3A_966, %mul3A_967 : vector<16xf32>
          %mul3A_969 = arith.mulf %sub3A_958, %sub3A_958 : vector<16xf32>
          %add3A_970 = arith.constant 0.000000e+00 : f32
          %add3A_971 = vector.broadcast %add3A_970 : f32 to vector<16xf32>
          %add3A_972 = arith.addf %add3A_971, %mul3A_969 : vector<16xf32>
          %mul3A_973 = arith.mulf %sub3A_959, %sub3A_959 : vector<16xf32>
          %add3A_974 = arith.addf %add3A_972, %mul3A_973 : vector<16xf32>
          %mul3A_975 = arith.mulf %sub3A_960, %sub3A_960 : vector<16xf32>
          %add3A_976 = arith.addf %add3A_974, %mul3A_975 : vector<16xf32>
          %mul3A_977 = arith.mulf %sub3A, %sub3A : vector<16xf32>
          %add3A_978 = arith.constant 0.000000e+00 : f32
          %add3A_979 = vector.broadcast %add3A_978 : f32 to vector<16xf32>
          %add3A_980 = arith.addf %add3A_979, %mul3A_977 : vector<16xf32>
          %mul3A_981 = arith.mulf %sub3A_953, %sub3A_953 : vector<16xf32>
          %add3A_982 = arith.addf %add3A_980, %mul3A_981 : vector<16xf32>
          %mul3A_983 = arith.mulf %sub3A_954, %sub3A_954 : vector<16xf32>
          %add3A_984 = arith.addf %add3A_982, %mul3A_983 : vector<16xf32>
          %add3A_985 = arith.addf %add3A_968, %add3A_976 : vector<16xf32>
          %add3A_986 = arith.addf %add3A_985, %add3A_984 : vector<16xf32>
          %mul3A_987 = arith.mulf %add3A_986, %add3A_986 : vector<16xf32>
          %mul3A_988 = arith.mulf %add3A_968, %add3A_968 : vector<16xf32>
          %mul3A_989 = arith.mulf %add3A_976, %add3A_976 : vector<16xf32>
          %add3A_990 = arith.addf %mul3A_988, %mul3A_989 : vector<16xf32>
          %mul3A_991 = arith.mulf %add3A_984, %add3A_984 : vector<16xf32>
          %add3A_992 = arith.addf %add3A_990, %mul3A_991 : vector<16xf32>
          %mul3A_993 = arith.constant 2.000000e+00 : f32
          %mul3A_994 = vector.broadcast %mul3A_993 : f32 to vector<16xf32>
          %mul3A_995 = arith.mulf %mul3A_994, %add3A_992 : vector<16xf32>
          %sub3A_996 = arith.subf %mul3A_987, %mul3A_995 : vector<16xf32>
          %bitcast_convert_type3A = tpu.bitcast %sub3A_996 : vector<16xf32> -> vector<16xi32>
          %shift_right_arithmetic3A = arith.constant 1 : i32
          %shift_right_arithmetic3A_997 = vector.broadcast %shift_right_arithmetic3A : i32 to vector<16xi32>
          %shift_right_arithmetic3A_998 = arith.shrsi %bitcast_convert_type3A, %shift_right_arithmetic3A_997 : vector<16xi32>
          %sub3A_999 = arith.constant 1597463007 : i32
          %sub3A_1000 = vector.broadcast %sub3A_999 : i32 to vector<16xi32>
          %sub3A_1001 = arith.subi %sub3A_1000, %shift_right_arithmetic3A_998 : vector<16xi32>
          %bitcast_convert_type3A_1002 = tpu.bitcast %sub3A_1001 : vector<16xi32> -> vector<16xf32>
          %mul3A_1003 = arith.constant 5.000000e-01 : f32
          %mul3A_1004 = vector.broadcast %mul3A_1003 : f32 to vector<16xf32>
          %mul3A_1005 = arith.mulf %sub3A_996, %mul3A_1004 : vector<16xf32>
          %mul3A_1006 = arith.mulf %mul3A_1005, %bitcast_convert_type3A_1002 : vector<16xf32>
          %mul3A_1007 = arith.mulf %mul3A_1006, %bitcast_convert_type3A_1002 : vector<16xf32>
          %sub3A_1008 = arith.constant 1.500000e+00 : f32
          %sub3A_1009 = vector.broadcast %sub3A_1008 : f32 to vector<16xf32>
          %sub3A_1010 = arith.subf %sub3A_1009, %mul3A_1007 : vector<16xf32>
          %mul3A_1011 = arith.mulf %bitcast_convert_type3A_1002, %sub3A_1010 : vector<16xf32>
          %mul3A_1012 = arith.mulf %mul3A_1005, %mul3A_1011 : vector<16xf32>
          %mul3A_1013 = arith.mulf %mul3A_1012, %mul3A_1011 : vector<16xf32>
          %sub3A_1014 = arith.constant 1.500000e+00 : f32
          %sub3A_1015 = vector.broadcast %sub3A_1014 : f32 to vector<16xf32>
          %sub3A_1016 = arith.subf %sub3A_1015, %mul3A_1013 : vector<16xf32>
          %mul3A_1017 = arith.mulf %mul3A_1011, %sub3A_1016 : vector<16xf32>
          %mul3A_1018 = arith.mulf %mul3A_1005, %mul3A_1017 : vector<16xf32>
          %mul3A_1019 = arith.mulf %mul3A_1018, %mul3A_1017 : vector<16xf32>
          %sub3A_1020 = arith.constant 1.500000e+00 : f32
          %sub3A_1021 = vector.broadcast %sub3A_1020 : f32 to vector<16xf32>
          %sub3A_1022 = arith.subf %sub3A_1021, %mul3A_1019 : vector<16xf32>
          %mul3A_1023 = arith.mulf %mul3A_1017, %sub3A_1022 : vector<16xf32>
          %mul3A_1024 = arith.constant 5.000000e-01 : f32
          %mul3A_1025 = vector.broadcast %mul3A_1024 : f32 to vector<16xf32>
          %mul3A_1026 = arith.mulf %mul3A_1025, %mul3A_1023 : vector<16xf32>
          %sub3A_1027 = arith.subf %add3A_986, %add3A_968 : vector<16xf32>
          %sub3A_1028 = arith.subf %sub3A_1027, %add3A_968 : vector<16xf32>
          %mul3A_1029 = arith.mulf %sub3A_1028, %mul3A_1026 : vector<16xf32>
          %sub3A_1030 = arith.subf %add3A_986, %add3A_976 : vector<16xf32>
          %sub3A_1031 = arith.subf %sub3A_1030, %add3A_976 : vector<16xf32>
          %mul3A_1032 = arith.mulf %sub3A_1031, %mul3A_1026 : vector<16xf32>
          %sub3A_1033 = arith.subf %add3A_986, %add3A_984 : vector<16xf32>
          %sub3A_1034 = arith.subf %sub3A_1033, %add3A_984 : vector<16xf32>
          %mul3A_1035 = arith.mulf %sub3A_1034, %mul3A_1026 : vector<16xf32>
          %mul3A_1036 = arith.mulf %mul3A_1029, %sub3A_955 : vector<16xf32>
          %mul3A_1037 = arith.mulf %mul3A_1032, %sub3A_958 : vector<16xf32>
          %mul3A_1038 = arith.mulf %mul3A_1035, %sub3A : vector<16xf32>
          %sub3A_1039 = arith.subf %mul3A_1037, %mul3A_1038 : vector<16xf32>
          %swap3A = arith.index_cast %mul3A_914 : i32 to index
          %swap3A_1040 = tpu.vector_load %arg14[%swap3A] {strides = array<i32>} : memref<1200xf32, #tpu.memory_space<vmem>>, vector<16xf32>,
          %swap3A_1041 = vector.shape_cast %swap3A_1040 : vector<16xf32> to vector<16xf32>
          %swap3A_1042 = vector.shape_cast %sub3A_1039 : vector<16xf32> to vector<16xf32>
          tpu.vector_store %arg14[%swap3A], %swap3A_1042 {strides = array<i32>} : memref<1200xf32, #tpu.memory_space<vmem>>, vector<16xf32>,
          %sub3A_1043 = arith.subf %mul3A_1038, %mul3A_1036 : vector<16xf32>
          %add3A_1044 = arith.constant 400 : i32
          %add3A_1045 = arith.addi %add3A_1044, %mul3A_914 : i32
          %swap3A_1046 = arith.index_cast %add3A_1045 : i32 to index
          %swap3A_1047 = tpu.vector_load %arg14[%swap3A_1046] {strides = array<i32>} : memref<1200xf32, #tpu.memory_space<vmem>>, vector<16xf32>,
          %swap3A_1048 = vector.shape_cast %swap3A_1047 : vector<16xf32> to vector<16xf32>
          %swap3A_1049 = vector.shape_cast %sub3A_1043 : vector<16xf32> to vector<16xf32>
          tpu.vector_store %arg14[%swap3A_1046], %swap3A_1049 {strides = array<i32>} : memref<1200xf32, #tpu.memory_space<vmem>>, vector<16xf32>,
          %sub3A_1050 = arith.subf %mul3A_1036, %mul3A_1037 : vector<16xf32>
          %add3A_1051 = arith.constant 800 : i32
          %add3A_1052 = arith.addi %add3A_1051, %mul3A_914 : i32
          %swap3A_1053 = arith.index_cast %add3A_1052 : i32 to index
          %swap3A_1054 = tpu.vector_load %arg14[%swap3A_1053] {strides = array<i32>} : memref<1200xf32, #tpu.memory_space<vmem>>, vector<16xf32>,
          %swap3A_1055 = vector.shape_cast %swap3A_1054 : vector<16xf32> to vector<16xf32>
          %swap3A_1056 = vector.shape_cast %sub3A_1050 : vector<16xf32> to vector<16xf32>
          tpu.vector_store %arg14[%swap3A_1053], %swap3A_1056 {strides = array<i32>} : memref<1200xf32, #tpu.memory_space<vmem>>, vector<16xf32>,
          %mul3A_1057 = arith.mulf %mul3A_1029, %sub3A_956 : vector<16xf32>
          %mul3A_1058 = arith.mulf %mul3A_1032, %sub3A_959 : vector<16xf32>
          %mul3A_1059 = arith.mulf %mul3A_1035, %sub3A_953 : vector<16xf32>
          %sub3A_1060 = arith.subf %mul3A_1058, %mul3A_1059 : vector<16xf32>
          %swap3A_1061 = arith.index_cast %mul3A_914 : i32 to index
          %swap3A_1062 = tpu.vector_load %arg15[%swap3A_1061] {strides = array<i32>} : memref<1200xf32, #tpu.memory_space<vmem>>, vector<16xf32>,
          %swap3A_1063 = vector.shape_cast %swap3A_1062 : vector<16xf32> to vector<16xf32>
          %swap3A_1064 = vector.shape_cast %sub3A_1060 : vector<16xf32> to vector<16xf32>
          tpu.vector_store %arg15[%swap3A_1061], %swap3A_1064 {strides = array<i32>} : memref<1200xf32, #tpu.memory_space<vmem>>, vector<16xf32>,
          %sub3A_1065 = arith.subf %mul3A_1059, %mul3A_1057 : vector<16xf32>
          %add3A_1066 = arith.constant 400 : i32
          %add3A_1067 = arith.addi %add3A_1066, %mul3A_914 : i32
          %swap3A_1068 = arith.index_cast %add3A_1067 : i32 to index
          %swap3A_1069 = tpu.vector_load %arg15[%swap3A_1068] {strides = array<i32>} : memref<1200xf32, #tpu.memory_space<vmem>>, vector<16xf32>,
          %swap3A_1070 = vector.shape_cast %swap3A_1069 : vector<16xf32> to vector<16xf32>
          %swap3A_1071 = vector.shape_cast %sub3A_1065 : vector<16xf32> to vector<16xf32>
          tpu.vector_store %arg15[%swap3A_1068], %swap3A_1071 {strides = array<i32>} : memref<1200xf32, #tpu.memory_space<vmem>>, vector<16xf32>,
          %sub3A_1072 = arith.subf %mul3A_1057, %mul3A_1058 : vector<16xf32>
          %add3A_1073 = arith.constant 800 : i32
          %add3A_1074 = arith.addi %add3A_1073, %mul3A_914 : i32
          %swap3A_1075 = arith.index_cast %add3A_1074 : i32 to index
          %swap3A_1076 = tpu.vector_load %arg15[%swap3A_1075] {strides = array<i32>} : memref<1200xf32, #tpu.memory_space<vmem>>, vector<16xf32>,
          %swap3A_1077 = vector.shape_cast %swap3A_1076 : vector<16xf32> to vector<16xf32>
          %swap3A_1078 = vector.shape_cast %sub3A_1072 : vector<16xf32> to vector<16xf32>
          tpu.vector_store %arg15[%swap3A_1075], %swap3A_1078 {strides = array<i32>} : memref<1200xf32, #tpu.memory_space<vmem>>, vector<16xf32>,
          %mul3A_1079 = arith.mulf %mul3A_1029, %sub3A_957 : vector<16xf32>
          %mul3A_1080 = arith.mulf %mul3A_1032, %sub3A_960 : vector<16xf32>
          %mul3A_1081 = arith.mulf %mul3A_1035, %sub3A_954 : vector<16xf32>
          %sub3A_1082 = arith.subf %mul3A_1080, %mul3A_1081 : vector<16xf32>
          %swap3A_1083 = arith.index_cast %mul3A_914 : i32 to index
          %swap3A_1084 = tpu.vector_load %arg16[%swap3A_1083] {strides = array<i32>} : memref<1200xf32, #tpu.memory_space<vmem>>, vector<16xf32>,
          %swap3A_1085 = vector.shape_cast %swap3A_1084 : vector<16xf32> to vector<16xf32>
          %swap3A_1086 = vector.shape_cast %sub3A_1082 : vector<16xf32> to vector<16xf32>
          tpu.vector_store %arg16[%swap3A_1083], %swap3A_1086 {strides = array<i32>} : memref<1200xf32, #tpu.memory_space<vmem>>, vector<16xf32>,
          %sub3A_1087 = arith.subf %mul3A_1081, %mul3A_1079 : vector<16xf32>
          %add3A_1088 = arith.constant 400 : i32
          %add3A_1089 = arith.addi %add3A_1088, %mul3A_914 : i32
          %swap3A_1090 = arith.index_cast %add3A_1089 : i32 to index
          %swap3A_1091 = tpu.vector_load %arg16[%swap3A_1090] {strides = array<i32>} : memref<1200xf32, #tpu.memory_space<vmem>>, vector<16xf32>,
          %swap3A_1092 = vector.shape_cast %swap3A_1091 : vector<16xf32> to vector<16xf32>
          %swap3A_1093 = vector.shape_cast %sub3A_1087 : vector<16xf32> to vector<16xf32>
          tpu.vector_store %arg16[%swap3A_1090], %swap3A_1093 {strides = array<i32>} : memref<1200xf32, #tpu.memory_space<vmem>>, vector<16xf32>,
          %sub3A_1094 = arith.subf %mul3A_1079, %mul3A_1080 : vector<16xf32>
          %add3A_1095 = arith.constant 800 : i32
          %add3A_1096 = arith.addi %add3A_1095, %mul3A_914 : i32
          %swap3A_1097 = arith.index_cast %add3A_1096 : i32 to index
          %swap3A_1098 = tpu.vector_load %arg16[%swap3A_1097] {strides = array<i32>} : memref<1200xf32, #tpu.memory_space<vmem>>, vector<16xf32>,
          %swap3A_1099 = vector.shape_cast %swap3A_1098 : vector<16xf32> to vector<16xf32>
          %swap3A_1100 = vector.shape_cast %sub3A_1094 : vector<16xf32> to vector<16xf32>
          tpu.vector_store %arg16[%swap3A_1097], %swap3A_1100 {strides = array<i32>} : memref<1200xf32, #tpu.memory_space<vmem>>, vector<16xf32>,
          %scan3A_1101 = arith.constant 0 : i32
          scf.yield %scan3A_1101 : i32
        }
        %scan3A_706 = arith.constant 25 : i32
        %dma_start3A_707 = arith.constant 0 : i32
        %dma_start3A_708 = tpu.memref_slice %arg6[%dma_start3A_707] : memref<400000xf32, #tpu.memory_space<vmem_shared>> -> memref<400000xf32, #tpu.memory_space<vmem_shared>>
        tpu.enqueue_indirect_dma source(%arg14 : memref<1200xf32, #tpu.memory_space<vmem>>) target(%dma_start3A_708 : memref<400000xf32, #tpu.memory_space<vmem_shared>>) offsets(%arg13 : memref<1200xi32, #tpu.memory_space<vmem>>) semaphore(%arg52 : memref<!tpu.dma_semaphore, #tpu.memory_space<semaphore_mem>>) {add = true}
        %dma_start3A_709 = arith.constant 0 : i32
        %dma_start3A_710 = tpu.memref_slice %arg7[%dma_start3A_709] : memref<400000xf32, #tpu.memory_space<vmem_shared>> -> memref<400000xf32, #tpu.memory_space<vmem_shared>>
        tpu.enqueue_indirect_dma source(%arg15 : memref<1200xf32, #tpu.memory_space<vmem>>) target(%dma_start3A_710 : memref<400000xf32, #tpu.memory_space<vmem_shared>>) offsets(%arg13 : memref<1200xi32, #tpu.memory_space<vmem>>) semaphore(%arg52 : memref<!tpu.dma_semaphore, #tpu.memory_space<semaphore_mem>>) {add = true}
        %dma_start3A_711 = arith.constant 0 : i32
        %dma_start3A_712 = tpu.memref_slice %arg8[%dma_start3A_711] : memref<400000xf32, #tpu.memory_space<vmem_shared>> -> memref<400000xf32, #tpu.memory_space<vmem_shared>>
        tpu.enqueue_indirect_dma source(%arg16 : memref<1200xf32, #tpu.memory_space<vmem>>) target(%dma_start3A_712 : memref<400000xf32, #tpu.memory_space<vmem_shared>>) offsets(%arg13 : memref<1200xi32, #tpu.memory_space<vmem>>) semaphore(%arg52 : memref<!tpu.dma_semaphore, #tpu.memory_space<semaphore_mem>>) {add = true}
        %dma_wait3A_713 = arith.constant 0 : i32
        %dma_wait3A_714 = tpu.memref_slice %arg2[%dma_wait3A_713] : memref<1200000xf32, #tpu.memory_space<hbm>> -> memref<400000xf32, #tpu.memory_space<hbm>>
        %dma_wait3A_715 = arith.constant 0 : i32
        %dma_wait3A_716 = tpu.memref_slice %dma_wait3A_714[%dma_wait3A_715] : memref<400000xf32, #tpu.memory_space<hbm>> -> memref<400000xf32, #tpu.memory_space<hbm>>
        tpu.wait_indirect_dma semaphore(%arg45 : memref<!tpu.dma_semaphore, #tpu.memory_space<semaphore_mem>>) src(%dma_wait3A_716 : memref<400000xf32, #tpu.memory_space<hbm>>) dst(%arg18 : memref<1200xf32, #tpu.memory_space<vmem>>)
        %dma_wait3A_717 = arith.constant 400000 : i32
        %dma_wait3A_718 = tpu.memref_slice %arg2[%dma_wait3A_717] : memref<1200000xf32, #tpu.memory_space<hbm>> -> memref<400000xf32, #tpu.memory_space<hbm>>
        %dma_wait3A_719 = arith.constant 0 : i32
        %dma_wait3A_720 = tpu.memref_slice %dma_wait3A_718[%dma_wait3A_719] : memref<400000xf32, #tpu.memory_space<hbm>> -> memref<400000xf32, #tpu.memory_space<hbm>>
        tpu.wait_indirect_dma semaphore(%arg45 : memref<!tpu.dma_semaphore, #tpu.memory_space<semaphore_mem>>) src(%dma_wait3A_720 : memref<400000xf32, #tpu.memory_space<hbm>>) dst(%arg19 : memref<1200xf32, #tpu.memory_space<vmem>>)
        %dma_wait3A_721 = arith.constant 800000 : i32
        %dma_wait3A_722 = tpu.memref_slice %arg2[%dma_wait3A_721] : memref<1200000xf32, #tpu.memory_space<hbm>> -> memref<400000xf32, #tpu.memory_space<hbm>>
        %dma_wait3A_723 = arith.constant 0 : i32
        %dma_wait3A_724 = tpu.memref_slice %dma_wait3A_722[%dma_wait3A_723] : memref<400000xf32, #tpu.memory_space<hbm>> -> memref<400000xf32, #tpu.memory_space<hbm>>
        tpu.wait_indirect_dma semaphore(%arg45 : memref<!tpu.dma_semaphore, #tpu.memory_space<semaphore_mem>>) src(%dma_wait3A_724 : memref<400000xf32, #tpu.memory_space<hbm>>) dst(%arg20 : memref<1200xf32, #tpu.memory_space<vmem>>)
        %scan3A_725 = arith.constant 0 : i32
        %scan3A_726 = arith.constant 0 : i32
        %scan3A_727 = arith.constant 25 : i32
        %scan3A_728 = arith.addi %scan3A_726, %scan3A_727 : i32
        %scan3A_729 = arith.constant 1 : i32
        %scan3A_730 = scf.for %scan3A_911 = %scan3A_726 to %scan3A_728 step %scan3A_729 iter_args(%scan3A_912 = %scan3A_725) -> (i32)  : i32 {
          %mul3A_913 = arith.constant 16 : i32
          %mul3A_914 = arith.muli %scan3A_911, %mul3A_913 : i32
          %get3A = arith.index_cast %mul3A_914 : i32 to index
          %get3A_915 = tpu.vector_load %arg18[%get3A] {strides = array<i32>} : memref<1200xf32, #tpu.memory_space<vmem>>, vector<16xf32>,
          %get3A_916 = vector.shape_cast %get3A_915 : vector<16xf32> to vector<16xf32>
          %get3A_917 = arith.index_cast %mul3A_914 : i32 to index
          %get3A_918 = tpu.vector_load %arg19[%get3A_917] {strides = array<i32>} : memref<1200xf32, #tpu.memory_space<vmem>>, vector<16xf32>,
          %get3A_919 = vector.shape_cast %get3A_918 : vector<16xf32> to vector<16xf32>
          %get3A_920 = arith.index_cast %mul3A_914 : i32 to index
          %get3A_921 = tpu.vector_load %arg20[%get3A_920] {strides = array<i32>} : memref<1200xf32, #tpu.memory_space<vmem>>, vector<16xf32>,
          %get3A_922 = vector.shape_cast %get3A_921 : vector<16xf32> to vector<16xf32>
          %add3A_923 = arith.constant 400 : i32
          %add3A_924 = arith.addi %add3A_923, %mul3A_914 : i32
          %get3A_925 = arith.index_cast %add3A_924 : i32 to index
          %get3A_926 = tpu.vector_load %arg18[%get3A_925] {strides = array<i32>} : memref<1200xf32, #tpu.memory_space<vmem>>, vector<16xf32>,
          %get3A_927 = vector.shape_cast %get3A_926 : vector<16xf32> to vector<16xf32>
          %add3A_928 = arith.constant 400 : i32
          %add3A_929 = arith.addi %add3A_928, %mul3A_914 : i32
          %get3A_930 = arith.index_cast %add3A_929 : i32 to index
          %get3A_931 = tpu.vector_load %arg19[%get3A_930] {strides = array<i32>} : memref<1200xf32, #tpu.memory_space<vmem>>, vector<16xf32>,
          %get3A_932 = vector.shape_cast %get3A_931 : vector<16xf32> to vector<16xf32>
          %add3A_933 = arith.constant 400 : i32
          %add3A_934 = arith.addi %add3A_933, %mul3A_914 : i32
          %get3A_935 = arith.index_cast %add3A_934 : i32 to index
          %get3A_936 = tpu.vector_load %arg20[%get3A_935] {strides = array<i32>} : memref<1200xf32, #tpu.memory_space<vmem>>, vector<16xf32>,
          %get3A_937 = vector.shape_cast %get3A_936 : vector<16xf32> to vector<16xf32>
          %add3A_938 = arith.constant 800 : i32
          %add3A_939 = arith.addi %add3A_938, %mul3A_914 : i32
          %get3A_940 = arith.index_cast %add3A_939 : i32 to index
          %get3A_941 = tpu.vector_load %arg18[%get3A_940] {strides = array<i32>} : memref<1200xf32, #tpu.memory_space<vmem>>, vector<16xf32>,
          %get3A_942 = vector.shape_cast %get3A_941 : vector<16xf32> to vector<16xf32>
          %add3A_943 = arith.constant 800 : i32
          %add3A_944 = arith.addi %add3A_943, %mul3A_914 : i32
          %get3A_945 = arith.index_cast %add3A_944 : i32 to index
          %get3A_946 = tpu.vector_load %arg19[%get3A_945] {strides = array<i32>} : memref<1200xf32, #tpu.memory_space<vmem>>, vector<16xf32>,
          %get3A_947 = vector.shape_cast %get3A_946 : vector<16xf32> to vector<16xf32>
          %add3A_948 = arith.constant 800 : i32
          %add3A_949 = arith.addi %add3A_948, %mul3A_914 : i32
          %get3A_950 = arith.index_cast %add3A_949 : i32 to index
          %get3A_951 = tpu.vector_load %arg20[%get3A_950] {strides = array<i32>} : memref<1200xf32, #tpu.memory_space<vmem>>, vector<16xf32>,
          %get3A_952 = vector.shape_cast %get3A_951 : vector<16xf32> to vector<16xf32>
          %sub3A = arith.subf %get3A_916, %get3A_927 : vector<16xf32>
          %sub3A_953 = arith.subf %get3A_919, %get3A_932 : vector<16xf32>
          %sub3A_954 = arith.subf %get3A_922, %get3A_937 : vector<16xf32>
          %sub3A_955 = arith.subf %get3A_927, %get3A_942 : vector<16xf32>
          %sub3A_956 = arith.subf %get3A_932, %get3A_947 : vector<16xf32>
          %sub3A_957 = arith.subf %get3A_937, %get3A_952 : vector<16xf32>
          %sub3A_958 = arith.subf %get3A_942, %get3A_916 : vector<16xf32>
          %sub3A_959 = arith.subf %get3A_947, %get3A_919 : vector<16xf32>
          %sub3A_960 = arith.subf %get3A_952, %get3A_922 : vector<16xf32>
          %mul3A_961 = arith.mulf %sub3A_955, %sub3A_955 : vector<16xf32>
          %add3A_962 = arith.constant 0.000000e+00 : f32
          %add3A_963 = vector.broadcast %add3A_962 : f32 to vector<16xf32>
          %add3A_964 = arith.addf %add3A_963, %mul3A_961 : vector<16xf32>
          %mul3A_965 = arith.mulf %sub3A_956, %sub3A_956 : vector<16xf32>
          %add3A_966 = arith.addf %add3A_964, %mul3A_965 : vector<16xf32>
          %mul3A_967 = arith.mulf %sub3A_957, %sub3A_957 : vector<16xf32>
          %add3A_968 = arith.addf %add3A_966, %mul3A_967 : vector<16xf32>
          %mul3A_969 = arith.mulf %sub3A_958, %sub3A_958 : vector<16xf32>
          %add3A_970 = arith.constant 0.000000e+00 : f32
          %add3A_971 = vector.broadcast %add3A_970 : f32 to vector<16xf32>
          %add3A_972 = arith.addf %add3A_971, %mul3A_969 : vector<16xf32>
          %mul3A_973 = arith.mulf %sub3A_959, %sub3A_959 : vector<16xf32>
          %add3A_974 = arith.addf %add3A_972, %mul3A_973 : vector<16xf32>
          %mul3A_975 = arith.mulf %sub3A_960, %sub3A_960 : vector<16xf32>
          %add3A_976 = arith.addf %add3A_974, %mul3A_975 : vector<16xf32>
          %mul3A_977 = arith.mulf %sub3A, %sub3A : vector<16xf32>
          %add3A_978 = arith.constant 0.000000e+00 : f32
          %add3A_979 = vector.broadcast %add3A_978 : f32 to vector<16xf32>
          %add3A_980 = arith.addf %add3A_979, %mul3A_977 : vector<16xf32>
          %mul3A_981 = arith.mulf %sub3A_953, %sub3A_953 : vector<16xf32>
          %add3A_982 = arith.addf %add3A_980, %mul3A_981 : vector<16xf32>
          %mul3A_983 = arith.mulf %sub3A_954, %sub3A_954 : vector<16xf32>
          %add3A_984 = arith.addf %add3A_982, %mul3A_983 : vector<16xf32>
          %add3A_985 = arith.addf %add3A_968, %add3A_976 : vector<16xf32>
          %add3A_986 = arith.addf %add3A_985, %add3A_984 : vector<16xf32>
          %mul3A_987 = arith.mulf %add3A_986, %add3A_986 : vector<16xf32>
          %mul3A_988 = arith.mulf %add3A_968, %add3A_968 : vector<16xf32>
          %mul3A_989 = arith.mulf %add3A_976, %add3A_976 : vector<16xf32>
          %add3A_990 = arith.addf %mul3A_988, %mul3A_989 : vector<16xf32>
          %mul3A_991 = arith.mulf %add3A_984, %add3A_984 : vector<16xf32>
          %add3A_992 = arith.addf %add3A_990, %mul3A_991 : vector<16xf32>
          %mul3A_993 = arith.constant 2.000000e+00 : f32
          %mul3A_994 = vector.broadcast %mul3A_993 : f32 to vector<16xf32>
          %mul3A_995 = arith.mulf %mul3A_994, %add3A_992 : vector<16xf32>
          %sub3A_996 = arith.subf %mul3A_987, %mul3A_995 : vector<16xf32>
          %bitcast_convert_type3A = tpu.bitcast %sub3A_996 : vector<16xf32> -> vector<16xi32>
          %shift_right_arithmetic3A = arith.constant 1 : i32
          %shift_right_arithmetic3A_997 = vector.broadcast %shift_right_arithmetic3A : i32 to vector<16xi32>
          %shift_right_arithmetic3A_998 = arith.shrsi %bitcast_convert_type3A, %shift_right_arithmetic3A_997 : vector<16xi32>
          %sub3A_999 = arith.constant 1597463007 : i32
          %sub3A_1000 = vector.broadcast %sub3A_999 : i32 to vector<16xi32>
          %sub3A_1001 = arith.subi %sub3A_1000, %shift_right_arithmetic3A_998 : vector<16xi32>
          %bitcast_convert_type3A_1002 = tpu.bitcast %sub3A_1001 : vector<16xi32> -> vector<16xf32>
          %mul3A_1003 = arith.constant 5.000000e-01 : f32
          %mul3A_1004 = vector.broadcast %mul3A_1003 : f32 to vector<16xf32>
          %mul3A_1005 = arith.mulf %sub3A_996, %mul3A_1004 : vector<16xf32>
          %mul3A_1006 = arith.mulf %mul3A_1005, %bitcast_convert_type3A_1002 : vector<16xf32>
          %mul3A_1007 = arith.mulf %mul3A_1006, %bitcast_convert_type3A_1002 : vector<16xf32>
          %sub3A_1008 = arith.constant 1.500000e+00 : f32
          %sub3A_1009 = vector.broadcast %sub3A_1008 : f32 to vector<16xf32>
          %sub3A_1010 = arith.subf %sub3A_1009, %mul3A_1007 : vector<16xf32>
          %mul3A_1011 = arith.mulf %bitcast_convert_type3A_1002, %sub3A_1010 : vector<16xf32>
          %mul3A_1012 = arith.mulf %mul3A_1005, %mul3A_1011 : vector<16xf32>
          %mul3A_1013 = arith.mulf %mul3A_1012, %mul3A_1011 : vector<16xf32>
          %sub3A_1014 = arith.constant 1.500000e+00 : f32
          %sub3A_1015 = vector.broadcast %sub3A_1014 : f32 to vector<16xf32>
          %sub3A_1016 = arith.subf %sub3A_1015, %mul3A_1013 : vector<16xf32>
          %mul3A_1017 = arith.mulf %mul3A_1011, %sub3A_1016 : vector<16xf32>
          %mul3A_1018 = arith.mulf %mul3A_1005, %mul3A_1017 : vector<16xf32>
          %mul3A_1019 = arith.mulf %mul3A_1018, %mul3A_1017 : vector<16xf32>
          %sub3A_1020 = arith.constant 1.500000e+00 : f32
          %sub3A_1021 = vector.broadcast %sub3A_1020 : f32 to vector<16xf32>
          %sub3A_1022 = arith.subf %sub3A_1021, %mul3A_1019 : vector<16xf32>
          %mul3A_1023 = arith.mulf %mul3A_1017, %sub3A_1022 : vector<16xf32>
          %mul3A_1024 = arith.constant 5.000000e-01 : f32
          %mul3A_1025 = vector.broadcast %mul3A_1024 : f32 to vector<16xf32>
          %mul3A_1026 = arith.mulf %mul3A_1025, %mul3A_1023 : vector<16xf32>
          %sub3A_1027 = arith.subf %add3A_986, %add3A_968 : vector<16xf32>
          %sub3A_1028 = arith.subf %sub3A_1027, %add3A_968 : vector<16xf32>
          %mul3A_1029 = arith.mulf %sub3A_1028, %mul3A_1026 : vector<16xf32>
          %sub3A_1030 = arith.subf %add3A_986, %add3A_976 : vector<16xf32>
          %sub3A_1031 = arith.subf %sub3A_1030, %add3A_976 : vector<16xf32>
          %mul3A_1032 = arith.mulf %sub3A_1031, %mul3A_1026 : vector<16xf32>
          %sub3A_1033 = arith.subf %add3A_986, %add3A_984 : vector<16xf32>
          %sub3A_1034 = arith.subf %sub3A_1033, %add3A_984 : vector<16xf32>
          %mul3A_1035 = arith.mulf %sub3A_1034, %mul3A_1026 : vector<16xf32>
          %mul3A_1036 = arith.mulf %mul3A_1029, %sub3A_955 : vector<16xf32>
          %mul3A_1037 = arith.mulf %mul3A_1032, %sub3A_958 : vector<16xf32>
          %mul3A_1038 = arith.mulf %mul3A_1035, %sub3A : vector<16xf32>
          %sub3A_1039 = arith.subf %mul3A_1037, %mul3A_1038 : vector<16xf32>
          %swap3A = arith.index_cast %mul3A_914 : i32 to index
          %swap3A_1040 = tpu.vector_load %arg18[%swap3A] {strides = array<i32>} : memref<1200xf32, #tpu.memory_space<vmem>>, vector<16xf32>,
          %swap3A_1041 = vector.shape_cast %swap3A_1040 : vector<16xf32> to vector<16xf32>
          %swap3A_1042 = vector.shape_cast %sub3A_1039 : vector<16xf32> to vector<16xf32>
          tpu.vector_store %arg18[%swap3A], %swap3A_1042 {strides = array<i32>} : memref<1200xf32, #tpu.memory_space<vmem>>, vector<16xf32>,
          %sub3A_1043 = arith.subf %mul3A_1038, %mul3A_1036 : vector<16xf32>
          %add3A_1044 = arith.constant 400 : i32
          %add3A_1045 = arith.addi %add3A_1044, %mul3A_914 : i32
          %swap3A_1046 = arith.index_cast %add3A_1045 : i32 to index
          %swap3A_1047 = tpu.vector_load %arg18[%swap3A_1046] {strides = array<i32>} : memref<1200xf32, #tpu.memory_space<vmem>>, vector<16xf32>,
          %swap3A_1048 = vector.shape_cast %swap3A_1047 : vector<16xf32> to vector<16xf32>
          %swap3A_1049 = vector.shape_cast %sub3A_1043 : vector<16xf32> to vector<16xf32>
          tpu.vector_store %arg18[%swap3A_1046], %swap3A_1049 {strides = array<i32>} : memref<1200xf32, #tpu.memory_space<vmem>>, vector<16xf32>,
          %sub3A_1050 = arith.subf %mul3A_1036, %mul3A_1037 : vector<16xf32>
          %add3A_1051 = arith.constant 800 : i32
          %add3A_1052 = arith.addi %add3A_1051, %mul3A_914 : i32
          %swap3A_1053 = arith.index_cast %add3A_1052 : i32 to index
          %swap3A_1054 = tpu.vector_load %arg18[%swap3A_1053] {strides = array<i32>} : memref<1200xf32, #tpu.memory_space<vmem>>, vector<16xf32>,
          %swap3A_1055 = vector.shape_cast %swap3A_1054 : vector<16xf32> to vector<16xf32>
          %swap3A_1056 = vector.shape_cast %sub3A_1050 : vector<16xf32> to vector<16xf32>
          tpu.vector_store %arg18[%swap3A_1053], %swap3A_1056 {strides = array<i32>} : memref<1200xf32, #tpu.memory_space<vmem>>, vector<16xf32>,
          %mul3A_1057 = arith.mulf %mul3A_1029, %sub3A_956 : vector<16xf32>
          %mul3A_1058 = arith.mulf %mul3A_1032, %sub3A_959 : vector<16xf32>
          %mul3A_1059 = arith.mulf %mul3A_1035, %sub3A_953 : vector<16xf32>
          %sub3A_1060 = arith.subf %mul3A_1058, %mul3A_1059 : vector<16xf32>
          %swap3A_1061 = arith.index_cast %mul3A_914 : i32 to index
          %swap3A_1062 = tpu.vector_load %arg19[%swap3A_1061] {strides = array<i32>} : memref<1200xf32, #tpu.memory_space<vmem>>, vector<16xf32>,
          %swap3A_1063 = vector.shape_cast %swap3A_1062 : vector<16xf32> to vector<16xf32>
          %swap3A_1064 = vector.shape_cast %sub3A_1060 : vector<16xf32> to vector<16xf32>
          tpu.vector_store %arg19[%swap3A_1061], %swap3A_1064 {strides = array<i32>} : memref<1200xf32, #tpu.memory_space<vmem>>, vector<16xf32>,
          %sub3A_1065 = arith.subf %mul3A_1059, %mul3A_1057 : vector<16xf32>
          %add3A_1066 = arith.constant 400 : i32
          %add3A_1067 = arith.addi %add3A_1066, %mul3A_914 : i32
          %swap3A_1068 = arith.index_cast %add3A_1067 : i32 to index
          %swap3A_1069 = tpu.vector_load %arg19[%swap3A_1068] {strides = array<i32>} : memref<1200xf32, #tpu.memory_space<vmem>>, vector<16xf32>,
          %swap3A_1070 = vector.shape_cast %swap3A_1069 : vector<16xf32> to vector<16xf32>
          %swap3A_1071 = vector.shape_cast %sub3A_1065 : vector<16xf32> to vector<16xf32>
          tpu.vector_store %arg19[%swap3A_1068], %swap3A_1071 {strides = array<i32>} : memref<1200xf32, #tpu.memory_space<vmem>>, vector<16xf32>,
          %sub3A_1072 = arith.subf %mul3A_1057, %mul3A_1058 : vector<16xf32>
          %add3A_1073 = arith.constant 800 : i32
          %add3A_1074 = arith.addi %add3A_1073, %mul3A_914 : i32
          %swap3A_1075 = arith.index_cast %add3A_1074 : i32 to index
          %swap3A_1076 = tpu.vector_load %arg19[%swap3A_1075] {strides = array<i32>} : memref<1200xf32, #tpu.memory_space<vmem>>, vector<16xf32>,
          %swap3A_1077 = vector.shape_cast %swap3A_1076 : vector<16xf32> to vector<16xf32>
          %swap3A_1078 = vector.shape_cast %sub3A_1072 : vector<16xf32> to vector<16xf32>
          tpu.vector_store %arg19[%swap3A_1075], %swap3A_1078 {strides = array<i32>} : memref<1200xf32, #tpu.memory_space<vmem>>, vector<16xf32>,
          %mul3A_1079 = arith.mulf %mul3A_1029, %sub3A_957 : vector<16xf32>
          %mul3A_1080 = arith.mulf %mul3A_1032, %sub3A_960 : vector<16xf32>
          %mul3A_1081 = arith.mulf %mul3A_1035, %sub3A_954 : vector<16xf32>
          %sub3A_1082 = arith.subf %mul3A_1080, %mul3A_1081 : vector<16xf32>
          %swap3A_1083 = arith.index_cast %mul3A_914 : i32 to index
          %swap3A_1084 = tpu.vector_load %arg20[%swap3A_1083] {strides = array<i32>} : memref<1200xf32, #tpu.memory_space<vmem>>, vector<16xf32>,
          %swap3A_1085 = vector.shape_cast %swap3A_1084 : vector<16xf32> to vector<16xf32>
          %swap3A_1086 = vector.shape_cast %sub3A_1082 : vector<16xf32> to vector<16xf32>
          tpu.vector_store %arg20[%swap3A_1083], %swap3A_1086 {strides = array<i32>} : memref<1200xf32, #tpu.memory_space<vmem>>, vector<16xf32>,
          %sub3A_1087 = arith.subf %mul3A_1081, %mul3A_1079 : vector<16xf32>
          %add3A_1088 = arith.constant 400 : i32
          %add3A_1089 = arith.addi %add3A_1088, %mul3A_914 : i32
          %swap3A_1090 = arith.index_cast %add3A_1089 : i32 to index
          %swap3A_1091 = tpu.vector_load %arg20[%swap3A_1090] {strides = array<i32>} : memref<1200xf32, #tpu.memory_space<vmem>>, vector<16xf32>,
          %swap3A_1092 = vector.shape_cast %swap3A_1091 : vector<16xf32> to vector<16xf32>
          %swap3A_1093 = vector.shape_cast %sub3A_1087 : vector<16xf32> to vector<16xf32>
          tpu.vector_store %arg20[%swap3A_1090], %swap3A_1093 {strides = array<i32>} : memref<1200xf32, #tpu.memory_space<vmem>>, vector<16xf32>,
          %sub3A_1094 = arith.subf %mul3A_1079, %mul3A_1080 : vector<16xf32>
          %add3A_1095 = arith.constant 800 : i32
          %add3A_1096 = arith.addi %add3A_1095, %mul3A_914 : i32
          %swap3A_1097 = arith.index_cast %add3A_1096 : i32 to index
          %swap3A_1098 = tpu.vector_load %arg20[%swap3A_1097] {strides = array<i32>} : memref<1200xf32, #tpu.memory_space<vmem>>, vector<16xf32>,
          %swap3A_1099 = vector.shape_cast %swap3A_1098 : vector<16xf32> to vector<16xf32>
          %swap3A_1100 = vector.shape_cast %sub3A_1094 : vector<16xf32> to vector<16xf32>
          tpu.vector_store %arg20[%swap3A_1097], %swap3A_1100 {strides = array<i32>} : memref<1200xf32, #tpu.memory_space<vmem>>, vector<16xf32>,
          %scan3A_1101 = arith.constant 0 : i32
          scf.yield %scan3A_1101 : i32
        }
        %scan3A_731 = arith.constant 25 : i32
        %dma_start3A_732 = arith.constant 0 : i32
        %dma_start3A_733 = tpu.memref_slice %arg6[%dma_start3A_732] : memref<400000xf32, #tpu.memory_space<vmem_shared>> -> memref<400000xf32, #tpu.memory_space<vmem_shared>>
        tpu.enqueue_indirect_dma source(%arg18 : memref<1200xf32, #tpu.memory_space<vmem>>) target(%dma_start3A_733 : memref<400000xf32, #tpu.memory_space<vmem_shared>>) offsets(%arg17 : memref<1200xi32, #tpu.memory_space<vmem>>) semaphore(%arg53 : memref<!tpu.dma_semaphore, #tpu.memory_space<semaphore_mem>>) {add = true}
        %dma_start3A_734 = arith.constant 0 : i32
        %dma_start3A_735 = tpu.memref_slice %arg7[%dma_start3A_734] : memref<400000xf32, #tpu.memory_space<vmem_shared>> -> memref<400000xf32, #tpu.memory_space<vmem_shared>>
        tpu.enqueue_indirect_dma source(%arg19 : memref<1200xf32, #tpu.memory_space<vmem>>) target(%dma_start3A_735 : memref<400000xf32, #tpu.memory_space<vmem_shared>>) offsets(%arg17 : memref<1200xi32, #tpu.memory_space<vmem>>) semaphore(%arg53 : memref<!tpu.dma_semaphore, #tpu.memory_space<semaphore_mem>>) {add = true}
        %dma_start3A_736 = arith.constant 0 : i32
        %dma_start3A_737 = tpu.memref_slice %arg8[%dma_start3A_736] : memref<400000xf32, #tpu.memory_space<vmem_shared>> -> memref<400000xf32, #tpu.memory_space<vmem_shared>>
        tpu.enqueue_indirect_dma source(%arg20 : memref<1200xf32, #tpu.memory_space<vmem>>) target(%dma_start3A_737 : memref<400000xf32, #tpu.memory_space<vmem_shared>>) offsets(%arg17 : memref<1200xi32, #tpu.memory_space<vmem>>) semaphore(%arg53 : memref<!tpu.dma_semaphore, #tpu.memory_space<semaphore_mem>>) {add = true}
        %dma_wait3A_738 = arith.constant 0 : i32
        %dma_wait3A_739 = tpu.memref_slice %arg2[%dma_wait3A_738] : memref<1200000xf32, #tpu.memory_space<hbm>> -> memref<400000xf32, #tpu.memory_space<hbm>>
        %dma_wait3A_740 = arith.constant 0 : i32
        %dma_wait3A_741 = tpu.memref_slice %dma_wait3A_739[%dma_wait3A_740] : memref<400000xf32, #tpu.memory_space<hbm>> -> memref<400000xf32, #tpu.memory_space<hbm>>
        tpu.wait_indirect_dma semaphore(%arg46 : memref<!tpu.dma_semaphore, #tpu.memory_space<semaphore_mem>>) src(%dma_wait3A_741 : memref<400000xf32, #tpu.memory_space<hbm>>) dst(%arg22 : memref<1200xf32, #tpu.memory_space<vmem>>)
        %dma_wait3A_742 = arith.constant 400000 : i32
        %dma_wait3A_743 = tpu.memref_slice %arg2[%dma_wait3A_742] : memref<1200000xf32, #tpu.memory_space<hbm>> -> memref<400000xf32, #tpu.memory_space<hbm>>
        %dma_wait3A_744 = arith.constant 0 : i32
        %dma_wait3A_745 = tpu.memref_slice %dma_wait3A_743[%dma_wait3A_744] : memref<400000xf32, #tpu.memory_space<hbm>> -> memref<400000xf32, #tpu.memory_space<hbm>>
        tpu.wait_indirect_dma semaphore(%arg46 : memref<!tpu.dma_semaphore, #tpu.memory_space<semaphore_mem>>) src(%dma_wait3A_745 : memref<400000xf32, #tpu.memory_space<hbm>>) dst(%arg23 : memref<1200xf32, #tpu.memory_space<vmem>>)
        %dma_wait3A_746 = arith.constant 800000 : i32
        %dma_wait3A_747 = tpu.memref_slice %arg2[%dma_wait3A_746] : memref<1200000xf32, #tpu.memory_space<hbm>> -> memref<400000xf32, #tpu.memory_space<hbm>>
        %dma_wait3A_748 = arith.constant 0 : i32
        %dma_wait3A_749 = tpu.memref_slice %dma_wait3A_747[%dma_wait3A_748] : memref<400000xf32, #tpu.memory_space<hbm>> -> memref<400000xf32, #tpu.memory_space<hbm>>
        tpu.wait_indirect_dma semaphore(%arg46 : memref<!tpu.dma_semaphore, #tpu.memory_space<semaphore_mem>>) src(%dma_wait3A_749 : memref<400000xf32, #tpu.memory_space<hbm>>) dst(%arg24 : memref<1200xf32, #tpu.memory_space<vmem>>)
        %scan3A_750 = arith.constant 0 : i32
        %scan3A_751 = arith.constant 0 : i32
        %scan3A_752 = arith.constant 25 : i32
        %scan3A_753 = arith.addi %scan3A_751, %scan3A_752 : i32
        %scan3A_754 = arith.constant 1 : i32
        %scan3A_755 = scf.for %scan3A_911 = %scan3A_751 to %scan3A_753 step %scan3A_754 iter_args(%scan3A_912 = %scan3A_750) -> (i32)  : i32 {
          %mul3A_913 = arith.constant 16 : i32
          %mul3A_914 = arith.muli %scan3A_911, %mul3A_913 : i32
          %get3A = arith.index_cast %mul3A_914 : i32 to index
          %get3A_915 = tpu.vector_load %arg22[%get3A] {strides = array<i32>} : memref<1200xf32, #tpu.memory_space<vmem>>, vector<16xf32>,
          %get3A_916 = vector.shape_cast %get3A_915 : vector<16xf32> to vector<16xf32>
          %get3A_917 = arith.index_cast %mul3A_914 : i32 to index
          %get3A_918 = tpu.vector_load %arg23[%get3A_917] {strides = array<i32>} : memref<1200xf32, #tpu.memory_space<vmem>>, vector<16xf32>,
          %get3A_919 = vector.shape_cast %get3A_918 : vector<16xf32> to vector<16xf32>
          %get3A_920 = arith.index_cast %mul3A_914 : i32 to index
          %get3A_921 = tpu.vector_load %arg24[%get3A_920] {strides = array<i32>} : memref<1200xf32, #tpu.memory_space<vmem>>, vector<16xf32>,
          %get3A_922 = vector.shape_cast %get3A_921 : vector<16xf32> to vector<16xf32>
          %add3A_923 = arith.constant 400 : i32
          %add3A_924 = arith.addi %add3A_923, %mul3A_914 : i32
          %get3A_925 = arith.index_cast %add3A_924 : i32 to index
          %get3A_926 = tpu.vector_load %arg22[%get3A_925] {strides = array<i32>} : memref<1200xf32, #tpu.memory_space<vmem>>, vector<16xf32>,
          %get3A_927 = vector.shape_cast %get3A_926 : vector<16xf32> to vector<16xf32>
          %add3A_928 = arith.constant 400 : i32
          %add3A_929 = arith.addi %add3A_928, %mul3A_914 : i32
          %get3A_930 = arith.index_cast %add3A_929 : i32 to index
          %get3A_931 = tpu.vector_load %arg23[%get3A_930] {strides = array<i32>} : memref<1200xf32, #tpu.memory_space<vmem>>, vector<16xf32>,
          %get3A_932 = vector.shape_cast %get3A_931 : vector<16xf32> to vector<16xf32>
          %add3A_933 = arith.constant 400 : i32
          %add3A_934 = arith.addi %add3A_933, %mul3A_914 : i32
          %get3A_935 = arith.index_cast %add3A_934 : i32 to index
          %get3A_936 = tpu.vector_load %arg24[%get3A_935] {strides = array<i32>} : memref<1200xf32, #tpu.memory_space<vmem>>, vector<16xf32>,
          %get3A_937 = vector.shape_cast %get3A_936 : vector<16xf32> to vector<16xf32>
          %add3A_938 = arith.constant 800 : i32
          %add3A_939 = arith.addi %add3A_938, %mul3A_914 : i32
          %get3A_940 = arith.index_cast %add3A_939 : i32 to index
          %get3A_941 = tpu.vector_load %arg22[%get3A_940] {strides = array<i32>} : memref<1200xf32, #tpu.memory_space<vmem>>, vector<16xf32>,
          %get3A_942 = vector.shape_cast %get3A_941 : vector<16xf32> to vector<16xf32>
          %add3A_943 = arith.constant 800 : i32
          %add3A_944 = arith.addi %add3A_943, %mul3A_914 : i32
          %get3A_945 = arith.index_cast %add3A_944 : i32 to index
          %get3A_946 = tpu.vector_load %arg23[%get3A_945] {strides = array<i32>} : memref<1200xf32, #tpu.memory_space<vmem>>, vector<16xf32>,
          %get3A_947 = vector.shape_cast %get3A_946 : vector<16xf32> to vector<16xf32>
          %add3A_948 = arith.constant 800 : i32
          %add3A_949 = arith.addi %add3A_948, %mul3A_914 : i32
          %get3A_950 = arith.index_cast %add3A_949 : i32 to index
          %get3A_951 = tpu.vector_load %arg24[%get3A_950] {strides = array<i32>} : memref<1200xf32, #tpu.memory_space<vmem>>, vector<16xf32>,
          %get3A_952 = vector.shape_cast %get3A_951 : vector<16xf32> to vector<16xf32>
          %sub3A = arith.subf %get3A_916, %get3A_927 : vector<16xf32>
          %sub3A_953 = arith.subf %get3A_919, %get3A_932 : vector<16xf32>
          %sub3A_954 = arith.subf %get3A_922, %get3A_937 : vector<16xf32>
          %sub3A_955 = arith.subf %get3A_927, %get3A_942 : vector<16xf32>
          %sub3A_956 = arith.subf %get3A_932, %get3A_947 : vector<16xf32>
          %sub3A_957 = arith.subf %get3A_937, %get3A_952 : vector<16xf32>
          %sub3A_958 = arith.subf %get3A_942, %get3A_916 : vector<16xf32>
          %sub3A_959 = arith.subf %get3A_947, %get3A_919 : vector<16xf32>
          %sub3A_960 = arith.subf %get3A_952, %get3A_922 : vector<16xf32>
          %mul3A_961 = arith.mulf %sub3A_955, %sub3A_955 : vector<16xf32>
          %add3A_962 = arith.constant 0.000000e+00 : f32
          %add3A_963 = vector.broadcast %add3A_962 : f32 to vector<16xf32>
          %add3A_964 = arith.addf %add3A_963, %mul3A_961 : vector<16xf32>
          %mul3A_965 = arith.mulf %sub3A_956, %sub3A_956 : vector<16xf32>
          %add3A_966 = arith.addf %add3A_964, %mul3A_965 : vector<16xf32>
          %mul3A_967 = arith.mulf %sub3A_957, %sub3A_957 : vector<16xf32>
          %add3A_968 = arith.addf %add3A_966, %mul3A_967 : vector<16xf32>
          %mul3A_969 = arith.mulf %sub3A_958, %sub3A_958 : vector<16xf32>
          %add3A_970 = arith.constant 0.000000e+00 : f32
          %add3A_971 = vector.broadcast %add3A_970 : f32 to vector<16xf32>
          %add3A_972 = arith.addf %add3A_971, %mul3A_969 : vector<16xf32>
          %mul3A_973 = arith.mulf %sub3A_959, %sub3A_959 : vector<16xf32>
          %add3A_974 = arith.addf %add3A_972, %mul3A_973 : vector<16xf32>
          %mul3A_975 = arith.mulf %sub3A_960, %sub3A_960 : vector<16xf32>
          %add3A_976 = arith.addf %add3A_974, %mul3A_975 : vector<16xf32>
          %mul3A_977 = arith.mulf %sub3A, %sub3A : vector<16xf32>
          %add3A_978 = arith.constant 0.000000e+00 : f32
          %add3A_979 = vector.broadcast %add3A_978 : f32 to vector<16xf32>
          %add3A_980 = arith.addf %add3A_979, %mul3A_977 : vector<16xf32>
          %mul3A_981 = arith.mulf %sub3A_953, %sub3A_953 : vector<16xf32>
          %add3A_982 = arith.addf %add3A_980, %mul3A_981 : vector<16xf32>
          %mul3A_983 = arith.mulf %sub3A_954, %sub3A_954 : vector<16xf32>
          %add3A_984 = arith.addf %add3A_982, %mul3A_983 : vector<16xf32>
          %add3A_985 = arith.addf %add3A_968, %add3A_976 : vector<16xf32>
          %add3A_986 = arith.addf %add3A_985, %add3A_984 : vector<16xf32>
          %mul3A_987 = arith.mulf %add3A_986, %add3A_986 : vector<16xf32>
          %mul3A_988 = arith.mulf %add3A_968, %add3A_968 : vector<16xf32>
          %mul3A_989 = arith.mulf %add3A_976, %add3A_976 : vector<16xf32>
          %add3A_990 = arith.addf %mul3A_988, %mul3A_989 : vector<16xf32>
          %mul3A_991 = arith.mulf %add3A_984, %add3A_984 : vector<16xf32>
          %add3A_992 = arith.addf %add3A_990, %mul3A_991 : vector<16xf32>
          %mul3A_993 = arith.constant 2.000000e+00 : f32
          %mul3A_994 = vector.broadcast %mul3A_993 : f32 to vector<16xf32>
          %mul3A_995 = arith.mulf %mul3A_994, %add3A_992 : vector<16xf32>
          %sub3A_996 = arith.subf %mul3A_987, %mul3A_995 : vector<16xf32>
          %bitcast_convert_type3A = tpu.bitcast %sub3A_996 : vector<16xf32> -> vector<16xi32>
          %shift_right_arithmetic3A = arith.constant 1 : i32
          %shift_right_arithmetic3A_997 = vector.broadcast %shift_right_arithmetic3A : i32 to vector<16xi32>
          %shift_right_arithmetic3A_998 = arith.shrsi %bitcast_convert_type3A, %shift_right_arithmetic3A_997 : vector<16xi32>
          %sub3A_999 = arith.constant 1597463007 : i32
          %sub3A_1000 = vector.broadcast %sub3A_999 : i32 to vector<16xi32>
          %sub3A_1001 = arith.subi %sub3A_1000, %shift_right_arithmetic3A_998 : vector<16xi32>
          %bitcast_convert_type3A_1002 = tpu.bitcast %sub3A_1001 : vector<16xi32> -> vector<16xf32>
          %mul3A_1003 = arith.constant 5.000000e-01 : f32
          %mul3A_1004 = vector.broadcast %mul3A_1003 : f32 to vector<16xf32>
          %mul3A_1005 = arith.mulf %sub3A_996, %mul3A_1004 : vector<16xf32>
          %mul3A_1006 = arith.mulf %mul3A_1005, %bitcast_convert_type3A_1002 : vector<16xf32>
          %mul3A_1007 = arith.mulf %mul3A_1006, %bitcast_convert_type3A_1002 : vector<16xf32>
          %sub3A_1008 = arith.constant 1.500000e+00 : f32
          %sub3A_1009 = vector.broadcast %sub3A_1008 : f32 to vector<16xf32>
          %sub3A_1010 = arith.subf %sub3A_1009, %mul3A_1007 : vector<16xf32>
          %mul3A_1011 = arith.mulf %bitcast_convert_type3A_1002, %sub3A_1010 : vector<16xf32>
          %mul3A_1012 = arith.mulf %mul3A_1005, %mul3A_1011 : vector<16xf32>
          %mul3A_1013 = arith.mulf %mul3A_1012, %mul3A_1011 : vector<16xf32>
          %sub3A_1014 = arith.constant 1.500000e+00 : f32
          %sub3A_1015 = vector.broadcast %sub3A_1014 : f32 to vector<16xf32>
          %sub3A_1016 = arith.subf %sub3A_1015, %mul3A_1013 : vector<16xf32>
          %mul3A_1017 = arith.mulf %mul3A_1011, %sub3A_1016 : vector<16xf32>
          %mul3A_1018 = arith.mulf %mul3A_1005, %mul3A_1017 : vector<16xf32>
          %mul3A_1019 = arith.mulf %mul3A_1018, %mul3A_1017 : vector<16xf32>
          %sub3A_1020 = arith.constant 1.500000e+00 : f32
          %sub3A_1021 = vector.broadcast %sub3A_1020 : f32 to vector<16xf32>
          %sub3A_1022 = arith.subf %sub3A_1021, %mul3A_1019 : vector<16xf32>
          %mul3A_1023 = arith.mulf %mul3A_1017, %sub3A_1022 : vector<16xf32>
          %mul3A_1024 = arith.constant 5.000000e-01 : f32
          %mul3A_1025 = vector.broadcast %mul3A_1024 : f32 to vector<16xf32>
          %mul3A_1026 = arith.mulf %mul3A_1025, %mul3A_1023 : vector<16xf32>
          %sub3A_1027 = arith.subf %add3A_986, %add3A_968 : vector<16xf32>
          %sub3A_1028 = arith.subf %sub3A_1027, %add3A_968 : vector<16xf32>
          %mul3A_1029 = arith.mulf %sub3A_1028, %mul3A_1026 : vector<16xf32>
          %sub3A_1030 = arith.subf %add3A_986, %add3A_976 : vector<16xf32>
          %sub3A_1031 = arith.subf %sub3A_1030, %add3A_976 : vector<16xf32>
          %mul3A_1032 = arith.mulf %sub3A_1031, %mul3A_1026 : vector<16xf32>
          %sub3A_1033 = arith.subf %add3A_986, %add3A_984 : vector<16xf32>
          %sub3A_1034 = arith.subf %sub3A_1033, %add3A_984 : vector<16xf32>
          %mul3A_1035 = arith.mulf %sub3A_1034, %mul3A_1026 : vector<16xf32>
          %mul3A_1036 = arith.mulf %mul3A_1029, %sub3A_955 : vector<16xf32>
          %mul3A_1037 = arith.mulf %mul3A_1032, %sub3A_958 : vector<16xf32>
          %mul3A_1038 = arith.mulf %mul3A_1035, %sub3A : vector<16xf32>
          %sub3A_1039 = arith.subf %mul3A_1037, %mul3A_1038 : vector<16xf32>
          %swap3A = arith.index_cast %mul3A_914 : i32 to index
          %swap3A_1040 = tpu.vector_load %arg22[%swap3A] {strides = array<i32>} : memref<1200xf32, #tpu.memory_space<vmem>>, vector<16xf32>,
          %swap3A_1041 = vector.shape_cast %swap3A_1040 : vector<16xf32> to vector<16xf32>
          %swap3A_1042 = vector.shape_cast %sub3A_1039 : vector<16xf32> to vector<16xf32>
          tpu.vector_store %arg22[%swap3A], %swap3A_1042 {strides = array<i32>} : memref<1200xf32, #tpu.memory_space<vmem>>, vector<16xf32>,
          %sub3A_1043 = arith.subf %mul3A_1038, %mul3A_1036 : vector<16xf32>
          %add3A_1044 = arith.constant 400 : i32
          %add3A_1045 = arith.addi %add3A_1044, %mul3A_914 : i32
          %swap3A_1046 = arith.index_cast %add3A_1045 : i32 to index
          %swap3A_1047 = tpu.vector_load %arg22[%swap3A_1046] {strides = array<i32>} : memref<1200xf32, #tpu.memory_space<vmem>>, vector<16xf32>,
          %swap3A_1048 = vector.shape_cast %swap3A_1047 : vector<16xf32> to vector<16xf32>
          %swap3A_1049 = vector.shape_cast %sub3A_1043 : vector<16xf32> to vector<16xf32>
          tpu.vector_store %arg22[%swap3A_1046], %swap3A_1049 {strides = array<i32>} : memref<1200xf32, #tpu.memory_space<vmem>>, vector<16xf32>,
          %sub3A_1050 = arith.subf %mul3A_1036, %mul3A_1037 : vector<16xf32>
          %add3A_1051 = arith.constant 800 : i32
          %add3A_1052 = arith.addi %add3A_1051, %mul3A_914 : i32
          %swap3A_1053 = arith.index_cast %add3A_1052 : i32 to index
          %swap3A_1054 = tpu.vector_load %arg22[%swap3A_1053] {strides = array<i32>} : memref<1200xf32, #tpu.memory_space<vmem>>, vector<16xf32>,
          %swap3A_1055 = vector.shape_cast %swap3A_1054 : vector<16xf32> to vector<16xf32>
          %swap3A_1056 = vector.shape_cast %sub3A_1050 : vector<16xf32> to vector<16xf32>
          tpu.vector_store %arg22[%swap3A_1053], %swap3A_1056 {strides = array<i32>} : memref<1200xf32, #tpu.memory_space<vmem>>, vector<16xf32>,
          %mul3A_1057 = arith.mulf %mul3A_1029, %sub3A_956 : vector<16xf32>
          %mul3A_1058 = arith.mulf %mul3A_1032, %sub3A_959 : vector<16xf32>
          %mul3A_1059 = arith.mulf %mul3A_1035, %sub3A_953 : vector<16xf32>
          %sub3A_1060 = arith.subf %mul3A_1058, %mul3A_1059 : vector<16xf32>
          %swap3A_1061 = arith.index_cast %mul3A_914 : i32 to index
          %swap3A_1062 = tpu.vector_load %arg23[%swap3A_1061] {strides = array<i32>} : memref<1200xf32, #tpu.memory_space<vmem>>, vector<16xf32>,
          %swap3A_1063 = vector.shape_cast %swap3A_1062 : vector<16xf32> to vector<16xf32>
          %swap3A_1064 = vector.shape_cast %sub3A_1060 : vector<16xf32> to vector<16xf32>
          tpu.vector_store %arg23[%swap3A_1061], %swap3A_1064 {strides = array<i32>} : memref<1200xf32, #tpu.memory_space<vmem>>, vector<16xf32>,
          %sub3A_1065 = arith.subf %mul3A_1059, %mul3A_1057 : vector<16xf32>
          %add3A_1066 = arith.constant 400 : i32
          %add3A_1067 = arith.addi %add3A_1066, %mul3A_914 : i32
          %swap3A_1068 = arith.index_cast %add3A_1067 : i32 to index
          %swap3A_1069 = tpu.vector_load %arg23[%swap3A_1068] {strides = array<i32>} : memref<1200xf32, #tpu.memory_space<vmem>>, vector<16xf32>,
          %swap3A_1070 = vector.shape_cast %swap3A_1069 : vector<16xf32> to vector<16xf32>
          %swap3A_1071 = vector.shape_cast %sub3A_1065 : vector<16xf32> to vector<16xf32>
          tpu.vector_store %arg23[%swap3A_1068], %swap3A_1071 {strides = array<i32>} : memref<1200xf32, #tpu.memory_space<vmem>>, vector<16xf32>,
          %sub3A_1072 = arith.subf %mul3A_1057, %mul3A_1058 : vector<16xf32>
          %add3A_1073 = arith.constant 800 : i32
          %add3A_1074 = arith.addi %add3A_1073, %mul3A_914 : i32
          %swap3A_1075 = arith.index_cast %add3A_1074 : i32 to index
          %swap3A_1076 = tpu.vector_load %arg23[%swap3A_1075] {strides = array<i32>} : memref<1200xf32, #tpu.memory_space<vmem>>, vector<16xf32>,
          %swap3A_1077 = vector.shape_cast %swap3A_1076 : vector<16xf32> to vector<16xf32>
          %swap3A_1078 = vector.shape_cast %sub3A_1072 : vector<16xf32> to vector<16xf32>
          tpu.vector_store %arg23[%swap3A_1075], %swap3A_1078 {strides = array<i32>} : memref<1200xf32, #tpu.memory_space<vmem>>, vector<16xf32>,
          %mul3A_1079 = arith.mulf %mul3A_1029, %sub3A_957 : vector<16xf32>
          %mul3A_1080 = arith.mulf %mul3A_1032, %sub3A_960 : vector<16xf32>
          %mul3A_1081 = arith.mulf %mul3A_1035, %sub3A_954 : vector<16xf32>
          %sub3A_1082 = arith.subf %mul3A_1080, %mul3A_1081 : vector<16xf32>
          %swap3A_1083 = arith.index_cast %mul3A_914 : i32 to index
          %swap3A_1084 = tpu.vector_load %arg24[%swap3A_1083] {strides = array<i32>} : memref<1200xf32, #tpu.memory_space<vmem>>, vector<16xf32>,
          %swap3A_1085 = vector.shape_cast %swap3A_1084 : vector<16xf32> to vector<16xf32>
          %swap3A_1086 = vector.shape_cast %sub3A_1082 : vector<16xf32> to vector<16xf32>
          tpu.vector_store %arg24[%swap3A_1083], %swap3A_1086 {strides = array<i32>} : memref<1200xf32, #tpu.memory_space<vmem>>, vector<16xf32>,
          %sub3A_1087 = arith.subf %mul3A_1081, %mul3A_1079 : vector<16xf32>
          %add3A_1088 = arith.constant 400 : i32
          %add3A_1089 = arith.addi %add3A_1088, %mul3A_914 : i32
          %swap3A_1090 = arith.index_cast %add3A_1089 : i32 to index
          %swap3A_1091 = tpu.vector_load %arg24[%swap3A_1090] {strides = array<i32>} : memref<1200xf32, #tpu.memory_space<vmem>>, vector<16xf32>,
          %swap3A_1092 = vector.shape_cast %swap3A_1091 : vector<16xf32> to vector<16xf32>
          %swap3A_1093 = vector.shape_cast %sub3A_1087 : vector<16xf32> to vector<16xf32>
          tpu.vector_store %arg24[%swap3A_1090], %swap3A_1093 {strides = array<i32>} : memref<1200xf32, #tpu.memory_space<vmem>>, vector<16xf32>,
          %sub3A_1094 = arith.subf %mul3A_1079, %mul3A_1080 : vector<16xf32>
          %add3A_1095 = arith.constant 800 : i32
          %add3A_1096 = arith.addi %add3A_1095, %mul3A_914 : i32
          %swap3A_1097 = arith.index_cast %add3A_1096 : i32 to index
          %swap3A_1098 = tpu.vector_load %arg24[%swap3A_1097] {strides = array<i32>} : memref<1200xf32, #tpu.memory_space<vmem>>, vector<16xf32>,
          %swap3A_1099 = vector.shape_cast %swap3A_1098 : vector<16xf32> to vector<16xf32>
          %swap3A_1100 = vector.shape_cast %sub3A_1094 : vector<16xf32> to vector<16xf32>
          tpu.vector_store %arg24[%swap3A_1097], %swap3A_1100 {strides = array<i32>} : memref<1200xf32, #tpu.memory_space<vmem>>, vector<16xf32>,
          %scan3A_1101 = arith.constant 0 : i32
          scf.yield %scan3A_1101 : i32
        }
        %scan3A_756 = arith.constant 25 : i32
        %dma_start3A_757 = arith.constant 0 : i32
        %dma_start3A_758 = tpu.memref_slice %arg6[%dma_start3A_757] : memref<400000xf32, #tpu.memory_space<vmem_shared>> -> memref<400000xf32, #tpu.memory_space<vmem_shared>>
        tpu.enqueue_indirect_dma source(%arg22 : memref<1200xf32, #tpu.memory_space<vmem>>) target(%dma_start3A_758 : memref<400000xf32, #tpu.memory_space<vmem_shared>>) offsets(%arg21 : memref<1200xi32, #tpu.memory_space<vmem>>) semaphore(%arg54 : memref<!tpu.dma_semaphore, #tpu.memory_space<semaphore_mem>>) {add = true}
        %dma_start3A_759 = arith.constant 0 : i32
        %dma_start3A_760 = tpu.memref_slice %arg7[%dma_start3A_759] : memref<400000xf32, #tpu.memory_space<vmem_shared>> -> memref<400000xf32, #tpu.memory_space<vmem_shared>>
        tpu.enqueue_indirect_dma source(%arg23 : memref<1200xf32, #tpu.memory_space<vmem>>) target(%dma_start3A_760 : memref<400000xf32, #tpu.memory_space<vmem_shared>>) offsets(%arg21 : memref<1200xi32, #tpu.memory_space<vmem>>) semaphore(%arg54 : memref<!tpu.dma_semaphore, #tpu.memory_space<semaphore_mem>>) {add = true}
        %dma_start3A_761 = arith.constant 0 : i32
        %dma_start3A_762 = tpu.memref_slice %arg8[%dma_start3A_761] : memref<400000xf32, #tpu.memory_space<vmem_shared>> -> memref<400000xf32, #tpu.memory_space<vmem_shared>>
        tpu.enqueue_indirect_dma source(%arg24 : memref<1200xf32, #tpu.memory_space<vmem>>) target(%dma_start3A_762 : memref<400000xf32, #tpu.memory_space<vmem_shared>>) offsets(%arg21 : memref<1200xi32, #tpu.memory_space<vmem>>) semaphore(%arg54 : memref<!tpu.dma_semaphore, #tpu.memory_space<semaphore_mem>>) {add = true}
        %dma_wait3A_763 = arith.constant 0 : i32
        %dma_wait3A_764 = tpu.memref_slice %arg2[%dma_wait3A_763] : memref<1200000xf32, #tpu.memory_space<hbm>> -> memref<400000xf32, #tpu.memory_space<hbm>>
        %dma_wait3A_765 = arith.constant 0 : i32
        %dma_wait3A_766 = tpu.memref_slice %dma_wait3A_764[%dma_wait3A_765] : memref<400000xf32, #tpu.memory_space<hbm>> -> memref<400000xf32, #tpu.memory_space<hbm>>
        tpu.wait_indirect_dma semaphore(%arg47 : memref<!tpu.dma_semaphore, #tpu.memory_space<semaphore_mem>>) src(%dma_wait3A_766 : memref<400000xf32, #tpu.memory_space<hbm>>) dst(%arg26 : memref<1200xf32, #tpu.memory_space<vmem>>)
        %dma_wait3A_767 = arith.constant 400000 : i32
        %dma_wait3A_768 = tpu.memref_slice %arg2[%dma_wait3A_767] : memref<1200000xf32, #tpu.memory_space<hbm>> -> memref<400000xf32, #tpu.memory_space<hbm>>
        %dma_wait3A_769 = arith.constant 0 : i32
        %dma_wait3A_770 = tpu.memref_slice %dma_wait3A_768[%dma_wait3A_769] : memref<400000xf32, #tpu.memory_space<hbm>> -> memref<400000xf32, #tpu.memory_space<hbm>>
        tpu.wait_indirect_dma semaphore(%arg47 : memref<!tpu.dma_semaphore, #tpu.memory_space<semaphore_mem>>) src(%dma_wait3A_770 : memref<400000xf32, #tpu.memory_space<hbm>>) dst(%arg27 : memref<1200xf32, #tpu.memory_space<vmem>>)
        %dma_wait3A_771 = arith.constant 800000 : i32
        %dma_wait3A_772 = tpu.memref_slice %arg2[%dma_wait3A_771] : memref<1200000xf32, #tpu.memory_space<hbm>> -> memref<400000xf32, #tpu.memory_space<hbm>>
        %dma_wait3A_773 = arith.constant 0 : i32
        %dma_wait3A_774 = tpu.memref_slice %dma_wait3A_772[%dma_wait3A_773] : memref<400000xf32, #tpu.memory_space<hbm>> -> memref<400000xf32, #tpu.memory_space<hbm>>
        tpu.wait_indirect_dma semaphore(%arg47 : memref<!tpu.dma_semaphore, #tpu.memory_space<semaphore_mem>>) src(%dma_wait3A_774 : memref<400000xf32, #tpu.memory_space<hbm>>) dst(%arg28 : memref<1200xf32, #tpu.memory_space<vmem>>)
        %scan3A_775 = arith.constant 0 : i32
        %scan3A_776 = arith.constant 0 : i32
        %scan3A_777 = arith.constant 25 : i32
        %scan3A_778 = arith.addi %scan3A_776, %scan3A_777 : i32
        %scan3A_779 = arith.constant 1 : i32
        %scan3A_780 = scf.for %scan3A_911 = %scan3A_776 to %scan3A_778 step %scan3A_779 iter_args(%scan3A_912 = %scan3A_775) -> (i32)  : i32 {
          %mul3A_913 = arith.constant 16 : i32
          %mul3A_914 = arith.muli %scan3A_911, %mul3A_913 : i32
          %get3A = arith.index_cast %mul3A_914 : i32 to index
          %get3A_915 = tpu.vector_load %arg26[%get3A] {strides = array<i32>} : memref<1200xf32, #tpu.memory_space<vmem>>, vector<16xf32>,
          %get3A_916 = vector.shape_cast %get3A_915 : vector<16xf32> to vector<16xf32>
          %get3A_917 = arith.index_cast %mul3A_914 : i32 to index
          %get3A_918 = tpu.vector_load %arg27[%get3A_917] {strides = array<i32>} : memref<1200xf32, #tpu.memory_space<vmem>>, vector<16xf32>,
          %get3A_919 = vector.shape_cast %get3A_918 : vector<16xf32> to vector<16xf32>
          %get3A_920 = arith.index_cast %mul3A_914 : i32 to index
          %get3A_921 = tpu.vector_load %arg28[%get3A_920] {strides = array<i32>} : memref<1200xf32, #tpu.memory_space<vmem>>, vector<16xf32>,
          %get3A_922 = vector.shape_cast %get3A_921 : vector<16xf32> to vector<16xf32>
          %add3A_923 = arith.constant 400 : i32
          %add3A_924 = arith.addi %add3A_923, %mul3A_914 : i32
          %get3A_925 = arith.index_cast %add3A_924 : i32 to index
          %get3A_926 = tpu.vector_load %arg26[%get3A_925] {strides = array<i32>} : memref<1200xf32, #tpu.memory_space<vmem>>, vector<16xf32>,
          %get3A_927 = vector.shape_cast %get3A_926 : vector<16xf32> to vector<16xf32>
          %add3A_928 = arith.constant 400 : i32
          %add3A_929 = arith.addi %add3A_928, %mul3A_914 : i32
          %get3A_930 = arith.index_cast %add3A_929 : i32 to index
          %get3A_931 = tpu.vector_load %arg27[%get3A_930] {strides = array<i32>} : memref<1200xf32, #tpu.memory_space<vmem>>, vector<16xf32>,
          %get3A_932 = vector.shape_cast %get3A_931 : vector<16xf32> to vector<16xf32>
          %add3A_933 = arith.constant 400 : i32
          %add3A_934 = arith.addi %add3A_933, %mul3A_914 : i32
          %get3A_935 = arith.index_cast %add3A_934 : i32 to index
          %get3A_936 = tpu.vector_load %arg28[%get3A_935] {strides = array<i32>} : memref<1200xf32, #tpu.memory_space<vmem>>, vector<16xf32>,
          %get3A_937 = vector.shape_cast %get3A_936 : vector<16xf32> to vector<16xf32>
          %add3A_938 = arith.constant 800 : i32
          %add3A_939 = arith.addi %add3A_938, %mul3A_914 : i32
          %get3A_940 = arith.index_cast %add3A_939 : i32 to index
          %get3A_941 = tpu.vector_load %arg26[%get3A_940] {strides = array<i32>} : memref<1200xf32, #tpu.memory_space<vmem>>, vector<16xf32>,
          %get3A_942 = vector.shape_cast %get3A_941 : vector<16xf32> to vector<16xf32>
          %add3A_943 = arith.constant 800 : i32
          %add3A_944 = arith.addi %add3A_943, %mul3A_914 : i32
          %get3A_945 = arith.index_cast %add3A_944 : i32 to index
          %get3A_946 = tpu.vector_load %arg27[%get3A_945] {strides = array<i32>} : memref<1200xf32, #tpu.memory_space<vmem>>, vector<16xf32>,
          %get3A_947 = vector.shape_cast %get3A_946 : vector<16xf32> to vector<16xf32>
          %add3A_948 = arith.constant 800 : i32
          %add3A_949 = arith.addi %add3A_948, %mul3A_914 : i32
          %get3A_950 = arith.index_cast %add3A_949 : i32 to index
          %get3A_951 = tpu.vector_load %arg28[%get3A_950] {strides = array<i32>} : memref<1200xf32, #tpu.memory_space<vmem>>, vector<16xf32>,
          %get3A_952 = vector.shape_cast %get3A_951 : vector<16xf32> to vector<16xf32>
          %sub3A = arith.subf %get3A_916, %get3A_927 : vector<16xf32>
          %sub3A_953 = arith.subf %get3A_919, %get3A_932 : vector<16xf32>
          %sub3A_954 = arith.subf %get3A_922, %get3A_937 : vector<16xf32>
          %sub3A_955 = arith.subf %get3A_927, %get3A_942 : vector<16xf32>
          %sub3A_956 = arith.subf %get3A_932, %get3A_947 : vector<16xf32>
          %sub3A_957 = arith.subf %get3A_937, %get3A_952 : vector<16xf32>
          %sub3A_958 = arith.subf %get3A_942, %get3A_916 : vector<16xf32>
          %sub3A_959 = arith.subf %get3A_947, %get3A_919 : vector<16xf32>
          %sub3A_960 = arith.subf %get3A_952, %get3A_922 : vector<16xf32>
          %mul3A_961 = arith.mulf %sub3A_955, %sub3A_955 : vector<16xf32>
          %add3A_962 = arith.constant 0.000000e+00 : f32
          %add3A_963 = vector.broadcast %add3A_962 : f32 to vector<16xf32>
          %add3A_964 = arith.addf %add3A_963, %mul3A_961 : vector<16xf32>
          %mul3A_965 = arith.mulf %sub3A_956, %sub3A_956 : vector<16xf32>
          %add3A_966 = arith.addf %add3A_964, %mul3A_965 : vector<16xf32>
          %mul3A_967 = arith.mulf %sub3A_957, %sub3A_957 : vector<16xf32>
          %add3A_968 = arith.addf %add3A_966, %mul3A_967 : vector<16xf32>
          %mul3A_969 = arith.mulf %sub3A_958, %sub3A_958 : vector<16xf32>
          %add3A_970 = arith.constant 0.000000e+00 : f32
          %add3A_971 = vector.broadcast %add3A_970 : f32 to vector<16xf32>
          %add3A_972 = arith.addf %add3A_971, %mul3A_969 : vector<16xf32>
          %mul3A_973 = arith.mulf %sub3A_959, %sub3A_959 : vector<16xf32>
          %add3A_974 = arith.addf %add3A_972, %mul3A_973 : vector<16xf32>
          %mul3A_975 = arith.mulf %sub3A_960, %sub3A_960 : vector<16xf32>
          %add3A_976 = arith.addf %add3A_974, %mul3A_975 : vector<16xf32>
          %mul3A_977 = arith.mulf %sub3A, %sub3A : vector<16xf32>
          %add3A_978 = arith.constant 0.000000e+00 : f32
          %add3A_979 = vector.broadcast %add3A_978 : f32 to vector<16xf32>
          %add3A_980 = arith.addf %add3A_979, %mul3A_977 : vector<16xf32>
          %mul3A_981 = arith.mulf %sub3A_953, %sub3A_953 : vector<16xf32>
          %add3A_982 = arith.addf %add3A_980, %mul3A_981 : vector<16xf32>
          %mul3A_983 = arith.mulf %sub3A_954, %sub3A_954 : vector<16xf32>
          %add3A_984 = arith.addf %add3A_982, %mul3A_983 : vector<16xf32>
          %add3A_985 = arith.addf %add3A_968, %add3A_976 : vector<16xf32>
          %add3A_986 = arith.addf %add3A_985, %add3A_984 : vector<16xf32>
          %mul3A_987 = arith.mulf %add3A_986, %add3A_986 : vector<16xf32>
          %mul3A_988 = arith.mulf %add3A_968, %add3A_968 : vector<16xf32>
          %mul3A_989 = arith.mulf %add3A_976, %add3A_976 : vector<16xf32>
          %add3A_990 = arith.addf %mul3A_988, %mul3A_989 : vector<16xf32>
          %mul3A_991 = arith.mulf %add3A_984, %add3A_984 : vector<16xf32>
          %add3A_992 = arith.addf %add3A_990, %mul3A_991 : vector<16xf32>
          %mul3A_993 = arith.constant 2.000000e+00 : f32
          %mul3A_994 = vector.broadcast %mul3A_993 : f32 to vector<16xf32>
          %mul3A_995 = arith.mulf %mul3A_994, %add3A_992 : vector<16xf32>
          %sub3A_996 = arith.subf %mul3A_987, %mul3A_995 : vector<16xf32>
          %bitcast_convert_type3A = tpu.bitcast %sub3A_996 : vector<16xf32> -> vector<16xi32>
          %shift_right_arithmetic3A = arith.constant 1 : i32
          %shift_right_arithmetic3A_997 = vector.broadcast %shift_right_arithmetic3A : i32 to vector<16xi32>
          %shift_right_arithmetic3A_998 = arith.shrsi %bitcast_convert_type3A, %shift_right_arithmetic3A_997 : vector<16xi32>
          %sub3A_999 = arith.constant 1597463007 : i32
          %sub3A_1000 = vector.broadcast %sub3A_999 : i32 to vector<16xi32>
          %sub3A_1001 = arith.subi %sub3A_1000, %shift_right_arithmetic3A_998 : vector<16xi32>
          %bitcast_convert_type3A_1002 = tpu.bitcast %sub3A_1001 : vector<16xi32> -> vector<16xf32>
          %mul3A_1003 = arith.constant 5.000000e-01 : f32
          %mul3A_1004 = vector.broadcast %mul3A_1003 : f32 to vector<16xf32>
          %mul3A_1005 = arith.mulf %sub3A_996, %mul3A_1004 : vector<16xf32>
          %mul3A_1006 = arith.mulf %mul3A_1005, %bitcast_convert_type3A_1002 : vector<16xf32>
          %mul3A_1007 = arith.mulf %mul3A_1006, %bitcast_convert_type3A_1002 : vector<16xf32>
          %sub3A_1008 = arith.constant 1.500000e+00 : f32
          %sub3A_1009 = vector.broadcast %sub3A_1008 : f32 to vector<16xf32>
          %sub3A_1010 = arith.subf %sub3A_1009, %mul3A_1007 : vector<16xf32>
          %mul3A_1011 = arith.mulf %bitcast_convert_type3A_1002, %sub3A_1010 : vector<16xf32>
          %mul3A_1012 = arith.mulf %mul3A_1005, %mul3A_1011 : vector<16xf32>
          %mul3A_1013 = arith.mulf %mul3A_1012, %mul3A_1011 : vector<16xf32>
          %sub3A_1014 = arith.constant 1.500000e+00 : f32
          %sub3A_1015 = vector.broadcast %sub3A_1014 : f32 to vector<16xf32>
          %sub3A_1016 = arith.subf %sub3A_1015, %mul3A_1013 : vector<16xf32>
          %mul3A_1017 = arith.mulf %mul3A_1011, %sub3A_1016 : vector<16xf32>
          %mul3A_1018 = arith.mulf %mul3A_1005, %mul3A_1017 : vector<16xf32>
          %mul3A_1019 = arith.mulf %mul3A_1018, %mul3A_1017 : vector<16xf32>
          %sub3A_1020 = arith.constant 1.500000e+00 : f32
          %sub3A_1021 = vector.broadcast %sub3A_1020 : f32 to vector<16xf32>
          %sub3A_1022 = arith.subf %sub3A_1021, %mul3A_1019 : vector<16xf32>
          %mul3A_1023 = arith.mulf %mul3A_1017, %sub3A_1022 : vector<16xf32>
          %mul3A_1024 = arith.constant 5.000000e-01 : f32
          %mul3A_1025 = vector.broadcast %mul3A_1024 : f32 to vector<16xf32>
          %mul3A_1026 = arith.mulf %mul3A_1025, %mul3A_1023 : vector<16xf32>
          %sub3A_1027 = arith.subf %add3A_986, %add3A_968 : vector<16xf32>
          %sub3A_1028 = arith.subf %sub3A_1027, %add3A_968 : vector<16xf32>
          %mul3A_1029 = arith.mulf %sub3A_1028, %mul3A_1026 : vector<16xf32>
          %sub3A_1030 = arith.subf %add3A_986, %add3A_976 : vector<16xf32>
          %sub3A_1031 = arith.subf %sub3A_1030, %add3A_976 : vector<16xf32>
          %mul3A_1032 = arith.mulf %sub3A_1031, %mul3A_1026 : vector<16xf32>
          %sub3A_1033 = arith.subf %add3A_986, %add3A_984 : vector<16xf32>
          %sub3A_1034 = arith.subf %sub3A_1033, %add3A_984 : vector<16xf32>
          %mul3A_1035 = arith.mulf %sub3A_1034, %mul3A_1026 : vector<16xf32>
          %mul3A_1036 = arith.mulf %mul3A_1029, %sub3A_955 : vector<16xf32>
          %mul3A_1037 = arith.mulf %mul3A_1032, %sub3A_958 : vector<16xf32>
          %mul3A_1038 = arith.mulf %mul3A_1035, %sub3A : vector<16xf32>
          %sub3A_1039 = arith.subf %mul3A_1037, %mul3A_1038 : vector<16xf32>
          %swap3A = arith.index_cast %mul3A_914 : i32 to index
          %swap3A_1040 = tpu.vector_load %arg26[%swap3A] {strides = array<i32>} : memref<1200xf32, #tpu.memory_space<vmem>>, vector<16xf32>,
          %swap3A_1041 = vector.shape_cast %swap3A_1040 : vector<16xf32> to vector<16xf32>
          %swap3A_1042 = vector.shape_cast %sub3A_1039 : vector<16xf32> to vector<16xf32>
          tpu.vector_store %arg26[%swap3A], %swap3A_1042 {strides = array<i32>} : memref<1200xf32, #tpu.memory_space<vmem>>, vector<16xf32>,
          %sub3A_1043 = arith.subf %mul3A_1038, %mul3A_1036 : vector<16xf32>
          %add3A_1044 = arith.constant 400 : i32
          %add3A_1045 = arith.addi %add3A_1044, %mul3A_914 : i32
          %swap3A_1046 = arith.index_cast %add3A_1045 : i32 to index
          %swap3A_1047 = tpu.vector_load %arg26[%swap3A_1046] {strides = array<i32>} : memref<1200xf32, #tpu.memory_space<vmem>>, vector<16xf32>,
          %swap3A_1048 = vector.shape_cast %swap3A_1047 : vector<16xf32> to vector<16xf32>
          %swap3A_1049 = vector.shape_cast %sub3A_1043 : vector<16xf32> to vector<16xf32>
          tpu.vector_store %arg26[%swap3A_1046], %swap3A_1049 {strides = array<i32>} : memref<1200xf32, #tpu.memory_space<vmem>>, vector<16xf32>,
          %sub3A_1050 = arith.subf %mul3A_1036, %mul3A_1037 : vector<16xf32>
          %add3A_1051 = arith.constant 800 : i32
          %add3A_1052 = arith.addi %add3A_1051, %mul3A_914 : i32
          %swap3A_1053 = arith.index_cast %add3A_1052 : i32 to index
          %swap3A_1054 = tpu.vector_load %arg26[%swap3A_1053] {strides = array<i32>} : memref<1200xf32, #tpu.memory_space<vmem>>, vector<16xf32>,
          %swap3A_1055 = vector.shape_cast %swap3A_1054 : vector<16xf32> to vector<16xf32>
          %swap3A_1056 = vector.shape_cast %sub3A_1050 : vector<16xf32> to vector<16xf32>
          tpu.vector_store %arg26[%swap3A_1053], %swap3A_1056 {strides = array<i32>} : memref<1200xf32, #tpu.memory_space<vmem>>, vector<16xf32>,
          %mul3A_1057 = arith.mulf %mul3A_1029, %sub3A_956 : vector<16xf32>
          %mul3A_1058 = arith.mulf %mul3A_1032, %sub3A_959 : vector<16xf32>
          %mul3A_1059 = arith.mulf %mul3A_1035, %sub3A_953 : vector<16xf32>
          %sub3A_1060 = arith.subf %mul3A_1058, %mul3A_1059 : vector<16xf32>
          %swap3A_1061 = arith.index_cast %mul3A_914 : i32 to index
          %swap3A_1062 = tpu.vector_load %arg27[%swap3A_1061] {strides = array<i32>} : memref<1200xf32, #tpu.memory_space<vmem>>, vector<16xf32>,
          %swap3A_1063 = vector.shape_cast %swap3A_1062 : vector<16xf32> to vector<16xf32>
          %swap3A_1064 = vector.shape_cast %sub3A_1060 : vector<16xf32> to vector<16xf32>
          tpu.vector_store %arg27[%swap3A_1061], %swap3A_1064 {strides = array<i32>} : memref<1200xf32, #tpu.memory_space<vmem>>, vector<16xf32>,
          %sub3A_1065 = arith.subf %mul3A_1059, %mul3A_1057 : vector<16xf32>
          %add3A_1066 = arith.constant 400 : i32
          %add3A_1067 = arith.addi %add3A_1066, %mul3A_914 : i32
          %swap3A_1068 = arith.index_cast %add3A_1067 : i32 to index
          %swap3A_1069 = tpu.vector_load %arg27[%swap3A_1068] {strides = array<i32>} : memref<1200xf32, #tpu.memory_space<vmem>>, vector<16xf32>,
          %swap3A_1070 = vector.shape_cast %swap3A_1069 : vector<16xf32> to vector<16xf32>
          %swap3A_1071 = vector.shape_cast %sub3A_1065 : vector<16xf32> to vector<16xf32>
          tpu.vector_store %arg27[%swap3A_1068], %swap3A_1071 {strides = array<i32>} : memref<1200xf32, #tpu.memory_space<vmem>>, vector<16xf32>,
          %sub3A_1072 = arith.subf %mul3A_1057, %mul3A_1058 : vector<16xf32>
          %add3A_1073 = arith.constant 800 : i32
          %add3A_1074 = arith.addi %add3A_1073, %mul3A_914 : i32
          %swap3A_1075 = arith.index_cast %add3A_1074 : i32 to index
          %swap3A_1076 = tpu.vector_load %arg27[%swap3A_1075] {strides = array<i32>} : memref<1200xf32, #tpu.memory_space<vmem>>, vector<16xf32>,
          %swap3A_1077 = vector.shape_cast %swap3A_1076 : vector<16xf32> to vector<16xf32>
          %swap3A_1078 = vector.shape_cast %sub3A_1072 : vector<16xf32> to vector<16xf32>
          tpu.vector_store %arg27[%swap3A_1075], %swap3A_1078 {strides = array<i32>} : memref<1200xf32, #tpu.memory_space<vmem>>, vector<16xf32>,
          %mul3A_1079 = arith.mulf %mul3A_1029, %sub3A_957 : vector<16xf32>
          %mul3A_1080 = arith.mulf %mul3A_1032, %sub3A_960 : vector<16xf32>
          %mul3A_1081 = arith.mulf %mul3A_1035, %sub3A_954 : vector<16xf32>
          %sub3A_1082 = arith.subf %mul3A_1080, %mul3A_1081 : vector<16xf32>
          %swap3A_1083 = arith.index_cast %mul3A_914 : i32 to index
          %swap3A_1084 = tpu.vector_load %arg28[%swap3A_1083] {strides = array<i32>} : memref<1200xf32, #tpu.memory_space<vmem>>, vector<16xf32>,
          %swap3A_1085 = vector.shape_cast %swap3A_1084 : vector<16xf32> to vector<16xf32>
          %swap3A_1086 = vector.shape_cast %sub3A_1082 : vector<16xf32> to vector<16xf32>
          tpu.vector_store %arg28[%swap3A_1083], %swap3A_1086 {strides = array<i32>} : memref<1200xf32, #tpu.memory_space<vmem>>, vector<16xf32>,
          %sub3A_1087 = arith.subf %mul3A_1081, %mul3A_1079 : vector<16xf32>
          %add3A_1088 = arith.constant 400 : i32
          %add3A_1089 = arith.addi %add3A_1088, %mul3A_914 : i32
          %swap3A_1090 = arith.index_cast %add3A_1089 : i32 to index
          %swap3A_1091 = tpu.vector_load %arg28[%swap3A_1090] {strides = array<i32>} : memref<1200xf32, #tpu.memory_space<vmem>>, vector<16xf32>,
          %swap3A_1092 = vector.shape_cast %swap3A_1091 : vector<16xf32> to vector<16xf32>
          %swap3A_1093 = vector.shape_cast %sub3A_1087 : vector<16xf32> to vector<16xf32>
          tpu.vector_store %arg28[%swap3A_1090], %swap3A_1093 {strides = array<i32>} : memref<1200xf32, #tpu.memory_space<vmem>>, vector<16xf32>,
          %sub3A_1094 = arith.subf %mul3A_1079, %mul3A_1080 : vector<16xf32>
          %add3A_1095 = arith.constant 800 : i32
          %add3A_1096 = arith.addi %add3A_1095, %mul3A_914 : i32
          %swap3A_1097 = arith.index_cast %add3A_1096 : i32 to index
          %swap3A_1098 = tpu.vector_load %arg28[%swap3A_1097] {strides = array<i32>} : memref<1200xf32, #tpu.memory_space<vmem>>, vector<16xf32>,
          %swap3A_1099 = vector.shape_cast %swap3A_1098 : vector<16xf32> to vector<16xf32>
          %swap3A_1100 = vector.shape_cast %sub3A_1094 : vector<16xf32> to vector<16xf32>
          tpu.vector_store %arg28[%swap3A_1097], %swap3A_1100 {strides = array<i32>} : memref<1200xf32, #tpu.memory_space<vmem>>, vector<16xf32>,
          %scan3A_1101 = arith.constant 0 : i32
          scf.yield %scan3A_1101 : i32
        }
        %scan3A_781 = arith.constant 25 : i32
        %dma_start3A_782 = arith.constant 0 : i32
        %dma_start3A_783 = tpu.memref_slice %arg6[%dma_start3A_782] : memref<400000xf32, #tpu.memory_space<vmem_shared>> -> memref<400000xf32, #tpu.memory_space<vmem_shared>>
        tpu.enqueue_indirect_dma source(%arg26 : memref<1200xf32, #tpu.memory_space<vmem>>) target(%dma_start3A_783 : memref<400000xf32, #tpu.memory_space<vmem_shared>>) offsets(%arg25 : memref<1200xi32, #tpu.memory_space<vmem>>) semaphore(%arg55 : memref<!tpu.dma_semaphore, #tpu.memory_space<semaphore_mem>>) {add = true}
        %dma_start3A_784 = arith.constant 0 : i32
        %dma_start3A_785 = tpu.memref_slice %arg7[%dma_start3A_784] : memref<400000xf32, #tpu.memory_space<vmem_shared>> -> memref<400000xf32, #tpu.memory_space<vmem_shared>>
        tpu.enqueue_indirect_dma source(%arg27 : memref<1200xf32, #tpu.memory_space<vmem>>) target(%dma_start3A_785 : memref<400000xf32, #tpu.memory_space<vmem_shared>>) offsets(%arg25 : memref<1200xi32, #tpu.memory_space<vmem>>) semaphore(%arg55 : memref<!tpu.dma_semaphore, #tpu.memory_space<semaphore_mem>>) {add = true}
        %dma_start3A_786 = arith.constant 0 : i32
        %dma_start3A_787 = tpu.memref_slice %arg8[%dma_start3A_786] : memref<400000xf32, #tpu.memory_space<vmem_shared>> -> memref<400000xf32, #tpu.memory_space<vmem_shared>>
        tpu.enqueue_indirect_dma source(%arg28 : memref<1200xf32, #tpu.memory_space<vmem>>) target(%dma_start3A_787 : memref<400000xf32, #tpu.memory_space<vmem_shared>>) offsets(%arg25 : memref<1200xi32, #tpu.memory_space<vmem>>) semaphore(%arg55 : memref<!tpu.dma_semaphore, #tpu.memory_space<semaphore_mem>>) {add = true}
        %dma_wait3A_788 = arith.constant 0 : i32
        %dma_wait3A_789 = tpu.memref_slice %arg2[%dma_wait3A_788] : memref<1200000xf32, #tpu.memory_space<hbm>> -> memref<400000xf32, #tpu.memory_space<hbm>>
        %dma_wait3A_790 = arith.constant 0 : i32
        %dma_wait3A_791 = tpu.memref_slice %dma_wait3A_789[%dma_wait3A_790] : memref<400000xf32, #tpu.memory_space<hbm>> -> memref<400000xf32, #tpu.memory_space<hbm>>
        tpu.wait_indirect_dma semaphore(%arg48 : memref<!tpu.dma_semaphore, #tpu.memory_space<semaphore_mem>>) src(%dma_wait3A_791 : memref<400000xf32, #tpu.memory_space<hbm>>) dst(%arg30 : memref<1200xf32, #tpu.memory_space<vmem>>)
        %dma_wait3A_792 = arith.constant 400000 : i32
        %dma_wait3A_793 = tpu.memref_slice %arg2[%dma_wait3A_792] : memref<1200000xf32, #tpu.memory_space<hbm>> -> memref<400000xf32, #tpu.memory_space<hbm>>
        %dma_wait3A_794 = arith.constant 0 : i32
        %dma_wait3A_795 = tpu.memref_slice %dma_wait3A_793[%dma_wait3A_794] : memref<400000xf32, #tpu.memory_space<hbm>> -> memref<400000xf32, #tpu.memory_space<hbm>>
        tpu.wait_indirect_dma semaphore(%arg48 : memref<!tpu.dma_semaphore, #tpu.memory_space<semaphore_mem>>) src(%dma_wait3A_795 : memref<400000xf32, #tpu.memory_space<hbm>>) dst(%arg31 : memref<1200xf32, #tpu.memory_space<vmem>>)
        %dma_wait3A_796 = arith.constant 800000 : i32
        %dma_wait3A_797 = tpu.memref_slice %arg2[%dma_wait3A_796] : memref<1200000xf32, #tpu.memory_space<hbm>> -> memref<400000xf32, #tpu.memory_space<hbm>>
        %dma_wait3A_798 = arith.constant 0 : i32
        %dma_wait3A_799 = tpu.memref_slice %dma_wait3A_797[%dma_wait3A_798] : memref<400000xf32, #tpu.memory_space<hbm>> -> memref<400000xf32, #tpu.memory_space<hbm>>
        tpu.wait_indirect_dma semaphore(%arg48 : memref<!tpu.dma_semaphore, #tpu.memory_space<semaphore_mem>>) src(%dma_wait3A_799 : memref<400000xf32, #tpu.memory_space<hbm>>) dst(%arg32 : memref<1200xf32, #tpu.memory_space<vmem>>)
        %scan3A_800 = arith.constant 0 : i32
        %scan3A_801 = arith.constant 0 : i32
        %scan3A_802 = arith.constant 25 : i32
        %scan3A_803 = arith.addi %scan3A_801, %scan3A_802 : i32
        %scan3A_804 = arith.constant 1 : i32
        %scan3A_805 = scf.for %scan3A_911 = %scan3A_801 to %scan3A_803 step %scan3A_804 iter_args(%scan3A_912 = %scan3A_800) -> (i32)  : i32 {
          %mul3A_913 = arith.constant 16 : i32
          %mul3A_914 = arith.muli %scan3A_911, %mul3A_913 : i32
          %get3A = arith.index_cast %mul3A_914 : i32 to index
          %get3A_915 = tpu.vector_load %arg30[%get3A] {strides = array<i32>} : memref<1200xf32, #tpu.memory_space<vmem>>, vector<16xf32>,
          %get3A_916 = vector.shape_cast %get3A_915 : vector<16xf32> to vector<16xf32>
          %get3A_917 = arith.index_cast %mul3A_914 : i32 to index
          %get3A_918 = tpu.vector_load %arg31[%get3A_917] {strides = array<i32>} : memref<1200xf32, #tpu.memory_space<vmem>>, vector<16xf32>,
          %get3A_919 = vector.shape_cast %get3A_918 : vector<16xf32> to vector<16xf32>
          %get3A_920 = arith.index_cast %mul3A_914 : i32 to index
          %get3A_921 = tpu.vector_load %arg32[%get3A_920] {strides = array<i32>} : memref<1200xf32, #tpu.memory_space<vmem>>, vector<16xf32>,
          %get3A_922 = vector.shape_cast %get3A_921 : vector<16xf32> to vector<16xf32>
          %add3A_923 = arith.constant 400 : i32
          %add3A_924 = arith.addi %add3A_923, %mul3A_914 : i32
          %get3A_925 = arith.index_cast %add3A_924 : i32 to index
          %get3A_926 = tpu.vector_load %arg30[%get3A_925] {strides = array<i32>} : memref<1200xf32, #tpu.memory_space<vmem>>, vector<16xf32>,
          %get3A_927 = vector.shape_cast %get3A_926 : vector<16xf32> to vector<16xf32>
          %add3A_928 = arith.constant 400 : i32
          %add3A_929 = arith.addi %add3A_928, %mul3A_914 : i32
          %get3A_930 = arith.index_cast %add3A_929 : i32 to index
          %get3A_931 = tpu.vector_load %arg31[%get3A_930] {strides = array<i32>} : memref<1200xf32, #tpu.memory_space<vmem>>, vector<16xf32>,
          %get3A_932 = vector.shape_cast %get3A_931 : vector<16xf32> to vector<16xf32>
          %add3A_933 = arith.constant 400 : i32
          %add3A_934 = arith.addi %add3A_933, %mul3A_914 : i32
          %get3A_935 = arith.index_cast %add3A_934 : i32 to index
          %get3A_936 = tpu.vector_load %arg32[%get3A_935] {strides = array<i32>} : memref<1200xf32, #tpu.memory_space<vmem>>, vector<16xf32>,
          %get3A_937 = vector.shape_cast %get3A_936 : vector<16xf32> to vector<16xf32>
          %add3A_938 = arith.constant 800 : i32
          %add3A_939 = arith.addi %add3A_938, %mul3A_914 : i32
          %get3A_940 = arith.index_cast %add3A_939 : i32 to index
          %get3A_941 = tpu.vector_load %arg30[%get3A_940] {strides = array<i32>} : memref<1200xf32, #tpu.memory_space<vmem>>, vector<16xf32>,
          %get3A_942 = vector.shape_cast %get3A_941 : vector<16xf32> to vector<16xf32>
          %add3A_943 = arith.constant 800 : i32
          %add3A_944 = arith.addi %add3A_943, %mul3A_914 : i32
          %get3A_945 = arith.index_cast %add3A_944 : i32 to index
          %get3A_946 = tpu.vector_load %arg31[%get3A_945] {strides = array<i32>} : memref<1200xf32, #tpu.memory_space<vmem>>, vector<16xf32>,
          %get3A_947 = vector.shape_cast %get3A_946 : vector<16xf32> to vector<16xf32>
          %add3A_948 = arith.constant 800 : i32
          %add3A_949 = arith.addi %add3A_948, %mul3A_914 : i32
          %get3A_950 = arith.index_cast %add3A_949 : i32 to index
          %get3A_951 = tpu.vector_load %arg32[%get3A_950] {strides = array<i32>} : memref<1200xf32, #tpu.memory_space<vmem>>, vector<16xf32>,
          %get3A_952 = vector.shape_cast %get3A_951 : vector<16xf32> to vector<16xf32>
          %sub3A = arith.subf %get3A_916, %get3A_927 : vector<16xf32>
          %sub3A_953 = arith.subf %get3A_919, %get3A_932 : vector<16xf32>
          %sub3A_954 = arith.subf %get3A_922, %get3A_937 : vector<16xf32>
          %sub3A_955 = arith.subf %get3A_927, %get3A_942 : vector<16xf32>
          %sub3A_956 = arith.subf %get3A_932, %get3A_947 : vector<16xf32>
          %sub3A_957 = arith.subf %get3A_937, %get3A_952 : vector<16xf32>
          %sub3A_958 = arith.subf %get3A_942, %get3A_916 : vector<16xf32>
          %sub3A_959 = arith.subf %get3A_947, %get3A_919 : vector<16xf32>
          %sub3A_960 = arith.subf %get3A_952, %get3A_922 : vector<16xf32>
          %mul3A_961 = arith.mulf %sub3A_955, %sub3A_955 : vector<16xf32>
          %add3A_962 = arith.constant 0.000000e+00 : f32
          %add3A_963 = vector.broadcast %add3A_962 : f32 to vector<16xf32>
          %add3A_964 = arith.addf %add3A_963, %mul3A_961 : vector<16xf32>
          %mul3A_965 = arith.mulf %sub3A_956, %sub3A_956 : vector<16xf32>
          %add3A_966 = arith.addf %add3A_964, %mul3A_965 : vector<16xf32>
          %mul3A_967 = arith.mulf %sub3A_957, %sub3A_957 : vector<16xf32>
          %add3A_968 = arith.addf %add3A_966, %mul3A_967 : vector<16xf32>
          %mul3A_969 = arith.mulf %sub3A_958, %sub3A_958 : vector<16xf32>
          %add3A_970 = arith.constant 0.000000e+00 : f32
          %add3A_971 = vector.broadcast %add3A_970 : f32 to vector<16xf32>
          %add3A_972 = arith.addf %add3A_971, %mul3A_969 : vector<16xf32>
          %mul3A_973 = arith.mulf %sub3A_959, %sub3A_959 : vector<16xf32>
          %add3A_974 = arith.addf %add3A_972, %mul3A_973 : vector<16xf32>
          %mul3A_975 = arith.mulf %sub3A_960, %sub3A_960 : vector<16xf32>
          %add3A_976 = arith.addf %add3A_974, %mul3A_975 : vector<16xf32>
          %mul3A_977 = arith.mulf %sub3A, %sub3A : vector<16xf32>
          %add3A_978 = arith.constant 0.000000e+00 : f32
          %add3A_979 = vector.broadcast %add3A_978 : f32 to vector<16xf32>
          %add3A_980 = arith.addf %add3A_979, %mul3A_977 : vector<16xf32>
          %mul3A_981 = arith.mulf %sub3A_953, %sub3A_953 : vector<16xf32>
          %add3A_982 = arith.addf %add3A_980, %mul3A_981 : vector<16xf32>
          %mul3A_983 = arith.mulf %sub3A_954, %sub3A_954 : vector<16xf32>
          %add3A_984 = arith.addf %add3A_982, %mul3A_983 : vector<16xf32>
          %add3A_985 = arith.addf %add3A_968, %add3A_976 : vector<16xf32>
          %add3A_986 = arith.addf %add3A_985, %add3A_984 : vector<16xf32>
          %mul3A_987 = arith.mulf %add3A_986, %add3A_986 : vector<16xf32>
          %mul3A_988 = arith.mulf %add3A_968, %add3A_968 : vector<16xf32>
          %mul3A_989 = arith.mulf %add3A_976, %add3A_976 : vector<16xf32>
          %add3A_990 = arith.addf %mul3A_988, %mul3A_989 : vector<16xf32>
          %mul3A_991 = arith.mulf %add3A_984, %add3A_984 : vector<16xf32>
          %add3A_992 = arith.addf %add3A_990, %mul3A_991 : vector<16xf32>
          %mul3A_993 = arith.constant 2.000000e+00 : f32
          %mul3A_994 = vector.broadcast %mul3A_993 : f32 to vector<16xf32>
          %mul3A_995 = arith.mulf %mul3A_994, %add3A_992 : vector<16xf32>
          %sub3A_996 = arith.subf %mul3A_987, %mul3A_995 : vector<16xf32>
          %bitcast_convert_type3A = tpu.bitcast %sub3A_996 : vector<16xf32> -> vector<16xi32>
          %shift_right_arithmetic3A = arith.constant 1 : i32
          %shift_right_arithmetic3A_997 = vector.broadcast %shift_right_arithmetic3A : i32 to vector<16xi32>
          %shift_right_arithmetic3A_998 = arith.shrsi %bitcast_convert_type3A, %shift_right_arithmetic3A_997 : vector<16xi32>
          %sub3A_999 = arith.constant 1597463007 : i32
          %sub3A_1000 = vector.broadcast %sub3A_999 : i32 to vector<16xi32>
          %sub3A_1001 = arith.subi %sub3A_1000, %shift_right_arithmetic3A_998 : vector<16xi32>
          %bitcast_convert_type3A_1002 = tpu.bitcast %sub3A_1001 : vector<16xi32> -> vector<16xf32>
          %mul3A_1003 = arith.constant 5.000000e-01 : f32
          %mul3A_1004 = vector.broadcast %mul3A_1003 : f32 to vector<16xf32>
          %mul3A_1005 = arith.mulf %sub3A_996, %mul3A_1004 : vector<16xf32>
          %mul3A_1006 = arith.mulf %mul3A_1005, %bitcast_convert_type3A_1002 : vector<16xf32>
          %mul3A_1007 = arith.mulf %mul3A_1006, %bitcast_convert_type3A_1002 : vector<16xf32>
          %sub3A_1008 = arith.constant 1.500000e+00 : f32
          %sub3A_1009 = vector.broadcast %sub3A_1008 : f32 to vector<16xf32>
          %sub3A_1010 = arith.subf %sub3A_1009, %mul3A_1007 : vector<16xf32>
          %mul3A_1011 = arith.mulf %bitcast_convert_type3A_1002, %sub3A_1010 : vector<16xf32>
          %mul3A_1012 = arith.mulf %mul3A_1005, %mul3A_1011 : vector<16xf32>
          %mul3A_1013 = arith.mulf %mul3A_1012, %mul3A_1011 : vector<16xf32>
          %sub3A_1014 = arith.constant 1.500000e+00 : f32
          %sub3A_1015 = vector.broadcast %sub3A_1014 : f32 to vector<16xf32>
          %sub3A_1016 = arith.subf %sub3A_1015, %mul3A_1013 : vector<16xf32>
          %mul3A_1017 = arith.mulf %mul3A_1011, %sub3A_1016 : vector<16xf32>
          %mul3A_1018 = arith.mulf %mul3A_1005, %mul3A_1017 : vector<16xf32>
          %mul3A_1019 = arith.mulf %mul3A_1018, %mul3A_1017 : vector<16xf32>
          %sub3A_1020 = arith.constant 1.500000e+00 : f32
          %sub3A_1021 = vector.broadcast %sub3A_1020 : f32 to vector<16xf32>
          %sub3A_1022 = arith.subf %sub3A_1021, %mul3A_1019 : vector<16xf32>
          %mul3A_1023 = arith.mulf %mul3A_1017, %sub3A_1022 : vector<16xf32>
          %mul3A_1024 = arith.constant 5.000000e-01 : f32
          %mul3A_1025 = vector.broadcast %mul3A_1024 : f32 to vector<16xf32>
          %mul3A_1026 = arith.mulf %mul3A_1025, %mul3A_1023 : vector<16xf32>
          %sub3A_1027 = arith.subf %add3A_986, %add3A_968 : vector<16xf32>
          %sub3A_1028 = arith.subf %sub3A_1027, %add3A_968 : vector<16xf32>
          %mul3A_1029 = arith.mulf %sub3A_1028, %mul3A_1026 : vector<16xf32>
          %sub3A_1030 = arith.subf %add3A_986, %add3A_976 : vector<16xf32>
          %sub3A_1031 = arith.subf %sub3A_1030, %add3A_976 : vector<16xf32>
          %mul3A_1032 = arith.mulf %sub3A_1031, %mul3A_1026 : vector<16xf32>
          %sub3A_1033 = arith.subf %add3A_986, %add3A_984 : vector<16xf32>
          %sub3A_1034 = arith.subf %sub3A_1033, %add3A_984 : vector<16xf32>
          %mul3A_1035 = arith.mulf %sub3A_1034, %mul3A_1026 : vector<16xf32>
          %mul3A_1036 = arith.mulf %mul3A_1029, %sub3A_955 : vector<16xf32>
          %mul3A_1037 = arith.mulf %mul3A_1032, %sub3A_958 : vector<16xf32>
          %mul3A_1038 = arith.mulf %mul3A_1035, %sub3A : vector<16xf32>
          %sub3A_1039 = arith.subf %mul3A_1037, %mul3A_1038 : vector<16xf32>
          %swap3A = arith.index_cast %mul3A_914 : i32 to index
          %swap3A_1040 = tpu.vector_load %arg30[%swap3A] {strides = array<i32>} : memref<1200xf32, #tpu.memory_space<vmem>>, vector<16xf32>,
          %swap3A_1041 = vector.shape_cast %swap3A_1040 : vector<16xf32> to vector<16xf32>
          %swap3A_1042 = vector.shape_cast %sub3A_1039 : vector<16xf32> to vector<16xf32>
          tpu.vector_store %arg30[%swap3A], %swap3A_1042 {strides = array<i32>} : memref<1200xf32, #tpu.memory_space<vmem>>, vector<16xf32>,
          %sub3A_1043 = arith.subf %mul3A_1038, %mul3A_1036 : vector<16xf32>
          %add3A_1044 = arith.constant 400 : i32
          %add3A_1045 = arith.addi %add3A_1044, %mul3A_914 : i32
          %swap3A_1046 = arith.index_cast %add3A_1045 : i32 to index
          %swap3A_1047 = tpu.vector_load %arg30[%swap3A_1046] {strides = array<i32>} : memref<1200xf32, #tpu.memory_space<vmem>>, vector<16xf32>,
          %swap3A_1048 = vector.shape_cast %swap3A_1047 : vector<16xf32> to vector<16xf32>
          %swap3A_1049 = vector.shape_cast %sub3A_1043 : vector<16xf32> to vector<16xf32>
          tpu.vector_store %arg30[%swap3A_1046], %swap3A_1049 {strides = array<i32>} : memref<1200xf32, #tpu.memory_space<vmem>>, vector<16xf32>,
          %sub3A_1050 = arith.subf %mul3A_1036, %mul3A_1037 : vector<16xf32>
          %add3A_1051 = arith.constant 800 : i32
          %add3A_1052 = arith.addi %add3A_1051, %mul3A_914 : i32
          %swap3A_1053 = arith.index_cast %add3A_1052 : i32 to index
          %swap3A_1054 = tpu.vector_load %arg30[%swap3A_1053] {strides = array<i32>} : memref<1200xf32, #tpu.memory_space<vmem>>, vector<16xf32>,
          %swap3A_1055 = vector.shape_cast %swap3A_1054 : vector<16xf32> to vector<16xf32>
          %swap3A_1056 = vector.shape_cast %sub3A_1050 : vector<16xf32> to vector<16xf32>
          tpu.vector_store %arg30[%swap3A_1053], %swap3A_1056 {strides = array<i32>} : memref<1200xf32, #tpu.memory_space<vmem>>, vector<16xf32>,
          %mul3A_1057 = arith.mulf %mul3A_1029, %sub3A_956 : vector<16xf32>
          %mul3A_1058 = arith.mulf %mul3A_1032, %sub3A_959 : vector<16xf32>
          %mul3A_1059 = arith.mulf %mul3A_1035, %sub3A_953 : vector<16xf32>
          %sub3A_1060 = arith.subf %mul3A_1058, %mul3A_1059 : vector<16xf32>
          %swap3A_1061 = arith.index_cast %mul3A_914 : i32 to index
          %swap3A_1062 = tpu.vector_load %arg31[%swap3A_1061] {strides = array<i32>} : memref<1200xf32, #tpu.memory_space<vmem>>, vector<16xf32>,
          %swap3A_1063 = vector.shape_cast %swap3A_1062 : vector<16xf32> to vector<16xf32>
          %swap3A_1064 = vector.shape_cast %sub3A_1060 : vector<16xf32> to vector<16xf32>
          tpu.vector_store %arg31[%swap3A_1061], %swap3A_1064 {strides = array<i32>} : memref<1200xf32, #tpu.memory_space<vmem>>, vector<16xf32>,
          %sub3A_1065 = arith.subf %mul3A_1059, %mul3A_1057 : vector<16xf32>
          %add3A_1066 = arith.constant 400 : i32
          %add3A_1067 = arith.addi %add3A_1066, %mul3A_914 : i32
          %swap3A_1068 = arith.index_cast %add3A_1067 : i32 to index
          %swap3A_1069 = tpu.vector_load %arg31[%swap3A_1068] {strides = array<i32>} : memref<1200xf32, #tpu.memory_space<vmem>>, vector<16xf32>,
          %swap3A_1070 = vector.shape_cast %swap3A_1069 : vector<16xf32> to vector<16xf32>
          %swap3A_1071 = vector.shape_cast %sub3A_1065 : vector<16xf32> to vector<16xf32>
          tpu.vector_store %arg31[%swap3A_1068], %swap3A_1071 {strides = array<i32>} : memref<1200xf32, #tpu.memory_space<vmem>>, vector<16xf32>,
          %sub3A_1072 = arith.subf %mul3A_1057, %mul3A_1058 : vector<16xf32>
          %add3A_1073 = arith.constant 800 : i32
          %add3A_1074 = arith.addi %add3A_1073, %mul3A_914 : i32
          %swap3A_1075 = arith.index_cast %add3A_1074 : i32 to index
          %swap3A_1076 = tpu.vector_load %arg31[%swap3A_1075] {strides = array<i32>} : memref<1200xf32, #tpu.memory_space<vmem>>, vector<16xf32>,
          %swap3A_1077 = vector.shape_cast %swap3A_1076 : vector<16xf32> to vector<16xf32>
          %swap3A_1078 = vector.shape_cast %sub3A_1072 : vector<16xf32> to vector<16xf32>
          tpu.vector_store %arg31[%swap3A_1075], %swap3A_1078 {strides = array<i32>} : memref<1200xf32, #tpu.memory_space<vmem>>, vector<16xf32>,
          %mul3A_1079 = arith.mulf %mul3A_1029, %sub3A_957 : vector<16xf32>
          %mul3A_1080 = arith.mulf %mul3A_1032, %sub3A_960 : vector<16xf32>
          %mul3A_1081 = arith.mulf %mul3A_1035, %sub3A_954 : vector<16xf32>
          %sub3A_1082 = arith.subf %mul3A_1080, %mul3A_1081 : vector<16xf32>
          %swap3A_1083 = arith.index_cast %mul3A_914 : i32 to index
          %swap3A_1084 = tpu.vector_load %arg32[%swap3A_1083] {strides = array<i32>} : memref<1200xf32, #tpu.memory_space<vmem>>, vector<16xf32>,
          %swap3A_1085 = vector.shape_cast %swap3A_1084 : vector<16xf32> to vector<16xf32>
          %swap3A_1086 = vector.shape_cast %sub3A_1082 : vector<16xf32> to vector<16xf32>
          tpu.vector_store %arg32[%swap3A_1083], %swap3A_1086 {strides = array<i32>} : memref<1200xf32, #tpu.memory_space<vmem>>, vector<16xf32>,
          %sub3A_1087 = arith.subf %mul3A_1081, %mul3A_1079 : vector<16xf32>
          %add3A_1088 = arith.constant 400 : i32
          %add3A_1089 = arith.addi %add3A_1088, %mul3A_914 : i32
          %swap3A_1090 = arith.index_cast %add3A_1089 : i32 to index
          %swap3A_1091 = tpu.vector_load %arg32[%swap3A_1090] {strides = array<i32>} : memref<1200xf32, #tpu.memory_space<vmem>>, vector<16xf32>,
          %swap3A_1092 = vector.shape_cast %swap3A_1091 : vector<16xf32> to vector<16xf32>
          %swap3A_1093 = vector.shape_cast %sub3A_1087 : vector<16xf32> to vector<16xf32>
          tpu.vector_store %arg32[%swap3A_1090], %swap3A_1093 {strides = array<i32>} : memref<1200xf32, #tpu.memory_space<vmem>>, vector<16xf32>,
          %sub3A_1094 = arith.subf %mul3A_1079, %mul3A_1080 : vector<16xf32>
          %add3A_1095 = arith.constant 800 : i32
          %add3A_1096 = arith.addi %add3A_1095, %mul3A_914 : i32
          %swap3A_1097 = arith.index_cast %add3A_1096 : i32 to index
          %swap3A_1098 = tpu.vector_load %arg32[%swap3A_1097] {strides = array<i32>} : memref<1200xf32, #tpu.memory_space<vmem>>, vector<16xf32>,
          %swap3A_1099 = vector.shape_cast %swap3A_1098 : vector<16xf32> to vector<16xf32>
          %swap3A_1100 = vector.shape_cast %sub3A_1094 : vector<16xf32> to vector<16xf32>
          tpu.vector_store %arg32[%swap3A_1097], %swap3A_1100 {strides = array<i32>} : memref<1200xf32, #tpu.memory_space<vmem>>, vector<16xf32>,
          %scan3A_1101 = arith.constant 0 : i32
          scf.yield %scan3A_1101 : i32
        }
        %scan3A_806 = arith.constant 25 : i32
        %dma_start3A_807 = arith.constant 0 : i32
        %dma_start3A_808 = tpu.memref_slice %arg6[%dma_start3A_807] : memref<400000xf32, #tpu.memory_space<vmem_shared>> -> memref<400000xf32, #tpu.memory_space<vmem_shared>>
        tpu.enqueue_indirect_dma source(%arg30 : memref<1200xf32, #tpu.memory_space<vmem>>) target(%dma_start3A_808 : memref<400000xf32, #tpu.memory_space<vmem_shared>>) offsets(%arg29 : memref<1200xi32, #tpu.memory_space<vmem>>) semaphore(%arg56 : memref<!tpu.dma_semaphore, #tpu.memory_space<semaphore_mem>>) {add = true}
        %dma_start3A_809 = arith.constant 0 : i32
        %dma_start3A_810 = tpu.memref_slice %arg7[%dma_start3A_809] : memref<400000xf32, #tpu.memory_space<vmem_shared>> -> memref<400000xf32, #tpu.memory_space<vmem_shared>>
        tpu.enqueue_indirect_dma source(%arg31 : memref<1200xf32, #tpu.memory_space<vmem>>) target(%dma_start3A_810 : memref<400000xf32, #tpu.memory_space<vmem_shared>>) offsets(%arg29 : memref<1200xi32, #tpu.memory_space<vmem>>) semaphore(%arg56 : memref<!tpu.dma_semaphore, #tpu.memory_space<semaphore_mem>>) {add = true}
        %dma_start3A_811 = arith.constant 0 : i32
        %dma_start3A_812 = tpu.memref_slice %arg8[%dma_start3A_811] : memref<400000xf32, #tpu.memory_space<vmem_shared>> -> memref<400000xf32, #tpu.memory_space<vmem_shared>>
        tpu.enqueue_indirect_dma source(%arg32 : memref<1200xf32, #tpu.memory_space<vmem>>) target(%dma_start3A_812 : memref<400000xf32, #tpu.memory_space<vmem_shared>>) offsets(%arg29 : memref<1200xi32, #tpu.memory_space<vmem>>) semaphore(%arg56 : memref<!tpu.dma_semaphore, #tpu.memory_space<semaphore_mem>>) {add = true}
        %dma_wait3A_813 = arith.constant 0 : i32
        %dma_wait3A_814 = tpu.memref_slice %arg2[%dma_wait3A_813] : memref<1200000xf32, #tpu.memory_space<hbm>> -> memref<400000xf32, #tpu.memory_space<hbm>>
        %dma_wait3A_815 = arith.constant 0 : i32
        %dma_wait3A_816 = tpu.memref_slice %dma_wait3A_814[%dma_wait3A_815] : memref<400000xf32, #tpu.memory_space<hbm>> -> memref<400000xf32, #tpu.memory_space<hbm>>
        tpu.wait_indirect_dma semaphore(%arg49 : memref<!tpu.dma_semaphore, #tpu.memory_space<semaphore_mem>>) src(%dma_wait3A_816 : memref<400000xf32, #tpu.memory_space<hbm>>) dst(%arg34 : memref<1200xf32, #tpu.memory_space<vmem>>)
        %dma_wait3A_817 = arith.constant 400000 : i32
        %dma_wait3A_818 = tpu.memref_slice %arg2[%dma_wait3A_817] : memref<1200000xf32, #tpu.memory_space<hbm>> -> memref<400000xf32, #tpu.memory_space<hbm>>
        %dma_wait3A_819 = arith.constant 0 : i32
        %dma_wait3A_820 = tpu.memref_slice %dma_wait3A_818[%dma_wait3A_819] : memref<400000xf32, #tpu.memory_space<hbm>> -> memref<400000xf32, #tpu.memory_space<hbm>>
        tpu.wait_indirect_dma semaphore(%arg49 : memref<!tpu.dma_semaphore, #tpu.memory_space<semaphore_mem>>) src(%dma_wait3A_820 : memref<400000xf32, #tpu.memory_space<hbm>>) dst(%arg35 : memref<1200xf32, #tpu.memory_space<vmem>>)
        %dma_wait3A_821 = arith.constant 800000 : i32
        %dma_wait3A_822 = tpu.memref_slice %arg2[%dma_wait3A_821] : memref<1200000xf32, #tpu.memory_space<hbm>> -> memref<400000xf32, #tpu.memory_space<hbm>>
        %dma_wait3A_823 = arith.constant 0 : i32
        %dma_wait3A_824 = tpu.memref_slice %dma_wait3A_822[%dma_wait3A_823] : memref<400000xf32, #tpu.memory_space<hbm>> -> memref<400000xf32, #tpu.memory_space<hbm>>
        tpu.wait_indirect_dma semaphore(%arg49 : memref<!tpu.dma_semaphore, #tpu.memory_space<semaphore_mem>>) src(%dma_wait3A_824 : memref<400000xf32, #tpu.memory_space<hbm>>) dst(%arg36 : memref<1200xf32, #tpu.memory_space<vmem>>)
        %scan3A_825 = arith.constant 0 : i32
        %scan3A_826 = arith.constant 0 : i32
        %scan3A_827 = arith.constant 25 : i32
        %scan3A_828 = arith.addi %scan3A_826, %scan3A_827 : i32
        %scan3A_829 = arith.constant 1 : i32
        %scan3A_830 = scf.for %scan3A_911 = %scan3A_826 to %scan3A_828 step %scan3A_829 iter_args(%scan3A_912 = %scan3A_825) -> (i32)  : i32 {
          %mul3A_913 = arith.constant 16 : i32
          %mul3A_914 = arith.muli %scan3A_911, %mul3A_913 : i32
          %get3A = arith.index_cast %mul3A_914 : i32 to index
          %get3A_915 = tpu.vector_load %arg34[%get3A] {strides = array<i32>} : memref<1200xf32, #tpu.memory_space<vmem>>, vector<16xf32>,
          %get3A_916 = vector.shape_cast %get3A_915 : vector<16xf32> to vector<16xf32>
          %get3A_917 = arith.index_cast %mul3A_914 : i32 to index
          %get3A_918 = tpu.vector_load %arg35[%get3A_917] {strides = array<i32>} : memref<1200xf32, #tpu.memory_space<vmem>>, vector<16xf32>,
          %get3A_919 = vector.shape_cast %get3A_918 : vector<16xf32> to vector<16xf32>
          %get3A_920 = arith.index_cast %mul3A_914 : i32 to index
          %get3A_921 = tpu.vector_load %arg36[%get3A_920] {strides = array<i32>} : memref<1200xf32, #tpu.memory_space<vmem>>, vector<16xf32>,
          %get3A_922 = vector.shape_cast %get3A_921 : vector<16xf32> to vector<16xf32>
          %add3A_923 = arith.constant 400 : i32
          %add3A_924 = arith.addi %add3A_923, %mul3A_914 : i32
          %get3A_925 = arith.index_cast %add3A_924 : i32 to index
          %get3A_926 = tpu.vector_load %arg34[%get3A_925] {strides = array<i32>} : memref<1200xf32, #tpu.memory_space<vmem>>, vector<16xf32>,
          %get3A_927 = vector.shape_cast %get3A_926 : vector<16xf32> to vector<16xf32>
          %add3A_928 = arith.constant 400 : i32
          %add3A_929 = arith.addi %add3A_928, %mul3A_914 : i32
          %get3A_930 = arith.index_cast %add3A_929 : i32 to index
          %get3A_931 = tpu.vector_load %arg35[%get3A_930] {strides = array<i32>} : memref<1200xf32, #tpu.memory_space<vmem>>, vector<16xf32>,
          %get3A_932 = vector.shape_cast %get3A_931 : vector<16xf32> to vector<16xf32>
          %add3A_933 = arith.constant 400 : i32
          %add3A_934 = arith.addi %add3A_933, %mul3A_914 : i32
          %get3A_935 = arith.index_cast %add3A_934 : i32 to index
          %get3A_936 = tpu.vector_load %arg36[%get3A_935] {strides = array<i32>} : memref<1200xf32, #tpu.memory_space<vmem>>, vector<16xf32>,
          %get3A_937 = vector.shape_cast %get3A_936 : vector<16xf32> to vector<16xf32>
          %add3A_938 = arith.constant 800 : i32
          %add3A_939 = arith.addi %add3A_938, %mul3A_914 : i32
          %get3A_940 = arith.index_cast %add3A_939 : i32 to index
          %get3A_941 = tpu.vector_load %arg34[%get3A_940] {strides = array<i32>} : memref<1200xf32, #tpu.memory_space<vmem>>, vector<16xf32>,
          %get3A_942 = vector.shape_cast %get3A_941 : vector<16xf32> to vector<16xf32>
          %add3A_943 = arith.constant 800 : i32
          %add3A_944 = arith.addi %add3A_943, %mul3A_914 : i32
          %get3A_945 = arith.index_cast %add3A_944 : i32 to index
          %get3A_946 = tpu.vector_load %arg35[%get3A_945] {strides = array<i32>} : memref<1200xf32, #tpu.memory_space<vmem>>, vector<16xf32>,
          %get3A_947 = vector.shape_cast %get3A_946 : vector<16xf32> to vector<16xf32>
          %add3A_948 = arith.constant 800 : i32
          %add3A_949 = arith.addi %add3A_948, %mul3A_914 : i32
          %get3A_950 = arith.index_cast %add3A_949 : i32 to index
          %get3A_951 = tpu.vector_load %arg36[%get3A_950] {strides = array<i32>} : memref<1200xf32, #tpu.memory_space<vmem>>, vector<16xf32>,
          %get3A_952 = vector.shape_cast %get3A_951 : vector<16xf32> to vector<16xf32>
          %sub3A = arith.subf %get3A_916, %get3A_927 : vector<16xf32>
          %sub3A_953 = arith.subf %get3A_919, %get3A_932 : vector<16xf32>
          %sub3A_954 = arith.subf %get3A_922, %get3A_937 : vector<16xf32>
          %sub3A_955 = arith.subf %get3A_927, %get3A_942 : vector<16xf32>
          %sub3A_956 = arith.subf %get3A_932, %get3A_947 : vector<16xf32>
          %sub3A_957 = arith.subf %get3A_937, %get3A_952 : vector<16xf32>
          %sub3A_958 = arith.subf %get3A_942, %get3A_916 : vector<16xf32>
          %sub3A_959 = arith.subf %get3A_947, %get3A_919 : vector<16xf32>
          %sub3A_960 = arith.subf %get3A_952, %get3A_922 : vector<16xf32>
          %mul3A_961 = arith.mulf %sub3A_955, %sub3A_955 : vector<16xf32>
          %add3A_962 = arith.constant 0.000000e+00 : f32
          %add3A_963 = vector.broadcast %add3A_962 : f32 to vector<16xf32>
          %add3A_964 = arith.addf %add3A_963, %mul3A_961 : vector<16xf32>
          %mul3A_965 = arith.mulf %sub3A_956, %sub3A_956 : vector<16xf32>
          %add3A_966 = arith.addf %add3A_964, %mul3A_965 : vector<16xf32>
          %mul3A_967 = arith.mulf %sub3A_957, %sub3A_957 : vector<16xf32>
          %add3A_968 = arith.addf %add3A_966, %mul3A_967 : vector<16xf32>
          %mul3A_969 = arith.mulf %sub3A_958, %sub3A_958 : vector<16xf32>
          %add3A_970 = arith.constant 0.000000e+00 : f32
          %add3A_971 = vector.broadcast %add3A_970 : f32 to vector<16xf32>
          %add3A_972 = arith.addf %add3A_971, %mul3A_969 : vector<16xf32>
          %mul3A_973 = arith.mulf %sub3A_959, %sub3A_959 : vector<16xf32>
          %add3A_974 = arith.addf %add3A_972, %mul3A_973 : vector<16xf32>
          %mul3A_975 = arith.mulf %sub3A_960, %sub3A_960 : vector<16xf32>
          %add3A_976 = arith.addf %add3A_974, %mul3A_975 : vector<16xf32>
          %mul3A_977 = arith.mulf %sub3A, %sub3A : vector<16xf32>
          %add3A_978 = arith.constant 0.000000e+00 : f32
          %add3A_979 = vector.broadcast %add3A_978 : f32 to vector<16xf32>
          %add3A_980 = arith.addf %add3A_979, %mul3A_977 : vector<16xf32>
          %mul3A_981 = arith.mulf %sub3A_953, %sub3A_953 : vector<16xf32>
          %add3A_982 = arith.addf %add3A_980, %mul3A_981 : vector<16xf32>
          %mul3A_983 = arith.mulf %sub3A_954, %sub3A_954 : vector<16xf32>
          %add3A_984 = arith.addf %add3A_982, %mul3A_983 : vector<16xf32>
          %add3A_985 = arith.addf %add3A_968, %add3A_976 : vector<16xf32>
          %add3A_986 = arith.addf %add3A_985, %add3A_984 : vector<16xf32>
          %mul3A_987 = arith.mulf %add3A_986, %add3A_986 : vector<16xf32>
          %mul3A_988 = arith.mulf %add3A_968, %add3A_968 : vector<16xf32>
          %mul3A_989 = arith.mulf %add3A_976, %add3A_976 : vector<16xf32>
          %add3A_990 = arith.addf %mul3A_988, %mul3A_989 : vector<16xf32>
          %mul3A_991 = arith.mulf %add3A_984, %add3A_984 : vector<16xf32>
          %add3A_992 = arith.addf %add3A_990, %mul3A_991 : vector<16xf32>
          %mul3A_993 = arith.constant 2.000000e+00 : f32
          %mul3A_994 = vector.broadcast %mul3A_993 : f32 to vector<16xf32>
          %mul3A_995 = arith.mulf %mul3A_994, %add3A_992 : vector<16xf32>
          %sub3A_996 = arith.subf %mul3A_987, %mul3A_995 : vector<16xf32>
          %bitcast_convert_type3A = tpu.bitcast %sub3A_996 : vector<16xf32> -> vector<16xi32>
          %shift_right_arithmetic3A = arith.constant 1 : i32
          %shift_right_arithmetic3A_997 = vector.broadcast %shift_right_arithmetic3A : i32 to vector<16xi32>
          %shift_right_arithmetic3A_998 = arith.shrsi %bitcast_convert_type3A, %shift_right_arithmetic3A_997 : vector<16xi32>
          %sub3A_999 = arith.constant 1597463007 : i32
          %sub3A_1000 = vector.broadcast %sub3A_999 : i32 to vector<16xi32>
          %sub3A_1001 = arith.subi %sub3A_1000, %shift_right_arithmetic3A_998 : vector<16xi32>
          %bitcast_convert_type3A_1002 = tpu.bitcast %sub3A_1001 : vector<16xi32> -> vector<16xf32>
          %mul3A_1003 = arith.constant 5.000000e-01 : f32
          %mul3A_1004 = vector.broadcast %mul3A_1003 : f32 to vector<16xf32>
          %mul3A_1005 = arith.mulf %sub3A_996, %mul3A_1004 : vector<16xf32>
          %mul3A_1006 = arith.mulf %mul3A_1005, %bitcast_convert_type3A_1002 : vector<16xf32>
          %mul3A_1007 = arith.mulf %mul3A_1006, %bitcast_convert_type3A_1002 : vector<16xf32>
          %sub3A_1008 = arith.constant 1.500000e+00 : f32
          %sub3A_1009 = vector.broadcast %sub3A_1008 : f32 to vector<16xf32>
          %sub3A_1010 = arith.subf %sub3A_1009, %mul3A_1007 : vector<16xf32>
          %mul3A_1011 = arith.mulf %bitcast_convert_type3A_1002, %sub3A_1010 : vector<16xf32>
          %mul3A_1012 = arith.mulf %mul3A_1005, %mul3A_1011 : vector<16xf32>
          %mul3A_1013 = arith.mulf %mul3A_1012, %mul3A_1011 : vector<16xf32>
          %sub3A_1014 = arith.constant 1.500000e+00 : f32
          %sub3A_1015 = vector.broadcast %sub3A_1014 : f32 to vector<16xf32>
          %sub3A_1016 = arith.subf %sub3A_1015, %mul3A_1013 : vector<16xf32>
          %mul3A_1017 = arith.mulf %mul3A_1011, %sub3A_1016 : vector<16xf32>
          %mul3A_1018 = arith.mulf %mul3A_1005, %mul3A_1017 : vector<16xf32>
          %mul3A_1019 = arith.mulf %mul3A_1018, %mul3A_1017 : vector<16xf32>
          %sub3A_1020 = arith.constant 1.500000e+00 : f32
          %sub3A_1021 = vector.broadcast %sub3A_1020 : f32 to vector<16xf32>
          %sub3A_1022 = arith.subf %sub3A_1021, %mul3A_1019 : vector<16xf32>
          %mul3A_1023 = arith.mulf %mul3A_1017, %sub3A_1022 : vector<16xf32>
          %mul3A_1024 = arith.constant 5.000000e-01 : f32
          %mul3A_1025 = vector.broadcast %mul3A_1024 : f32 to vector<16xf32>
          %mul3A_1026 = arith.mulf %mul3A_1025, %mul3A_1023 : vector<16xf32>
          %sub3A_1027 = arith.subf %add3A_986, %add3A_968 : vector<16xf32>
          %sub3A_1028 = arith.subf %sub3A_1027, %add3A_968 : vector<16xf32>
          %mul3A_1029 = arith.mulf %sub3A_1028, %mul3A_1026 : vector<16xf32>
          %sub3A_1030 = arith.subf %add3A_986, %add3A_976 : vector<16xf32>
          %sub3A_1031 = arith.subf %sub3A_1030, %add3A_976 : vector<16xf32>
          %mul3A_1032 = arith.mulf %sub3A_1031, %mul3A_1026 : vector<16xf32>
          %sub3A_1033 = arith.subf %add3A_986, %add3A_984 : vector<16xf32>
          %sub3A_1034 = arith.subf %sub3A_1033, %add3A_984 : vector<16xf32>
          %mul3A_1035 = arith.mulf %sub3A_1034, %mul3A_1026 : vector<16xf32>
          %mul3A_1036 = arith.mulf %mul3A_1029, %sub3A_955 : vector<16xf32>
          %mul3A_1037 = arith.mulf %mul3A_1032, %sub3A_958 : vector<16xf32>
          %mul3A_1038 = arith.mulf %mul3A_1035, %sub3A : vector<16xf32>
          %sub3A_1039 = arith.subf %mul3A_1037, %mul3A_1038 : vector<16xf32>
          %swap3A = arith.index_cast %mul3A_914 : i32 to index
          %swap3A_1040 = tpu.vector_load %arg34[%swap3A] {strides = array<i32>} : memref<1200xf32, #tpu.memory_space<vmem>>, vector<16xf32>,
          %swap3A_1041 = vector.shape_cast %swap3A_1040 : vector<16xf32> to vector<16xf32>
          %swap3A_1042 = vector.shape_cast %sub3A_1039 : vector<16xf32> to vector<16xf32>
          tpu.vector_store %arg34[%swap3A], %swap3A_1042 {strides = array<i32>} : memref<1200xf32, #tpu.memory_space<vmem>>, vector<16xf32>,
          %sub3A_1043 = arith.subf %mul3A_1038, %mul3A_1036 : vector<16xf32>
          %add3A_1044 = arith.constant 400 : i32
          %add3A_1045 = arith.addi %add3A_1044, %mul3A_914 : i32
          %swap3A_1046 = arith.index_cast %add3A_1045 : i32 to index
          %swap3A_1047 = tpu.vector_load %arg34[%swap3A_1046] {strides = array<i32>} : memref<1200xf32, #tpu.memory_space<vmem>>, vector<16xf32>,
          %swap3A_1048 = vector.shape_cast %swap3A_1047 : vector<16xf32> to vector<16xf32>
          %swap3A_1049 = vector.shape_cast %sub3A_1043 : vector<16xf32> to vector<16xf32>
          tpu.vector_store %arg34[%swap3A_1046], %swap3A_1049 {strides = array<i32>} : memref<1200xf32, #tpu.memory_space<vmem>>, vector<16xf32>,
          %sub3A_1050 = arith.subf %mul3A_1036, %mul3A_1037 : vector<16xf32>
          %add3A_1051 = arith.constant 800 : i32
          %add3A_1052 = arith.addi %add3A_1051, %mul3A_914 : i32
          %swap3A_1053 = arith.index_cast %add3A_1052 : i32 to index
          %swap3A_1054 = tpu.vector_load %arg34[%swap3A_1053] {strides = array<i32>} : memref<1200xf32, #tpu.memory_space<vmem>>, vector<16xf32>,
          %swap3A_1055 = vector.shape_cast %swap3A_1054 : vector<16xf32> to vector<16xf32>
          %swap3A_1056 = vector.shape_cast %sub3A_1050 : vector<16xf32> to vector<16xf32>
          tpu.vector_store %arg34[%swap3A_1053], %swap3A_1056 {strides = array<i32>} : memref<1200xf32, #tpu.memory_space<vmem>>, vector<16xf32>,
          %mul3A_1057 = arith.mulf %mul3A_1029, %sub3A_956 : vector<16xf32>
          %mul3A_1058 = arith.mulf %mul3A_1032, %sub3A_959 : vector<16xf32>
          %mul3A_1059 = arith.mulf %mul3A_1035, %sub3A_953 : vector<16xf32>
          %sub3A_1060 = arith.subf %mul3A_1058, %mul3A_1059 : vector<16xf32>
          %swap3A_1061 = arith.index_cast %mul3A_914 : i32 to index
          %swap3A_1062 = tpu.vector_load %arg35[%swap3A_1061] {strides = array<i32>} : memref<1200xf32, #tpu.memory_space<vmem>>, vector<16xf32>,
          %swap3A_1063 = vector.shape_cast %swap3A_1062 : vector<16xf32> to vector<16xf32>
          %swap3A_1064 = vector.shape_cast %sub3A_1060 : vector<16xf32> to vector<16xf32>
          tpu.vector_store %arg35[%swap3A_1061], %swap3A_1064 {strides = array<i32>} : memref<1200xf32, #tpu.memory_space<vmem>>, vector<16xf32>,
          %sub3A_1065 = arith.subf %mul3A_1059, %mul3A_1057 : vector<16xf32>
          %add3A_1066 = arith.constant 400 : i32
          %add3A_1067 = arith.addi %add3A_1066, %mul3A_914 : i32
          %swap3A_1068 = arith.index_cast %add3A_1067 : i32 to index
          %swap3A_1069 = tpu.vector_load %arg35[%swap3A_1068] {strides = array<i32>} : memref<1200xf32, #tpu.memory_space<vmem>>, vector<16xf32>,
          %swap3A_1070 = vector.shape_cast %swap3A_1069 : vector<16xf32> to vector<16xf32>
          %swap3A_1071 = vector.shape_cast %sub3A_1065 : vector<16xf32> to vector<16xf32>
          tpu.vector_store %arg35[%swap3A_1068], %swap3A_1071 {strides = array<i32>} : memref<1200xf32, #tpu.memory_space<vmem>>, vector<16xf32>,
          %sub3A_1072 = arith.subf %mul3A_1057, %mul3A_1058 : vector<16xf32>
          %add3A_1073 = arith.constant 800 : i32
          %add3A_1074 = arith.addi %add3A_1073, %mul3A_914 : i32
          %swap3A_1075 = arith.index_cast %add3A_1074 : i32 to index
          %swap3A_1076 = tpu.vector_load %arg35[%swap3A_1075] {strides = array<i32>} : memref<1200xf32, #tpu.memory_space<vmem>>, vector<16xf32>,
          %swap3A_1077 = vector.shape_cast %swap3A_1076 : vector<16xf32> to vector<16xf32>
          %swap3A_1078 = vector.shape_cast %sub3A_1072 : vector<16xf32> to vector<16xf32>
          tpu.vector_store %arg35[%swap3A_1075], %swap3A_1078 {strides = array<i32>} : memref<1200xf32, #tpu.memory_space<vmem>>, vector<16xf32>,
          %mul3A_1079 = arith.mulf %mul3A_1029, %sub3A_957 : vector<16xf32>
          %mul3A_1080 = arith.mulf %mul3A_1032, %sub3A_960 : vector<16xf32>
          %mul3A_1081 = arith.mulf %mul3A_1035, %sub3A_954 : vector<16xf32>
          %sub3A_1082 = arith.subf %mul3A_1080, %mul3A_1081 : vector<16xf32>
          %swap3A_1083 = arith.index_cast %mul3A_914 : i32 to index
          %swap3A_1084 = tpu.vector_load %arg36[%swap3A_1083] {strides = array<i32>} : memref<1200xf32, #tpu.memory_space<vmem>>, vector<16xf32>,
          %swap3A_1085 = vector.shape_cast %swap3A_1084 : vector<16xf32> to vector<16xf32>
          %swap3A_1086 = vector.shape_cast %sub3A_1082 : vector<16xf32> to vector<16xf32>
          tpu.vector_store %arg36[%swap3A_1083], %swap3A_1086 {strides = array<i32>} : memref<1200xf32, #tpu.memory_space<vmem>>, vector<16xf32>,
          %sub3A_1087 = arith.subf %mul3A_1081, %mul3A_1079 : vector<16xf32>
          %add3A_1088 = arith.constant 400 : i32
          %add3A_1089 = arith.addi %add3A_1088, %mul3A_914 : i32
          %swap3A_1090 = arith.index_cast %add3A_1089 : i32 to index
          %swap3A_1091 = tpu.vector_load %arg36[%swap3A_1090] {strides = array<i32>} : memref<1200xf32, #tpu.memory_space<vmem>>, vector<16xf32>,
          %swap3A_1092 = vector.shape_cast %swap3A_1091 : vector<16xf32> to vector<16xf32>
          %swap3A_1093 = vector.shape_cast %sub3A_1087 : vector<16xf32> to vector<16xf32>
          tpu.vector_store %arg36[%swap3A_1090], %swap3A_1093 {strides = array<i32>} : memref<1200xf32, #tpu.memory_space<vmem>>, vector<16xf32>,
          %sub3A_1094 = arith.subf %mul3A_1079, %mul3A_1080 : vector<16xf32>
          %add3A_1095 = arith.constant 800 : i32
          %add3A_1096 = arith.addi %add3A_1095, %mul3A_914 : i32
          %swap3A_1097 = arith.index_cast %add3A_1096 : i32 to index
          %swap3A_1098 = tpu.vector_load %arg36[%swap3A_1097] {strides = array<i32>} : memref<1200xf32, #tpu.memory_space<vmem>>, vector<16xf32>,
          %swap3A_1099 = vector.shape_cast %swap3A_1098 : vector<16xf32> to vector<16xf32>
          %swap3A_1100 = vector.shape_cast %sub3A_1094 : vector<16xf32> to vector<16xf32>
          tpu.vector_store %arg36[%swap3A_1097], %swap3A_1100 {strides = array<i32>} : memref<1200xf32, #tpu.memory_space<vmem>>, vector<16xf32>,
          %scan3A_1101 = arith.constant 0 : i32
          scf.yield %scan3A_1101 : i32
        }
        %scan3A_831 = arith.constant 25 : i32
        %dma_start3A_832 = arith.constant 0 : i32
        %dma_start3A_833 = tpu.memref_slice %arg6[%dma_start3A_832] : memref<400000xf32, #tpu.memory_space<vmem_shared>> -> memref<400000xf32, #tpu.memory_space<vmem_shared>>
        tpu.enqueue_indirect_dma source(%arg34 : memref<1200xf32, #tpu.memory_space<vmem>>) target(%dma_start3A_833 : memref<400000xf32, #tpu.memory_space<vmem_shared>>) offsets(%arg33 : memref<1200xi32, #tpu.memory_space<vmem>>) semaphore(%arg57 : memref<!tpu.dma_semaphore, #tpu.memory_space<semaphore_mem>>) {add = true}
        %dma_start3A_834 = arith.constant 0 : i32
        %dma_start3A_835 = tpu.memref_slice %arg7[%dma_start3A_834] : memref<400000xf32, #tpu.memory_space<vmem_shared>> -> memref<400000xf32, #tpu.memory_space<vmem_shared>>
        tpu.enqueue_indirect_dma source(%arg35 : memref<1200xf32, #tpu.memory_space<vmem>>) target(%dma_start3A_835 : memref<400000xf32, #tpu.memory_space<vmem_shared>>) offsets(%arg33 : memref<1200xi32, #tpu.memory_space<vmem>>) semaphore(%arg57 : memref<!tpu.dma_semaphore, #tpu.memory_space<semaphore_mem>>) {add = true}
        %dma_start3A_836 = arith.constant 0 : i32
        %dma_start3A_837 = tpu.memref_slice %arg8[%dma_start3A_836] : memref<400000xf32, #tpu.memory_space<vmem_shared>> -> memref<400000xf32, #tpu.memory_space<vmem_shared>>
        tpu.enqueue_indirect_dma source(%arg36 : memref<1200xf32, #tpu.memory_space<vmem>>) target(%dma_start3A_837 : memref<400000xf32, #tpu.memory_space<vmem_shared>>) offsets(%arg33 : memref<1200xi32, #tpu.memory_space<vmem>>) semaphore(%arg57 : memref<!tpu.dma_semaphore, #tpu.memory_space<semaphore_mem>>) {add = true}
        %dma_wait3A_838 = arith.constant 0 : i32
        %dma_wait3A_839 = tpu.memref_slice %arg2[%dma_wait3A_838] : memref<1200000xf32, #tpu.memory_space<hbm>> -> memref<400000xf32, #tpu.memory_space<hbm>>
        %dma_wait3A_840 = arith.constant 0 : i32
        %dma_wait3A_841 = tpu.memref_slice %dma_wait3A_839[%dma_wait3A_840] : memref<400000xf32, #tpu.memory_space<hbm>> -> memref<400000xf32, #tpu.memory_space<hbm>>
        tpu.wait_indirect_dma semaphore(%arg50 : memref<!tpu.dma_semaphore, #tpu.memory_space<semaphore_mem>>) src(%dma_wait3A_841 : memref<400000xf32, #tpu.memory_space<hbm>>) dst(%arg38 : memref<1200xf32, #tpu.memory_space<vmem>>)
        %dma_wait3A_842 = arith.constant 400000 : i32
        %dma_wait3A_843 = tpu.memref_slice %arg2[%dma_wait3A_842] : memref<1200000xf32, #tpu.memory_space<hbm>> -> memref<400000xf32, #tpu.memory_space<hbm>>
        %dma_wait3A_844 = arith.constant 0 : i32
        %dma_wait3A_845 = tpu.memref_slice %dma_wait3A_843[%dma_wait3A_844] : memref<400000xf32, #tpu.memory_space<hbm>> -> memref<400000xf32, #tpu.memory_space<hbm>>
        tpu.wait_indirect_dma semaphore(%arg50 : memref<!tpu.dma_semaphore, #tpu.memory_space<semaphore_mem>>) src(%dma_wait3A_845 : memref<400000xf32, #tpu.memory_space<hbm>>) dst(%arg39 : memref<1200xf32, #tpu.memory_space<vmem>>)
        %dma_wait3A_846 = arith.constant 800000 : i32
        %dma_wait3A_847 = tpu.memref_slice %arg2[%dma_wait3A_846] : memref<1200000xf32, #tpu.memory_space<hbm>> -> memref<400000xf32, #tpu.memory_space<hbm>>
        %dma_wait3A_848 = arith.constant 0 : i32
        %dma_wait3A_849 = tpu.memref_slice %dma_wait3A_847[%dma_wait3A_848] : memref<400000xf32, #tpu.memory_space<hbm>> -> memref<400000xf32, #tpu.memory_space<hbm>>
        tpu.wait_indirect_dma semaphore(%arg50 : memref<!tpu.dma_semaphore, #tpu.memory_space<semaphore_mem>>) src(%dma_wait3A_849 : memref<400000xf32, #tpu.memory_space<hbm>>) dst(%arg40 : memref<1200xf32, #tpu.memory_space<vmem>>)
        %scan3A_850 = arith.constant 0 : i32
        %scan3A_851 = arith.constant 0 : i32
        %scan3A_852 = arith.constant 25 : i32
        %scan3A_853 = arith.addi %scan3A_851, %scan3A_852 : i32
        %scan3A_854 = arith.constant 1 : i32
        %scan3A_855 = scf.for %scan3A_911 = %scan3A_851 to %scan3A_853 step %scan3A_854 iter_args(%scan3A_912 = %scan3A_850) -> (i32)  : i32 {
          %mul3A_913 = arith.constant 16 : i32
          %mul3A_914 = arith.muli %scan3A_911, %mul3A_913 : i32
          %get3A = arith.index_cast %mul3A_914 : i32 to index
          %get3A_915 = tpu.vector_load %arg38[%get3A] {strides = array<i32>} : memref<1200xf32, #tpu.memory_space<vmem>>, vector<16xf32>,
          %get3A_916 = vector.shape_cast %get3A_915 : vector<16xf32> to vector<16xf32>
          %get3A_917 = arith.index_cast %mul3A_914 : i32 to index
          %get3A_918 = tpu.vector_load %arg39[%get3A_917] {strides = array<i32>} : memref<1200xf32, #tpu.memory_space<vmem>>, vector<16xf32>,
          %get3A_919 = vector.shape_cast %get3A_918 : vector<16xf32> to vector<16xf32>
          %get3A_920 = arith.index_cast %mul3A_914 : i32 to index
          %get3A_921 = tpu.vector_load %arg40[%get3A_920] {strides = array<i32>} : memref<1200xf32, #tpu.memory_space<vmem>>, vector<16xf32>,
          %get3A_922 = vector.shape_cast %get3A_921 : vector<16xf32> to vector<16xf32>
          %add3A_923 = arith.constant 400 : i32
          %add3A_924 = arith.addi %add3A_923, %mul3A_914 : i32
          %get3A_925 = arith.index_cast %add3A_924 : i32 to index
          %get3A_926 = tpu.vector_load %arg38[%get3A_925] {strides = array<i32>} : memref<1200xf32, #tpu.memory_space<vmem>>, vector<16xf32>,
          %get3A_927 = vector.shape_cast %get3A_926 : vector<16xf32> to vector<16xf32>
          %add3A_928 = arith.constant 400 : i32
          %add3A_929 = arith.addi %add3A_928, %mul3A_914 : i32
          %get3A_930 = arith.index_cast %add3A_929 : i32 to index
          %get3A_931 = tpu.vector_load %arg39[%get3A_930] {strides = array<i32>} : memref<1200xf32, #tpu.memory_space<vmem>>, vector<16xf32>,
          %get3A_932 = vector.shape_cast %get3A_931 : vector<16xf32> to vector<16xf32>
          %add3A_933 = arith.constant 400 : i32
          %add3A_934 = arith.addi %add3A_933, %mul3A_914 : i32
          %get3A_935 = arith.index_cast %add3A_934 : i32 to index
          %get3A_936 = tpu.vector_load %arg40[%get3A_935] {strides = array<i32>} : memref<1200xf32, #tpu.memory_space<vmem>>, vector<16xf32>,
          %get3A_937 = vector.shape_cast %get3A_936 : vector<16xf32> to vector<16xf32>
          %add3A_938 = arith.constant 800 : i32
          %add3A_939 = arith.addi %add3A_938, %mul3A_914 : i32
          %get3A_940 = arith.index_cast %add3A_939 : i32 to index
          %get3A_941 = tpu.vector_load %arg38[%get3A_940] {strides = array<i32>} : memref<1200xf32, #tpu.memory_space<vmem>>, vector<16xf32>,
          %get3A_942 = vector.shape_cast %get3A_941 : vector<16xf32> to vector<16xf32>
          %add3A_943 = arith.constant 800 : i32
          %add3A_944 = arith.addi %add3A_943, %mul3A_914 : i32
          %get3A_945 = arith.index_cast %add3A_944 : i32 to index
          %get3A_946 = tpu.vector_load %arg39[%get3A_945] {strides = array<i32>} : memref<1200xf32, #tpu.memory_space<vmem>>, vector<16xf32>,
          %get3A_947 = vector.shape_cast %get3A_946 : vector<16xf32> to vector<16xf32>
          %add3A_948 = arith.constant 800 : i32
          %add3A_949 = arith.addi %add3A_948, %mul3A_914 : i32
          %get3A_950 = arith.index_cast %add3A_949 : i32 to index
          %get3A_951 = tpu.vector_load %arg40[%get3A_950] {strides = array<i32>} : memref<1200xf32, #tpu.memory_space<vmem>>, vector<16xf32>,
          %get3A_952 = vector.shape_cast %get3A_951 : vector<16xf32> to vector<16xf32>
          %sub3A = arith.subf %get3A_916, %get3A_927 : vector<16xf32>
          %sub3A_953 = arith.subf %get3A_919, %get3A_932 : vector<16xf32>
          %sub3A_954 = arith.subf %get3A_922, %get3A_937 : vector<16xf32>
          %sub3A_955 = arith.subf %get3A_927, %get3A_942 : vector<16xf32>
          %sub3A_956 = arith.subf %get3A_932, %get3A_947 : vector<16xf32>
          %sub3A_957 = arith.subf %get3A_937, %get3A_952 : vector<16xf32>
          %sub3A_958 = arith.subf %get3A_942, %get3A_916 : vector<16xf32>
          %sub3A_959 = arith.subf %get3A_947, %get3A_919 : vector<16xf32>
          %sub3A_960 = arith.subf %get3A_952, %get3A_922 : vector<16xf32>
          %mul3A_961 = arith.mulf %sub3A_955, %sub3A_955 : vector<16xf32>
          %add3A_962 = arith.constant 0.000000e+00 : f32
          %add3A_963 = vector.broadcast %add3A_962 : f32 to vector<16xf32>
          %add3A_964 = arith.addf %add3A_963, %mul3A_961 : vector<16xf32>
          %mul3A_965 = arith.mulf %sub3A_956, %sub3A_956 : vector<16xf32>
          %add3A_966 = arith.addf %add3A_964, %mul3A_965 : vector<16xf32>
          %mul3A_967 = arith.mulf %sub3A_957, %sub3A_957 : vector<16xf32>
          %add3A_968 = arith.addf %add3A_966, %mul3A_967 : vector<16xf32>
          %mul3A_969 = arith.mulf %sub3A_958, %sub3A_958 : vector<16xf32>
          %add3A_970 = arith.constant 0.000000e+00 : f32
          %add3A_971 = vector.broadcast %add3A_970 : f32 to vector<16xf32>
          %add3A_972 = arith.addf %add3A_971, %mul3A_969 : vector<16xf32>
          %mul3A_973 = arith.mulf %sub3A_959, %sub3A_959 : vector<16xf32>
          %add3A_974 = arith.addf %add3A_972, %mul3A_973 : vector<16xf32>
          %mul3A_975 = arith.mulf %sub3A_960, %sub3A_960 : vector<16xf32>
          %add3A_976 = arith.addf %add3A_974, %mul3A_975 : vector<16xf32>
          %mul3A_977 = arith.mulf %sub3A, %sub3A : vector<16xf32>
          %add3A_978 = arith.constant 0.000000e+00 : f32
          %add3A_979 = vector.broadcast %add3A_978 : f32 to vector<16xf32>
          %add3A_980 = arith.addf %add3A_979, %mul3A_977 : vector<16xf32>
          %mul3A_981 = arith.mulf %sub3A_953, %sub3A_953 : vector<16xf32>
          %add3A_982 = arith.addf %add3A_980, %mul3A_981 : vector<16xf32>
          %mul3A_983 = arith.mulf %sub3A_954, %sub3A_954 : vector<16xf32>
          %add3A_984 = arith.addf %add3A_982, %mul3A_983 : vector<16xf32>
          %add3A_985 = arith.addf %add3A_968, %add3A_976 : vector<16xf32>
          %add3A_986 = arith.addf %add3A_985, %add3A_984 : vector<16xf32>
          %mul3A_987 = arith.mulf %add3A_986, %add3A_986 : vector<16xf32>
          %mul3A_988 = arith.mulf %add3A_968, %add3A_968 : vector<16xf32>
          %mul3A_989 = arith.mulf %add3A_976, %add3A_976 : vector<16xf32>
          %add3A_990 = arith.addf %mul3A_988, %mul3A_989 : vector<16xf32>
          %mul3A_991 = arith.mulf %add3A_984, %add3A_984 : vector<16xf32>
          %add3A_992 = arith.addf %add3A_990, %mul3A_991 : vector<16xf32>
          %mul3A_993 = arith.constant 2.000000e+00 : f32
          %mul3A_994 = vector.broadcast %mul3A_993 : f32 to vector<16xf32>
          %mul3A_995 = arith.mulf %mul3A_994, %add3A_992 : vector<16xf32>
          %sub3A_996 = arith.subf %mul3A_987, %mul3A_995 : vector<16xf32>
          %bitcast_convert_type3A = tpu.bitcast %sub3A_996 : vector<16xf32> -> vector<16xi32>
          %shift_right_arithmetic3A = arith.constant 1 : i32
          %shift_right_arithmetic3A_997 = vector.broadcast %shift_right_arithmetic3A : i32 to vector<16xi32>
          %shift_right_arithmetic3A_998 = arith.shrsi %bitcast_convert_type3A, %shift_right_arithmetic3A_997 : vector<16xi32>
          %sub3A_999 = arith.constant 1597463007 : i32
          %sub3A_1000 = vector.broadcast %sub3A_999 : i32 to vector<16xi32>
          %sub3A_1001 = arith.subi %sub3A_1000, %shift_right_arithmetic3A_998 : vector<16xi32>
          %bitcast_convert_type3A_1002 = tpu.bitcast %sub3A_1001 : vector<16xi32> -> vector<16xf32>
          %mul3A_1003 = arith.constant 5.000000e-01 : f32
          %mul3A_1004 = vector.broadcast %mul3A_1003 : f32 to vector<16xf32>
          %mul3A_1005 = arith.mulf %sub3A_996, %mul3A_1004 : vector<16xf32>
          %mul3A_1006 = arith.mulf %mul3A_1005, %bitcast_convert_type3A_1002 : vector<16xf32>
          %mul3A_1007 = arith.mulf %mul3A_1006, %bitcast_convert_type3A_1002 : vector<16xf32>
          %sub3A_1008 = arith.constant 1.500000e+00 : f32
          %sub3A_1009 = vector.broadcast %sub3A_1008 : f32 to vector<16xf32>
          %sub3A_1010 = arith.subf %sub3A_1009, %mul3A_1007 : vector<16xf32>
          %mul3A_1011 = arith.mulf %bitcast_convert_type3A_1002, %sub3A_1010 : vector<16xf32>
          %mul3A_1012 = arith.mulf %mul3A_1005, %mul3A_1011 : vector<16xf32>
          %mul3A_1013 = arith.mulf %mul3A_1012, %mul3A_1011 : vector<16xf32>
          %sub3A_1014 = arith.constant 1.500000e+00 : f32
          %sub3A_1015 = vector.broadcast %sub3A_1014 : f32 to vector<16xf32>
          %sub3A_1016 = arith.subf %sub3A_1015, %mul3A_1013 : vector<16xf32>
          %mul3A_1017 = arith.mulf %mul3A_1011, %sub3A_1016 : vector<16xf32>
          %mul3A_1018 = arith.mulf %mul3A_1005, %mul3A_1017 : vector<16xf32>
          %mul3A_1019 = arith.mulf %mul3A_1018, %mul3A_1017 : vector<16xf32>
          %sub3A_1020 = arith.constant 1.500000e+00 : f32
          %sub3A_1021 = vector.broadcast %sub3A_1020 : f32 to vector<16xf32>
          %sub3A_1022 = arith.subf %sub3A_1021, %mul3A_1019 : vector<16xf32>
          %mul3A_1023 = arith.mulf %mul3A_1017, %sub3A_1022 : vector<16xf32>
          %mul3A_1024 = arith.constant 5.000000e-01 : f32
          %mul3A_1025 = vector.broadcast %mul3A_1024 : f32 to vector<16xf32>
          %mul3A_1026 = arith.mulf %mul3A_1025, %mul3A_1023 : vector<16xf32>
          %sub3A_1027 = arith.subf %add3A_986, %add3A_968 : vector<16xf32>
          %sub3A_1028 = arith.subf %sub3A_1027, %add3A_968 : vector<16xf32>
          %mul3A_1029 = arith.mulf %sub3A_1028, %mul3A_1026 : vector<16xf32>
          %sub3A_1030 = arith.subf %add3A_986, %add3A_976 : vector<16xf32>
          %sub3A_1031 = arith.subf %sub3A_1030, %add3A_976 : vector<16xf32>
          %mul3A_1032 = arith.mulf %sub3A_1031, %mul3A_1026 : vector<16xf32>
          %sub3A_1033 = arith.subf %add3A_986, %add3A_984 : vector<16xf32>
          %sub3A_1034 = arith.subf %sub3A_1033, %add3A_984 : vector<16xf32>
          %mul3A_1035 = arith.mulf %sub3A_1034, %mul3A_1026 : vector<16xf32>
          %mul3A_1036 = arith.mulf %mul3A_1029, %sub3A_955 : vector<16xf32>
          %mul3A_1037 = arith.mulf %mul3A_1032, %sub3A_958 : vector<16xf32>
          %mul3A_1038 = arith.mulf %mul3A_1035, %sub3A : vector<16xf32>
          %sub3A_1039 = arith.subf %mul3A_1037, %mul3A_1038 : vector<16xf32>
          %swap3A = arith.index_cast %mul3A_914 : i32 to index
          %swap3A_1040 = tpu.vector_load %arg38[%swap3A] {strides = array<i32>} : memref<1200xf32, #tpu.memory_space<vmem>>, vector<16xf32>,
          %swap3A_1041 = vector.shape_cast %swap3A_1040 : vector<16xf32> to vector<16xf32>
          %swap3A_1042 = vector.shape_cast %sub3A_1039 : vector<16xf32> to vector<16xf32>
          tpu.vector_store %arg38[%swap3A], %swap3A_1042 {strides = array<i32>} : memref<1200xf32, #tpu.memory_space<vmem>>, vector<16xf32>,
          %sub3A_1043 = arith.subf %mul3A_1038, %mul3A_1036 : vector<16xf32>
          %add3A_1044 = arith.constant 400 : i32
          %add3A_1045 = arith.addi %add3A_1044, %mul3A_914 : i32
          %swap3A_1046 = arith.index_cast %add3A_1045 : i32 to index
          %swap3A_1047 = tpu.vector_load %arg38[%swap3A_1046] {strides = array<i32>} : memref<1200xf32, #tpu.memory_space<vmem>>, vector<16xf32>,
          %swap3A_1048 = vector.shape_cast %swap3A_1047 : vector<16xf32> to vector<16xf32>
          %swap3A_1049 = vector.shape_cast %sub3A_1043 : vector<16xf32> to vector<16xf32>
          tpu.vector_store %arg38[%swap3A_1046], %swap3A_1049 {strides = array<i32>} : memref<1200xf32, #tpu.memory_space<vmem>>, vector<16xf32>,
          %sub3A_1050 = arith.subf %mul3A_1036, %mul3A_1037 : vector<16xf32>
          %add3A_1051 = arith.constant 800 : i32
          %add3A_1052 = arith.addi %add3A_1051, %mul3A_914 : i32
          %swap3A_1053 = arith.index_cast %add3A_1052 : i32 to index
          %swap3A_1054 = tpu.vector_load %arg38[%swap3A_1053] {strides = array<i32>} : memref<1200xf32, #tpu.memory_space<vmem>>, vector<16xf32>,
          %swap3A_1055 = vector.shape_cast %swap3A_1054 : vector<16xf32> to vector<16xf32>
          %swap3A_1056 = vector.shape_cast %sub3A_1050 : vector<16xf32> to vector<16xf32>
          tpu.vector_store %arg38[%swap3A_1053], %swap3A_1056 {strides = array<i32>} : memref<1200xf32, #tpu.memory_space<vmem>>, vector<16xf32>,
          %mul3A_1057 = arith.mulf %mul3A_1029, %sub3A_956 : vector<16xf32>
          %mul3A_1058 = arith.mulf %mul3A_1032, %sub3A_959 : vector<16xf32>
          %mul3A_1059 = arith.mulf %mul3A_1035, %sub3A_953 : vector<16xf32>
          %sub3A_1060 = arith.subf %mul3A_1058, %mul3A_1059 : vector<16xf32>
          %swap3A_1061 = arith.index_cast %mul3A_914 : i32 to index
          %swap3A_1062 = tpu.vector_load %arg39[%swap3A_1061] {strides = array<i32>} : memref<1200xf32, #tpu.memory_space<vmem>>, vector<16xf32>,
          %swap3A_1063 = vector.shape_cast %swap3A_1062 : vector<16xf32> to vector<16xf32>
          %swap3A_1064 = vector.shape_cast %sub3A_1060 : vector<16xf32> to vector<16xf32>
          tpu.vector_store %arg39[%swap3A_1061], %swap3A_1064 {strides = array<i32>} : memref<1200xf32, #tpu.memory_space<vmem>>, vector<16xf32>,
          %sub3A_1065 = arith.subf %mul3A_1059, %mul3A_1057 : vector<16xf32>
          %add3A_1066 = arith.constant 400 : i32
          %add3A_1067 = arith.addi %add3A_1066, %mul3A_914 : i32
          %swap3A_1068 = arith.index_cast %add3A_1067 : i32 to index
          %swap3A_1069 = tpu.vector_load %arg39[%swap3A_1068] {strides = array<i32>} : memref<1200xf32, #tpu.memory_space<vmem>>, vector<16xf32>,
          %swap3A_1070 = vector.shape_cast %swap3A_1069 : vector<16xf32> to vector<16xf32>
          %swap3A_1071 = vector.shape_cast %sub3A_1065 : vector<16xf32> to vector<16xf32>
          tpu.vector_store %arg39[%swap3A_1068], %swap3A_1071 {strides = array<i32>} : memref<1200xf32, #tpu.memory_space<vmem>>, vector<16xf32>,
          %sub3A_1072 = arith.subf %mul3A_1057, %mul3A_1058 : vector<16xf32>
          %add3A_1073 = arith.constant 800 : i32
          %add3A_1074 = arith.addi %add3A_1073, %mul3A_914 : i32
          %swap3A_1075 = arith.index_cast %add3A_1074 : i32 to index
          %swap3A_1076 = tpu.vector_load %arg39[%swap3A_1075] {strides = array<i32>} : memref<1200xf32, #tpu.memory_space<vmem>>, vector<16xf32>,
          %swap3A_1077 = vector.shape_cast %swap3A_1076 : vector<16xf32> to vector<16xf32>
          %swap3A_1078 = vector.shape_cast %sub3A_1072 : vector<16xf32> to vector<16xf32>
          tpu.vector_store %arg39[%swap3A_1075], %swap3A_1078 {strides = array<i32>} : memref<1200xf32, #tpu.memory_space<vmem>>, vector<16xf32>,
          %mul3A_1079 = arith.mulf %mul3A_1029, %sub3A_957 : vector<16xf32>
          %mul3A_1080 = arith.mulf %mul3A_1032, %sub3A_960 : vector<16xf32>
          %mul3A_1081 = arith.mulf %mul3A_1035, %sub3A_954 : vector<16xf32>
          %sub3A_1082 = arith.subf %mul3A_1080, %mul3A_1081 : vector<16xf32>
          %swap3A_1083 = arith.index_cast %mul3A_914 : i32 to index
          %swap3A_1084 = tpu.vector_load %arg40[%swap3A_1083] {strides = array<i32>} : memref<1200xf32, #tpu.memory_space<vmem>>, vector<16xf32>,
          %swap3A_1085 = vector.shape_cast %swap3A_1084 : vector<16xf32> to vector<16xf32>
          %swap3A_1086 = vector.shape_cast %sub3A_1082 : vector<16xf32> to vector<16xf32>
          tpu.vector_store %arg40[%swap3A_1083], %swap3A_1086 {strides = array<i32>} : memref<1200xf32, #tpu.memory_space<vmem>>, vector<16xf32>,
          %sub3A_1087 = arith.subf %mul3A_1081, %mul3A_1079 : vector<16xf32>
          %add3A_1088 = arith.constant 400 : i32
          %add3A_1089 = arith.addi %add3A_1088, %mul3A_914 : i32
          %swap3A_1090 = arith.index_cast %add3A_1089 : i32 to index
          %swap3A_1091 = tpu.vector_load %arg40[%swap3A_1090] {strides = array<i32>} : memref<1200xf32, #tpu.memory_space<vmem>>, vector<16xf32>,
          %swap3A_1092 = vector.shape_cast %swap3A_1091 : vector<16xf32> to vector<16xf32>
          %swap3A_1093 = vector.shape_cast %sub3A_1087 : vector<16xf32> to vector<16xf32>
          tpu.vector_store %arg40[%swap3A_1090], %swap3A_1093 {strides = array<i32>} : memref<1200xf32, #tpu.memory_space<vmem>>, vector<16xf32>,
          %sub3A_1094 = arith.subf %mul3A_1079, %mul3A_1080 : vector<16xf32>
          %add3A_1095 = arith.constant 800 : i32
          %add3A_1096 = arith.addi %add3A_1095, %mul3A_914 : i32
          %swap3A_1097 = arith.index_cast %add3A_1096 : i32 to index
          %swap3A_1098 = tpu.vector_load %arg40[%swap3A_1097] {strides = array<i32>} : memref<1200xf32, #tpu.memory_space<vmem>>, vector<16xf32>,
          %swap3A_1099 = vector.shape_cast %swap3A_1098 : vector<16xf32> to vector<16xf32>
          %swap3A_1100 = vector.shape_cast %sub3A_1094 : vector<16xf32> to vector<16xf32>
          tpu.vector_store %arg40[%swap3A_1097], %swap3A_1100 {strides = array<i32>} : memref<1200xf32, #tpu.memory_space<vmem>>, vector<16xf32>,
          %scan3A_1101 = arith.constant 0 : i32
          scf.yield %scan3A_1101 : i32
        }
        %scan3A_856 = arith.constant 25 : i32
        %dma_start3A_857 = arith.constant 0 : i32
        %dma_start3A_858 = tpu.memref_slice %arg6[%dma_start3A_857] : memref<400000xf32, #tpu.memory_space<vmem_shared>> -> memref<400000xf32, #tpu.memory_space<vmem_shared>>
        tpu.enqueue_indirect_dma source(%arg38 : memref<1200xf32, #tpu.memory_space<vmem>>) target(%dma_start3A_858 : memref<400000xf32, #tpu.memory_space<vmem_shared>>) offsets(%arg37 : memref<1200xi32, #tpu.memory_space<vmem>>) semaphore(%arg58 : memref<!tpu.dma_semaphore, #tpu.memory_space<semaphore_mem>>) {add = true}
        %dma_start3A_859 = arith.constant 0 : i32
        %dma_start3A_860 = tpu.memref_slice %arg7[%dma_start3A_859] : memref<400000xf32, #tpu.memory_space<vmem_shared>> -> memref<400000xf32, #tpu.memory_space<vmem_shared>>
        tpu.enqueue_indirect_dma source(%arg39 : memref<1200xf32, #tpu.memory_space<vmem>>) target(%dma_start3A_860 : memref<400000xf32, #tpu.memory_space<vmem_shared>>) offsets(%arg37 : memref<1200xi32, #tpu.memory_space<vmem>>) semaphore(%arg58 : memref<!tpu.dma_semaphore, #tpu.memory_space<semaphore_mem>>) {add = true}
        %dma_start3A_861 = arith.constant 0 : i32
        %dma_start3A_862 = tpu.memref_slice %arg8[%dma_start3A_861] : memref<400000xf32, #tpu.memory_space<vmem_shared>> -> memref<400000xf32, #tpu.memory_space<vmem_shared>>
        tpu.enqueue_indirect_dma source(%arg40 : memref<1200xf32, #tpu.memory_space<vmem>>) target(%dma_start3A_862 : memref<400000xf32, #tpu.memory_space<vmem_shared>>) offsets(%arg37 : memref<1200xi32, #tpu.memory_space<vmem>>) semaphore(%arg58 : memref<!tpu.dma_semaphore, #tpu.memory_space<semaphore_mem>>) {add = true}
        %dma_wait3A_863 = arith.constant 0 : i32
        %dma_wait3A_864 = tpu.memref_slice %arg6[%dma_wait3A_863] : memref<400000xf32, #tpu.memory_space<vmem_shared>> -> memref<400000xf32, #tpu.memory_space<vmem_shared>>
        tpu.wait_indirect_dma semaphore(%arg51 : memref<!tpu.dma_semaphore, #tpu.memory_space<semaphore_mem>>) src(%arg10 : memref<1200xf32, #tpu.memory_space<vmem>>) dst(%dma_wait3A_864 : memref<400000xf32, #tpu.memory_space<vmem_shared>>)
        %dma_wait3A_865 = arith.constant 0 : i32
        %dma_wait3A_866 = tpu.memref_slice %arg7[%dma_wait3A_865] : memref<400000xf32, #tpu.memory_space<vmem_shared>> -> memref<400000xf32, #tpu.memory_space<vmem_shared>>
        tpu.wait_indirect_dma semaphore(%arg51 : memref<!tpu.dma_semaphore, #tpu.memory_space<semaphore_mem>>) src(%arg11 : memref<1200xf32, #tpu.memory_space<vmem>>) dst(%dma_wait3A_866 : memref<400000xf32, #tpu.memory_space<vmem_shared>>)
        %dma_wait3A_867 = arith.constant 0 : i32
        %dma_wait3A_868 = tpu.memref_slice %arg8[%dma_wait3A_867] : memref<400000xf32, #tpu.memory_space<vmem_shared>> -> memref<400000xf32, #tpu.memory_space<vmem_shared>>
        tpu.wait_indirect_dma semaphore(%arg51 : memref<!tpu.dma_semaphore, #tpu.memory_space<semaphore_mem>>) src(%arg12 : memref<1200xf32, #tpu.memory_space<vmem>>) dst(%dma_wait3A_868 : memref<400000xf32, #tpu.memory_space<vmem_shared>>)
        %dma_wait3A_869 = arith.constant 0 : i32
        %dma_wait3A_870 = tpu.memref_slice %arg6[%dma_wait3A_869] : memref<400000xf32, #tpu.memory_space<vmem_shared>> -> memref<400000xf32, #tpu.memory_space<vmem_shared>>
        tpu.wait_indirect_dma semaphore(%arg52 : memref<!tpu.dma_semaphore, #tpu.memory_space<semaphore_mem>>) src(%arg14 : memref<1200xf32, #tpu.memory_space<vmem>>) dst(%dma_wait3A_870 : memref<400000xf32, #tpu.memory_space<vmem_shared>>)
        %dma_wait3A_871 = arith.constant 0 : i32
        %dma_wait3A_872 = tpu.memref_slice %arg7[%dma_wait3A_871] : memref<400000xf32, #tpu.memory_space<vmem_shared>> -> memref<400000xf32, #tpu.memory_space<vmem_shared>>
        tpu.wait_indirect_dma semaphore(%arg52 : memref<!tpu.dma_semaphore, #tpu.memory_space<semaphore_mem>>) src(%arg15 : memref<1200xf32, #tpu.memory_space<vmem>>) dst(%dma_wait3A_872 : memref<400000xf32, #tpu.memory_space<vmem_shared>>)
        %dma_wait3A_873 = arith.constant 0 : i32
        %dma_wait3A_874 = tpu.memref_slice %arg8[%dma_wait3A_873] : memref<400000xf32, #tpu.memory_space<vmem_shared>> -> memref<400000xf32, #tpu.memory_space<vmem_shared>>
        tpu.wait_indirect_dma semaphore(%arg52 : memref<!tpu.dma_semaphore, #tpu.memory_space<semaphore_mem>>) src(%arg16 : memref<1200xf32, #tpu.memory_space<vmem>>) dst(%dma_wait3A_874 : memref<400000xf32, #tpu.memory_space<vmem_shared>>)
        %dma_wait3A_875 = arith.constant 0 : i32
        %dma_wait3A_876 = tpu.memref_slice %arg6[%dma_wait3A_875] : memref<400000xf32, #tpu.memory_space<vmem_shared>> -> memref<400000xf32, #tpu.memory_space<vmem_shared>>
        tpu.wait_indirect_dma semaphore(%arg53 : memref<!tpu.dma_semaphore, #tpu.memory_space<semaphore_mem>>) src(%arg18 : memref<1200xf32, #tpu.memory_space<vmem>>) dst(%dma_wait3A_876 : memref<400000xf32, #tpu.memory_space<vmem_shared>>)
        %dma_wait3A_877 = arith.constant 0 : i32
        %dma_wait3A_878 = tpu.memref_slice %arg7[%dma_wait3A_877] : memref<400000xf32, #tpu.memory_space<vmem_shared>> -> memref<400000xf32, #tpu.memory_space<vmem_shared>>
        tpu.wait_indirect_dma semaphore(%arg53 : memref<!tpu.dma_semaphore, #tpu.memory_space<semaphore_mem>>) src(%arg19 : memref<1200xf32, #tpu.memory_space<vmem>>) dst(%dma_wait3A_878 : memref<400000xf32, #tpu.memory_space<vmem_shared>>)
        %dma_wait3A_879 = arith.constant 0 : i32
        %dma_wait3A_880 = tpu.memref_slice %arg8[%dma_wait3A_879] : memref<400000xf32, #tpu.memory_space<vmem_shared>> -> memref<400000xf32, #tpu.memory_space<vmem_shared>>
        tpu.wait_indirect_dma semaphore(%arg53 : memref<!tpu.dma_semaphore, #tpu.memory_space<semaphore_mem>>) src(%arg20 : memref<1200xf32, #tpu.memory_space<vmem>>) dst(%dma_wait3A_880 : memref<400000xf32, #tpu.memory_space<vmem_shared>>)
        %dma_wait3A_881 = arith.constant 0 : i32
        %dma_wait3A_882 = tpu.memref_slice %arg6[%dma_wait3A_881] : memref<400000xf32, #tpu.memory_space<vmem_shared>> -> memref<400000xf32, #tpu.memory_space<vmem_shared>>
        tpu.wait_indirect_dma semaphore(%arg54 : memref<!tpu.dma_semaphore, #tpu.memory_space<semaphore_mem>>) src(%arg22 : memref<1200xf32, #tpu.memory_space<vmem>>) dst(%dma_wait3A_882 : memref<400000xf32, #tpu.memory_space<vmem_shared>>)
        %dma_wait3A_883 = arith.constant 0 : i32
        %dma_wait3A_884 = tpu.memref_slice %arg7[%dma_wait3A_883] : memref<400000xf32, #tpu.memory_space<vmem_shared>> -> memref<400000xf32, #tpu.memory_space<vmem_shared>>
        tpu.wait_indirect_dma semaphore(%arg54 : memref<!tpu.dma_semaphore, #tpu.memory_space<semaphore_mem>>) src(%arg23 : memref<1200xf32, #tpu.memory_space<vmem>>) dst(%dma_wait3A_884 : memref<400000xf32, #tpu.memory_space<vmem_shared>>)
        %dma_wait3A_885 = arith.constant 0 : i32
        %dma_wait3A_886 = tpu.memref_slice %arg8[%dma_wait3A_885] : memref<400000xf32, #tpu.memory_space<vmem_shared>> -> memref<400000xf32, #tpu.memory_space<vmem_shared>>
        tpu.wait_indirect_dma semaphore(%arg54 : memref<!tpu.dma_semaphore, #tpu.memory_space<semaphore_mem>>) src(%arg24 : memref<1200xf32, #tpu.memory_space<vmem>>) dst(%dma_wait3A_886 : memref<400000xf32, #tpu.memory_space<vmem_shared>>)
        %dma_wait3A_887 = arith.constant 0 : i32
        %dma_wait3A_888 = tpu.memref_slice %arg6[%dma_wait3A_887] : memref<400000xf32, #tpu.memory_space<vmem_shared>> -> memref<400000xf32, #tpu.memory_space<vmem_shared>>
        tpu.wait_indirect_dma semaphore(%arg55 : memref<!tpu.dma_semaphore, #tpu.memory_space<semaphore_mem>>) src(%arg26 : memref<1200xf32, #tpu.memory_space<vmem>>) dst(%dma_wait3A_888 : memref<400000xf32, #tpu.memory_space<vmem_shared>>)
        %dma_wait3A_889 = arith.constant 0 : i32
        %dma_wait3A_890 = tpu.memref_slice %arg7[%dma_wait3A_889] : memref<400000xf32, #tpu.memory_space<vmem_shared>> -> memref<400000xf32, #tpu.memory_space<vmem_shared>>
        tpu.wait_indirect_dma semaphore(%arg55 : memref<!tpu.dma_semaphore, #tpu.memory_space<semaphore_mem>>) src(%arg27 : memref<1200xf32, #tpu.memory_space<vmem>>) dst(%dma_wait3A_890 : memref<400000xf32, #tpu.memory_space<vmem_shared>>)
        %dma_wait3A_891 = arith.constant 0 : i32
        %dma_wait3A_892 = tpu.memref_slice %arg8[%dma_wait3A_891] : memref<400000xf32, #tpu.memory_space<vmem_shared>> -> memref<400000xf32, #tpu.memory_space<vmem_shared>>
        tpu.wait_indirect_dma semaphore(%arg55 : memref<!tpu.dma_semaphore, #tpu.memory_space<semaphore_mem>>) src(%arg28 : memref<1200xf32, #tpu.memory_space<vmem>>) dst(%dma_wait3A_892 : memref<400000xf32, #tpu.memory_space<vmem_shared>>)
        %dma_wait3A_893 = arith.constant 0 : i32
        %dma_wait3A_894 = tpu.memref_slice %arg6[%dma_wait3A_893] : memref<400000xf32, #tpu.memory_space<vmem_shared>> -> memref<400000xf32, #tpu.memory_space<vmem_shared>>
        tpu.wait_indirect_dma semaphore(%arg56 : memref<!tpu.dma_semaphore, #tpu.memory_space<semaphore_mem>>) src(%arg30 : memref<1200xf32, #tpu.memory_space<vmem>>) dst(%dma_wait3A_894 : memref<400000xf32, #tpu.memory_space<vmem_shared>>)
        %dma_wait3A_895 = arith.constant 0 : i32
        %dma_wait3A_896 = tpu.memref_slice %arg7[%dma_wait3A_895] : memref<400000xf32, #tpu.memory_space<vmem_shared>> -> memref<400000xf32, #tpu.memory_space<vmem_shared>>
        tpu.wait_indirect_dma semaphore(%arg56 : memref<!tpu.dma_semaphore, #tpu.memory_space<semaphore_mem>>) src(%arg31 : memref<1200xf32, #tpu.memory_space<vmem>>) dst(%dma_wait3A_896 : memref<400000xf32, #tpu.memory_space<vmem_shared>>)
        %dma_wait3A_897 = arith.constant 0 : i32
        %dma_wait3A_898 = tpu.memref_slice %arg8[%dma_wait3A_897] : memref<400000xf32, #tpu.memory_space<vmem_shared>> -> memref<400000xf32, #tpu.memory_space<vmem_shared>>
        tpu.wait_indirect_dma semaphore(%arg56 : memref<!tpu.dma_semaphore, #tpu.memory_space<semaphore_mem>>) src(%arg32 : memref<1200xf32, #tpu.memory_space<vmem>>) dst(%dma_wait3A_898 : memref<400000xf32, #tpu.memory_space<vmem_shared>>)
        %dma_wait3A_899 = arith.constant 0 : i32
        %dma_wait3A_900 = tpu.memref_slice %arg6[%dma_wait3A_899] : memref<400000xf32, #tpu.memory_space<vmem_shared>> -> memref<400000xf32, #tpu.memory_space<vmem_shared>>
        tpu.wait_indirect_dma semaphore(%arg57 : memref<!tpu.dma_semaphore, #tpu.memory_space<semaphore_mem>>) src(%arg34 : memref<1200xf32, #tpu.memory_space<vmem>>) dst(%dma_wait3A_900 : memref<400000xf32, #tpu.memory_space<vmem_shared>>)
        %dma_wait3A_901 = arith.constant 0 : i32
        %dma_wait3A_902 = tpu.memref_slice %arg7[%dma_wait3A_901] : memref<400000xf32, #tpu.memory_space<vmem_shared>> -> memref<400000xf32, #tpu.memory_space<vmem_shared>>
        tpu.wait_indirect_dma semaphore(%arg57 : memref<!tpu.dma_semaphore, #tpu.memory_space<semaphore_mem>>) src(%arg35 : memref<1200xf32, #tpu.memory_space<vmem>>) dst(%dma_wait3A_902 : memref<400000xf32, #tpu.memory_space<vmem_shared>>)
        %dma_wait3A_903 = arith.constant 0 : i32
        %dma_wait3A_904 = tpu.memref_slice %arg8[%dma_wait3A_903] : memref<400000xf32, #tpu.memory_space<vmem_shared>> -> memref<400000xf32, #tpu.memory_space<vmem_shared>>
        tpu.wait_indirect_dma semaphore(%arg57 : memref<!tpu.dma_semaphore, #tpu.memory_space<semaphore_mem>>) src(%arg36 : memref<1200xf32, #tpu.memory_space<vmem>>) dst(%dma_wait3A_904 : memref<400000xf32, #tpu.memory_space<vmem_shared>>)
        %dma_wait3A_905 = arith.constant 0 : i32
        %dma_wait3A_906 = tpu.memref_slice %arg6[%dma_wait3A_905] : memref<400000xf32, #tpu.memory_space<vmem_shared>> -> memref<400000xf32, #tpu.memory_space<vmem_shared>>
        tpu.wait_indirect_dma semaphore(%arg58 : memref<!tpu.dma_semaphore, #tpu.memory_space<semaphore_mem>>) src(%arg38 : memref<1200xf32, #tpu.memory_space<vmem>>) dst(%dma_wait3A_906 : memref<400000xf32, #tpu.memory_space<vmem_shared>>)
        %dma_wait3A_907 = arith.constant 0 : i32
        %dma_wait3A_908 = tpu.memref_slice %arg7[%dma_wait3A_907] : memref<400000xf32, #tpu.memory_space<vmem_shared>> -> memref<400000xf32, #tpu.memory_space<vmem_shared>>
        tpu.wait_indirect_dma semaphore(%arg58 : memref<!tpu.dma_semaphore, #tpu.memory_space<semaphore_mem>>) src(%arg39 : memref<1200xf32, #tpu.memory_space<vmem>>) dst(%dma_wait3A_908 : memref<400000xf32, #tpu.memory_space<vmem_shared>>)
        %dma_wait3A_909 = arith.constant 0 : i32
        %dma_wait3A_910 = tpu.memref_slice %arg8[%dma_wait3A_909] : memref<400000xf32, #tpu.memory_space<vmem_shared>> -> memref<400000xf32, #tpu.memory_space<vmem_shared>>
        tpu.wait_indirect_dma semaphore(%arg58 : memref<!tpu.dma_semaphore, #tpu.memory_space<semaphore_mem>>) src(%arg40 : memref<1200xf32, #tpu.memory_space<vmem>>) dst(%dma_wait3A_910 : memref<400000xf32, #tpu.memory_space<vmem_shared>>)
      } else {
      }
      %scan3A_182 = arith.constant 0 : i32
      scf.yield %scan3A_182 : i32
    }
    %scan3A_38 = arith.constant 8 : i32
    %barrier3A_39 = arith.constant 0 : index
    tpu.barrier barrier_id(%barrier3A_39)
    %add3A_40 = arith.constant 0 : i32
    %add3A_41 = arith.addi %mul3A_2, %add3A_40 : i32
    "tpu.region"() ({
      %run_scoped3A = tpu.sem_alloc : memref<!tpu.dma_semaphore, #tpu.memory_space<semaphore_mem>>
      %dma_start3A = tpu.memref_slice %arg6[%add3A_41] : memref<400000xf32, #tpu.memory_space<vmem_shared>> -> memref<5000xf32, #tpu.memory_space<vmem_shared>>
      %dma_start3A_175 = tpu.memref_slice %arg6[%add3A_41] : memref<400000xf32, #tpu.memory_space<vmem_shared>> -> memref<5000xf32, #tpu.memory_space<vmem_shared>>
      tpu.enqueue_dma source(%dma_start3A_175 : memref<5000xf32, #tpu.memory_space<vmem_shared>>) target(%arg41 : memref<5000xf32, #tpu.memory_space<vmem>>) target_semaphore(%run_scoped3A : memref<!tpu.dma_semaphore, #tpu.memory_space<semaphore_mem>>)
      %dma_wait3A = tpu.memref_slice %arg6[%add3A_41] : memref<400000xf32, #tpu.memory_space<vmem_shared>> -> memref<5000xf32, #tpu.memory_space<vmem_shared>>
      %dma_wait3A_176 = tpu.memref_slice %arg6[%add3A_41] : memref<400000xf32, #tpu.memory_space<vmem_shared>> -> memref<5000xf32, #tpu.memory_space<vmem_shared>>
      tpu.wait_dma2 semaphore(%run_scoped3A : memref<!tpu.dma_semaphore, #tpu.memory_space<semaphore_mem>>) src(%dma_wait3A_176 : memref<5000xf32, #tpu.memory_space<vmem_shared>>) dst(%arg41 : memref<5000xf32, #tpu.memory_space<vmem>>)
      tpu.yield
    }) : () -> ()
    %mul3A_42 = arith.constant 3 : i32
    %mul3A_43 = arith.muli %arg0, %mul3A_42 : i32
    %add3A_44 = arith.constant 0 : i32
    %add3A_45 = arith.addi %mul3A_43, %add3A_44 : i32
    %mul3A_46 = arith.constant 400000 : i32
    %mul3A_47 = arith.muli %add3A_45, %mul3A_46 : i32
    %add3A_48 = arith.addi %mul3A_47, %add3A_41 : i32
    "tpu.region"() ({
      %run_scoped3A = tpu.sem_alloc : memref<!tpu.dma_semaphore, #tpu.memory_space<semaphore_mem>>
      %dma_start3A = tpu.memref_slice %arg5[%add3A_48] : memref<2400000xf32, #tpu.memory_space<hbm>> -> memref<5000xf32, #tpu.memory_space<hbm>>
      %dma_start3A_175 = tpu.memref_slice %arg5[%add3A_48] : memref<2400000xf32, #tpu.memory_space<hbm>> -> memref<5000xf32, #tpu.memory_space<hbm>>
      tpu.enqueue_dma source(%arg41 : memref<5000xf32, #tpu.memory_space<vmem>>) target(%dma_start3A_175 : memref<5000xf32, #tpu.memory_space<hbm>>) target_semaphore(%run_scoped3A : memref<!tpu.dma_semaphore, #tpu.memory_space<semaphore_mem>>)
      %dma_wait3A = tpu.memref_slice %arg5[%add3A_48] : memref<2400000xf32, #tpu.memory_space<hbm>> -> memref<5000xf32, #tpu.memory_space<hbm>>
      %dma_wait3A_176 = tpu.memref_slice %arg5[%add3A_48] : memref<2400000xf32, #tpu.memory_space<hbm>> -> memref<5000xf32, #tpu.memory_space<hbm>>
      tpu.wait_dma2 semaphore(%run_scoped3A : memref<!tpu.dma_semaphore, #tpu.memory_space<semaphore_mem>>) src(%arg41 : memref<5000xf32, #tpu.memory_space<vmem>>) dst(%dma_wait3A_176 : memref<5000xf32, #tpu.memory_space<hbm>>)
      tpu.yield
    }) : () -> ()
    %add3A_49 = arith.constant 5000 : i32
    %add3A_50 = arith.addi %mul3A_2, %add3A_49 : i32
    "tpu.region"() ({
      %run_scoped3A = tpu.sem_alloc : memref<!tpu.dma_semaphore, #tpu.memory_space<semaphore_mem>>
      %dma_start3A = tpu.memref_slice %arg6[%add3A_50] : memref<400000xf32, #tpu.memory_space<vmem_shared>> -> memref<5000xf32, #tpu.memory_space<vmem_shared>>
      %dma_start3A_175 = tpu.memref_slice %arg6[%add3A_50] : memref<400000xf32, #tpu.memory_space<vmem_shared>> -> memref<5000xf32, #tpu.memory_space<vmem_shared>>
      tpu.enqueue_dma source(%dma_start3A_175 : memref<5000xf32, #tpu.memory_space<vmem_shared>>) target(%arg41 : memref<5000xf32, #tpu.memory_space<vmem>>) target_semaphore(%run_scoped3A : memref<!tpu.dma_semaphore, #tpu.memory_space<semaphore_mem>>)
      %dma_wait3A = tpu.memref_slice %arg6[%add3A_50] : memref<400000xf32, #tpu.memory_space<vmem_shared>> -> memref<5000xf32, #tpu.memory_space<vmem_shared>>
      %dma_wait3A_176 = tpu.memref_slice %arg6[%add3A_50] : memref<400000xf32, #tpu.memory_space<vmem_shared>> -> memref<5000xf32, #tpu.memory_space<vmem_shared>>
      tpu.wait_dma2 semaphore(%run_scoped3A : memref<!tpu.dma_semaphore, #tpu.memory_space<semaphore_mem>>) src(%dma_wait3A_176 : memref<5000xf32, #tpu.memory_space<vmem_shared>>) dst(%arg41 : memref<5000xf32, #tpu.memory_space<vmem>>)
      tpu.yield
    }) : () -> ()
    %mul3A_51 = arith.constant 3 : i32
    %mul3A_52 = arith.muli %arg0, %mul3A_51 : i32
    %add3A_53 = arith.constant 0 : i32
    %add3A_54 = arith.addi %mul3A_52, %add3A_53 : i32
    %mul3A_55 = arith.constant 400000 : i32
    %mul3A_56 = arith.muli %add3A_54, %mul3A_55 : i32
    %add3A_57 = arith.addi %mul3A_56, %add3A_50 : i32
    "tpu.region"() ({
      %run_scoped3A = tpu.sem_alloc : memref<!tpu.dma_semaphore, #tpu.memory_space<semaphore_mem>>
      %dma_start3A = tpu.memref_slice %arg5[%add3A_57] : memref<2400000xf32, #tpu.memory_space<hbm>> -> memref<5000xf32, #tpu.memory_space<hbm>>
      %dma_start3A_175 = tpu.memref_slice %arg5[%add3A_57] : memref<2400000xf32, #tpu.memory_space<hbm>> -> memref<5000xf32, #tpu.memory_space<hbm>>
      tpu.enqueue_dma source(%arg41 : memref<5000xf32, #tpu.memory_space<vmem>>) target(%dma_start3A_175 : memref<5000xf32, #tpu.memory_space<hbm>>) target_semaphore(%run_scoped3A : memref<!tpu.dma_semaphore, #tpu.memory_space<semaphore_mem>>)
      %dma_wait3A = tpu.memref_slice %arg5[%add3A_57] : memref<2400000xf32, #tpu.memory_space<hbm>> -> memref<5000xf32, #tpu.memory_space<hbm>>
      %dma_wait3A_176 = tpu.memref_slice %arg5[%add3A_57] : memref<2400000xf32, #tpu.memory_space<hbm>> -> memref<5000xf32, #tpu.memory_space<hbm>>
      tpu.wait_dma2 semaphore(%run_scoped3A : memref<!tpu.dma_semaphore, #tpu.memory_space<semaphore_mem>>) src(%arg41 : memref<5000xf32, #tpu.memory_space<vmem>>) dst(%dma_wait3A_176 : memref<5000xf32, #tpu.memory_space<hbm>>)
      tpu.yield
    }) : () -> ()
    %add3A_58 = arith.constant 10000 : i32
    %add3A_59 = arith.addi %mul3A_2, %add3A_58 : i32
    "tpu.region"() ({
      %run_scoped3A = tpu.sem_alloc : memref<!tpu.dma_semaphore, #tpu.memory_space<semaphore_mem>>
      %dma_start3A = tpu.memref_slice %arg6[%add3A_59] : memref<400000xf32, #tpu.memory_space<vmem_shared>> -> memref<5000xf32, #tpu.memory_space<vmem_shared>>
      %dma_start3A_175 = tpu.memref_slice %arg6[%add3A_59] : memref<400000xf32, #tpu.memory_space<vmem_shared>> -> memref<5000xf32, #tpu.memory_space<vmem_shared>>
      tpu.enqueue_dma source(%dma_start3A_175 : memref<5000xf32, #tpu.memory_space<vmem_shared>>) target(%arg41 : memref<5000xf32, #tpu.memory_space<vmem>>) target_semaphore(%run_scoped3A : memref<!tpu.dma_semaphore, #tpu.memory_space<semaphore_mem>>)
      %dma_wait3A = tpu.memref_slice %arg6[%add3A_59] : memref<400000xf32, #tpu.memory_space<vmem_shared>> -> memref<5000xf32, #tpu.memory_space<vmem_shared>>
      %dma_wait3A_176 = tpu.memref_slice %arg6[%add3A_59] : memref<400000xf32, #tpu.memory_space<vmem_shared>> -> memref<5000xf32, #tpu.memory_space<vmem_shared>>
      tpu.wait_dma2 semaphore(%run_scoped3A : memref<!tpu.dma_semaphore, #tpu.memory_space<semaphore_mem>>) src(%dma_wait3A_176 : memref<5000xf32, #tpu.memory_space<vmem_shared>>) dst(%arg41 : memref<5000xf32, #tpu.memory_space<vmem>>)
      tpu.yield
    }) : () -> ()
    %mul3A_60 = arith.constant 3 : i32
    %mul3A_61 = arith.muli %arg0, %mul3A_60 : i32
    %add3A_62 = arith.constant 0 : i32
    %add3A_63 = arith.addi %mul3A_61, %add3A_62 : i32
    %mul3A_64 = arith.constant 400000 : i32
    %mul3A_65 = arith.muli %add3A_63, %mul3A_64 : i32
    %add3A_66 = arith.addi %mul3A_65, %add3A_59 : i32
    "tpu.region"() ({
      %run_scoped3A = tpu.sem_alloc : memref<!tpu.dma_semaphore, #tpu.memory_space<semaphore_mem>>
      %dma_start3A = tpu.memref_slice %arg5[%add3A_66] : memref<2400000xf32, #tpu.memory_space<hbm>> -> memref<5000xf32, #tpu.memory_space<hbm>>
      %dma_start3A_175 = tpu.memref_slice %arg5[%add3A_66] : memref<2400000xf32, #tpu.memory_space<hbm>> -> memref<5000xf32, #tpu.memory_space<hbm>>
      tpu.enqueue_dma source(%arg41 : memref<5000xf32, #tpu.memory_space<vmem>>) target(%dma_start3A_175 : memref<5000xf32, #tpu.memory_space<hbm>>) target_semaphore(%run_scoped3A : memref<!tpu.dma_semaphore, #tpu.memory_space<semaphore_mem>>)
      %dma_wait3A = tpu.memref_slice %arg5[%add3A_66] : memref<2400000xf32, #tpu.memory_space<hbm>> -> memref<5000xf32, #tpu.memory_space<hbm>>
      %dma_wait3A_176 = tpu.memref_slice %arg5[%add3A_66] : memref<2400000xf32, #tpu.memory_space<hbm>> -> memref<5000xf32, #tpu.memory_space<hbm>>
      tpu.wait_dma2 semaphore(%run_scoped3A : memref<!tpu.dma_semaphore, #tpu.memory_space<semaphore_mem>>) src(%arg41 : memref<5000xf32, #tpu.memory_space<vmem>>) dst(%dma_wait3A_176 : memref<5000xf32, #tpu.memory_space<hbm>>)
      tpu.yield
    }) : () -> ()
    %add3A_67 = arith.constant 15000 : i32
    %add3A_68 = arith.addi %mul3A_2, %add3A_67 : i32
    "tpu.region"() ({
      %run_scoped3A = tpu.sem_alloc : memref<!tpu.dma_semaphore, #tpu.memory_space<semaphore_mem>>
      %dma_start3A = tpu.memref_slice %arg6[%add3A_68] : memref<400000xf32, #tpu.memory_space<vmem_shared>> -> memref<5000xf32, #tpu.memory_space<vmem_shared>>
      %dma_start3A_175 = tpu.memref_slice %arg6[%add3A_68] : memref<400000xf32, #tpu.memory_space<vmem_shared>> -> memref<5000xf32, #tpu.memory_space<vmem_shared>>
      tpu.enqueue_dma source(%dma_start3A_175 : memref<5000xf32, #tpu.memory_space<vmem_shared>>) target(%arg41 : memref<5000xf32, #tpu.memory_space<vmem>>) target_semaphore(%run_scoped3A : memref<!tpu.dma_semaphore, #tpu.memory_space<semaphore_mem>>)
      %dma_wait3A = tpu.memref_slice %arg6[%add3A_68] : memref<400000xf32, #tpu.memory_space<vmem_shared>> -> memref<5000xf32, #tpu.memory_space<vmem_shared>>
      %dma_wait3A_176 = tpu.memref_slice %arg6[%add3A_68] : memref<400000xf32, #tpu.memory_space<vmem_shared>> -> memref<5000xf32, #tpu.memory_space<vmem_shared>>
      tpu.wait_dma2 semaphore(%run_scoped3A : memref<!tpu.dma_semaphore, #tpu.memory_space<semaphore_mem>>) src(%dma_wait3A_176 : memref<5000xf32, #tpu.memory_space<vmem_shared>>) dst(%arg41 : memref<5000xf32, #tpu.memory_space<vmem>>)
      tpu.yield
    }) : () -> ()
    %mul3A_69 = arith.constant 3 : i32
    %mul3A_70 = arith.muli %arg0, %mul3A_69 : i32
    %add3A_71 = arith.constant 0 : i32
    %add3A_72 = arith.addi %mul3A_70, %add3A_71 : i32
    %mul3A_73 = arith.constant 400000 : i32
    %mul3A_74 = arith.muli %add3A_72, %mul3A_73 : i32
    %add3A_75 = arith.addi %mul3A_74, %add3A_68 : i32
    "tpu.region"() ({
      %run_scoped3A = tpu.sem_alloc : memref<!tpu.dma_semaphore, #tpu.memory_space<semaphore_mem>>
      %dma_start3A = tpu.memref_slice %arg5[%add3A_75] : memref<2400000xf32, #tpu.memory_space<hbm>> -> memref<5000xf32, #tpu.memory_space<hbm>>
      %dma_start3A_175 = tpu.memref_slice %arg5[%add3A_75] : memref<2400000xf32, #tpu.memory_space<hbm>> -> memref<5000xf32, #tpu.memory_space<hbm>>
      tpu.enqueue_dma source(%arg41 : memref<5000xf32, #tpu.memory_space<vmem>>) target(%dma_start3A_175 : memref<5000xf32, #tpu.memory_space<hbm>>) target_semaphore(%run_scoped3A : memref<!tpu.dma_semaphore, #tpu.memory_space<semaphore_mem>>)
      %dma_wait3A = tpu.memref_slice %arg5[%add3A_75] : memref<2400000xf32, #tpu.memory_space<hbm>> -> memref<5000xf32, #tpu.memory_space<hbm>>
      %dma_wait3A_176 = tpu.memref_slice %arg5[%add3A_75] : memref<2400000xf32, #tpu.memory_space<hbm>> -> memref<5000xf32, #tpu.memory_space<hbm>>
      tpu.wait_dma2 semaphore(%run_scoped3A : memref<!tpu.dma_semaphore, #tpu.memory_space<semaphore_mem>>) src(%arg41 : memref<5000xf32, #tpu.memory_space<vmem>>) dst(%dma_wait3A_176 : memref<5000xf32, #tpu.memory_space<hbm>>)
      tpu.yield
    }) : () -> ()
    %add3A_76 = arith.constant 20000 : i32
    %add3A_77 = arith.addi %mul3A_2, %add3A_76 : i32
    "tpu.region"() ({
      %run_scoped3A = tpu.sem_alloc : memref<!tpu.dma_semaphore, #tpu.memory_space<semaphore_mem>>
      %dma_start3A = tpu.memref_slice %arg6[%add3A_77] : memref<400000xf32, #tpu.memory_space<vmem_shared>> -> memref<5000xf32, #tpu.memory_space<vmem_shared>>
      %dma_start3A_175 = tpu.memref_slice %arg6[%add3A_77] : memref<400000xf32, #tpu.memory_space<vmem_shared>> -> memref<5000xf32, #tpu.memory_space<vmem_shared>>
      tpu.enqueue_dma source(%dma_start3A_175 : memref<5000xf32, #tpu.memory_space<vmem_shared>>) target(%arg41 : memref<5000xf32, #tpu.memory_space<vmem>>) target_semaphore(%run_scoped3A : memref<!tpu.dma_semaphore, #tpu.memory_space<semaphore_mem>>)
      %dma_wait3A = tpu.memref_slice %arg6[%add3A_77] : memref<400000xf32, #tpu.memory_space<vmem_shared>> -> memref<5000xf32, #tpu.memory_space<vmem_shared>>
      %dma_wait3A_176 = tpu.memref_slice %arg6[%add3A_77] : memref<400000xf32, #tpu.memory_space<vmem_shared>> -> memref<5000xf32, #tpu.memory_space<vmem_shared>>
      tpu.wait_dma2 semaphore(%run_scoped3A : memref<!tpu.dma_semaphore, #tpu.memory_space<semaphore_mem>>) src(%dma_wait3A_176 : memref<5000xf32, #tpu.memory_space<vmem_shared>>) dst(%arg41 : memref<5000xf32, #tpu.memory_space<vmem>>)
      tpu.yield
    }) : () -> ()
    %mul3A_78 = arith.constant 3 : i32
    %mul3A_79 = arith.muli %arg0, %mul3A_78 : i32
    %add3A_80 = arith.constant 0 : i32
    %add3A_81 = arith.addi %mul3A_79, %add3A_80 : i32
    %mul3A_82 = arith.constant 400000 : i32
    %mul3A_83 = arith.muli %add3A_81, %mul3A_82 : i32
    %add3A_84 = arith.addi %mul3A_83, %add3A_77 : i32
    "tpu.region"() ({
      %run_scoped3A = tpu.sem_alloc : memref<!tpu.dma_semaphore, #tpu.memory_space<semaphore_mem>>
      %dma_start3A = tpu.memref_slice %arg5[%add3A_84] : memref<2400000xf32, #tpu.memory_space<hbm>> -> memref<5000xf32, #tpu.memory_space<hbm>>
      %dma_start3A_175 = tpu.memref_slice %arg5[%add3A_84] : memref<2400000xf32, #tpu.memory_space<hbm>> -> memref<5000xf32, #tpu.memory_space<hbm>>
      tpu.enqueue_dma source(%arg41 : memref<5000xf32, #tpu.memory_space<vmem>>) target(%dma_start3A_175 : memref<5000xf32, #tpu.memory_space<hbm>>) target_semaphore(%run_scoped3A : memref<!tpu.dma_semaphore, #tpu.memory_space<semaphore_mem>>)
      %dma_wait3A = tpu.memref_slice %arg5[%add3A_84] : memref<2400000xf32, #tpu.memory_space<hbm>> -> memref<5000xf32, #tpu.memory_space<hbm>>
      %dma_wait3A_176 = tpu.memref_slice %arg5[%add3A_84] : memref<2400000xf32, #tpu.memory_space<hbm>> -> memref<5000xf32, #tpu.memory_space<hbm>>
      tpu.wait_dma2 semaphore(%run_scoped3A : memref<!tpu.dma_semaphore, #tpu.memory_space<semaphore_mem>>) src(%arg41 : memref<5000xf32, #tpu.memory_space<vmem>>) dst(%dma_wait3A_176 : memref<5000xf32, #tpu.memory_space<hbm>>)
      tpu.yield
    }) : () -> ()
    %add3A_85 = arith.constant 0 : i32
    %add3A_86 = arith.addi %mul3A_2, %add3A_85 : i32
    "tpu.region"() ({
      %run_scoped3A = tpu.sem_alloc : memref<!tpu.dma_semaphore, #tpu.memory_space<semaphore_mem>>
      %dma_start3A = tpu.memref_slice %arg7[%add3A_86] : memref<400000xf32, #tpu.memory_space<vmem_shared>> -> memref<5000xf32, #tpu.memory_space<vmem_shared>>
      %dma_start3A_175 = tpu.memref_slice %arg7[%add3A_86] : memref<400000xf32, #tpu.memory_space<vmem_shared>> -> memref<5000xf32, #tpu.memory_space<vmem_shared>>
      tpu.enqueue_dma source(%dma_start3A_175 : memref<5000xf32, #tpu.memory_space<vmem_shared>>) target(%arg41 : memref<5000xf32, #tpu.memory_space<vmem>>) target_semaphore(%run_scoped3A : memref<!tpu.dma_semaphore, #tpu.memory_space<semaphore_mem>>)
      %dma_wait3A = tpu.memref_slice %arg7[%add3A_86] : memref<400000xf32, #tpu.memory_space<vmem_shared>> -> memref<5000xf32, #tpu.memory_space<vmem_shared>>
      %dma_wait3A_176 = tpu.memref_slice %arg7[%add3A_86] : memref<400000xf32, #tpu.memory_space<vmem_shared>> -> memref<5000xf32, #tpu.memory_space<vmem_shared>>
      tpu.wait_dma2 semaphore(%run_scoped3A : memref<!tpu.dma_semaphore, #tpu.memory_space<semaphore_mem>>) src(%dma_wait3A_176 : memref<5000xf32, #tpu.memory_space<vmem_shared>>) dst(%arg41 : memref<5000xf32, #tpu.memory_space<vmem>>)
      tpu.yield
    }) : () -> ()
    %mul3A_87 = arith.constant 3 : i32
    %mul3A_88 = arith.muli %arg0, %mul3A_87 : i32
    %add3A_89 = arith.constant 1 : i32
    %add3A_90 = arith.addi %mul3A_88, %add3A_89 : i32
    %mul3A_91 = arith.constant 400000 : i32
    %mul3A_92 = arith.muli %add3A_90, %mul3A_91 : i32
    %add3A_93 = arith.addi %mul3A_92, %add3A_86 : i32
    "tpu.region"() ({
      %run_scoped3A = tpu.sem_alloc : memref<!tpu.dma_semaphore, #tpu.memory_space<semaphore_mem>>
      %dma_start3A = tpu.memref_slice %arg5[%add3A_93] : memref<2400000xf32, #tpu.memory_space<hbm>> -> memref<5000xf32, #tpu.memory_space<hbm>>
      %dma_start3A_175 = tpu.memref_slice %arg5[%add3A_93] : memref<2400000xf32, #tpu.memory_space<hbm>> -> memref<5000xf32, #tpu.memory_space<hbm>>
      tpu.enqueue_dma source(%arg41 : memref<5000xf32, #tpu.memory_space<vmem>>) target(%dma_start3A_175 : memref<5000xf32, #tpu.memory_space<hbm>>) target_semaphore(%run_scoped3A : memref<!tpu.dma_semaphore, #tpu.memory_space<semaphore_mem>>)
      %dma_wait3A = tpu.memref_slice %arg5[%add3A_93] : memref<2400000xf32, #tpu.memory_space<hbm>> -> memref<5000xf32, #tpu.memory_space<hbm>>
      %dma_wait3A_176 = tpu.memref_slice %arg5[%add3A_93] : memref<2400000xf32, #tpu.memory_space<hbm>> -> memref<5000xf32, #tpu.memory_space<hbm>>
      tpu.wait_dma2 semaphore(%run_scoped3A : memref<!tpu.dma_semaphore, #tpu.memory_space<semaphore_mem>>) src(%arg41 : memref<5000xf32, #tpu.memory_space<vmem>>) dst(%dma_wait3A_176 : memref<5000xf32, #tpu.memory_space<hbm>>)
      tpu.yield
    }) : () -> ()
    %add3A_94 = arith.constant 5000 : i32
    %add3A_95 = arith.addi %mul3A_2, %add3A_94 : i32
    "tpu.region"() ({
      %run_scoped3A = tpu.sem_alloc : memref<!tpu.dma_semaphore, #tpu.memory_space<semaphore_mem>>
      %dma_start3A = tpu.memref_slice %arg7[%add3A_95] : memref<400000xf32, #tpu.memory_space<vmem_shared>> -> memref<5000xf32, #tpu.memory_space<vmem_shared>>
      %dma_start3A_175 = tpu.memref_slice %arg7[%add3A_95] : memref<400000xf32, #tpu.memory_space<vmem_shared>> -> memref<5000xf32, #tpu.memory_space<vmem_shared>>
      tpu.enqueue_dma source(%dma_start3A_175 : memref<5000xf32, #tpu.memory_space<vmem_shared>>) target(%arg41 : memref<5000xf32, #tpu.memory_space<vmem>>) target_semaphore(%run_scoped3A : memref<!tpu.dma_semaphore, #tpu.memory_space<semaphore_mem>>)
      %dma_wait3A = tpu.memref_slice %arg7[%add3A_95] : memref<400000xf32, #tpu.memory_space<vmem_shared>> -> memref<5000xf32, #tpu.memory_space<vmem_shared>>
      %dma_wait3A_176 = tpu.memref_slice %arg7[%add3A_95] : memref<400000xf32, #tpu.memory_space<vmem_shared>> -> memref<5000xf32, #tpu.memory_space<vmem_shared>>
      tpu.wait_dma2 semaphore(%run_scoped3A : memref<!tpu.dma_semaphore, #tpu.memory_space<semaphore_mem>>) src(%dma_wait3A_176 : memref<5000xf32, #tpu.memory_space<vmem_shared>>) dst(%arg41 : memref<5000xf32, #tpu.memory_space<vmem>>)
      tpu.yield
    }) : () -> ()
    %mul3A_96 = arith.constant 3 : i32
    %mul3A_97 = arith.muli %arg0, %mul3A_96 : i32
    %add3A_98 = arith.constant 1 : i32
    %add3A_99 = arith.addi %mul3A_97, %add3A_98 : i32
    %mul3A_100 = arith.constant 400000 : i32
    %mul3A_101 = arith.muli %add3A_99, %mul3A_100 : i32
    %add3A_102 = arith.addi %mul3A_101, %add3A_95 : i32
    "tpu.region"() ({
      %run_scoped3A = tpu.sem_alloc : memref<!tpu.dma_semaphore, #tpu.memory_space<semaphore_mem>>
      %dma_start3A = tpu.memref_slice %arg5[%add3A_102] : memref<2400000xf32, #tpu.memory_space<hbm>> -> memref<5000xf32, #tpu.memory_space<hbm>>
      %dma_start3A_175 = tpu.memref_slice %arg5[%add3A_102] : memref<2400000xf32, #tpu.memory_space<hbm>> -> memref<5000xf32, #tpu.memory_space<hbm>>
      tpu.enqueue_dma source(%arg41 : memref<5000xf32, #tpu.memory_space<vmem>>) target(%dma_start3A_175 : memref<5000xf32, #tpu.memory_space<hbm>>) target_semaphore(%run_scoped3A : memref<!tpu.dma_semaphore, #tpu.memory_space<semaphore_mem>>)
      %dma_wait3A = tpu.memref_slice %arg5[%add3A_102] : memref<2400000xf32, #tpu.memory_space<hbm>> -> memref<5000xf32, #tpu.memory_space<hbm>>
      %dma_wait3A_176 = tpu.memref_slice %arg5[%add3A_102] : memref<2400000xf32, #tpu.memory_space<hbm>> -> memref<5000xf32, #tpu.memory_space<hbm>>
      tpu.wait_dma2 semaphore(%run_scoped3A : memref<!tpu.dma_semaphore, #tpu.memory_space<semaphore_mem>>) src(%arg41 : memref<5000xf32, #tpu.memory_space<vmem>>) dst(%dma_wait3A_176 : memref<5000xf32, #tpu.memory_space<hbm>>)
      tpu.yield
    }) : () -> ()
    %add3A_103 = arith.constant 10000 : i32
    %add3A_104 = arith.addi %mul3A_2, %add3A_103 : i32
    "tpu.region"() ({
      %run_scoped3A = tpu.sem_alloc : memref<!tpu.dma_semaphore, #tpu.memory_space<semaphore_mem>>
      %dma_start3A = tpu.memref_slice %arg7[%add3A_104] : memref<400000xf32, #tpu.memory_space<vmem_shared>> -> memref<5000xf32, #tpu.memory_space<vmem_shared>>
      %dma_start3A_175 = tpu.memref_slice %arg7[%add3A_104] : memref<400000xf32, #tpu.memory_space<vmem_shared>> -> memref<5000xf32, #tpu.memory_space<vmem_shared>>
      tpu.enqueue_dma source(%dma_start3A_175 : memref<5000xf32, #tpu.memory_space<vmem_shared>>) target(%arg41 : memref<5000xf32, #tpu.memory_space<vmem>>) target_semaphore(%run_scoped3A : memref<!tpu.dma_semaphore, #tpu.memory_space<semaphore_mem>>)
      %dma_wait3A = tpu.memref_slice %arg7[%add3A_104] : memref<400000xf32, #tpu.memory_space<vmem_shared>> -> memref<5000xf32, #tpu.memory_space<vmem_shared>>
      %dma_wait3A_176 = tpu.memref_slice %arg7[%add3A_104] : memref<400000xf32, #tpu.memory_space<vmem_shared>> -> memref<5000xf32, #tpu.memory_space<vmem_shared>>
      tpu.wait_dma2 semaphore(%run_scoped3A : memref<!tpu.dma_semaphore, #tpu.memory_space<semaphore_mem>>) src(%dma_wait3A_176 : memref<5000xf32, #tpu.memory_space<vmem_shared>>) dst(%arg41 : memref<5000xf32, #tpu.memory_space<vmem>>)
      tpu.yield
    }) : () -> ()
    %mul3A_105 = arith.constant 3 : i32
    %mul3A_106 = arith.muli %arg0, %mul3A_105 : i32
    %add3A_107 = arith.constant 1 : i32
    %add3A_108 = arith.addi %mul3A_106, %add3A_107 : i32
    %mul3A_109 = arith.constant 400000 : i32
    %mul3A_110 = arith.muli %add3A_108, %mul3A_109 : i32
    %add3A_111 = arith.addi %mul3A_110, %add3A_104 : i32
    "tpu.region"() ({
      %run_scoped3A = tpu.sem_alloc : memref<!tpu.dma_semaphore, #tpu.memory_space<semaphore_mem>>
      %dma_start3A = tpu.memref_slice %arg5[%add3A_111] : memref<2400000xf32, #tpu.memory_space<hbm>> -> memref<5000xf32, #tpu.memory_space<hbm>>
      %dma_start3A_175 = tpu.memref_slice %arg5[%add3A_111] : memref<2400000xf32, #tpu.memory_space<hbm>> -> memref<5000xf32, #tpu.memory_space<hbm>>
      tpu.enqueue_dma source(%arg41 : memref<5000xf32, #tpu.memory_space<vmem>>) target(%dma_start3A_175 : memref<5000xf32, #tpu.memory_space<hbm>>) target_semaphore(%run_scoped3A : memref<!tpu.dma_semaphore, #tpu.memory_space<semaphore_mem>>)
      %dma_wait3A = tpu.memref_slice %arg5[%add3A_111] : memref<2400000xf32, #tpu.memory_space<hbm>> -> memref<5000xf32, #tpu.memory_space<hbm>>
      %dma_wait3A_176 = tpu.memref_slice %arg5[%add3A_111] : memref<2400000xf32, #tpu.memory_space<hbm>> -> memref<5000xf32, #tpu.memory_space<hbm>>
      tpu.wait_dma2 semaphore(%run_scoped3A : memref<!tpu.dma_semaphore, #tpu.memory_space<semaphore_mem>>) src(%arg41 : memref<5000xf32, #tpu.memory_space<vmem>>) dst(%dma_wait3A_176 : memref<5000xf32, #tpu.memory_space<hbm>>)
      tpu.yield
    }) : () -> ()
    %add3A_112 = arith.constant 15000 : i32
    %add3A_113 = arith.addi %mul3A_2, %add3A_112 : i32
    "tpu.region"() ({
      %run_scoped3A = tpu.sem_alloc : memref<!tpu.dma_semaphore, #tpu.memory_space<semaphore_mem>>
      %dma_start3A = tpu.memref_slice %arg7[%add3A_113] : memref<400000xf32, #tpu.memory_space<vmem_shared>> -> memref<5000xf32, #tpu.memory_space<vmem_shared>>
      %dma_start3A_175 = tpu.memref_slice %arg7[%add3A_113] : memref<400000xf32, #tpu.memory_space<vmem_shared>> -> memref<5000xf32, #tpu.memory_space<vmem_shared>>
      tpu.enqueue_dma source(%dma_start3A_175 : memref<5000xf32, #tpu.memory_space<vmem_shared>>) target(%arg41 : memref<5000xf32, #tpu.memory_space<vmem>>) target_semaphore(%run_scoped3A : memref<!tpu.dma_semaphore, #tpu.memory_space<semaphore_mem>>)
      %dma_wait3A = tpu.memref_slice %arg7[%add3A_113] : memref<400000xf32, #tpu.memory_space<vmem_shared>> -> memref<5000xf32, #tpu.memory_space<vmem_shared>>
      %dma_wait3A_176 = tpu.memref_slice %arg7[%add3A_113] : memref<400000xf32, #tpu.memory_space<vmem_shared>> -> memref<5000xf32, #tpu.memory_space<vmem_shared>>
      tpu.wait_dma2 semaphore(%run_scoped3A : memref<!tpu.dma_semaphore, #tpu.memory_space<semaphore_mem>>) src(%dma_wait3A_176 : memref<5000xf32, #tpu.memory_space<vmem_shared>>) dst(%arg41 : memref<5000xf32, #tpu.memory_space<vmem>>)
      tpu.yield
    }) : () -> ()
    %mul3A_114 = arith.constant 3 : i32
    %mul3A_115 = arith.muli %arg0, %mul3A_114 : i32
    %add3A_116 = arith.constant 1 : i32
    %add3A_117 = arith.addi %mul3A_115, %add3A_116 : i32
    %mul3A_118 = arith.constant 400000 : i32
    %mul3A_119 = arith.muli %add3A_117, %mul3A_118 : i32
    %add3A_120 = arith.addi %mul3A_119, %add3A_113 : i32
    "tpu.region"() ({
      %run_scoped3A = tpu.sem_alloc : memref<!tpu.dma_semaphore, #tpu.memory_space<semaphore_mem>>
      %dma_start3A = tpu.memref_slice %arg5[%add3A_120] : memref<2400000xf32, #tpu.memory_space<hbm>> -> memref<5000xf32, #tpu.memory_space<hbm>>
      %dma_start3A_175 = tpu.memref_slice %arg5[%add3A_120] : memref<2400000xf32, #tpu.memory_space<hbm>> -> memref<5000xf32, #tpu.memory_space<hbm>>
      tpu.enqueue_dma source(%arg41 : memref<5000xf32, #tpu.memory_space<vmem>>) target(%dma_start3A_175 : memref<5000xf32, #tpu.memory_space<hbm>>) target_semaphore(%run_scoped3A : memref<!tpu.dma_semaphore, #tpu.memory_space<semaphore_mem>>)
      %dma_wait3A = tpu.memref_slice %arg5[%add3A_120] : memref<2400000xf32, #tpu.memory_space<hbm>> -> memref<5000xf32, #tpu.memory_space<hbm>>
      %dma_wait3A_176 = tpu.memref_slice %arg5[%add3A_120] : memref<2400000xf32, #tpu.memory_space<hbm>> -> memref<5000xf32, #tpu.memory_space<hbm>>
      tpu.wait_dma2 semaphore(%run_scoped3A : memref<!tpu.dma_semaphore, #tpu.memory_space<semaphore_mem>>) src(%arg41 : memref<5000xf32, #tpu.memory_space<vmem>>) dst(%dma_wait3A_176 : memref<5000xf32, #tpu.memory_space<hbm>>)
      tpu.yield
    }) : () -> ()
    %add3A_121 = arith.constant 20000 : i32
    %add3A_122 = arith.addi %mul3A_2, %add3A_121 : i32
    "tpu.region"() ({
      %run_scoped3A = tpu.sem_alloc : memref<!tpu.dma_semaphore, #tpu.memory_space<semaphore_mem>>
      %dma_start3A = tpu.memref_slice %arg7[%add3A_122] : memref<400000xf32, #tpu.memory_space<vmem_shared>> -> memref<5000xf32, #tpu.memory_space<vmem_shared>>
      %dma_start3A_175 = tpu.memref_slice %arg7[%add3A_122] : memref<400000xf32, #tpu.memory_space<vmem_shared>> -> memref<5000xf32, #tpu.memory_space<vmem_shared>>
      tpu.enqueue_dma source(%dma_start3A_175 : memref<5000xf32, #tpu.memory_space<vmem_shared>>) target(%arg41 : memref<5000xf32, #tpu.memory_space<vmem>>) target_semaphore(%run_scoped3A : memref<!tpu.dma_semaphore, #tpu.memory_space<semaphore_mem>>)
      %dma_wait3A = tpu.memref_slice %arg7[%add3A_122] : memref<400000xf32, #tpu.memory_space<vmem_shared>> -> memref<5000xf32, #tpu.memory_space<vmem_shared>>
      %dma_wait3A_176 = tpu.memref_slice %arg7[%add3A_122] : memref<400000xf32, #tpu.memory_space<vmem_shared>> -> memref<5000xf32, #tpu.memory_space<vmem_shared>>
      tpu.wait_dma2 semaphore(%run_scoped3A : memref<!tpu.dma_semaphore, #tpu.memory_space<semaphore_mem>>) src(%dma_wait3A_176 : memref<5000xf32, #tpu.memory_space<vmem_shared>>) dst(%arg41 : memref<5000xf32, #tpu.memory_space<vmem>>)
      tpu.yield
    }) : () -> ()
    %mul3A_123 = arith.constant 3 : i32
    %mul3A_124 = arith.muli %arg0, %mul3A_123 : i32
    %add3A_125 = arith.constant 1 : i32
    %add3A_126 = arith.addi %mul3A_124, %add3A_125 : i32
    %mul3A_127 = arith.constant 400000 : i32
    %mul3A_128 = arith.muli %add3A_126, %mul3A_127 : i32
    %add3A_129 = arith.addi %mul3A_128, %add3A_122 : i32
    "tpu.region"() ({
      %run_scoped3A = tpu.sem_alloc : memref<!tpu.dma_semaphore, #tpu.memory_space<semaphore_mem>>
      %dma_start3A = tpu.memref_slice %arg5[%add3A_129] : memref<2400000xf32, #tpu.memory_space<hbm>> -> memref<5000xf32, #tpu.memory_space<hbm>>
      %dma_start3A_175 = tpu.memref_slice %arg5[%add3A_129] : memref<2400000xf32, #tpu.memory_space<hbm>> -> memref<5000xf32, #tpu.memory_space<hbm>>
      tpu.enqueue_dma source(%arg41 : memref<5000xf32, #tpu.memory_space<vmem>>) target(%dma_start3A_175 : memref<5000xf32, #tpu.memory_space<hbm>>) target_semaphore(%run_scoped3A : memref<!tpu.dma_semaphore, #tpu.memory_space<semaphore_mem>>)
      %dma_wait3A = tpu.memref_slice %arg5[%add3A_129] : memref<2400000xf32, #tpu.memory_space<hbm>> -> memref<5000xf32, #tpu.memory_space<hbm>>
      %dma_wait3A_176 = tpu.memref_slice %arg5[%add3A_129] : memref<2400000xf32, #tpu.memory_space<hbm>> -> memref<5000xf32, #tpu.memory_space<hbm>>
      tpu.wait_dma2 semaphore(%run_scoped3A : memref<!tpu.dma_semaphore, #tpu.memory_space<semaphore_mem>>) src(%arg41 : memref<5000xf32, #tpu.memory_space<vmem>>) dst(%dma_wait3A_176 : memref<5000xf32, #tpu.memory_space<hbm>>)
      tpu.yield
    }) : () -> ()
    %add3A_130 = arith.constant 0 : i32
    %add3A_131 = arith.addi %mul3A_2, %add3A_130 : i32
    "tpu.region"() ({
      %run_scoped3A = tpu.sem_alloc : memref<!tpu.dma_semaphore, #tpu.memory_space<semaphore_mem>>
      %dma_start3A = tpu.memref_slice %arg8[%add3A_131] : memref<400000xf32, #tpu.memory_space<vmem_shared>> -> memref<5000xf32, #tpu.memory_space<vmem_shared>>
      %dma_start3A_175 = tpu.memref_slice %arg8[%add3A_131] : memref<400000xf32, #tpu.memory_space<vmem_shared>> -> memref<5000xf32, #tpu.memory_space<vmem_shared>>
      tpu.enqueue_dma source(%dma_start3A_175 : memref<5000xf32, #tpu.memory_space<vmem_shared>>) target(%arg41 : memref<5000xf32, #tpu.memory_space<vmem>>) target_semaphore(%run_scoped3A : memref<!tpu.dma_semaphore, #tpu.memory_space<semaphore_mem>>)
      %dma_wait3A = tpu.memref_slice %arg8[%add3A_131] : memref<400000xf32, #tpu.memory_space<vmem_shared>> -> memref<5000xf32, #tpu.memory_space<vmem_shared>>
      %dma_wait3A_176 = tpu.memref_slice %arg8[%add3A_131] : memref<400000xf32, #tpu.memory_space<vmem_shared>> -> memref<5000xf32, #tpu.memory_space<vmem_shared>>
      tpu.wait_dma2 semaphore(%run_scoped3A : memref<!tpu.dma_semaphore, #tpu.memory_space<semaphore_mem>>) src(%dma_wait3A_176 : memref<5000xf32, #tpu.memory_space<vmem_shared>>) dst(%arg41 : memref<5000xf32, #tpu.memory_space<vmem>>)
      tpu.yield
    }) : () -> ()
    %mul3A_132 = arith.constant 3 : i32
    %mul3A_133 = arith.muli %arg0, %mul3A_132 : i32
    %add3A_134 = arith.constant 2 : i32
    %add3A_135 = arith.addi %mul3A_133, %add3A_134 : i32
    %mul3A_136 = arith.constant 400000 : i32
    %mul3A_137 = arith.muli %add3A_135, %mul3A_136 : i32
    %add3A_138 = arith.addi %mul3A_137, %add3A_131 : i32
    "tpu.region"() ({
      %run_scoped3A = tpu.sem_alloc : memref<!tpu.dma_semaphore, #tpu.memory_space<semaphore_mem>>
      %dma_start3A = tpu.memref_slice %arg5[%add3A_138] : memref<2400000xf32, #tpu.memory_space<hbm>> -> memref<5000xf32, #tpu.memory_space<hbm>>
      %dma_start3A_175 = tpu.memref_slice %arg5[%add3A_138] : memref<2400000xf32, #tpu.memory_space<hbm>> -> memref<5000xf32, #tpu.memory_space<hbm>>
      tpu.enqueue_dma source(%arg41 : memref<5000xf32, #tpu.memory_space<vmem>>) target(%dma_start3A_175 : memref<5000xf32, #tpu.memory_space<hbm>>) target_semaphore(%run_scoped3A : memref<!tpu.dma_semaphore, #tpu.memory_space<semaphore_mem>>)
      %dma_wait3A = tpu.memref_slice %arg5[%add3A_138] : memref<2400000xf32, #tpu.memory_space<hbm>> -> memref<5000xf32, #tpu.memory_space<hbm>>
      %dma_wait3A_176 = tpu.memref_slice %arg5[%add3A_138] : memref<2400000xf32, #tpu.memory_space<hbm>> -> memref<5000xf32, #tpu.memory_space<hbm>>
      tpu.wait_dma2 semaphore(%run_scoped3A : memref<!tpu.dma_semaphore, #tpu.memory_space<semaphore_mem>>) src(%arg41 : memref<5000xf32, #tpu.memory_space<vmem>>) dst(%dma_wait3A_176 : memref<5000xf32, #tpu.memory_space<hbm>>)
      tpu.yield
    }) : () -> ()
    %add3A_139 = arith.constant 5000 : i32
    %add3A_140 = arith.addi %mul3A_2, %add3A_139 : i32
    "tpu.region"() ({
      %run_scoped3A = tpu.sem_alloc : memref<!tpu.dma_semaphore, #tpu.memory_space<semaphore_mem>>
      %dma_start3A = tpu.memref_slice %arg8[%add3A_140] : memref<400000xf32, #tpu.memory_space<vmem_shared>> -> memref<5000xf32, #tpu.memory_space<vmem_shared>>
      %dma_start3A_175 = tpu.memref_slice %arg8[%add3A_140] : memref<400000xf32, #tpu.memory_space<vmem_shared>> -> memref<5000xf32, #tpu.memory_space<vmem_shared>>
      tpu.enqueue_dma source(%dma_start3A_175 : memref<5000xf32, #tpu.memory_space<vmem_shared>>) target(%arg41 : memref<5000xf32, #tpu.memory_space<vmem>>) target_semaphore(%run_scoped3A : memref<!tpu.dma_semaphore, #tpu.memory_space<semaphore_mem>>)
      %dma_wait3A = tpu.memref_slice %arg8[%add3A_140] : memref<400000xf32, #tpu.memory_space<vmem_shared>> -> memref<5000xf32, #tpu.memory_space<vmem_shared>>
      %dma_wait3A_176 = tpu.memref_slice %arg8[%add3A_140] : memref<400000xf32, #tpu.memory_space<vmem_shared>> -> memref<5000xf32, #tpu.memory_space<vmem_shared>>
      tpu.wait_dma2 semaphore(%run_scoped3A : memref<!tpu.dma_semaphore, #tpu.memory_space<semaphore_mem>>) src(%dma_wait3A_176 : memref<5000xf32, #tpu.memory_space<vmem_shared>>) dst(%arg41 : memref<5000xf32, #tpu.memory_space<vmem>>)
      tpu.yield
    }) : () -> ()
    %mul3A_141 = arith.constant 3 : i32
    %mul3A_142 = arith.muli %arg0, %mul3A_141 : i32
    %add3A_143 = arith.constant 2 : i32
    %add3A_144 = arith.addi %mul3A_142, %add3A_143 : i32
    %mul3A_145 = arith.constant 400000 : i32
    %mul3A_146 = arith.muli %add3A_144, %mul3A_145 : i32
    %add3A_147 = arith.addi %mul3A_146, %add3A_140 : i32
    "tpu.region"() ({
      %run_scoped3A = tpu.sem_alloc : memref<!tpu.dma_semaphore, #tpu.memory_space<semaphore_mem>>
      %dma_start3A = tpu.memref_slice %arg5[%add3A_147] : memref<2400000xf32, #tpu.memory_space<hbm>> -> memref<5000xf32, #tpu.memory_space<hbm>>
      %dma_start3A_175 = tpu.memref_slice %arg5[%add3A_147] : memref<2400000xf32, #tpu.memory_space<hbm>> -> memref<5000xf32, #tpu.memory_space<hbm>>
      tpu.enqueue_dma source(%arg41 : memref<5000xf32, #tpu.memory_space<vmem>>) target(%dma_start3A_175 : memref<5000xf32, #tpu.memory_space<hbm>>) target_semaphore(%run_scoped3A : memref<!tpu.dma_semaphore, #tpu.memory_space<semaphore_mem>>)
      %dma_wait3A = tpu.memref_slice %arg5[%add3A_147] : memref<2400000xf32, #tpu.memory_space<hbm>> -> memref<5000xf32, #tpu.memory_space<hbm>>
      %dma_wait3A_176 = tpu.memref_slice %arg5[%add3A_147] : memref<2400000xf32, #tpu.memory_space<hbm>> -> memref<5000xf32, #tpu.memory_space<hbm>>
      tpu.wait_dma2 semaphore(%run_scoped3A : memref<!tpu.dma_semaphore, #tpu.memory_space<semaphore_mem>>) src(%arg41 : memref<5000xf32, #tpu.memory_space<vmem>>) dst(%dma_wait3A_176 : memref<5000xf32, #tpu.memory_space<hbm>>)
      tpu.yield
    }) : () -> ()
    %add3A_148 = arith.constant 10000 : i32
    %add3A_149 = arith.addi %mul3A_2, %add3A_148 : i32
    "tpu.region"() ({
      %run_scoped3A = tpu.sem_alloc : memref<!tpu.dma_semaphore, #tpu.memory_space<semaphore_mem>>
      %dma_start3A = tpu.memref_slice %arg8[%add3A_149] : memref<400000xf32, #tpu.memory_space<vmem_shared>> -> memref<5000xf32, #tpu.memory_space<vmem_shared>>
      %dma_start3A_175 = tpu.memref_slice %arg8[%add3A_149] : memref<400000xf32, #tpu.memory_space<vmem_shared>> -> memref<5000xf32, #tpu.memory_space<vmem_shared>>
      tpu.enqueue_dma source(%dma_start3A_175 : memref<5000xf32, #tpu.memory_space<vmem_shared>>) target(%arg41 : memref<5000xf32, #tpu.memory_space<vmem>>) target_semaphore(%run_scoped3A : memref<!tpu.dma_semaphore, #tpu.memory_space<semaphore_mem>>)
      %dma_wait3A = tpu.memref_slice %arg8[%add3A_149] : memref<400000xf32, #tpu.memory_space<vmem_shared>> -> memref<5000xf32, #tpu.memory_space<vmem_shared>>
      %dma_wait3A_176 = tpu.memref_slice %arg8[%add3A_149] : memref<400000xf32, #tpu.memory_space<vmem_shared>> -> memref<5000xf32, #tpu.memory_space<vmem_shared>>
      tpu.wait_dma2 semaphore(%run_scoped3A : memref<!tpu.dma_semaphore, #tpu.memory_space<semaphore_mem>>) src(%dma_wait3A_176 : memref<5000xf32, #tpu.memory_space<vmem_shared>>) dst(%arg41 : memref<5000xf32, #tpu.memory_space<vmem>>)
      tpu.yield
    }) : () -> ()
    %mul3A_150 = arith.constant 3 : i32
    %mul3A_151 = arith.muli %arg0, %mul3A_150 : i32
    %add3A_152 = arith.constant 2 : i32
    %add3A_153 = arith.addi %mul3A_151, %add3A_152 : i32
    %mul3A_154 = arith.constant 400000 : i32
    %mul3A_155 = arith.muli %add3A_153, %mul3A_154 : i32
    %add3A_156 = arith.addi %mul3A_155, %add3A_149 : i32
    "tpu.region"() ({
      %run_scoped3A = tpu.sem_alloc : memref<!tpu.dma_semaphore, #tpu.memory_space<semaphore_mem>>
      %dma_start3A = tpu.memref_slice %arg5[%add3A_156] : memref<2400000xf32, #tpu.memory_space<hbm>> -> memref<5000xf32, #tpu.memory_space<hbm>>
      %dma_start3A_175 = tpu.memref_slice %arg5[%add3A_156] : memref<2400000xf32, #tpu.memory_space<hbm>> -> memref<5000xf32, #tpu.memory_space<hbm>>
      tpu.enqueue_dma source(%arg41 : memref<5000xf32, #tpu.memory_space<vmem>>) target(%dma_start3A_175 : memref<5000xf32, #tpu.memory_space<hbm>>) target_semaphore(%run_scoped3A : memref<!tpu.dma_semaphore, #tpu.memory_space<semaphore_mem>>)
      %dma_wait3A = tpu.memref_slice %arg5[%add3A_156] : memref<2400000xf32, #tpu.memory_space<hbm>> -> memref<5000xf32, #tpu.memory_space<hbm>>
      %dma_wait3A_176 = tpu.memref_slice %arg5[%add3A_156] : memref<2400000xf32, #tpu.memory_space<hbm>> -> memref<5000xf32, #tpu.memory_space<hbm>>
      tpu.wait_dma2 semaphore(%run_scoped3A : memref<!tpu.dma_semaphore, #tpu.memory_space<semaphore_mem>>) src(%arg41 : memref<5000xf32, #tpu.memory_space<vmem>>) dst(%dma_wait3A_176 : memref<5000xf32, #tpu.memory_space<hbm>>)
      tpu.yield
    }) : () -> ()
    %add3A_157 = arith.constant 15000 : i32
    %add3A_158 = arith.addi %mul3A_2, %add3A_157 : i32
    "tpu.region"() ({
      %run_scoped3A = tpu.sem_alloc : memref<!tpu.dma_semaphore, #tpu.memory_space<semaphore_mem>>
      %dma_start3A = tpu.memref_slice %arg8[%add3A_158] : memref<400000xf32, #tpu.memory_space<vmem_shared>> -> memref<5000xf32, #tpu.memory_space<vmem_shared>>
      %dma_start3A_175 = tpu.memref_slice %arg8[%add3A_158] : memref<400000xf32, #tpu.memory_space<vmem_shared>> -> memref<5000xf32, #tpu.memory_space<vmem_shared>>
      tpu.enqueue_dma source(%dma_start3A_175 : memref<5000xf32, #tpu.memory_space<vmem_shared>>) target(%arg41 : memref<5000xf32, #tpu.memory_space<vmem>>) target_semaphore(%run_scoped3A : memref<!tpu.dma_semaphore, #tpu.memory_space<semaphore_mem>>)
      %dma_wait3A = tpu.memref_slice %arg8[%add3A_158] : memref<400000xf32, #tpu.memory_space<vmem_shared>> -> memref<5000xf32, #tpu.memory_space<vmem_shared>>
      %dma_wait3A_176 = tpu.memref_slice %arg8[%add3A_158] : memref<400000xf32, #tpu.memory_space<vmem_shared>> -> memref<5000xf32, #tpu.memory_space<vmem_shared>>
      tpu.wait_dma2 semaphore(%run_scoped3A : memref<!tpu.dma_semaphore, #tpu.memory_space<semaphore_mem>>) src(%dma_wait3A_176 : memref<5000xf32, #tpu.memory_space<vmem_shared>>) dst(%arg41 : memref<5000xf32, #tpu.memory_space<vmem>>)
      tpu.yield
    }) : () -> ()
    %mul3A_159 = arith.constant 3 : i32
    %mul3A_160 = arith.muli %arg0, %mul3A_159 : i32
    %add3A_161 = arith.constant 2 : i32
    %add3A_162 = arith.addi %mul3A_160, %add3A_161 : i32
    %mul3A_163 = arith.constant 400000 : i32
    %mul3A_164 = arith.muli %add3A_162, %mul3A_163 : i32
    %add3A_165 = arith.addi %mul3A_164, %add3A_158 : i32
    "tpu.region"() ({
      %run_scoped3A = tpu.sem_alloc : memref<!tpu.dma_semaphore, #tpu.memory_space<semaphore_mem>>
      %dma_start3A = tpu.memref_slice %arg5[%add3A_165] : memref<2400000xf32, #tpu.memory_space<hbm>> -> memref<5000xf32, #tpu.memory_space<hbm>>
      %dma_start3A_175 = tpu.memref_slice %arg5[%add3A_165] : memref<2400000xf32, #tpu.memory_space<hbm>> -> memref<5000xf32, #tpu.memory_space<hbm>>
      tpu.enqueue_dma source(%arg41 : memref<5000xf32, #tpu.memory_space<vmem>>) target(%dma_start3A_175 : memref<5000xf32, #tpu.memory_space<hbm>>) target_semaphore(%run_scoped3A : memref<!tpu.dma_semaphore, #tpu.memory_space<semaphore_mem>>)
      %dma_wait3A = tpu.memref_slice %arg5[%add3A_165] : memref<2400000xf32, #tpu.memory_space<hbm>> -> memref<5000xf32, #tpu.memory_space<hbm>>
      %dma_wait3A_176 = tpu.memref_slice %arg5[%add3A_165] : memref<2400000xf32, #tpu.memory_space<hbm>> -> memref<5000xf32, #tpu.memory_space<hbm>>
      tpu.wait_dma2 semaphore(%run_scoped3A : memref<!tpu.dma_semaphore, #tpu.memory_space<semaphore_mem>>) src(%arg41 : memref<5000xf32, #tpu.memory_space<vmem>>) dst(%dma_wait3A_176 : memref<5000xf32, #tpu.memory_space<hbm>>)
      tpu.yield
    }) : () -> ()
    %add3A_166 = arith.constant 20000 : i32
    %add3A_167 = arith.addi %mul3A_2, %add3A_166 : i32
    "tpu.region"() ({
      %run_scoped3A = tpu.sem_alloc : memref<!tpu.dma_semaphore, #tpu.memory_space<semaphore_mem>>
      %dma_start3A = tpu.memref_slice %arg8[%add3A_167] : memref<400000xf32, #tpu.memory_space<vmem_shared>> -> memref<5000xf32, #tpu.memory_space<vmem_shared>>
      %dma_start3A_175 = tpu.memref_slice %arg8[%add3A_167] : memref<400000xf32, #tpu.memory_space<vmem_shared>> -> memref<5000xf32, #tpu.memory_space<vmem_shared>>
      tpu.enqueue_dma source(%dma_start3A_175 : memref<5000xf32, #tpu.memory_space<vmem_shared>>) target(%arg41 : memref<5000xf32, #tpu.memory_space<vmem>>) target_semaphore(%run_scoped3A : memref<!tpu.dma_semaphore, #tpu.memory_space<semaphore_mem>>)
      %dma_wait3A = tpu.memref_slice %arg8[%add3A_167] : memref<400000xf32, #tpu.memory_space<vmem_shared>> -> memref<5000xf32, #tpu.memory_space<vmem_shared>>
      %dma_wait3A_176 = tpu.memref_slice %arg8[%add3A_167] : memref<400000xf32, #tpu.memory_space<vmem_shared>> -> memref<5000xf32, #tpu.memory_space<vmem_shared>>
      tpu.wait_dma2 semaphore(%run_scoped3A : memref<!tpu.dma_semaphore, #tpu.memory_space<semaphore_mem>>) src(%dma_wait3A_176 : memref<5000xf32, #tpu.memory_space<vmem_shared>>) dst(%arg41 : memref<5000xf32, #tpu.memory_space<vmem>>)
      tpu.yield
    }) : () -> ()
    %mul3A_168 = arith.constant 3 : i32
    %mul3A_169 = arith.muli %arg0, %mul3A_168 : i32
    %add3A_170 = arith.constant 2 : i32
    %add3A_171 = arith.addi %mul3A_169, %add3A_170 : i32
    %mul3A_172 = arith.constant 400000 : i32
    %mul3A_173 = arith.muli %add3A_171, %mul3A_172 : i32
    %add3A_174 = arith.addi %mul3A_173, %add3A_167 : i32
    "tpu.region"() ({
      %run_scoped3A = tpu.sem_alloc : memref<!tpu.dma_semaphore, #tpu.memory_space<semaphore_mem>>
      %dma_start3A = tpu.memref_slice %arg5[%add3A_174] : memref<2400000xf32, #tpu.memory_space<hbm>> -> memref<5000xf32, #tpu.memory_space<hbm>>
      %dma_start3A_175 = tpu.memref_slice %arg5[%add3A_174] : memref<2400000xf32, #tpu.memory_space<hbm>> -> memref<5000xf32, #tpu.memory_space<hbm>>
      tpu.enqueue_dma source(%arg41 : memref<5000xf32, #tpu.memory_space<vmem>>) target(%dma_start3A_175 : memref<5000xf32, #tpu.memory_space<hbm>>) target_semaphore(%run_scoped3A : memref<!tpu.dma_semaphore, #tpu.memory_space<semaphore_mem>>)
      %dma_wait3A = tpu.memref_slice %arg5[%add3A_174] : memref<2400000xf32, #tpu.memory_space<hbm>> -> memref<5000xf32, #tpu.memory_space<hbm>>
      %dma_wait3A_176 = tpu.memref_slice %arg5[%add3A_174] : memref<2400000xf32, #tpu.memory_space<hbm>> -> memref<5000xf32, #tpu.memory_space<hbm>>
      tpu.wait_dma2 semaphore(%run_scoped3A : memref<!tpu.dma_semaphore, #tpu.memory_space<semaphore_mem>>) src(%arg41 : memref<5000xf32, #tpu.memory_space<vmem>>) dst(%dma_wait3A_176 : memref<5000xf32, #tpu.memory_space<hbm>>)
      tpu.yield
    }) : () -> ()
    return
  }
}

module attributes {stable_mosaic.version = 14 : i64} {
  func.func @_tc_add_body(%arg0: memref<2x9375x128xf32, #tpu.memory_space<vmem>>, %arg1: memref<9375x128xf32, #tpu.memory_space<vmem>>) attributes {dimension_semantics = [], scalar_prefetch = 0 : i64, scratch_operands = 0 : i64, tpu.core_type = #tpu.core_type<tc>} {
    %get3A = arith.constant 0 : index
    %get3A_0 = arith.constant 0 : index
    %get3A_1 = arith.constant 0 : index
    %get3A_2 = vector.load %arg0[%get3A, %get3A_0, %get3A_1] : memref<2x9375x128xf32, #tpu.memory_space<vmem>>, vector<1x9375x128xf32>
    %get3A_3 = vector.shape_cast %get3A_2 : vector<1x9375x128xf32> to vector<9375x128xf32>
    %get3A_4 = arith.constant 1 : index
    %get3A_5 = arith.constant 0 : index
    %get3A_6 = arith.constant 0 : index
    %get3A_7 = vector.load %arg0[%get3A_4, %get3A_5, %get3A_6] : memref<2x9375x128xf32, #tpu.memory_space<vmem>>, vector<1x9375x128xf32>
    %get3A_8 = vector.shape_cast %get3A_7 : vector<1x9375x128xf32> to vector<9375x128xf32>
    %add3A = arith.addf %get3A_3, %get3A_8 : vector<9375x128xf32>
    %swap3A = arith.constant 0 : index
    %swap3A_9 = arith.constant 0 : index
    %swap3A_10 = vector.load %arg1[%swap3A, %swap3A_9] : memref<9375x128xf32, #tpu.memory_space<vmem>>, vector<9375x128xf32>
    tpu.vector_store %arg1[%swap3A, %swap3A_9], %add3A {strides = array<i32>} : memref<9375x128xf32, #tpu.memory_space<vmem>>, vector<9375x128xf32>,
    return
  }
}

</mosaic_0001>

<sc_bundles>
// kernel: kernel.4.cloned.1.call-start
scs
__scs_entry_jumppad:
0x0: {  	(pc) =	sbr.rel $0x88, $3  }
0x1: {  	(tag) =	ssettag $0x0;
	lr =	simm.s32 $0x1  }
0x2: {  	[smem:$0x3F9F] =	sst lr;
	_ =	strace $0xD0000000  }
0x3: {  	_ = 	snop  }
0x4: {  	_ = 	snop  }
0x5: {  	_ = 	snop  }
0x6: {  	_ = 	snop  }
0x7: {  	_ = 	snop  }
__scs_overlays_trampoline_lowered:
0x8: {  	[smem:$0x3FAE] =	sst s0  }
0x9: {  	[smem:$0x3FAF] =	sst s1  }
0xa: {  	[smem:$0x3FB0] =	sst s2  }
0xb: {  	[smem:$0x3FB1] =	sst s3  }
0xc: {  	[smem:$0x3FB2] =	sst s4  }
0xd: {  	[smem:$0x3FB3] =	sst s5  }
0xe: {  	[smem:$0x3FB4] =	sst s6  }
0xf: {  	[smem:$0x3FB5] =	sst s7  }
0x10: {  	[smem:$0x3FB6] =	sst s8  }
0x11: {  	[smem:$0x3FB7] =	sst s9;
	s0 =	simm.s32 @!p0 $0x0  }
0x12: {  	s1 =	sld [smem:$0x3F9D];
	s0 =	simm.s32 @p0 $0x1  }
0x13: {  	[smem:$0x3FB8] =	sst s0;
	s0 =	simm.s32 @!p1 $0x0  }
0x14: {  	s2 =	sld [smem:$0x3F9C];
	s0 =	simm.s32 @p1 $0x1  }
0x15: {  	[smem:$0x3FB9] =	sst s0;
	s0 =	simm.s32 @!p2 $0x0  }
0x16: {  	s3 =	sld [smem:$0x3FDB];
	s0 =	simm.s32 @p2 $0x1  }
0x17: {  	s4 =	simm.s32 $0x1BF5;
	[smem:$0x3FBB] =	sst s0  }
0x18: {  	s0 =	sld [smem:$0x3F9E];
	_ =	swait.ge [sflag:s4], $0x0  }
0x19: {  	s7 =	sld [smem:$0x3F9F]  }
0x1a: {  	s8 =	sadd.s32 $0xFFFFE003, lr  }
0x1b: {  	s9 =	sadd.s32 $0xFFFFFEF7, lr;
	s5 =	simm.s32 $0xFFFFFFFF;
	p2 =	slt.u32 s8, $0xFFFFF086  }
0x1c: {  	p1 =	slt.u32 s9, $0xF7A;
	s5 =	simm.s32 @!p2 $0x0  }
0x1d: {  	s5 =	simm.s32 @p1 $0x1;
	p0 =	seq.s32 s7, s2  }
0x1e: {  	s7 =	smul.u32 @!p0 $0xF7A, s2;
	p2 =	seq.s32 @!p0 s5, $0x0  }
0x1f: {  	s9 =	smul.u32 $0xF7A, s1;
	s8 =	simm.s32 @!p0 $0x1BF5;
	p2 =	por !p2, p0  }
0x20: {  	[sflag:s8] =	ssyncset.s32 @!p0 $0xFFFFF086;
	s6 =	sadd.s32 @!p0 s3, s7;
	s7 =	simm.s32 @!p0 $0x108  }
0x21: {  	s3 =	sadd.s32 s3, s9;
	s6 =	sadd.s32 @!p0 $0x88, s6;
	s7 =	simm.s32 @p2 $0x1082  }
0x22: {  	[simem:s7], [sflag:s8] =	dma.local @!p0 [hbm:s6], $0xF7A  }
0x23: {  	s9 =	sor.u32 $0xD0000000, s2;
	s6 =	simm.s32 $0x108;
	_ =	swait.ge @!p0 [sflag:s8], $0x0  }
0x24: {  	s3 =	sadd.s32 $0x88, s3;
	s6 =	simm.s32 @!p1 $0x1082;
	[sflag:s4] =	ssyncset.s32 $0xFFFFF086  }
0x25: {  	[simem:s6], [sflag:s4] =	dma.local [hbm:s3], $0xF7A  }
0x26: {  	[smem:$0x3F9F] =	sst s1;
	(tag) =	ssettag s2;
	_ =	strace s9  }
0x27: {  	s1 =	sld [smem:$0x3FAF]  }
0x28: {  	s2 =	sld [smem:$0x3FB0]  }
0x29: {  	s4 =	sld [smem:$0x3FB2]  }
0x2a: {  	p0 =	seq.s32 s5, $0x0;
	s5 =	sld [smem:$0x3FB3]  }
0x2b: {  	s6 =	sld [smem:$0x3FB4]  }
0x2c: {  	s7 =	sld [smem:$0x3FB5]  }
0x2d: {  	s3 =	simm.s32 $0x108;
	s8 =	sld [smem:$0x3FB6]  }
0x2e: {  	s3 =	simm.s32 @!p0 $0x1082;
	s9 =	sld [smem:$0x3FB7]  }
0x2f: {  	lr =	sadd.s32 s0, s3;
	s0 =	sld [smem:$0x3FAE]  }
0x30: {  	s3 =	sld [smem:$0x3FB1]  }
0x31: {  	[smem:$0x3FBA] =	sst s10  }
0x32: {  	s10 =	sld [smem:$0x3FB8];
	_ =	sdelay $0x3  }
0x33: {  	p0 =	seq.s32 s10, $0x1;
	s10 =	sld [smem:$0x3FBA];
	_ =	sdelay $0x3  }
0x34: {  	[smem:$0x3FBA] =	sst s10  }
0x35: {  	s10 =	sld [smem:$0x3FB9];
	_ =	sdelay $0x3  }
0x36: {  	p1 =	seq.s32 s10, $0x1;
	s10 =	sld [smem:$0x3FBA];
	_ =	sdelay $0x3  }
0x37: {  	[smem:$0x3FBA] =	sst s10  }
0x38: {  	s10 =	sld [smem:$0x3FBB]  }
0x39: {  	_ = 	snop;
	(pc) =	sbr.ind lr, $3  }
0x3a: {  	_ = 	snop  }
0x3b: {  	_ = 	snop  }
0x3c: {  	p2 =	seq.s32 s10, $0x1;
	s10 =	sld [smem:$0x3FBA]  }
0x3d: {  	_ =	shalt  }
0x3e: {  	_ =	shalt  }
0x3f: {  	_ =	shalt  }
0x40: {  	_ =	shalt  }
0x41: {  	_ =	shalt  }
0x42: {  	_ =	shalt  }
0x43: {  	_ =	shalt  }
0x44: {  	_ =	shalt  }
0x45: {  	_ =	shalt  }
0x46: {  	_ =	shalt  }
0x47: {  	_ =	shalt  }
0x48: {  	_ =	shalt  }
0x49: {  	_ =	shalt  }
0x4a: {  	_ =	shalt  }
0x4b: {  	_ =	shalt  }
0x4c: {  	_ =	shalt  }
0x4d: {  	_ =	shalt  }
0x4e: {  	_ =	shalt  }
0x4f: {  	_ =	shalt  }
0x50: {  	_ =	shalt  }
0x51: {  	_ =	shalt  }
0x52: {  	_ =	shalt  }
0x53: {  	_ =	shalt  }
0x54: {  	_ =	shalt  }
0x55: {  	_ =	shalt  }
0x56: {  	_ =	shalt  }
0x57: {  	_ =	shalt  }
0x58: {  	_ =	shalt  }
0x59: {  	_ =	shalt  }
0x5a: {  	_ =	shalt  }
0x5b: {  	_ =	shalt  }
0x5c: {  	_ =	shalt  }
0x5d: {  	_ =	shalt  }
0x5e: {  	_ =	shalt  }
0x5f: {  	_ =	shalt  }
0x60: {  	_ =	shalt  }
0x61: {  	_ =	shalt  }
0x62: {  	_ =	shalt  }
0x63: {  	_ =	shalt  }
0x64: {  	_ =	shalt  }
0x65: {  	_ =	shalt  }
0x66: {  	_ =	shalt  }
0x67: {  	_ =	shalt  }
0x68: {  	_ =	shalt  }
0x69: {  	_ =	shalt  }
0x6a: {  	_ =	shalt  }
0x6b: {  	_ =	shalt  }
0x6c: {  	_ =	shalt  }
0x6d: {  	_ =	shalt  }
0x6e: {  	_ =	shalt  }
0x6f: {  	_ =	shalt  }
0x70: {  	_ =	shalt  }
0x71: {  	_ =	shalt  }
0x72: {  	_ =	shalt  }
0x73: {  	_ =	shalt  }
0x74: {  	_ =	shalt  }
0x75: {  	_ =	shalt  }
0x76: {  	_ =	shalt  }
0x77: {  	_ =	shalt  }
0x78: {  	_ =	shalt  }
0x79: {  	_ =	shalt  }
0x7a: {  	_ =	shalt  }
0x7b: {  	_ =	shalt  }
0x7c: {  	_ =	shalt  }
0x7d: {  	_ =	shalt  }
0x7e: {  	_ =	shalt  }
0x7f: {  	_ =	shalt  }
0x80: {  	_ =	shalt  }
0x81: {  	_ =	shalt  }
0x82: {  	_ =	shalt  }
0x83: {  	_ =	shalt  }
0x84: {  	_ =	shalt  }
0x85: {  	_ =	shalt  }
0x86: {  	_ =	shalt  }
0x87: {  	_ =	shalt  }
.Lfunc_end0:
.L_simem_size_0:
called_computation_lowered:
.L_overlay_start_0:
0x88: {  	s2 =	sld [smem:$0x3FD9]  }
0x89: {  	s3 =	sld [smem:$0x3FFE];
	_ =	sdelay $0x1  }
0x8a: {  	s1 =	srdreg.scid  }
0x8b: {  	s0 =	sand.u32 $0x1, s1  }
0x8c: {  	s17 =	sshll.u32 s0, $0xA;
	s2 =	sadd.s32 s3, s2  }
0x8d: {  	s2 =	sadd.s32 s2, s17  }
0x8e: {  	[smem:$0x3FC6] =	sst s2  }
0x8f: {  	_ = 	snop  }
0x90: {  	s2 =	sld [smem:$0x3FD0];
	(tm) =	ssettm $0x1  }
0x91: {  	s18 =	sld [smem:$0x3FFB];
	_ =	sdelay $0x3  }
0x92: {  	_ =	strace s18  }
0x93: {  	s3 =	sld [smem:$0x3FFC];
	_ =	sdelay $0x3  }
0x94: {  	_ =	strace s3  }
0x95: {  	s3 =	sld [smem:$0x3FFD];
	_ =	sdelay $0x3  }
0x96: {  	_ =	strace s3  }
0x97: {  	_ =	strace $0x8FFFFFFF  }
0x98: {  	s19 =	sld [smem:$0x3FDB];
	_ =	sdelay $0x1  }
0x99: {  	s4 =	simm.s32 $_scs_section_size  }
0x9a: {  	s5 =	simm.s32 $_size__tile_overlayer_lowered;
	s6 =	simm.s32 $_tile_overlayer_lowered  }
0x9b: {  	s22 =	simm.s32 $0x1BFF;
	s21 =	sshll.u32 s6, $0x1;
	s3 =	sadd.s32 s4, s19  }
0x9c: {  	s7 =	simm.s32 $0x0;
	s20 =	sshll.u32 s5, $0x1;
	s5 =	sadd.s32 s21, s3  }
0x9d: {  	[timem:s7], [sflag:s22] =	dma.local [hbm:s5], s20  }
0x9e: {  	_ =	swait.ge [sflag:s22], s20  }
0x9f: {  	s4 =	ssub.s32 $0x0, s20;
	[sflag:s22] =	ssyncset.done $0x0  }
0xa0: {  	[sflag:s22] =	ssyncadd.s32 s4;
	_ =	sdelay $0x1  }
0xa1: {  	s23 =	simm.s32 $0x1B8B  }
0xa2: {  	_ =	swait.ge [sflag:s23], $0x1  }
0xa3: {  	[sflag:s23] =	ssyncset.done $0x0  }
0xa4: {  	s25 =	simm.s32 $0x1B8E;
	s24 =	sld [smem:$0x3FFE];
	[sflag:s23] =	ssyncadd.s32 $0xFFFFFFFF  }
0xa5: {  	s26 =	simm.s32 $execute0_lowered;
	[smem:$0x3FD2] =	sst s25  }
0xa6: {  	s5 =	sshll.u32 s26, $0x1;
	_ =	strace $0x80000046;
	[dreg:$0x1] =	wrdreg $0xFFFFFFFF  }
0xa7: {  	s28 =	simm.s32 $_size_execute0_lowered;
	s3 =	sadd.s32 s3, s5;
	[dreg:$0x0] =	wrdreg $0x0  }
0xa8: {  	s5 =	sshll.u32 s28, $0x1;
	[dreg:$0x2] =	wrdreg s3  }
0xa9: {  	[dreg:$0x3] =	wrdreg s5  }
0xaa: {  	[dreg:$0x4] =	wrdreg $0xC0  }
0xab: {  	_ =	task [dreg:s7], $0x5FFFF  }
0xac: {  	[dreg:$0x1] =	wrdreg $0xFFFFFFFF  }
0xad: {  	[dreg:$0x0] =	wrdreg $0x60  }
0xae: {  	[dreg:$0x2] =	wrdreg s2  }
0xaf: {  	[dreg:$0x3] =	wrdreg s24  }
0xb0: {  	[dreg:$0x4] =	wrdreg $0x0  }
0xb1: {  	[dreg:$0x5] =	wrdreg $0x61A80  }
0xb2: {  	[dreg:$0x6] =	wrdreg $0xC3500  }
0xb3: {  	[dreg:$0x7] =	wrdreg $0x9  }
0xb4: {  	_ =	task.clear_ibuf [dreg:s7], $0x8FFFF;
	_ =	strace $0x90000046  }
0xb5: {  	s29 =	simm.s32 $0x9;
	_ =	strace $0x80000048  }
0xb6: {  	_ =	swait.ge [sflag:s29], $0x1  }
0xb7: {  	[sflag:s29] =	ssyncadd.s32 $0xFFFFFFFF  }
0xb8: {  	_ =	strace $0x90000048  }
0xb9: {  	_ =	sfence  }
0xba: {  	s30 =	sld [smem:$0x0];
	_ =	sdelay $0x2  }
0xbb: {  	s31 =	sshll.u32 s1, $0xD;
	s1 =	sshrl.u32 s1, $0x2  }
0xbc: {  	s3 =	sand.u32 $0x4000, s31;
	s1 =	sadd.s32 s1, s30  }
0xbd: {  	s0 =	sor.u32 s3, s0;
	s1 =	sshll.u32 s1, $0x11  }
0xbe: {  	s0 =	sor.u32 s1, s0  }
0xbf: {  	s0 =	sadd.s32 $0x8F2B, s0  }
0xc0: {  	[sflag:s0] =	ssyncadd.remote.s32 $0x1  }
0xc1: {  	_ =	sfence.sel $0xFFFF  }
0xc2: {  	[dreg:$0x0] =	wrdreg $0xFFFFFFFF;
	(pc) =	sbr.abs _section_cstart, $3  }
0xc3: {  	[dreg:$0x1] =	wrdreg $0xFFFFFFFF  }
0xc4: {  	_ =	task.clear_ibuf [dreg:s7], $0x2FFFF;
	_ =	strace $0x9FFFFFFF  }
0xc5: {  	(tm) =	ssettm $0x7FFFFFFF  }
tec
execute0_lowered:
.L_overlay_start_1:
0x0: {  	(tag) =	ssettag $0x1  }
0x1: {  	s15 =	rddreg [dreg:$0x0]  }
0x2: {  	s2 =	rddreg [dreg:$0x1]  }
0x3: {  	s0 =	srdreg.scid;
	s31 =	stileid.u32  }
0x4: {  	s28 =	simm.s32 $0x0;
	s5 =	sand.u32 $0x1, s0;
	s6 =	smul.u32 $0x61A8, s31  }
0x5: {  	[smem:$0x7FF] =	sst s28;
	s9 =	sadd.s32 $0x4A800, s2;
	s0 =	ssub.s32 $0x2, s5  }
0x6: {  	s10 =	smul.u32 $0x124F80, s5;
	s3 =	sshrl.u32 s0, $0x1;
	s8 =	sadd.s32 $0x1388, s6  }
0x7: {  	s7 =	sadd.s32 $0x2710, s6;
	s4 =	sadd.s32 $0x4E20, s6;
	s0 =	ssub.s32 s0, s3  }
0x8: {  	s3 =	sadd.s32 $0x3A98, s6;
	s11 =	sadd.s32 s6, s10;
	s12 =	sadd.s32 s10, s8  }
0x9: {  	s20 =	sadd.s32 s10, s7;
	s13 =	sadd.s32 s10, s4;
	s25 =	sadd.s32 $0x61A80, s10  }
0xa: {  	s11 =	sshrl.u32 s11, $0x3;
	s12 =	sshrl.u32 s12, $0x3;
	s21 =	sadd.s32 s10, s3  }
0xb: {  	s23 =	sshrl.u32 s13, $0x3;
	s26 =	sadd.s32 s6, s25;
	s1 =	sadd.s32 s8, s25  }
0xc: {  	s14 =	sadd.s32 s7, s25;
	s16 =	sadd.s32 s3, s25;
	s11 =	sadd.s32 s9, s11  }
0xd: {  	s10 =	sadd.s32 $0xC3500, s10;
	s19 =	sadd.s32 s9, s12;
	[dreg:$0x6] =	wrdreg s11  }
0xe: {  	s24 =	sadd.s32 s9, s23;
	s12 =	sshrl.u32 s26, $0x3;
	[dreg:$0x7] =	wrdreg s19  }
0xf: {  	s13 =	sshrl.u32 s1, $0x3;
	[dreg:$0xa] =	wrdreg s24;
	s12 =	sadd.s32 s9, s12  }
0x10: {  	s14 =	sshrl.u32 s14, $0x3;
	s13 =	sadd.s32 s9, s13;
	[dreg:$0xb] =	wrdreg s12  }
0x11: {  	s22 =	sshrl.u32 s21, $0x3;
	s14 =	sadd.s32 s9, s14;
	[dreg:$0xc] =	wrdreg s13  }
0x12: {  	s17 =	sadd.s32 s6, s10;
	s11 =	sshrl.u32 s20, $0x3;
	[dreg:$0xd] =	wrdreg s14  }
0x13: {  	s23 =	sadd.s32 s3, s10;
	s11 =	sadd.s32 s9, s11;
	s13 =	rddreg [dreg:$0x2]  }
0x14: {  	s18 =	sshrl.u32 s17, $0x3;
	[dreg:$0x8] =	wrdreg s11;
	s11 =	sadd.s32 s9, s22  }
0x15: {  	s12 =	sshrl.u32 s16, $0x3;
	[dreg:$0x9] =	wrdreg s11;
	s11 =	sadd.s32 s4, s25  }
0x16: {  	s12 =	sadd.s32 s9, s12;
	s22 =	rddreg [dreg:$0x3];
	s11 =	sshrl.u32 s11, $0x3  }
0x17: {  	s19 =	sadd.s32 s8, s10;
	[dreg:$0xe] =	wrdreg s12;
	s11 =	sadd.s32 s9, s11  }
0x18: {  	s20 =	sadd.s32 s7, s10;
	[dreg:$0xf] =	wrdreg s11;
	s11 =	sadd.s32 s9, s18  }
0x19: {  	s10 =	sadd.s32 s4, s10;
	[dreg:$0x10] =	wrdreg s11;
	s11 =	sshrl.u32 s19, $0x3  }
0x1a: {  	s12 =	sshrl.u32 s20, $0x3;
	s20 =	rddreg [dreg:$0x4];
	s11 =	sadd.s32 s9, s11  }
0x1b: {  	s21 =	sadd.s32 s9, s12;
	[dreg:$0x11] =	wrdreg s11;
	s11 =	sshrl.u32 s23, $0x3  }
0x1c: {  	s10 =	sshrl.u32 s10, $0x3;
	[dreg:$0x12] =	wrdreg s21;
	s11 =	sadd.s32 s9, s11  }
0x1d: {  	s9 =	sadd.s32 s9, s10;
	[dreg:$0x13] =	wrdreg s11  }
0x1e: {  	s24 =	sadd.s32 $0x1000, s2;
	[dreg:$0x14] =	wrdreg s9  }
0x1f: {  	s2 =	sadd.s32 $0x4A400, s2;
	_ =	strace $0x80000047;
	[dreg:$0x15] =	wrdreg s24  }
0x20: {  	s25 =	sshll.u32 s5, $0x4;
	[dreg:$0x16] =	wrdreg s2  }
0x21: {  	s1 =	sadd.s32 s8, s13;
	[dreg:$0x17] =	wrdreg s25  }
0x22: {  	s26 =	sadd.s32 s7, s13;
	[dreg:$0x1b] =	wrdreg s1  }
0x23: {  	s0 =	smax.u32 s0, $0x1;
	[dreg:$0x1e] =	wrdreg s26  }
0x24: {  	s29 =	simm.s32 $0x1;
	s10 =	sadd.s32 s6, s22;
	[smem:$0x7F5] =	sst s0  }
0x25: {  	s30 =	simm.s32 $0x4B0;
	s23 =	sadd.s32 s6, s20;
	[dreg:$0x19] =	wrdreg s10  }
0x26: {  	s14 =	sadd.s32 s8, s22;
	s16 =	sadd.s32 s7, s22;
	[dreg:$0x1a] =	wrdreg s23  }
0x27: {  	s5 =	sadd.s32 s4, s22;
	s18 =	sadd.s32 s8, s20;
	[dreg:$0x1c] =	wrdreg s14  }
0x28: {  	s17 =	sadd.s32 s3, s20;
	s12 =	sadd.s32 $0xC350, s15;
	[dreg:$0x1d] =	wrdreg s18  }
0x29: {  	s21 =	simm.s32 $0x9;
	s19 =	sadd.s32 s3, s22;
	[dreg:$0x1f] =	wrdreg s16  }
0x2a: {  	s2 =	sadd.s32 s6, s13;
	s1 =	sadd.s32 s7, s20;
	[smem:$0x7F9] =	sst s19  }
0x2b: {  	s7 =	sadd.s32 s3, s13;
	s3 =	sadd.s32 s4, s13;
	[smem:$0x7FA] =	sst s17  }
0x2c: {  	s6 =	sadd.s32 s4, s20;
	s4 =	simm.s32 $0x0;
	[smem:$0x7FC] =	sst s5  }
0x2d: {  	s8 =	simm.s32 $0x1C4F8;
	s22 =	simm.s32 $0xD;
	[smem:$0x7F6] =	sst s4  }
.Ltmp0:
0x2e: {  	s9 =	simm.s32 $0x12;
	[dreg:$0x18] =	wrdreg s2;
	(pc) =	sbr.rel .LBB2_1-.Ltmp0, $4  }
0x2f: {  	s11 =	simm.s32 $0x11;
	s13 =	sadd.s32 $0x186A0, s15;
	[smem:$0x7F7] =	sst s1  }
0x30: {  	s25 =	simm.s32 $0xA;
	s26 =	simm.s32 $0xB;
	[smem:$0x7F8] =	sst s7  }
0x31: {  	s0 =	simm.s32 $0xC;
	s15 =	simm.s32 $0xE;
	[smem:$0x7FB] =	sst s3  }
0x32: {  	s24 =	simm.s32 $0xF;
	s20 =	simm.s32 $0x10;
	[smem:$0x7FD] =	sst s6  }
.LBB2_21:
0x33: {  	[bflag:$0x0] =	sbarrier.arrive $0xFFFF  }
0x34: {  	s2 =	simm.s32 $0x1C4F8;
	s1 =	rddreg [dreg:$0x18]  }
0x35: {  	[tilespmem:s2], [sflag:$0x12] =	stream.linear.gather [spmem:s1], $0x1388, $0x38;
	[tilespmem:$0x1D8F8] =	vst v63  }
0x36: {  	s1 =	simm.s32 $0x12  }
0x37: {  	_ =	swait.ge [sflag:s1], $0x1388  }
0x38: {  	[sflag:s1] =	ssyncset.done $0x0  }
0x39: {  	s28 =	simm.s32 $0x0;
	s4 =	rddreg [dreg:$0x6];
	[sflag:s1] =	ssyncadd.s32 $0xFFFFEC78  }
0x3a: {  	[hbm4b:s4+s28] =	stream.linear.scatter [tilespmem:s2], [sflag:$0x12], $0x1388, $0x38;
	[tilespmem:$0x1D8F8] =	vst v63  }
0x3b: {  	_ =	swait.ge [sflag:s1], $0x1388  }
0x3c: {  	[sflag:s1] =	ssyncset.done $0x0  }
0x3d: {  	s3 =	rddreg [dreg:$0x1b];
	[sflag:s1] =	ssyncadd.s32 $0xFFFFEC78  }
0x3e: {  	[tilespmem:s2], [sflag:$0x12] =	stream.linear.gather [spmem:s3], $0x1388, $0x38;
	[tilespmem:$0x1D8F8] =	vst v63  }
0x3f: {  	_ =	swait.ge [sflag:s1], $0x1388  }
0x40: {  	[sflag:s1] =	ssyncset.done $0x0  }
0x41: {  	s16 =	rddreg [dreg:$0x7];
	[sflag:s1] =	ssyncadd.s32 $0xFFFFEC78  }
0x42: {  	[hbm4b:s16+s28] =	stream.linear.scatter [tilespmem:s2], [sflag:$0x12], $0x1388, $0x38;
	[tilespmem:$0x1D8F8] =	vst v63  }
0x43: {  	_ =	swait.ge [sflag:s1], $0x1388  }
0x44: {  	[sflag:s1] =	ssyncset.done $0x0  }
0x45: {  	s17 =	rddreg [dreg:$0x1e];
	[sflag:s1] =	ssyncadd.s32 $0xFFFFEC78  }
0x46: {  	[tilespmem:s2], [sflag:$0x12] =	stream.linear.gather [spmem:s17], $0x1388, $0x38;
	[tilespmem:$0x1D8F8] =	vst v63  }
0x47: {  	_ =	swait.ge [sflag:s1], $0x1388  }
0x48: {  	[sflag:s1] =	ssyncset.done $0x0  }
0x49: {  	s18 =	rddreg [dreg:$0x8];
	[sflag:s1] =	ssyncadd.s32 $0xFFFFEC78  }
0x4a: {  	[hbm4b:s18+s28] =	stream.linear.scatter [tilespmem:s2], [sflag:$0x12], $0x1388, $0x38;
	[tilespmem:$0x1D8F8] =	vst v63  }
0x4b: {  	_ =	swait.ge [sflag:s1], $0x1388  }
0x4c: {  	s7 =	sld [smem:$0x7F8]  }
0x4d: {  	[sflag:s1] =	ssyncset.done $0x0  }
0x4e: {  	[sflag:s1] =	ssyncadd.s32 $0xFFFFEC78  }
0x4f: {  	[tilespmem:s2], [sflag:$0x12] =	stream.linear.gather [spmem:s7], $0x1388, $0x38;
	[tilespmem:$0x1D8F8] =	vst v63  }
0x50: {  	_ =	swait.ge [sflag:s1], $0x1388  }
0x51: {  	[sflag:s1] =	ssyncset.done $0x0  }
0x52: {  	s19 =	rddreg [dreg:$0x9];
	[sflag:s1] =	ssyncadd.s32 $0xFFFFEC78  }
0x53: {  	[hbm4b:s19+s28] =	stream.linear.scatter [tilespmem:s2], [sflag:$0x12], $0x1388, $0x38;
	[tilespmem:$0x1D8F8] =	vst v63  }
0x54: {  	_ =	swait.ge [sflag:s1], $0x1388  }
0x55: {  	s3 =	sld [smem:$0x7FB]  }
0x56: {  	[sflag:s1] =	ssyncset.done $0x0  }
0x57: {  	s8 =	simm.s32 $0x1C4F8;
	[sflag:s1] =	ssyncadd.s32 $0xFFFFEC78  }
0x58: {  	[tilespmem:s8], [sflag:$0x12] =	stream.linear.gather [spmem:s3], $0x1388, $0x38;
	[tilespmem:$0x1D8F8] =	vst v63  }
0x59: {  	_ =	swait.ge [sflag:s1], $0x1388  }
0x5a: {  	[sflag:s1] =	ssyncset.done $0x0  }
0x5b: {  	s23 =	rddreg [dreg:$0xa];
	[sflag:s1] =	ssyncadd.s32 $0xFFFFEC78  }
0x5c: {  	[hbm4b:s23+s28] =	stream.linear.scatter [tilespmem:s8], [sflag:$0x12], $0x1388, $0x38;
	[tilespmem:$0x1D8F8] =	vst v63  }
0x5d: {  	_ =	swait.ge [sflag:s1], $0x1388  }
0x5e: {  	[sflag:s1] =	ssyncset.done $0x0  }
0x5f: {  	s10 =	rddreg [dreg:$0x19];
	[sflag:s1] =	ssyncadd.s32 $0xFFFFEC78  }
0x60: {  	[tilespmem:s8], [sflag:$0x12] =	stream.linear.gather [spmem:s10], $0x1388, $0x38;
	[tilespmem:$0x1D8F8] =	vst v63  }
0x61: {  	_ =	swait.ge [sflag:s1], $0x1388  }
0x62: {  	[sflag:s1] =	ssyncset.done $0x0  }
0x63: {  	s2 =	rddreg [dreg:$0xb];
	[sflag:s1] =	ssyncadd.s32 $0xFFFFEC78  }
0x64: {  	[hbm4b:s2+s28] =	stream.linear.scatter [tilespmem:s8], [sflag:$0x12], $0x1388, $0x38;
	[tilespmem:$0x1D8F8] =	vst v63  }
0x65: {  	_ =	swait.ge [sflag:s1], $0x1388  }
0x66: {  	[sflag:s1] =	ssyncset.done $0x0  }
0x67: {  	s14 =	rddreg [dreg:$0x1c];
	[sflag:s1] =	ssyncadd.s32 $0xFFFFEC78  }
0x68: {  	[tilespmem:s8], [sflag:$0x12] =	stream.linear.gather [spmem:s14], $0x1388, $0x38;
	[tilespmem:$0x1D8F8] =	vst v63  }
0x69: {  	_ =	swait.ge [sflag:s1], $0x1388  }
0x6a: {  	[sflag:s1] =	ssyncset.done $0x0  }
0x6b: {  	s5 =	rddreg [dreg:$0xc];
	[sflag:s1] =	ssyncadd.s32 $0xFFFFEC78  }
0x6c: {  	[hbm4b:s5+s28] =	stream.linear.scatter [tilespmem:s8], [sflag:$0x12], $0x1388, $0x38;
	[tilespmem:$0x1D8F8] =	vst v63  }
0x6d: {  	_ =	swait.ge [sflag:s1], $0x1388  }
0x6e: {  	[sflag:s1] =	ssyncset.done $0x0  }
0x6f: {  	s16 =	rddreg [dreg:$0x1f];
	[sflag:s1] =	ssyncadd.s32 $0xFFFFEC78  }
0x70: {  	[tilespmem:s8], [sflag:$0x12] =	stream.linear.gather [spmem:s16], $0x1388, $0x38;
	[tilespmem:$0x1D8F8] =	vst v63  }
0x71: {  	_ =	swait.ge [sflag:s1], $0x1388  }
0x72: {  	[sflag:s1] =	ssyncset.done $0x0  }
0x73: {  	s6 =	rddreg [dreg:$0xd];
	[sflag:s1] =	ssyncadd.s32 $0xFFFFEC78  }
0x74: {  	[hbm4b:s6+s28] =	stream.linear.scatter [tilespmem:s8], [sflag:$0x12], $0x1388, $0x38;
	[tilespmem:$0x1D8F8] =	vst v63  }
0x75: {  	_ =	swait.ge [sflag:s1], $0x1388  }
0x76: {  	s19 =	sld [smem:$0x7F9]  }
0x77: {  	[sflag:s1] =	ssyncset.done $0x0  }
0x78: {  	[sflag:s1] =	ssyncadd.s32 $0xFFFFEC78  }
0x79: {  	[tilespmem:s8], [sflag:$0x12] =	stream.linear.gather [spmem:s19], $0x1388, $0x38;
	[tilespmem:$0x1D8F8] =	vst v63  }
0x7a: {  	_ =	swait.ge [sflag:s1], $0x1388  }
0x7b: {  	[sflag:s1] =	ssyncset.done $0x0  }
0x7c: {  	s9 =	rddreg [dreg:$0xe];
	[sflag:s1] =	ssyncadd.s32 $0xFFFFEC78  }
0x7d: {  	[hbm4b:s9+s28] =	stream.linear.scatter [tilespmem:s8], [sflag:$0x12], $0x1388, $0x38;
	[tilespmem:$0x1D8F8] =	vst v63  }
0x7e: {  	_ =	swait.ge [sflag:s1], $0x1388  }
0x7f: {  	s5 =	sld [smem:$0x7FC]  }
0x80: {  	[sflag:s1] =	ssyncset.done $0x0  }
0x81: {  	s9 =	simm.s32 $0x12;
	[sflag:s1] =	ssyncadd.s32 $0xFFFFEC78  }
0x82: {  	[tilespmem:s8], [sflag:$0x12] =	stream.linear.gather [spmem:s5], $0x1388, $0x38;
	[tilespmem:$0x1D8F8] =	vst v63  }
0x83: {  	_ =	swait.ge [sflag:s9], $0x1388  }
0x84: {  	[sflag:s9] =	ssyncset.done $0x0  }
0x85: {  	s17 =	rddreg [dreg:$0xf];
	[sflag:s9] =	ssyncadd.s32 $0xFFFFEC78  }
0x86: {  	[hbm4b:s17+s28] =	stream.linear.scatter [tilespmem:s8], [sflag:$0x12], $0x1388, $0x38;
	[tilespmem:$0x1D8F8] =	vst v63  }
0x87: {  	_ =	swait.ge [sflag:s9], $0x1388  }
0x88: {  	[sflag:s9] =	ssyncset.done $0x0  }
0x89: {  	s23 =	rddreg [dreg:$0x1a];
	[sflag:s9] =	ssyncadd.s32 $0xFFFFEC78  }
0x8a: {  	[tilespmem:s8], [sflag:$0x12] =	stream.linear.gather [spmem:s23], $0x1388, $0x38;
	[tilespmem:$0x1D8F8] =	vst v63  }
0x8b: {  	_ =	swait.ge [sflag:s9], $0x1388  }
0x8c: {  	[sflag:s9] =	ssyncset.done $0x0  }
0x8d: {  	s18 =	rddreg [dreg:$0x10];
	[sflag:s9] =	ssyncadd.s32 $0xFFFFEC78  }
0x8e: {  	[hbm4b:s18+s28] =	stream.linear.scatter [tilespmem:s8], [sflag:$0x12], $0x1388, $0x38;
	[tilespmem:$0x1D8F8] =	vst v63  }
0x8f: {  	_ =	swait.ge [sflag:s9], $0x1388  }
0x90: {  	[sflag:s9] =	ssyncset.done $0x0  }
0x91: {  	s18 =	rddreg [dreg:$0x1d];
	[sflag:s9] =	ssyncadd.s32 $0xFFFFEC78  }
0x92: {  	[tilespmem:s8], [sflag:$0x12] =	stream.linear.gather [spmem:s18], $0x1388, $0x38;
	[tilespmem:$0x1D8F8] =	vst v63  }
0x93: {  	_ =	swait.ge [sflag:s9], $0x1388  }
0x94: {  	[sflag:s9] =	ssyncset.done $0x0  }
0x95: {  	s1 =	rddreg [dreg:$0x11];
	[sflag:s9] =	ssyncadd.s32 $0xFFFFEC78  }
0x96: {  	[hbm4b:s1+s28] =	stream.linear.scatter [tilespmem:s8], [sflag:$0x12], $0x1388, $0x38;
	[tilespmem:$0x1D8F8] =	vst v63  }
0x97: {  	_ =	swait.ge [sflag:s9], $0x1388  }
0x98: {  	s1 =	sld [smem:$0x7F7]  }
0x99: {  	[sflag:s9] =	ssyncset.done $0x0  }
0x9a: {  	[sflag:s9] =	ssyncadd.s32 $0xFFFFEC78  }
0x9b: {  	[tilespmem:s8], [sflag:$0x12] =	stream.linear.gather [spmem:s1], $0x1388, $0x38;
	[tilespmem:$0x1D8F8] =	vst v63  }
0x9c: {  	_ =	swait.ge [sflag:s9], $0x1388  }
0x9d: {  	[sflag:s9] =	ssyncset.done $0x0  }
0x9e: {  	s2 =	rddreg [dreg:$0x12];
	[sflag:s9] =	ssyncadd.s32 $0xFFFFEC78  }
0x9f: {  	[hbm4b:s2+s28] =	stream.linear.scatter [tilespmem:s8], [sflag:$0x12], $0x1388, $0x38;
	[tilespmem:$0x1D8F8] =	vst v63  }
0xa0: {  	_ =	swait.ge [sflag:s9], $0x1388  }
0xa1: {  	s17 =	sld [smem:$0x7FA]  }
0xa2: {  	[sflag:s9] =	ssyncset.done $0x0  }
0xa3: {  	[sflag:s9] =	ssyncadd.s32 $0xFFFFEC78  }
0xa4: {  	[tilespmem:s8], [sflag:$0x12] =	stream.linear.gather [spmem:s17], $0x1388, $0x38;
	[tilespmem:$0x1D8F8] =	vst v63  }
0xa5: {  	_ =	swait.ge [sflag:s9], $0x1388  }
0xa6: {  	[sflag:s9] =	ssyncset.done $0x0  }
0xa7: {  	s6 =	rddreg [dreg:$0x13];
	[sflag:s9] =	ssyncadd.s32 $0xFFFFEC78  }
0xa8: {  	[hbm4b:s6+s28] =	stream.linear.scatter [tilespmem:s8], [sflag:$0x12], $0x1388, $0x38;
	[tilespmem:$0x1D8F8] =	vst v63  }
0xa9: {  	_ =	swait.ge [sflag:s9], $0x1388  }
0xaa: {  	s6 =	sld [smem:$0x7FD]  }
0xab: {  	[sflag:s9] =	ssyncset.done $0x0  }
0xac: {  	[sflag:s9] =	ssyncadd.s32 $0xFFFFEC78  }
0xad: {  	[tilespmem:s8], [sflag:$0x12] =	stream.linear.gather [spmem:s6], $0x1388, $0x38;
	[tilespmem:$0x1D8F8] =	vst v63  }
0xae: {  	_ =	swait.ge [sflag:s9], $0x1388  }
0xaf: {  	[sflag:s9] =	ssyncset.done $0x0  }
0xb0: {  	s2 =	rddreg [dreg:$0x14];
	[sflag:s9] =	ssyncadd.s32 $0xFFFFEC78  }
0xb1: {  	[hbm4b:s2+s28] =	stream.linear.scatter [tilespmem:s8], [sflag:$0x12], $0x1388, $0x38;
	[tilespmem:$0x1D8F8] =	vst v63  }
0xb2: {  	_ =	swait.ge [sflag:s9], $0x1388  }
0xb3: {  	s4 =	sld [smem:$0x7F6];
	_ =	sdelay $0x2  }
0xb4: {  	s2 =	sadd.s32 $0x1, s4;
	s4 =	sld [smem:$0x7F5];
	_ =	sdelay $0x2  }
0xb5: {  	p0 =	sne.s32 s2, s4  }
.Ltmp1:
0xb6: {  	_ = 	snop;
	(pc) =	sbr.rel @!p0 .LBB2_22-.Ltmp1, $3  }
0xb7: {  	_ =	sdelay $0x1  }
0xb8: {  	[sflag:s9] =	ssyncset.done $0x0;
	[smem:$0x7F6] =	sst s2  }
0xb9: {  	[sflag:s9] =	ssyncadd.s32 $0xFFFFEC78;
	s2 =	rddreg [dreg:$0x18]  }
.LBB2_1:
0xba: {  	s4 =	rddreg [dreg:$0x16]  }
0xbb: {  	[tilespmem:s8], [sflag:$0x12] =	stream.linear.gather [hbm4b:s4+s28], $0x1400, $0x38;
	[tilespmem:$0x1D8F8] =	vst v63  }
0xbc: {  	_ =	swait.ge [sflag:s9], $0x1400  }
0xbd: {  	[sflag:s9] =	ssyncset.done $0x0  }
0xbe: {  	[sflag:s9] =	ssyncadd.s32 $0xFFFFEC00  }
0xbf: {  	[spmem:s2] =	stream.linear.scatter [tilespmem:s8], [sflag:$0x12], $0x1388, $0x38;
	[tilespmem:$0x1D8F8] =	vst v63  }
0xc0: {  	_ =	swait.ge [sflag:s9], $0x1388  }
0xc1: {  	[sflag:s9] =	ssyncset.done $0x0  }
0xc2: {  	s4 =	rddreg [dreg:$0x1b];
	[sflag:s9] =	ssyncadd.s32 $0xFFFFEC78  }
0xc3: {  	[spmem:s4] =	stream.linear.scatter [tilespmem:s8], [sflag:$0x12], $0x1388, $0x38;
	[tilespmem:$0x1D8F8] =	vst v63  }
0xc4: {  	_ =	swait.ge [sflag:s9], $0x1388  }
0xc5: {  	[sflag:s9] =	ssyncset.done $0x0  }
0xc6: {  	s4 =	rddreg [dreg:$0x1e];
	[sflag:s9] =	ssyncadd.s32 $0xFFFFEC78  }
0xc7: {  	[spmem:s4] =	stream.linear.scatter [tilespmem:s8], [sflag:$0x12], $0x1388, $0x38;
	[tilespmem:$0x1D8F8] =	vst v63  }
0xc8: {  	_ =	swait.ge [sflag:s9], $0x1388  }
0xc9: {  	[sflag:s9] =	ssyncset.done $0x0  }
0xca: {  	[sflag:s9] =	ssyncadd.s32 $0xFFFFEC78  }
0xcb: {  	[spmem:s7] =	stream.linear.scatter [tilespmem:s8], [sflag:$0x12], $0x1388, $0x38;
	[tilespmem:$0x1D8F8] =	vst v63  }
0xcc: {  	_ =	swait.ge [sflag:s9], $0x1388  }
0xcd: {  	[sflag:s9] =	ssyncset.done $0x0  }
0xce: {  	[sflag:s9] =	ssyncadd.s32 $0xFFFFEC78  }
0xcf: {  	[spmem:s3] =	stream.linear.scatter [tilespmem:s8], [sflag:$0x12], $0x1388, $0x38;
	[tilespmem:$0x1D8F8] =	vst v63  }
0xd0: {  	_ =	swait.ge [sflag:s9], $0x1388  }
0xd1: {  	[sflag:s9] =	ssyncset.done $0x0  }
0xd2: {  	[sflag:s9] =	ssyncadd.s32 $0xFFFFEC78  }
0xd3: {  	[spmem:s10] =	stream.linear.scatter [tilespmem:s8], [sflag:$0x12], $0x1388, $0x38;
	[tilespmem:$0x1D8F8] =	vst v63  }
0xd4: {  	_ =	swait.ge [sflag:s9], $0x1388  }
0xd5: {  	[sflag:s9] =	ssyncset.done $0x0  }
0xd6: {  	[sflag:s9] =	ssyncadd.s32 $0xFFFFEC78  }
0xd7: {  	[spmem:s14] =	stream.linear.scatter [tilespmem:s8], [sflag:$0x12], $0x1388, $0x38;
	[tilespmem:$0x1D8F8] =	vst v63  }
0xd8: {  	_ =	swait.ge [sflag:s9], $0x1388  }
0xd9: {  	[sflag:s9] =	ssyncset.done $0x0  }
0xda: {  	[sflag:s9] =	ssyncadd.s32 $0xFFFFEC78  }
0xdb: {  	[spmem:s16] =	stream.linear.scatter [tilespmem:s8], [sflag:$0x12], $0x1388, $0x38;
	[tilespmem:$0x1D8F8] =	vst v63  }
0xdc: {  	_ =	swait.ge [sflag:s9], $0x1388  }
0xdd: {  	[sflag:s9] =	ssyncset.done $0x0  }
0xde: {  	[sflag:s9] =	ssyncadd.s32 $0xFFFFEC78  }
0xdf: {  	[spmem:s19] =	stream.linear.scatter [tilespmem:s8], [sflag:$0x12], $0x1388, $0x38;
	[tilespmem:$0x1D8F8] =	vst v63  }
0xe0: {  	_ =	swait.ge [sflag:s9], $0x1388  }
0xe1: {  	[sflag:s9] =	ssyncset.done $0x0  }
0xe2: {  	[sflag:s9] =	ssyncadd.s32 $0xFFFFEC78  }
0xe3: {  	[spmem:s5] =	stream.linear.scatter [tilespmem:s8], [sflag:$0x12], $0x1388, $0x38;
	[tilespmem:$0x1D8F8] =	vst v63  }
0xe4: {  	_ =	swait.ge [sflag:s9], $0x1388  }
0xe5: {  	[sflag:s9] =	ssyncset.done $0x0  }
0xe6: {  	[sflag:s9] =	ssyncadd.s32 $0xFFFFEC78  }
0xe7: {  	[spmem:s23] =	stream.linear.scatter [tilespmem:s8], [sflag:$0x12], $0x1388, $0x38;
	[tilespmem:$0x1D8F8] =	vst v63  }
0xe8: {  	_ =	swait.ge [sflag:s9], $0x1388  }
0xe9: {  	[sflag:s9] =	ssyncset.done $0x0  }
0xea: {  	[sflag:s9] =	ssyncadd.s32 $0xFFFFEC78  }
0xeb: {  	[spmem:s18] =	stream.linear.scatter [tilespmem:s8], [sflag:$0x12], $0x1388, $0x38;
	[tilespmem:$0x1D8F8] =	vst v63  }
0xec: {  	_ =	swait.ge [sflag:s9], $0x1388  }
0xed: {  	[sflag:s9] =	ssyncset.done $0x0  }
0xee: {  	[sflag:s9] =	ssyncadd.s32 $0xFFFFEC78  }
0xef: {  	[spmem:s1] =	stream.linear.scatter [tilespmem:s8], [sflag:$0x12], $0x1388, $0x38;
	[tilespmem:$0x1D8F8] =	vst v63  }
0xf0: {  	_ =	swait.ge [sflag:s9], $0x1388  }
0xf1: {  	[sflag:s9] =	ssyncset.done $0x0  }
0xf2: {  	[sflag:s9] =	ssyncadd.s32 $0xFFFFEC78  }
0xf3: {  	[spmem:s17] =	stream.linear.scatter [tilespmem:s8], [sflag:$0x12], $0x1388, $0x38;
	[tilespmem:$0x1D8F8] =	vst v63  }
0xf4: {  	_ =	swait.ge [sflag:s9], $0x1388  }
0xf5: {  	[sflag:s9] =	ssyncset.done $0x0  }
0xf6: {  	[sflag:s9] =	ssyncadd.s32 $0xFFFFEC78  }
0xf7: {  	[spmem:s6] =	stream.linear.scatter [tilespmem:s8], [sflag:$0x12], $0x1388, $0x38;
	[tilespmem:$0x1D8F8] =	vst v63  }
0xf8: {  	_ =	swait.ge [sflag:s9], $0x1388  }
0xf9: {  	[sflag:s9] =	ssyncset.done $0x0  }
0xfa: {  	[sflag:s9] =	ssyncadd.s32 $0xFFFFEC78  }
.Ltmp2:
0xfb: {  	[bflag:$0x0] =	sbarrier.arrive $0xFFFF;
	(pc) =	sbr.rel .LBB2_2-.Ltmp2, $4  }
0xfc: {  	s1 =	rddreg [dreg:$0x0]  }
0xfd: {  	s10 =	rddreg [dreg:$0x2]  }
0xfe: {  	s28 =	simm.s32 $0x0;
	s16 =	simm.s32 $0x138F8;
	s14 =	rddreg [dreg:$0x3]  }
0xff: {  	s23 =	simm.s32 $0x14CF8;
	s6 =	simm.s32 $0x124F8;
	s18 =	rddreg [dreg:$0x4]  }
.LBB2_20:
0x100: {  	s28 =	sadd.s32 $0x1, s28  }
0x101: {  	p0 =	sne.s32 s28, $0x8  }
.Ltmp3:
0x102: {  	_ = 	snop;
	(pc) =	sbr.rel @!p0 .LBB2_21-.Ltmp3, $1  }
0x103: {  	_ =	sdelay $0x3  }
.LBB2_2:
0x104: {  	s4 =	sshll.u32 s28, $0x5;
	s7 =	rddreg [dreg:$0x17]  }
0x105: {  	s4 =	sor.u32 s4, s7  }
0x106: {  	s4 =	sor.u32 s31, s4  }
0x107: {  	p0 =	sgt.u32 s4, $0xF9  }
.Ltmp4:
0x108: {  	_ = 	snop;
	(pc) =	sbr.rel @p0 .LBB2_20-.Ltmp4, $1  }
0x109: {  	_ =	sdelay $0x3  }
0x10a: {  	s4 =	smul.u32 $0xC80, s4;
	_ =	sdelay $0x1  }
0x10b: {  	s7 =	rddreg [dreg:$0x15];
	s4 =	sshrl.u32 s4, $0x3  }
0x10c: {  	s4 =	sadd.s32 s7, s4;
	s7 =	simm.s32 $0x0  }
0x10d: {  	[tilespmem:s6], [sflag:$0x1] =	stream.linear.gather [hbm4b:s4+s7], $0x190, $0x38;
	[tilespmem:$0x1D8F8] =	vst v63  }
0x10e: {  	s2 =	simm.s32 $0x12688;
	s31 =	sadd.s32 $0x186A0, s4  }
0x10f: {  	[tilespmem:s2], [sflag:$0x1] =	stream.linear.gather [hbm4b:s31+s7], $0x190, $0x38;
	[tilespmem:$0x1D8F8] =	vst v63  }
0x110: {  	s3 =	simm.s32 $0x12818;
	s31 =	sadd.s32 $0x30D40, s4  }
0x111: {  	[tilespmem:s3], [sflag:$0x1] =	stream.linear.gather [hbm4b:s31+s7], $0x190, $0x38;
	[tilespmem:$0x1D8F8] =	vst v63  }
0x112: {  	s31 =	sadd.s32 $0x32, s4  }
0x113: {  	[tilespmem:s16], [sflag:$0x1] =	stream.linear.gather [hbm4b:s31+s7], $0x190, $0x38;
	[tilespmem:$0x1D8F8] =	vst v63  }
0x114: {  	s5 =	simm.s32 $0x13A88;
	s31 =	sadd.s32 $0x186D2, s4  }
0x115: {  	[tilespmem:s5], [sflag:$0x1] =	stream.linear.gather [hbm4b:s31+s7], $0x190, $0x38;
	[tilespmem:$0x1D8F8] =	vst v63  }
0x116: {  	s8 =	simm.s32 $0x13C18;
	s31 =	sadd.s32 $0x30D72, s4  }
0x117: {  	[tilespmem:s8], [sflag:$0x1] =	stream.linear.gather [hbm4b:s31+s7], $0x190, $0x38;
	[tilespmem:$0x1D8F8] =	vst v63  }
0x118: {  	s31 =	sadd.s32 $0x64, s4  }
0x119: {  	[tilespmem:s23], [sflag:$0x1] =	stream.linear.gather [hbm4b:s31+s7], $0x190, $0x38;
	[tilespmem:$0x1D8F8] =	vst v63  }
0x11a: {  	s3 =	simm.s32 $0x14E88;
	s31 =	sadd.s32 $0x18704, s4  }
0x11b: {  	[tilespmem:s3], [sflag:$0x1] =	stream.linear.gather [hbm4b:s31+s7], $0x190, $0x38;
	[tilespmem:$0x1D8F8] =	vst v63  }
0x11c: {  	s9 =	simm.s32 $0x15018;
	s31 =	sadd.s32 $0x30DA4, s4  }
0x11d: {  	[tilespmem:s9], [sflag:$0x1] =	stream.linear.gather [hbm4b:s31+s7], $0x190, $0x38;
	[tilespmem:$0x1D8F8] =	vst v63  }
0x11e: {  	s3 =	simm.s32 $0x160F8;
	s31 =	sadd.s32 $0x96, s4  }
0x11f: {  	[tilespmem:s3], [sflag:$0x1] =	stream.linear.gather [hbm4b:s31+s7], $0x190, $0x38;
	[tilespmem:$0x1D8F8] =	vst v63  }
0x120: {  	s8 =	simm.s32 $0x16288;
	s31 =	sadd.s32 $0x18736, s4  }
0x121: {  	[tilespmem:s8], [sflag:$0x1] =	stream.linear.gather [hbm4b:s31+s7], $0x190, $0x38;
	[tilespmem:$0x1D8F8] =	vst v63  }
0x122: {  	s17 =	simm.s32 $0x16418;
	s31 =	sadd.s32 $0x30DD6, s4  }
0x123: {  	[tilespmem:s17], [sflag:$0x1] =	stream.linear.gather [hbm4b:s31+s7], $0x190, $0x38;
	[tilespmem:$0x1D8F8] =	vst v63  }
0x124: {  	s8 =	simm.s32 $0x174F8;
	s31 =	sadd.s32 $0xC8, s4  }
0x125: {  	[tilespmem:s8], [sflag:$0x1] =	stream.linear.gather [hbm4b:s31+s7], $0x190, $0x38;
	[tilespmem:$0x1D8F8] =	vst v63  }
0x126: {  	s9 =	simm.s32 $0x17688;
	s31 =	sadd.s32 $0x18768, s4  }
0x127: {  	[tilespmem:s9], [sflag:$0x1] =	stream.linear.gather [hbm4b:s31+s7], $0x190, $0x38;
	[tilespmem:$0x1D8F8] =	vst v63  }
0x128: {  	s19 =	simm.s32 $0x17818;
	s31 =	sadd.s32 $0x30E08, s4  }
0x129: {  	[tilespmem:s19], [sflag:$0x1] =	stream.linear.gather [hbm4b:s31+s7], $0x190, $0x38;
	[tilespmem:$0x1D8F8] =	vst v63  }
0x12a: {  	s9 =	simm.s32 $0x188F8;
	s31 =	sadd.s32 $0xFA, s4  }
0x12b: {  	[tilespmem:s9], [sflag:$0x1] =	stream.linear.gather [hbm4b:s31+s7], $0x190, $0x38;
	[tilespmem:$0x1D8F8] =	vst v63  }
0x12c: {  	s17 =	simm.s32 $0x18A88;
	s31 =	sadd.s32 $0x1879A, s4  }
0x12d: {  	[tilespmem:s17], [sflag:$0x1] =	stream.linear.gather [hbm4b:s31+s7], $0x190, $0x38;
	[tilespmem:$0x1D8F8] =	vst v63  }
0x12e: {  	s2 =	simm.s32 $0x18C18;
	s31 =	sadd.s32 $0x30E3A, s4  }
0x12f: {  	[tilespmem:s2], [sflag:$0x1] =	stream.linear.gather [hbm4b:s31+s7], $0x190, $0x38;
	[tilespmem:$0x1D8F8] =	vst v63  }
0x130: {  	s17 =	simm.s32 $0x19CF8;
	s31 =	sadd.s32 $0x12C, s4  }
0x131: {  	[tilespmem:s17], [sflag:$0x1] =	stream.linear.gather [hbm4b:s31+s7], $0x190, $0x38;
	[tilespmem:$0x1D8F8] =	vst v63  }
0x132: {  	s19 =	simm.s32 $0x19E88;
	s31 =	sadd.s32 $0x187CC, s4  }
0x133: {  	[tilespmem:s19], [sflag:$0x1] =	stream.linear.gather [hbm4b:s31+s7], $0x190, $0x38;
	[tilespmem:$0x1D8F8] =	vst v63  }
0x134: {  	s5 =	simm.s32 $0x1A018;
	s31 =	sadd.s32 $0x30E6C, s4  }
0x135: {  	[tilespmem:s5], [sflag:$0x1] =	stream.linear.gather [hbm4b:s31+s7], $0x190, $0x38;
	[tilespmem:$0x1D8F8] =	vst v63  }
0x136: {  	s19 =	simm.s32 $0x1B0F8;
	s31 =	sadd.s32 $0x15E, s4  }
0x137: {  	[tilespmem:s19], [sflag:$0x1] =	stream.linear.gather [hbm4b:s31+s7], $0x190, $0x38;
	[tilespmem:$0x1D8F8] =	vst v63  }
0x138: {  	s5 =	simm.s32 $0x1B288;
	s31 =	sadd.s32 $0x187FE, s4  }
0x139: {  	[tilespmem:s5], [sflag:$0x1] =	stream.linear.gather [hbm4b:s31+s7], $0x190, $0x38;
	[tilespmem:$0x1D8F8] =	vst v63  }
0x13a: {  	s2 =	simm.s32 $0x1B418;
	s4 =	sadd.s32 $0x30E9E, s4  }
0x13b: {  	[tilespmem:s2], [sflag:$0x1] =	stream.linear.gather [hbm4b:s4+s7], $0x190, $0x38;
	[tilespmem:$0x1D8F8] =	vst v63  }
0x13c: {  	_ =	swait.ge [sflag:s29], $0x190  }
0x13d: {  	[sflag:s29] =	ssyncset.done $0x0  }
0x13e: {  	[sflag:s29] =	ssyncadd.s32 $0xFFFFFE70  }
0x13f: {  	_ =	swait.ge [sflag:s29], $0x190  }
0x140: {  	[sflag:s29] =	ssyncset.done $0x0  }
0x141: {  	[sflag:s29] =	ssyncadd.s32 $0xFFFFFE70  }
0x142: {  	_ =	swait.ge [sflag:s29], $0x190  }
0x143: {  	[sflag:s29] =	ssyncset.done $0x0  }
0x144: {  	s2 =	simm.s32 $0x129F8;
	[sflag:s29] =	ssyncadd.s32 $0xFFFFFE70  }
0x145: {  	[tilespmem:s2], [sflag:$0x2] =	stream.indirect.gather [hbm4b:s1+s30], $0x1, s6, s30, $0xb8;
	[tilespmem:$0x1D8F8] =	vst v63  }
0x146: {  	s5 =	simm.s32 $0x12EF8  }
0x147: {  	[tilespmem:s5], [sflag:$0x2] =	stream.indirect.gather [hbm4b:s12+s30], $0x1, s6, s30, $0xb8;
	[tilespmem:$0x1D8F8] =	vst v63  }
0x148: {  	s7 =	simm.s32 $0x133F8  }
0x149: {  	[tilespmem:s7], [sflag:$0x2] =	stream.indirect.gather [hbm4b:s13+s30], $0x1, s6, s30, $0xb8;
	[tilespmem:$0x1D8F8] =	vst v63  }
0x14a: {  	_ =	swait.ge [sflag:s29], $0x190  }
0x14b: {  	[sflag:s29] =	ssyncset.done $0x0  }
0x14c: {  	[sflag:s29] =	ssyncadd.s32 $0xFFFFFE70  }
0x14d: {  	_ =	swait.ge [sflag:s29], $0x190  }
0x14e: {  	[sflag:s29] =	ssyncset.done $0x0  }
0x14f: {  	[sflag:s29] =	ssyncadd.s32 $0xFFFFFE70  }
0x150: {  	_ =	swait.ge [sflag:s29], $0x190  }
0x151: {  	[sflag:s29] =	ssyncset.done $0x0  }
0x152: {  	s2 =	simm.s32 $0x13DF8;
	[sflag:s29] =	ssyncadd.s32 $0xFFFFFE70  }
0x153: {  	[tilespmem:s2], [sflag:$0x3] =	stream.indirect.gather [hbm4b:s1+s30], $0x1, s16, s30, $0xb8;
	[tilespmem:$0x1D8F8] =	vst v63  }
0x154: {  	s5 =	simm.s32 $0x142F8  }
0x155: {  	[tilespmem:s5], [sflag:$0x3] =	stream.indirect.gather [hbm4b:s12+s30], $0x1, s16, s30, $0xb8;
	[tilespmem:$0x1D8F8] =	vst v63  }
0x156: {  	s7 =	simm.s32 $0x147F8  }
0x157: {  	[tilespmem:s7], [sflag:$0x3] =	stream.indirect.gather [hbm4b:s13+s30], $0x1, s16, s30, $0xb8;
	[tilespmem:$0x1D8F8] =	vst v63  }
0x158: {  	_ =	swait.ge [sflag:s29], $0x190  }
0x159: {  	[sflag:s29] =	ssyncset.done $0x0  }
0x15a: {  	[sflag:s29] =	ssyncadd.s32 $0xFFFFFE70  }
0x15b: {  	_ =	swait.ge [sflag:s29], $0x190  }
0x15c: {  	[sflag:s29] =	ssyncset.done $0x0  }
0x15d: {  	[sflag:s29] =	ssyncadd.s32 $0xFFFFFE70  }
0x15e: {  	_ =	swait.ge [sflag:s29], $0x190  }
0x15f: {  	[sflag:s29] =	ssyncset.done $0x0  }
0x160: {  	s2 =	simm.s32 $0x151F8;
	[sflag:s29] =	ssyncadd.s32 $0xFFFFFE70  }
0x161: {  	[tilespmem:s2], [sflag:$0x4] =	stream.indirect.gather [hbm4b:s1+s30], $0x1, s23, s30, $0xb8;
	[tilespmem:$0x1D8F8] =	vst v63  }
0x162: {  	s5 =	simm.s32 $0x156F8  }
0x163: {  	[tilespmem:s5], [sflag:$0x4] =	stream.indirect.gather [hbm4b:s12+s30], $0x1, s23, s30, $0xb8;
	[tilespmem:$0x1D8F8] =	vst v63  }
0x164: {  	s7 =	simm.s32 $0x15BF8  }
0x165: {  	[tilespmem:s7], [sflag:$0x4] =	stream.indirect.gather [hbm4b:s13+s30], $0x1, s23, s30, $0xb8;
	[tilespmem:$0x1D8F8] =	vst v63  }
0x166: {  	_ =	swait.ge [sflag:s29], $0x190  }
0x167: {  	[sflag:s29] =	ssyncset.done $0x0  }
0x168: {  	[sflag:s29] =	ssyncadd.s32 $0xFFFFFE70  }
0x169: {  	_ =	swait.ge [sflag:s29], $0x190  }
0x16a: {  	[sflag:s29] =	ssyncset.done $0x0  }
0x16b: {  	[sflag:s29] =	ssyncadd.s32 $0xFFFFFE70  }
0x16c: {  	_ =	swait.ge [sflag:s29], $0x190  }
0x16d: {  	[sflag:s29] =	ssyncset.done $0x0  }
0x16e: {  	s2 =	simm.s32 $0x165F8;
	[sflag:s29] =	ssyncadd.s32 $0xFFFFFE70  }
0x16f: {  	[tilespmem:s2], [sflag:$0x5] =	stream.indirect.gather [hbm4b:s1+s30], $0x1, s3, s30, $0xb8;
	[tilespmem:$0x1D8F8] =	vst v63  }
0x170: {  	s5 =	simm.s32 $0x16AF8  }
0x171: {  	[tilespmem:s5], [sflag:$0x5] =	stream.indirect.gather [hbm4b:s12+s30], $0x1, s3, s30, $0xb8;
	[tilespmem:$0x1D8F8] =	vst v63  }
0x172: {  	s7 =	simm.s32 $0x16FF8  }
0x173: {  	[tilespmem:s7], [sflag:$0x5] =	stream.indirect.gather [hbm4b:s13+s30], $0x1, s3, s30, $0xb8;
	[tilespmem:$0x1D8F8] =	vst v63  }
0x174: {  	_ =	swait.ge [sflag:s29], $0x190  }
0x175: {  	[sflag:s29] =	ssyncset.done $0x0  }
0x176: {  	[sflag:s29] =	ssyncadd.s32 $0xFFFFFE70  }
0x177: {  	_ =	swait.ge [sflag:s29], $0x190  }
0x178: {  	[sflag:s29] =	ssyncset.done $0x0  }
0x179: {  	[sflag:s29] =	ssyncadd.s32 $0xFFFFFE70  }
0x17a: {  	_ =	swait.ge [sflag:s29], $0x190  }
0x17b: {  	[sflag:s29] =	ssyncset.done $0x0  }
0x17c: {  	s2 =	simm.s32 $0x179F8;
	[sflag:s29] =	ssyncadd.s32 $0xFFFFFE70  }
0x17d: {  	[tilespmem:s2], [sflag:$0x6] =	stream.indirect.gather [hbm4b:s1+s30], $0x1, s8, s30, $0xb8;
	[tilespmem:$0x1D8F8] =	vst v63  }
0x17e: {  	s4 =	simm.s32 $0x17EF8  }
0x17f: {  	[tilespmem:s4], [sflag:$0x6] =	stream.indirect.gather [hbm4b:s12+s30], $0x1, s8, s30, $0xb8;
	[tilespmem:$0x1D8F8] =	vst v63  }
0x180: {  	s5 =	simm.s32 $0x183F8  }
0x181: {  	[tilespmem:s5], [sflag:$0x6] =	stream.indirect.gather [hbm4b:s13+s30], $0x1, s8, s30, $0xb8;
	[tilespmem:$0x1D8F8] =	vst v63  }
0x182: {  	_ =	swait.ge [sflag:s29], $0x190  }
0x183: {  	[sflag:s29] =	ssyncset.done $0x0  }
0x184: {  	[sflag:s29] =	ssyncadd.s32 $0xFFFFFE70  }
0x185: {  	_ =	swait.ge [sflag:s29], $0x190  }
0x186: {  	[sflag:s29] =	ssyncset.done $0x0  }
0x187: {  	[sflag:s29] =	ssyncadd.s32 $0xFFFFFE70  }
0x188: {  	_ =	swait.ge [sflag:s29], $0x190  }
0x189: {  	[sflag:s29] =	ssyncset.done $0x0  }
0x18a: {  	s7 =	simm.s32 $0x18DF8;
	[sflag:s29] =	ssyncadd.s32 $0xFFFFFE70  }
0x18b: {  	[tilespmem:s7], [sflag:$0x7] =	stream.indirect.gather [hbm4b:s1+s30], $0x1, s9, s30, $0xb8;
	[tilespmem:$0x1D8F8] =	vst v63  }
0x18c: {  	s8 =	simm.s32 $0x192F8  }
0x18d: {  	[tilespmem:s8], [sflag:$0x7] =	stream.indirect.gather [hbm4b:s12+s30], $0x1, s9, s30, $0xb8;
	[tilespmem:$0x1D8F8] =	vst v63  }
0x18e: {  	s2 =	simm.s32 $0x197F8  }
0x18f: {  	[tilespmem:s2], [sflag:$0x7] =	stream.indirect.gather [hbm4b:s13+s30], $0x1, s9, s30, $0xb8;
	[tilespmem:$0x1D8F8] =	vst v63  }
0x190: {  	_ =	swait.ge [sflag:s29], $0x190  }
0x191: {  	[sflag:s29] =	ssyncset.done $0x0  }
0x192: {  	[sflag:s29] =	ssyncadd.s32 $0xFFFFFE70  }
0x193: {  	_ =	swait.ge [sflag:s29], $0x190  }
0x194: {  	[sflag:s29] =	ssyncset.done $0x0  }
0x195: {  	[sflag:s29] =	ssyncadd.s32 $0xFFFFFE70  }
0x196: {  	_ =	swait.ge [sflag:s29], $0x190  }
0x197: {  	[sflag:s29] =	ssyncset.done $0x0  }
0x198: {  	s4 =	simm.s32 $0x1A1F8;
	[sflag:s29] =	ssyncadd.s32 $0xFFFFFE70  }
0x199: {  	[tilespmem:s4], [sflag:$0x8] =	stream.indirect.gather [hbm4b:s1+s30], $0x1, s17, s30, $0xb8;
	[tilespmem:$0x1D8F8] =	vst v63  }
0x19a: {  	s5 =	simm.s32 $0x1A6F8  }
0x19b: {  	[tilespmem:s5], [sflag:$0x8] =	stream.indirect.gather [hbm4b:s12+s30], $0x1, s17, s30, $0xb8;
	[tilespmem:$0x1D8F8] =	vst v63  }
0x19c: {  	s7 =	simm.s32 $0x1ABF8  }
0x19d: {  	[tilespmem:s7], [sflag:$0x8] =	stream.indirect.gather [hbm4b:s13+s30], $0x1, s17, s30, $0xb8;
	[tilespmem:$0x1D8F8] =	vst v63  }
0x19e: {  	_ =	swait.ge [sflag:s29], $0x190  }
0x19f: {  	[sflag:s29] =	ssyncset.done $0x0  }
0x1a0: {  	[sflag:s29] =	ssyncadd.s32 $0xFFFFFE70  }
0x1a1: {  	_ =	swait.ge [sflag:s29], $0x190  }
0x1a2: {  	[sflag:s29] =	ssyncset.done $0x0  }
0x1a3: {  	[sflag:s29] =	ssyncadd.s32 $0xFFFFFE70  }
0x1a4: {  	_ =	swait.ge [sflag:s29], $0x190  }
0x1a5: {  	[sflag:s29] =	ssyncset.done $0x0  }
0x1a6: {  	s8 =	simm.s32 $0x1B5F8;
	[sflag:s29] =	ssyncadd.s32 $0xFFFFFE70  }
0x1a7: {  	[tilespmem:s8], [sflag:$0x9] =	stream.indirect.gather [hbm4b:s1+s30], $0x1, s19, s30, $0xb8;
	[tilespmem:$0x1D8F8] =	vst v63  }
0x1a8: {  	s9 =	simm.s32 $0x1BAF8  }
0x1a9: {  	[tilespmem:s9], [sflag:$0x9] =	stream.indirect.gather [hbm4b:s12+s30], $0x1, s19, s30, $0xb8;
	[tilespmem:$0x1D8F8] =	vst v63  }
0x1aa: {  	s17 =	simm.s32 $0x1BFF8  }
0x1ab: {  	[tilespmem:s17], [sflag:$0x9] =	stream.indirect.gather [hbm4b:s13+s30], $0x1, s19, s30, $0xb8;
	[tilespmem:$0x1D8F8] =	vst v63  }
0x1ac: {  	s19 =	simm.s32 $0x2  }
0x1ad: {  	_ =	swait.ge [sflag:s19], $0x4B0  }
0x1ae: {  	[sflag:s19] =	ssyncset.done $0x0  }
0x1af: {  	[sflag:s19] =	ssyncadd.s32 $0xFFFFFB50  }
0x1b0: {  	_ =	swait.ge [sflag:s19], $0x4B0  }
0x1b1: {  	[sflag:s19] =	ssyncset.done $0x0  }
0x1b2: {  	[sflag:s19] =	ssyncadd.s32 $0xFFFFFB50  }
0x1b3: {  	_ =	swait.ge [sflag:s19], $0x4B0  }
0x1b4: {  	[sflag:s19] =	ssyncset.done $0x0  }
0x1b5: {  	s31 =	simm.s32 $0x0;
	[sflag:s19] =	ssyncadd.s32 $0xFFFFFB50  }
0x1b6: {  	v0 =	vld [tilespmem:s31+$0x12D18]  }
0x1b7: {  	v1 =	vld [tilespmem:s31+$0x12B88]  }
0x1b8: {  	v2 =	vld [tilespmem:s31+$0x129F8]  }
0x1b9: {  	v6 =	vld [tilespmem:s31+$0x12EF8]  }
0x1ba: {  	v5 =	vld [tilespmem:s31+$0x13218]  }
0x1bb: {  	v8 =	vld [tilespmem:s31+$0x13088]  }
0x1bc: {  	v9 =	vld [tilespmem:s31+$0x133F8]  }
0x1bd: {  	v10 =	vld [tilespmem:s31+$0x13718]  }
0x1be: {  	v11 =	vld [tilespmem:s31+$0x13588]  }
0x1bf: {  	v3 =	vsub.f32 v0, v2  }
0x1c0: {  	v7 =	vsub.f32 v1, v0;
	v1 =	vsub.f32 v2, v1  }
0x1c1: {  	v4 =	vsub.f32 v5, v6;
	v5 =	vsub.f32 v8, v5  }
0x1c2: {  	v8 =	vsub.f32 v6, v8;
	v0 =	vsub.f32 v10, v9  }
0x1c3: {  	v6 =	vsub.f32 v9, v11;
	v13 =	vmul.f32 v3, v3;
	v14 =	vmul.f32 v4, v4  }
0x1c4: {  	v2 =	vsub.f32 v11, v10;
	v12 =	vmul.f32 v7, v7;
	v9 =	vmul.f32 v5, v5  }
0x1c5: {  	v11 =	vmul.f32 v0, v0;
	v10 =	vadd.f32 v14, v13;
	v13 =	vmul.f32 v1, v1  }
0x1c6: {  	v9 =	vadd.f32 v9, v12;
	v12 =	vmul.f32 v2, v2;
	v14 =	vmul.f32 v8, v8  }
0x1c7: {  	v10 =	vadd.f32 v11, v10  }
0x1c8: {  	v9 =	vadd.f32 v12, v9;
	v11 =	vadd.f32 v14, v13;
	v12 =	vmul.f32 v6, v6;
	_ =	sdelay $0x1  }
0x1c9: {  	v11 =	vadd.f32 v12, v11;
	v12 =	vmul.f32 v9, v9;
	v13 =	vmul.f32 v10, v10;
	_ =	sdelay $0x1  }
0x1ca: {  	v14 =	vadd.f32 v10, v9;
	v12 =	vadd.f32 v13, v12;
	v13 =	vmul.f32 v11, v11;
	_ =	sdelay $0x1  }
0x1cb: {  	v14 =	vadd.f32 v14, v11;
	v12 =	vadd.f32 v12, v13;
	_ =	sdelay $0x1  }
0x1cc: {  	v13 =	vmul.f32 v14, v14;
	v12 =	vadd.f32 v12, v12;
	_ =	sdelay $0x1  }
0x1cd: {  	v12 =	vsub.f32 v13, v12;
	_ =	sdelay $0x1  }
0x1ce: {  	v13 =	vshra.s32 v12, $0x1;
	v12 =	vmul.f32 $5.000000000e-01, v12  }
0x1cf: {  	v13 =	vsub.s32 $0x5F3759DF, v13  }
0x1d0: {  	v15 =	vmul.f32 v13, v12;
	_ =	sdelay $0x1  }
0x1d1: {  	v15 =	vmul.f32 v13, v15  }
0x1d2: {  	v16 =	vsub.f32 v14, v9;
	v17 =	vsub.f32 v14, v10  }
0x1d3: {  	v14 =	vsub.f32 v14, v11;
	v15 =	vsub.f32 $1.500000000e+00, v15  }
0x1d4: {  	v9 =	vsub.f32 v16, v9  }
0x1d5: {  	s4 =	simm.s32 $0x40;
	v10 =	vsub.f32 v17, v10;
	v11 =	vsub.f32 v14, v11;
	v13 =	vmul.f32 v13, v15  }
.LBB2_4:
0x1d6: {  	p0 =	sne.s32 s4, $0x600;
	s7 =	smov.u32 s4;
	s4 =	sadd.s32 $0x40, s4  }
0x1d7: {  	v14 =	vmul.f32 v13, v12;
	_ =	sdelay $0x1  }
0x1d8: {  	v14 =	vmul.f32 v14, v13;
	_ =	sdelay $0x1  }
0x1d9: {  	v14 =	vsub.f32 $1.500000000e+00, v14  }
0x1da: {  	s7 =	sshra.s32 s7, $0x2  }
0x1db: {  	v13 =	vmul.f32 v14, v13;
	_ =	sdelay $0x1  }
0x1dc: {  	v12 =	vmul.f32 v13, v12;
	_ =	sdelay $0x1  }
0x1dd: {  	v12 =	vmul.f32 v12, v13;
	_ =	sdelay $0x1  }
0x1de: {  	v12 =	vsub.f32 $1.500000000e+00, v12;
	_ =	sdelay $0x1  }
0x1df: {  	v12 =	vmul.f32 v12, v13;
	_ =	sdelay $0x1  }
0x1e0: {  	v12 =	vmul.f32 $5.000000000e-01, v12;
	_ =	sdelay $0x1  }
0x1e1: {  	v9 =	vmul.f32 v12, v9;
	v10 =	vmul.f32 v12, v10  }
0x1e2: {  	v11 =	vmul.f32 v12, v11  }
0x1e3: {  	v7 =	vmul.f32 v9, v7;
	v3 =	vmul.f32 v10, v3  }
0x1e4: {  	v1 =	vmul.f32 v11, v1;
	v8 =	vmul.f32 v11, v8  }
0x1e5: {  	v5 =	vmul.f32 v9, v5;
	v4 =	vmul.f32 v10, v4;
	v12 =	vsub.f32 v7, v3  }
0x1e6: {  	v6 =	vmul.f32 v11, v6;
	v3 =	vsub.f32 v3, v1;
	v1 =	vsub.f32 v1, v7  }
0x1e7: {  	v2 =	vmul.f32 v9, v2;
	v7 =	vsub.f32 v4, v8;
	v4 =	vsub.f32 v5, v4;
	[tilespmem:s31+$0x12D18] =	vst v12  }
0x1e8: {  	v0 =	vmul.f32 v10, v0;
	v9 =	vld [tilespmem:s7+$0x12D18];
	[tilespmem:s31+$0x12B88] =	vst v1;
	v1 =	vsub.f32 v8, v5  }
0x1e9: {  	v8 =	vsub.f32 v6, v2;
	v5 =	vld [tilespmem:s7+$0x12B88];
	[tilespmem:s31+$0x129F8] =	vst v3  }
0x1ea: {  	v6 =	vsub.f32 v0, v6;
	v0 =	vsub.f32 v2, v0;
	v3 =	vld [tilespmem:s7+$0x129F8];
	[tilespmem:s31+$0x12EF8] =	vst v7  }
0x1eb: {  	v2 =	vld [tilespmem:s7+$0x12EF8];
	[tilespmem:s31+$0x13218] =	vst v4  }
0x1ec: {  	v10 =	vld [tilespmem:s7+$0x13218];
	[tilespmem:s31+$0x13088] =	vst v1  }
0x1ed: {  	v11 =	vld [tilespmem:s7+$0x13088];
	[tilespmem:s31+$0x133F8] =	vst v6  }
0x1ee: {  	v6 =	vld [tilespmem:s7+$0x133F8];
	[tilespmem:s31+$0x13718] =	vst v0  }
0x1ef: {  	v12 =	vld [tilespmem:s7+$0x13718];
	v1 =	vsub.f32 v3, v5;
	v3 =	vsub.f32 v9, v3;
	[tilespmem:s31+$0x13588] =	vst v8;
	s31 =	smov.u32 s7  }
0x1f0: {  	v7 =	vsub.f32 v5, v9;
	v13 =	vld [tilespmem:s31+$0x13588];
	_ =	sdelay $0x1  }
0x1f1: {  	v9 =	vmul.f32 v7, v7;
	v4 =	vsub.f32 v10, v2  }
0x1f2: {  	v5 =	vsub.f32 v11, v10;
	v10 =	vmul.f32 v3, v3  }
0x1f3: {  	v8 =	vsub.f32 v2, v11;
	v11 =	vmul.f32 v4, v4;
	v0 =	vsub.f32 v12, v6  }
0x1f4: {  	v6 =	vsub.f32 v6, v13;
	v2 =	vsub.f32 v13, v12;
	v12 =	vmul.f32 v5, v5  }
0x1f5: {  	v10 =	vadd.f32 v11, v10;
	v13 =	vmul.f32 v1, v1;
	v11 =	vmul.f32 v0, v0  }
0x1f6: {  	v14 =	vmul.f32 v8, v8;
	v9 =	vadd.f32 v12, v9;
	v12 =	vmul.f32 v2, v2  }
0x1f7: {  	v10 =	vadd.f32 v11, v10  }
0x1f8: {  	v11 =	vadd.f32 v14, v13;
	v9 =	vadd.f32 v12, v9;
	v12 =	vmul.f32 v6, v6;
	_ =	sdelay $0x1  }
0x1f9: {  	v13 =	vmul.f32 v10, v10;
	v11 =	vadd.f32 v12, v11;
	v12 =	vmul.f32 v9, v9  }
0x1fa: {  	v14 =	vadd.f32 v10, v9  }
0x1fb: {  	v12 =	vadd.f32 v13, v12;
	v13 =	vmul.f32 v11, v11  }
0x1fc: {  	v14 =	vadd.f32 v14, v11  }
0x1fd: {  	v12 =	vadd.f32 v12, v13  }
0x1fe: {  	v13 =	vsub.f32 v14, v9;
	v15 =	vsub.f32 v14, v10  }
0x1ff: {  	v16 =	vmul.f32 v14, v14;
	v14 =	vsub.f32 v14, v11;
	v12 =	vadd.f32 v12, v12  }
0x200: {  	v9 =	vsub.f32 v13, v9;
	v10 =	vsub.f32 v15, v10  }
0x201: {  	v11 =	vsub.f32 v14, v11;
	v12 =	vsub.f32 v16, v12;
	_ =	sdelay $0x1  }
0x202: {  	v13 =	vshra.s32 v12, $0x1;
	v12 =	vmul.f32 $5.000000000e-01, v12  }
0x203: {  	v13 =	vsub.s32 $0x5F3759DF, v13  }
0x204: {  	v14 =	vmul.f32 v13, v12;
	_ =	sdelay $0x1  }
.Ltmp5:
0x205: {  	v14 =	vmul.f32 v13, v14;
	(pc) =	sbr.rel @p0 .LBB2_4-.Ltmp5, $3  }
0x206: {  	_ = 	snop  }
0x207: {  	v14 =	vsub.f32 $1.500000000e+00, v14;
	_ =	sdelay $0x1  }
0x208: {  	v13 =	vmul.f32 v13, v14  }
0x209: {  	_ = 	snop  }
0x20a: {  	v14 =	vmul.f32 v13, v12;
	_ =	sdelay $0x1  }
0x20b: {  	v14 =	vmul.f32 v14, v13;
	_ =	sdelay $0x1  }
0x20c: {  	v14 =	vsub.f32 $1.500000000e+00, v14;
	_ =	sdelay $0x1  }
0x20d: {  	v13 =	vmul.f32 v14, v13;
	_ =	sdelay $0x1  }
0x20e: {  	v12 =	vmul.f32 v13, v12;
	_ =	sdelay $0x1  }
0x20f: {  	v12 =	vmul.f32 v12, v13;
	_ =	sdelay $0x1  }
0x210: {  	v12 =	vsub.f32 $1.500000000e+00, v12;
	_ =	sdelay $0x1  }
0x211: {  	v12 =	vmul.f32 v12, v13;
	_ =	sdelay $0x1  }
0x212: {  	v12 =	vmul.f32 $5.000000000e-01, v12;
	_ =	sdelay $0x1  }
0x213: {  	v9 =	vmul.f32 v12, v9;
	v10 =	vmul.f32 v12, v10  }
0x214: {  	v11 =	vmul.f32 v12, v11  }
0x215: {  	v7 =	vmul.f32 v9, v7;
	v3 =	vmul.f32 v10, v3  }
0x216: {  	v1 =	vmul.f32 v11, v1  }
0x217: {  	v12 =	vsub.f32 v7, v3  }
0x218: {  	v8 =	vmul.f32 v11, v8;
	v4 =	vmul.f32 v10, v4;
	v7 =	vsub.f32 v1, v7  }
0x219: {  	v5 =	vmul.f32 v9, v5;
	v1 =	vsub.f32 v3, v1;
	[tilespmem:s31+$0x12D18] =	vst v12  }
0x21a: {  	v3 =	vsub.f32 v4, v8;
	[tilespmem:s31+$0x12B88] =	vst v7  }
0x21b: {  	v6 =	vmul.f32 v11, v6;
	v0 =	vmul.f32 v10, v0;
	v4 =	vsub.f32 v5, v4;
	[tilespmem:s31+$0x129F8] =	vst v1  }
0x21c: {  	v1 =	vmul.f32 v9, v2;
	v2 =	vsub.f32 v8, v5;
	[tilespmem:s31+$0x12EF8] =	vst v3  }
0x21d: {  	v3 =	vsub.f32 v0, v6;
	[tilespmem:s31+$0x13218] =	vst v4  }
0x21e: {  	v0 =	vsub.f32 v1, v0;
	[tilespmem:s31+$0x13088] =	vst v2  }
0x21f: {  	v1 =	vsub.f32 v6, v1;
	[tilespmem:s31+$0x133F8] =	vst v3  }
0x220: {  	[tilespmem:s31+$0x13718] =	vst v0  }
0x221: {  	s3 =	simm.s32 $0x129F8;
	[tilespmem:s31+$0x13588] =	vst v1  }
0x222: {  	[spmem:s10] =	stream.indirect.scatter.add.f32 [tilespmem:s3], [sflag:$0xA], $0x1, s6, s30, $0xb8;
	[tilespmem:$0x1D8F8] =	vst v63  }
0x223: {  	s9 =	simm.s32 $0x12EF8  }
0x224: {  	[spmem:s14] =	stream.indirect.scatter.add.f32 [tilespmem:s9], [sflag:$0xA], $0x1, s6, s30, $0xb8;
	[tilespmem:$0x1D8F8] =	vst v63  }
0x225: {  	s17 =	simm.s32 $0x133F8;
	s19 =	simm.s32 $0x3  }
0x226: {  	[spmem:s18] =	stream.indirect.scatter.add.f32 [tilespmem:s17], [sflag:$0xA], $0x1, s6, s30, $0xb8;
	[tilespmem:$0x1D8F8] =	vst v63  }
0x227: {  	_ =	swait.ge [sflag:s19], $0x4B0  }
0x228: {  	[sflag:s19] =	ssyncset.done $0x0  }
0x229: {  	[sflag:s19] =	ssyncadd.s32 $0xFFFFFB50  }
0x22a: {  	_ =	swait.ge [sflag:s19], $0x4B0  }
0x22b: {  	[sflag:s19] =	ssyncset.done $0x0  }
0x22c: {  	[sflag:s19] =	ssyncadd.s32 $0xFFFFFB50  }
0x22d: {  	_ =	swait.ge [sflag:s19], $0x4B0  }
0x22e: {  	[sflag:s19] =	ssyncset.done $0x0  }
0x22f: {  	s31 =	simm.s32 $0x0;
	[sflag:s19] =	ssyncadd.s32 $0xFFFFFB50  }
0x230: {  	v0 =	vld [tilespmem:s31+$0x14118]  }
0x231: {  	v1 =	vld [tilespmem:s31+$0x13F88]  }
0x232: {  	v2 =	vld [tilespmem:s31+$0x13DF8]  }
0x233: {  	v6 =	vld [tilespmem:s31+$0x142F8]  }
0x234: {  	v5 =	vld [tilespmem:s31+$0x14618]  }
0x235: {  	v8 =	vld [tilespmem:s31+$0x14488]  }
0x236: {  	v9 =	vld [tilespmem:s31+$0x147F8]  }
0x237: {  	v10 =	vld [tilespmem:s31+$0x14B18]  }
0x238: {  	v11 =	vld [tilespmem:s31+$0x14988]  }
0x239: {  	v3 =	vsub.f32 v0, v2  }
0x23a: {  	v7 =	vsub.f32 v1, v0;
	v1 =	vsub.f32 v2, v1  }
0x23b: {  	v4 =	vsub.f32 v5, v6;
	v5 =	vsub.f32 v8, v5  }
0x23c: {  	v8 =	vsub.f32 v6, v8;
	v0 =	vsub.f32 v10, v9  }
0x23d: {  	v6 =	vsub.f32 v9, v11;
	v13 =	vmul.f32 v3, v3;
	v14 =	vmul.f32 v4, v4  }
0x23e: {  	v2 =	vsub.f32 v11, v10;
	v12 =	vmul.f32 v7, v7;
	v9 =	vmul.f32 v5, v5  }
0x23f: {  	v11 =	vmul.f32 v0, v0;
	v10 =	vadd.f32 v14, v13;
	v13 =	vmul.f32 v1, v1  }
0x240: {  	v9 =	vadd.f32 v9, v12;
	v12 =	vmul.f32 v2, v2;
	v14 =	vmul.f32 v8, v8  }
0x241: {  	v10 =	vadd.f32 v11, v10  }
0x242: {  	v9 =	vadd.f32 v12, v9;
	v11 =	vadd.f32 v14, v13;
	v12 =	vmul.f32 v6, v6;
	_ =	sdelay $0x1  }
0x243: {  	v11 =	vadd.f32 v12, v11;
	v12 =	vmul.f32 v9, v9;
	v13 =	vmul.f32 v10, v10;
	_ =	sdelay $0x1  }
0x244: {  	v14 =	vadd.f32 v10, v9;
	v12 =	vadd.f32 v13, v12;
	v13 =	vmul.f32 v11, v11;
	_ =	sdelay $0x1  }
0x245: {  	v14 =	vadd.f32 v14, v11;
	v12 =	vadd.f32 v12, v13;
	_ =	sdelay $0x1  }
0x246: {  	v13 =	vmul.f32 v14, v14;
	v12 =	vadd.f32 v12, v12;
	_ =	sdelay $0x1  }
0x247: {  	v12 =	vsub.f32 v13, v12;
	_ =	sdelay $0x1  }
0x248: {  	v13 =	vshra.s32 v12, $0x1;
	v12 =	vmul.f32 $5.000000000e-01, v12  }
0x249: {  	v13 =	vsub.s32 $0x5F3759DF, v13  }
0x24a: {  	v15 =	vmul.f32 v13, v12;
	_ =	sdelay $0x1  }
0x24b: {  	v15 =	vmul.f32 v13, v15  }
0x24c: {  	v16 =	vsub.f32 v14, v9;
	v17 =	vsub.f32 v14, v10  }
0x24d: {  	v14 =	vsub.f32 v14, v11;
	v15 =	vsub.f32 $1.500000000e+00, v15  }
0x24e: {  	v9 =	vsub.f32 v16, v9  }
0x24f: {  	s4 =	simm.s32 $0x40;
	v10 =	vsub.f32 v17, v10;
	v11 =	vsub.f32 v14, v11;
	v13 =	vmul.f32 v13, v15  }
.LBB2_6:
0x250: {  	p0 =	sne.s32 s4, $0x600;
	s7 =	smov.u32 s4;
	s4 =	sadd.s32 $0x40, s4  }
0x251: {  	v14 =	vmul.f32 v13, v12;
	_ =	sdelay $0x1  }
0x252: {  	v14 =	vmul.f32 v14, v13;
	_ =	sdelay $0x1  }
0x253: {  	v14 =	vsub.f32 $1.500000000e+00, v14  }
0x254: {  	s7 =	sshra.s32 s7, $0x2  }
0x255: {  	v13 =	vmul.f32 v14, v13;
	_ =	sdelay $0x1  }
0x256: {  	v12 =	vmul.f32 v13, v12;
	_ =	sdelay $0x1  }
0x257: {  	v12 =	vmul.f32 v12, v13;
	_ =	sdelay $0x1  }
0x258: {  	v12 =	vsub.f32 $1.500000000e+00, v12;
	_ =	sdelay $0x1  }
0x259: {  	v12 =	vmul.f32 v12, v13;
	_ =	sdelay $0x1  }
0x25a: {  	v12 =	vmul.f32 $5.000000000e-01, v12;
	_ =	sdelay $0x1  }
0x25b: {  	v9 =	vmul.f32 v12, v9;
	v10 =	vmul.f32 v12, v10  }
0x25c: {  	v11 =	vmul.f32 v12, v11  }
0x25d: {  	v7 =	vmul.f32 v9, v7;
	v3 =	vmul.f32 v10, v3  }
0x25e: {  	v1 =	vmul.f32 v11, v1;
	v8 =	vmul.f32 v11, v8  }
0x25f: {  	v5 =	vmul.f32 v9, v5;
	v4 =	vmul.f32 v10, v4;
	v12 =	vsub.f32 v7, v3  }
0x260: {  	v6 =	vmul.f32 v11, v6;
	v3 =	vsub.f32 v3, v1;
	v1 =	vsub.f32 v1, v7  }
0x261: {  	v2 =	vmul.f32 v9, v2;
	v7 =	vsub.f32 v4, v8;
	v4 =	vsub.f32 v5, v4;
	[tilespmem:s31+$0x14118] =	vst v12  }
0x262: {  	v0 =	vmul.f32 v10, v0;
	v9 =	vld [tilespmem:s7+$0x14118];
	[tilespmem:s31+$0x13F88] =	vst v1;
	v1 =	vsub.f32 v8, v5  }
0x263: {  	v8 =	vsub.f32 v6, v2;
	v5 =	vld [tilespmem:s7+$0x13F88];
	[tilespmem:s31+$0x13DF8] =	vst v3  }
0x264: {  	v6 =	vsub.f32 v0, v6;
	v0 =	vsub.f32 v2, v0;
	v3 =	vld [tilespmem:s7+$0x13DF8];
	[tilespmem:s31+$0x142F8] =	vst v7  }
0x265: {  	v2 =	vld [tilespmem:s7+$0x142F8];
	[tilespmem:s31+$0x14618] =	vst v4  }
0x266: {  	v10 =	vld [tilespmem:s7+$0x14618];
	[tilespmem:s31+$0x14488] =	vst v1  }
0x267: {  	v11 =	vld [tilespmem:s7+$0x14488];
	[tilespmem:s31+$0x147F8] =	vst v6  }
0x268: {  	v6 =	vld [tilespmem:s7+$0x147F8];
	[tilespmem:s31+$0x14B18] =	vst v0  }
0x269: {  	v12 =	vld [tilespmem:s7+$0x14B18];
	v1 =	vsub.f32 v3, v5;
	v3 =	vsub.f32 v9, v3;
	[tilespmem:s31+$0x14988] =	vst v8;
	s31 =	smov.u32 s7  }
0x26a: {  	v7 =	vsub.f32 v5, v9;
	v13 =	vld [tilespmem:s31+$0x14988];
	_ =	sdelay $0x1  }
0x26b: {  	v9 =	vmul.f32 v7, v7;
	v4 =	vsub.f32 v10, v2  }
0x26c: {  	v5 =	vsub.f32 v11, v10;
	v10 =	vmul.f32 v3, v3  }
0x26d: {  	v8 =	vsub.f32 v2, v11;
	v11 =	vmul.f32 v4, v4;
	v0 =	vsub.f32 v12, v6  }
0x26e: {  	v6 =	vsub.f32 v6, v13;
	v2 =	vsub.f32 v13, v12;
	v12 =	vmul.f32 v5, v5  }
0x26f: {  	v10 =	vadd.f32 v11, v10;
	v13 =	vmul.f32 v1, v1;
	v11 =	vmul.f32 v0, v0  }
0x270: {  	v14 =	vmul.f32 v8, v8;
	v9 =	vadd.f32 v12, v9;
	v12 =	vmul.f32 v2, v2  }
0x271: {  	v10 =	vadd.f32 v11, v10  }
0x272: {  	v11 =	vadd.f32 v14, v13;
	v9 =	vadd.f32 v12, v9;
	v12 =	vmul.f32 v6, v6;
	_ =	sdelay $0x1  }
0x273: {  	v13 =	vmul.f32 v10, v10;
	v11 =	vadd.f32 v12, v11;
	v12 =	vmul.f32 v9, v9  }
0x274: {  	v14 =	vadd.f32 v10, v9  }
0x275: {  	v12 =	vadd.f32 v13, v12;
	v13 =	vmul.f32 v11, v11  }
0x276: {  	v14 =	vadd.f32 v14, v11  }
0x277: {  	v12 =	vadd.f32 v12, v13  }
0x278: {  	v13 =	vsub.f32 v14, v9;
	v15 =	vsub.f32 v14, v10  }
0x279: {  	v16 =	vmul.f32 v14, v14;
	v14 =	vsub.f32 v14, v11;
	v12 =	vadd.f32 v12, v12  }
0x27a: {  	v9 =	vsub.f32 v13, v9;
	v10 =	vsub.f32 v15, v10  }
0x27b: {  	v11 =	vsub.f32 v14, v11;
	v12 =	vsub.f32 v16, v12;
	_ =	sdelay $0x1  }
0x27c: {  	v13 =	vshra.s32 v12, $0x1;
	v12 =	vmul.f32 $5.000000000e-01, v12  }
0x27d: {  	v13 =	vsub.s32 $0x5F3759DF, v13  }
0x27e: {  	v14 =	vmul.f32 v13, v12;
	_ =	sdelay $0x1  }
.Ltmp6:
0x27f: {  	v14 =	vmul.f32 v13, v14;
	(pc) =	sbr.rel @p0 .LBB2_6-.Ltmp6, $3  }
0x280: {  	_ = 	snop  }
0x281: {  	v14 =	vsub.f32 $1.500000000e+00, v14;
	_ =	sdelay $0x1  }
0x282: {  	v13 =	vmul.f32 v13, v14  }
0x283: {  	_ = 	snop  }
0x284: {  	v14 =	vmul.f32 v13, v12;
	_ =	sdelay $0x1  }
0x285: {  	v14 =	vmul.f32 v14, v13;
	_ =	sdelay $0x1  }
0x286: {  	v14 =	vsub.f32 $1.500000000e+00, v14;
	_ =	sdelay $0x1  }
0x287: {  	v13 =	vmul.f32 v14, v13;
	_ =	sdelay $0x1  }
0x288: {  	v12 =	vmul.f32 v13, v12;
	_ =	sdelay $0x1  }
0x289: {  	v12 =	vmul.f32 v12, v13;
	_ =	sdelay $0x1  }
0x28a: {  	v12 =	vsub.f32 $1.500000000e+00, v12;
	_ =	sdelay $0x1  }
0x28b: {  	v12 =	vmul.f32 v12, v13;
	_ =	sdelay $0x1  }
0x28c: {  	v12 =	vmul.f32 $5.000000000e-01, v12;
	_ =	sdelay $0x1  }
0x28d: {  	v9 =	vmul.f32 v12, v9;
	v10 =	vmul.f32 v12, v10  }
0x28e: {  	v11 =	vmul.f32 v12, v11  }
0x28f: {  	v7 =	vmul.f32 v9, v7;
	v3 =	vmul.f32 v10, v3  }
0x290: {  	v1 =	vmul.f32 v11, v1  }
0x291: {  	v12 =	vsub.f32 v7, v3  }
0x292: {  	v8 =	vmul.f32 v11, v8;
	v4 =	vmul.f32 v10, v4;
	v7 =	vsub.f32 v1, v7  }
0x293: {  	v5 =	vmul.f32 v9, v5;
	v1 =	vsub.f32 v3, v1;
	[tilespmem:s31+$0x14118] =	vst v12  }
0x294: {  	v3 =	vsub.f32 v4, v8;
	[tilespmem:s31+$0x13F88] =	vst v7  }
0x295: {  	v6 =	vmul.f32 v11, v6;
	v0 =	vmul.f32 v10, v0;
	v4 =	vsub.f32 v5, v4;
	[tilespmem:s31+$0x13DF8] =	vst v1  }
0x296: {  	v1 =	vmul.f32 v9, v2;
	v2 =	vsub.f32 v8, v5;
	[tilespmem:s31+$0x142F8] =	vst v3  }
0x297: {  	v3 =	vsub.f32 v0, v6;
	[tilespmem:s31+$0x14618] =	vst v4  }
0x298: {  	v0 =	vsub.f32 v1, v0;
	[tilespmem:s31+$0x14488] =	vst v2  }
0x299: {  	v1 =	vsub.f32 v6, v1;
	[tilespmem:s31+$0x147F8] =	vst v3  }
0x29a: {  	[tilespmem:s31+$0x14B18] =	vst v0  }
0x29b: {  	s3 =	simm.s32 $0x13DF8;
	[tilespmem:s31+$0x14988] =	vst v1  }
0x29c: {  	[spmem:s10] =	stream.indirect.scatter.add.f32 [tilespmem:s3], [sflag:$0xB], $0x1, s16, s30, $0xb8;
	[tilespmem:$0x1D8F8] =	vst v63  }
0x29d: {  	s9 =	simm.s32 $0x142F8  }
0x29e: {  	[spmem:s14] =	stream.indirect.scatter.add.f32 [tilespmem:s9], [sflag:$0xB], $0x1, s16, s30, $0xb8;
	[tilespmem:$0x1D8F8] =	vst v63  }
0x29f: {  	s17 =	simm.s32 $0x147F8;
	s19 =	simm.s32 $0x4  }
0x2a0: {  	[spmem:s18] =	stream.indirect.scatter.add.f32 [tilespmem:s17], [sflag:$0xB], $0x1, s16, s30, $0xb8;
	[tilespmem:$0x1D8F8] =	vst v63  }
0x2a1: {  	_ =	swait.ge [sflag:s19], $0x4B0  }
0x2a2: {  	[sflag:s19] =	ssyncset.done $0x0  }
0x2a3: {  	[sflag:s19] =	ssyncadd.s32 $0xFFFFFB50  }
0x2a4: {  	_ =	swait.ge [sflag:s19], $0x4B0  }
0x2a5: {  	[sflag:s19] =	ssyncset.done $0x0  }
0x2a6: {  	[sflag:s19] =	ssyncadd.s32 $0xFFFFFB50  }
0x2a7: {  	_ =	swait.ge [sflag:s19], $0x4B0  }
0x2a8: {  	[sflag:s19] =	ssyncset.done $0x0  }
0x2a9: {  	s31 =	simm.s32 $0x0;
	[sflag:s19] =	ssyncadd.s32 $0xFFFFFB50  }
0x2aa: {  	v0 =	vld [tilespmem:s31+$0x15518]  }
0x2ab: {  	v1 =	vld [tilespmem:s31+$0x15388]  }
0x2ac: {  	v2 =	vld [tilespmem:s31+$0x151F8]  }
0x2ad: {  	v6 =	vld [tilespmem:s31+$0x156F8]  }
0x2ae: {  	v5 =	vld [tilespmem:s31+$0x15A18]  }
0x2af: {  	v8 =	vld [tilespmem:s31+$0x15888]  }
0x2b0: {  	v9 =	vld [tilespmem:s31+$0x15BF8]  }
0x2b1: {  	v10 =	vld [tilespmem:s31+$0x15F18]  }
0x2b2: {  	v11 =	vld [tilespmem:s31+$0x15D88]  }
0x2b3: {  	v3 =	vsub.f32 v0, v2  }
0x2b4: {  	v7 =	vsub.f32 v1, v0;
	v1 =	vsub.f32 v2, v1  }
0x2b5: {  	v4 =	vsub.f32 v5, v6;
	v5 =	vsub.f32 v8, v5  }
0x2b6: {  	v8 =	vsub.f32 v6, v8;
	v0 =	vsub.f32 v10, v9  }
0x2b7: {  	v6 =	vsub.f32 v9, v11;
	v13 =	vmul.f32 v3, v3;
	v14 =	vmul.f32 v4, v4  }
0x2b8: {  	v2 =	vsub.f32 v11, v10;
	v12 =	vmul.f32 v7, v7;
	v9 =	vmul.f32 v5, v5  }
0x2b9: {  	v11 =	vmul.f32 v0, v0;
	v10 =	vadd.f32 v14, v13;
	v13 =	vmul.f32 v1, v1  }
0x2ba: {  	v9 =	vadd.f32 v9, v12;
	v12 =	vmul.f32 v2, v2;
	v14 =	vmul.f32 v8, v8  }
0x2bb: {  	v10 =	vadd.f32 v11, v10  }
0x2bc: {  	v9 =	vadd.f32 v12, v9;
	v11 =	vadd.f32 v14, v13;
	v12 =	vmul.f32 v6, v6;
	_ =	sdelay $0x1  }
0x2bd: {  	v11 =	vadd.f32 v12, v11;
	v12 =	vmul.f32 v9, v9;
	v13 =	vmul.f32 v10, v10;
	_ =	sdelay $0x1  }
0x2be: {  	v14 =	vadd.f32 v10, v9;
	v12 =	vadd.f32 v13, v12;
	v13 =	vmul.f32 v11, v11;
	_ =	sdelay $0x1  }
0x2bf: {  	v14 =	vadd.f32 v14, v11;
	v12 =	vadd.f32 v12, v13;
	_ =	sdelay $0x1  }
0x2c0: {  	v13 =	vmul.f32 v14, v14;
	v12 =	vadd.f32 v12, v12;
	_ =	sdelay $0x1  }
0x2c1: {  	v12 =	vsub.f32 v13, v12;
	_ =	sdelay $0x1  }
0x2c2: {  	v13 =	vshra.s32 v12, $0x1;
	v12 =	vmul.f32 $5.000000000e-01, v12  }
0x2c3: {  	v13 =	vsub.s32 $0x5F3759DF, v13  }
0x2c4: {  	v15 =	vmul.f32 v13, v12;
	_ =	sdelay $0x1  }
0x2c5: {  	v15 =	vmul.f32 v13, v15  }
0x2c6: {  	v16 =	vsub.f32 v14, v9;
	v17 =	vsub.f32 v14, v10  }
0x2c7: {  	v14 =	vsub.f32 v14, v11;
	v15 =	vsub.f32 $1.500000000e+00, v15  }
0x2c8: {  	v9 =	vsub.f32 v16, v9  }
0x2c9: {  	s4 =	simm.s32 $0x40;
	v10 =	vsub.f32 v17, v10;
	v11 =	vsub.f32 v14, v11;
	v13 =	vmul.f32 v13, v15  }
.LBB2_8:
0x2ca: {  	p0 =	sne.s32 s4, $0x600;
	s7 =	smov.u32 s4;
	s4 =	sadd.s32 $0x40, s4  }
0x2cb: {  	v14 =	vmul.f32 v13, v12;
	_ =	sdelay $0x1  }
0x2cc: {  	v14 =	vmul.f32 v14, v13;
	_ =	sdelay $0x1  }
0x2cd: {  	v14 =	vsub.f32 $1.500000000e+00, v14  }
0x2ce: {  	s7 =	sshra.s32 s7, $0x2  }
0x2cf: {  	v13 =	vmul.f32 v14, v13;
	_ =	sdelay $0x1  }
0x2d0: {  	v12 =	vmul.f32 v13, v12;
	_ =	sdelay $0x1  }
0x2d1: {  	v12 =	vmul.f32 v12, v13;
	_ =	sdelay $0x1  }
0x2d2: {  	v12 =	vsub.f32 $1.500000000e+00, v12;
	_ =	sdelay $0x1  }
0x2d3: {  	v12 =	vmul.f32 v12, v13;
	_ =	sdelay $0x1  }
0x2d4: {  	v12 =	vmul.f32 $5.000000000e-01, v12;
	_ =	sdelay $0x1  }
0x2d5: {  	v9 =	vmul.f32 v12, v9;
	v10 =	vmul.f32 v12, v10  }
0x2d6: {  	v11 =	vmul.f32 v12, v11  }
0x2d7: {  	v7 =	vmul.f32 v9, v7;
	v3 =	vmul.f32 v10, v3  }
0x2d8: {  	v1 =	vmul.f32 v11, v1;
	v8 =	vmul.f32 v11, v8  }
0x2d9: {  	v5 =	vmul.f32 v9, v5;
	v4 =	vmul.f32 v10, v4;
	v12 =	vsub.f32 v7, v3  }
0x2da: {  	v6 =	vmul.f32 v11, v6;
	v3 =	vsub.f32 v3, v1;
	v1 =	vsub.f32 v1, v7  }
0x2db: {  	v2 =	vmul.f32 v9, v2;
	v7 =	vsub.f32 v4, v8;
	v4 =	vsub.f32 v5, v4;
	[tilespmem:s31+$0x15518] =	vst v12  }
0x2dc: {  	v0 =	vmul.f32 v10, v0;
	v9 =	vld [tilespmem:s7+$0x15518];
	[tilespmem:s31+$0x15388] =	vst v1;
	v1 =	vsub.f32 v8, v5  }
0x2dd: {  	v8 =	vsub.f32 v6, v2;
	v5 =	vld [tilespmem:s7+$0x15388];
	[tilespmem:s31+$0x151F8] =	vst v3  }
0x2de: {  	v6 =	vsub.f32 v0, v6;
	v0 =	vsub.f32 v2, v0;
	v3 =	vld [tilespmem:s7+$0x151F8];
	[tilespmem:s31+$0x156F8] =	vst v7  }
0x2df: {  	v2 =	vld [tilespmem:s7+$0x156F8];
	[tilespmem:s31+$0x15A18] =	vst v4  }
0x2e0: {  	v10 =	vld [tilespmem:s7+$0x15A18];
	[tilespmem:s31+$0x15888] =	vst v1  }
0x2e1: {  	v11 =	vld [tilespmem:s7+$0x15888];
	[tilespmem:s31+$0x15BF8] =	vst v6  }
0x2e2: {  	v6 =	vld [tilespmem:s7+$0x15BF8];
	[tilespmem:s31+$0x15F18] =	vst v0  }
0x2e3: {  	v12 =	vld [tilespmem:s7+$0x15F18];
	v1 =	vsub.f32 v3, v5;
	v3 =	vsub.f32 v9, v3;
	[tilespmem:s31+$0x15D88] =	vst v8;
	s31 =	smov.u32 s7  }
0x2e4: {  	v7 =	vsub.f32 v5, v9;
	v13 =	vld [tilespmem:s31+$0x15D88];
	_ =	sdelay $0x1  }
0x2e5: {  	v9 =	vmul.f32 v7, v7;
	v4 =	vsub.f32 v10, v2  }
0x2e6: {  	v5 =	vsub.f32 v11, v10;
	v10 =	vmul.f32 v3, v3  }
0x2e7: {  	v8 =	vsub.f32 v2, v11;
	v11 =	vmul.f32 v4, v4;
	v0 =	vsub.f32 v12, v6  }
0x2e8: {  	v6 =	vsub.f32 v6, v13;
	v2 =	vsub.f32 v13, v12;
	v12 =	vmul.f32 v5, v5  }
0x2e9: {  	v10 =	vadd.f32 v11, v10;
	v13 =	vmul.f32 v1, v1;
	v11 =	vmul.f32 v0, v0  }
0x2ea: {  	v14 =	vmul.f32 v8, v8;
	v9 =	vadd.f32 v12, v9;
	v12 =	vmul.f32 v2, v2  }
0x2eb: {  	v10 =	vadd.f32 v11, v10  }
0x2ec: {  	v11 =	vadd.f32 v14, v13;
	v9 =	vadd.f32 v12, v9;
	v12 =	vmul.f32 v6, v6;
	_ =	sdelay $0x1  }
0x2ed: {  	v13 =	vmul.f32 v10, v10;
	v11 =	vadd.f32 v12, v11;
	v12 =	vmul.f32 v9, v9  }
0x2ee: {  	v14 =	vadd.f32 v10, v9  }
0x2ef: {  	v12 =	vadd.f32 v13, v12;
	v13 =	vmul.f32 v11, v11  }
0x2f0: {  	v14 =	vadd.f32 v14, v11  }
0x2f1: {  	v12 =	vadd.f32 v12, v13  }
0x2f2: {  	v13 =	vsub.f32 v14, v9;
	v15 =	vsub.f32 v14, v10  }
0x2f3: {  	v16 =	vmul.f32 v14, v14;
	v14 =	vsub.f32 v14, v11;
	v12 =	vadd.f32 v12, v12  }
0x2f4: {  	v9 =	vsub.f32 v13, v9;
	v10 =	vsub.f32 v15, v10  }
0x2f5: {  	v11 =	vsub.f32 v14, v11;
	v12 =	vsub.f32 v16, v12;
	_ =	sdelay $0x1  }
0x2f6: {  	v13 =	vshra.s32 v12, $0x1;
	v12 =	vmul.f32 $5.000000000e-01, v12  }
0x2f7: {  	v13 =	vsub.s32 $0x5F3759DF, v13  }
0x2f8: {  	v14 =	vmul.f32 v13, v12;
	_ =	sdelay $0x1  }
.Ltmp7:
0x2f9: {  	v14 =	vmul.f32 v13, v14;
	(pc) =	sbr.rel @p0 .LBB2_8-.Ltmp7, $3  }
0x2fa: {  	_ = 	snop  }
0x2fb: {  	v14 =	vsub.f32 $1.500000000e+00, v14;
	_ =	sdelay $0x1  }
0x2fc: {  	v13 =	vmul.f32 v13, v14  }
0x2fd: {  	_ = 	snop  }
0x2fe: {  	v14 =	vmul.f32 v13, v12;
	_ =	sdelay $0x1  }
0x2ff: {  	v14 =	vmul.f32 v14, v13;
	_ =	sdelay $0x1  }
0x300: {  	v14 =	vsub.f32 $1.500000000e+00, v14;
	_ =	sdelay $0x1  }
0x301: {  	v13 =	vmul.f32 v14, v13;
	_ =	sdelay $0x1  }
0x302: {  	v12 =	vmul.f32 v13, v12;
	_ =	sdelay $0x1  }
0x303: {  	v12 =	vmul.f32 v12, v13;
	_ =	sdelay $0x1  }
0x304: {  	v12 =	vsub.f32 $1.500000000e+00, v12;
	_ =	sdelay $0x1  }
0x305: {  	v12 =	vmul.f32 v12, v13;
	_ =	sdelay $0x1  }
0x306: {  	v12 =	vmul.f32 $5.000000000e-01, v12;
	_ =	sdelay $0x1  }
0x307: {  	v9 =	vmul.f32 v12, v9;
	v10 =	vmul.f32 v12, v10  }
0x308: {  	v11 =	vmul.f32 v12, v11  }
0x309: {  	v7 =	vmul.f32 v9, v7;
	v3 =	vmul.f32 v10, v3  }
0x30a: {  	v1 =	vmul.f32 v11, v1  }
0x30b: {  	v12 =	vsub.f32 v7, v3  }
0x30c: {  	v8 =	vmul.f32 v11, v8;
	v4 =	vmul.f32 v10, v4;
	v7 =	vsub.f32 v1, v7  }
0x30d: {  	v5 =	vmul.f32 v9, v5;
	v1 =	vsub.f32 v3, v1;
	[tilespmem:s31+$0x15518] =	vst v12  }
0x30e: {  	v3 =	vsub.f32 v4, v8;
	[tilespmem:s31+$0x15388] =	vst v7  }
0x30f: {  	v6 =	vmul.f32 v11, v6;
	v0 =	vmul.f32 v10, v0;
	v4 =	vsub.f32 v5, v4;
	[tilespmem:s31+$0x151F8] =	vst v1  }
0x310: {  	v1 =	vmul.f32 v9, v2;
	v2 =	vsub.f32 v8, v5;
	[tilespmem:s31+$0x156F8] =	vst v3  }
0x311: {  	v3 =	vsub.f32 v0, v6;
	[tilespmem:s31+$0x15A18] =	vst v4  }
0x312: {  	v0 =	vsub.f32 v1, v0;
	[tilespmem:s31+$0x15888] =	vst v2  }
0x313: {  	v1 =	vsub.f32 v6, v1;
	[tilespmem:s31+$0x15BF8] =	vst v3  }
0x314: {  	[tilespmem:s31+$0x15F18] =	vst v0  }
0x315: {  	s3 =	simm.s32 $0x151F8;
	[tilespmem:s31+$0x15D88] =	vst v1  }
0x316: {  	[spmem:s10] =	stream.indirect.scatter.add.f32 [tilespmem:s3], [sflag:$0xC], $0x1, s23, s30, $0xb8;
	[tilespmem:$0x1D8F8] =	vst v63  }
0x317: {  	s9 =	simm.s32 $0x156F8  }
0x318: {  	[spmem:s14] =	stream.indirect.scatter.add.f32 [tilespmem:s9], [sflag:$0xC], $0x1, s23, s30, $0xb8;
	[tilespmem:$0x1D8F8] =	vst v63  }
0x319: {  	s17 =	simm.s32 $0x15BF8;
	s19 =	simm.s32 $0x5  }
0x31a: {  	[spmem:s18] =	stream.indirect.scatter.add.f32 [tilespmem:s17], [sflag:$0xC], $0x1, s23, s30, $0xb8;
	[tilespmem:$0x1D8F8] =	vst v63  }
0x31b: {  	_ =	swait.ge [sflag:s19], $0x4B0  }
0x31c: {  	[sflag:s19] =	ssyncset.done $0x0  }
0x31d: {  	[sflag:s19] =	ssyncadd.s32 $0xFFFFFB50  }
0x31e: {  	_ =	swait.ge [sflag:s19], $0x4B0  }
0x31f: {  	[sflag:s19] =	ssyncset.done $0x0  }
0x320: {  	[sflag:s19] =	ssyncadd.s32 $0xFFFFFB50  }
0x321: {  	_ =	swait.ge [sflag:s19], $0x4B0  }
0x322: {  	[sflag:s19] =	ssyncset.done $0x0  }
0x323: {  	s31 =	simm.s32 $0x0;
	[sflag:s19] =	ssyncadd.s32 $0xFFFFFB50  }
0x324: {  	v0 =	vld [tilespmem:s31+$0x16918]  }
0x325: {  	v1 =	vld [tilespmem:s31+$0x16788]  }
0x326: {  	v2 =	vld [tilespmem:s31+$0x165F8]  }
0x327: {  	v6 =	vld [tilespmem:s31+$0x16AF8]  }
0x328: {  	v5 =	vld [tilespmem:s31+$0x16E18]  }
0x329: {  	v8 =	vld [tilespmem:s31+$0x16C88]  }
0x32a: {  	v9 =	vld [tilespmem:s31+$0x16FF8]  }
0x32b: {  	v10 =	vld [tilespmem:s31+$0x17318]  }
0x32c: {  	v11 =	vld [tilespmem:s31+$0x17188]  }
0x32d: {  	v3 =	vsub.f32 v0, v2  }
0x32e: {  	v7 =	vsub.f32 v1, v0;
	v1 =	vsub.f32 v2, v1  }
0x32f: {  	v4 =	vsub.f32 v5, v6;
	v5 =	vsub.f32 v8, v5  }
0x330: {  	v8 =	vsub.f32 v6, v8;
	v0 =	vsub.f32 v10, v9  }
0x331: {  	v6 =	vsub.f32 v9, v11;
	v13 =	vmul.f32 v3, v3;
	v14 =	vmul.f32 v4, v4  }
0x332: {  	v2 =	vsub.f32 v11, v10;
	v12 =	vmul.f32 v7, v7;
	v9 =	vmul.f32 v5, v5  }
0x333: {  	v11 =	vmul.f32 v0, v0;
	v10 =	vadd.f32 v14, v13;
	v13 =	vmul.f32 v1, v1  }
0x334: {  	v9 =	vadd.f32 v9, v12;
	v12 =	vmul.f32 v2, v2;
	v14 =	vmul.f32 v8, v8  }
0x335: {  	v10 =	vadd.f32 v11, v10  }
0x336: {  	v9 =	vadd.f32 v12, v9;
	v11 =	vadd.f32 v14, v13;
	v12 =	vmul.f32 v6, v6;
	_ =	sdelay $0x1  }
0x337: {  	v11 =	vadd.f32 v12, v11;
	v12 =	vmul.f32 v9, v9;
	v13 =	vmul.f32 v10, v10;
	_ =	sdelay $0x1  }
0x338: {  	v14 =	vadd.f32 v10, v9;
	v12 =	vadd.f32 v13, v12;
	v13 =	vmul.f32 v11, v11;
	_ =	sdelay $0x1  }
0x339: {  	v14 =	vadd.f32 v14, v11;
	v12 =	vadd.f32 v12, v13;
	_ =	sdelay $0x1  }
0x33a: {  	v13 =	vmul.f32 v14, v14;
	v12 =	vadd.f32 v12, v12;
	_ =	sdelay $0x1  }
0x33b: {  	v12 =	vsub.f32 v13, v12;
	_ =	sdelay $0x1  }
0x33c: {  	v13 =	vshra.s32 v12, $0x1;
	v12 =	vmul.f32 $5.000000000e-01, v12  }
0x33d: {  	v13 =	vsub.s32 $0x5F3759DF, v13  }
0x33e: {  	v15 =	vmul.f32 v13, v12;
	_ =	sdelay $0x1  }
0x33f: {  	v15 =	vmul.f32 v13, v15  }
0x340: {  	v16 =	vsub.f32 v14, v9;
	v17 =	vsub.f32 v14, v10  }
0x341: {  	v14 =	vsub.f32 v14, v11;
	v15 =	vsub.f32 $1.500000000e+00, v15  }
0x342: {  	v9 =	vsub.f32 v16, v9  }
0x343: {  	s4 =	simm.s32 $0x40;
	v10 =	vsub.f32 v17, v10;
	v11 =	vsub.f32 v14, v11;
	v13 =	vmul.f32 v13, v15  }
.LBB2_10:
0x344: {  	p0 =	sne.s32 s4, $0x600;
	s7 =	smov.u32 s4;
	s4 =	sadd.s32 $0x40, s4  }
0x345: {  	v14 =	vmul.f32 v13, v12;
	_ =	sdelay $0x1  }
0x346: {  	v14 =	vmul.f32 v14, v13;
	_ =	sdelay $0x1  }
0x347: {  	v14 =	vsub.f32 $1.500000000e+00, v14  }
0x348: {  	s7 =	sshra.s32 s7, $0x2  }
0x349: {  	v13 =	vmul.f32 v14, v13;
	_ =	sdelay $0x1  }
0x34a: {  	v12 =	vmul.f32 v13, v12;
	_ =	sdelay $0x1  }
0x34b: {  	v12 =	vmul.f32 v12, v13;
	_ =	sdelay $0x1  }
0x34c: {  	v12 =	vsub.f32 $1.500000000e+00, v12;
	_ =	sdelay $0x1  }
0x34d: {  	v12 =	vmul.f32 v12, v13;
	_ =	sdelay $0x1  }
0x34e: {  	v12 =	vmul.f32 $5.000000000e-01, v12;
	_ =	sdelay $0x1  }
0x34f: {  	v9 =	vmul.f32 v12, v9;
	v10 =	vmul.f32 v12, v10  }
0x350: {  	v11 =	vmul.f32 v12, v11  }
0x351: {  	v7 =	vmul.f32 v9, v7;
	v3 =	vmul.f32 v10, v3  }
0x352: {  	v1 =	vmul.f32 v11, v1;
	v8 =	vmul.f32 v11, v8  }
0x353: {  	v5 =	vmul.f32 v9, v5;
	v4 =	vmul.f32 v10, v4;
	v12 =	vsub.f32 v7, v3  }
0x354: {  	v6 =	vmul.f32 v11, v6;
	v3 =	vsub.f32 v3, v1;
	v1 =	vsub.f32 v1, v7  }
0x355: {  	v2 =	vmul.f32 v9, v2;
	v7 =	vsub.f32 v4, v8;
	v4 =	vsub.f32 v5, v4;
	[tilespmem:s31+$0x16918] =	vst v12  }
0x356: {  	v0 =	vmul.f32 v10, v0;
	v9 =	vld [tilespmem:s7+$0x16918];
	[tilespmem:s31+$0x16788] =	vst v1;
	v1 =	vsub.f32 v8, v5  }
0x357: {  	v8 =	vsub.f32 v6, v2;
	v5 =	vld [tilespmem:s7+$0x16788];
	[tilespmem:s31+$0x165F8] =	vst v3  }
0x358: {  	v6 =	vsub.f32 v0, v6;
	v0 =	vsub.f32 v2, v0;
	v3 =	vld [tilespmem:s7+$0x165F8];
	[tilespmem:s31+$0x16AF8] =	vst v7  }
0x359: {  	v2 =	vld [tilespmem:s7+$0x16AF8];
	[tilespmem:s31+$0x16E18] =	vst v4  }
0x35a: {  	v10 =	vld [tilespmem:s7+$0x16E18];
	[tilespmem:s31+$0x16C88] =	vst v1  }
0x35b: {  	v11 =	vld [tilespmem:s7+$0x16C88];
	[tilespmem:s31+$0x16FF8] =	vst v6  }
0x35c: {  	v6 =	vld [tilespmem:s7+$0x16FF8];
	[tilespmem:s31+$0x17318] =	vst v0  }
0x35d: {  	v12 =	vld [tilespmem:s7+$0x17318];
	v1 =	vsub.f32 v3, v5;
	v3 =	vsub.f32 v9, v3;
	[tilespmem:s31+$0x17188] =	vst v8;
	s31 =	smov.u32 s7  }
0x35e: {  	v7 =	vsub.f32 v5, v9;
	v13 =	vld [tilespmem:s31+$0x17188];
	_ =	sdelay $0x1  }
0x35f: {  	v9 =	vmul.f32 v7, v7;
	v4 =	vsub.f32 v10, v2  }
0x360: {  	v5 =	vsub.f32 v11, v10;
	v10 =	vmul.f32 v3, v3  }
0x361: {  	v8 =	vsub.f32 v2, v11;
	v11 =	vmul.f32 v4, v4;
	v0 =	vsub.f32 v12, v6  }
0x362: {  	v6 =	vsub.f32 v6, v13;
	v2 =	vsub.f32 v13, v12;
	v12 =	vmul.f32 v5, v5  }
0x363: {  	v10 =	vadd.f32 v11, v10;
	v13 =	vmul.f32 v1, v1;
	v11 =	vmul.f32 v0, v0  }
0x364: {  	v14 =	vmul.f32 v8, v8;
	v9 =	vadd.f32 v12, v9;
	v12 =	vmul.f32 v2, v2  }
0x365: {  	v10 =	vadd.f32 v11, v10  }
0x366: {  	v11 =	vadd.f32 v14, v13;
	v9 =	vadd.f32 v12, v9;
	v12 =	vmul.f32 v6, v6;
	_ =	sdelay $0x1  }
0x367: {  	v13 =	vmul.f32 v10, v10;
	v11 =	vadd.f32 v12, v11;
	v12 =	vmul.f32 v9, v9  }
0x368: {  	v14 =	vadd.f32 v10, v9  }
0x369: {  	v12 =	vadd.f32 v13, v12;
	v13 =	vmul.f32 v11, v11  }
0x36a: {  	v14 =	vadd.f32 v14, v11  }
0x36b: {  	v12 =	vadd.f32 v12, v13  }
0x36c: {  	v13 =	vsub.f32 v14, v9;
	v15 =	vsub.f32 v14, v10  }
0x36d: {  	v16 =	vmul.f32 v14, v14;
	v14 =	vsub.f32 v14, v11;
	v12 =	vadd.f32 v12, v12  }
0x36e: {  	v9 =	vsub.f32 v13, v9;
	v10 =	vsub.f32 v15, v10  }
0x36f: {  	v11 =	vsub.f32 v14, v11;
	v12 =	vsub.f32 v16, v12;
	_ =	sdelay $0x1  }
0x370: {  	v13 =	vshra.s32 v12, $0x1;
	v12 =	vmul.f32 $5.000000000e-01, v12  }
0x371: {  	v13 =	vsub.s32 $0x5F3759DF, v13  }
0x372: {  	v14 =	vmul.f32 v13, v12;
	_ =	sdelay $0x1  }
.Ltmp8:
0x373: {  	v14 =	vmul.f32 v13, v14;
	(pc) =	sbr.rel @p0 .LBB2_10-.Ltmp8, $3  }
0x374: {  	_ = 	snop  }
0x375: {  	v14 =	vsub.f32 $1.500000000e+00, v14;
	_ =	sdelay $0x1  }
0x376: {  	v13 =	vmul.f32 v13, v14  }
0x377: {  	_ = 	snop  }
0x378: {  	v14 =	vmul.f32 v13, v12;
	_ =	sdelay $0x1  }
0x379: {  	v14 =	vmul.f32 v14, v13;
	_ =	sdelay $0x1  }
0x37a: {  	v14 =	vsub.f32 $1.500000000e+00, v14;
	_ =	sdelay $0x1  }
0x37b: {  	v13 =	vmul.f32 v14, v13;
	_ =	sdelay $0x1  }
0x37c: {  	v12 =	vmul.f32 v13, v12;
	_ =	sdelay $0x1  }
0x37d: {  	v12 =	vmul.f32 v12, v13;
	_ =	sdelay $0x1  }
0x37e: {  	v12 =	vsub.f32 $1.500000000e+00, v12;
	_ =	sdelay $0x1  }
0x37f: {  	v12 =	vmul.f32 v12, v13;
	_ =	sdelay $0x1  }
0x380: {  	v12 =	vmul.f32 $5.000000000e-01, v12;
	_ =	sdelay $0x1  }
0x381: {  	v9 =	vmul.f32 v12, v9;
	v10 =	vmul.f32 v12, v10  }
0x382: {  	v11 =	vmul.f32 v12, v11  }
0x383: {  	v7 =	vmul.f32 v9, v7;
	v3 =	vmul.f32 v10, v3  }
0x384: {  	v1 =	vmul.f32 v11, v1  }
0x385: {  	v12 =	vsub.f32 v7, v3  }
0x386: {  	v8 =	vmul.f32 v11, v8;
	v4 =	vmul.f32 v10, v4;
	v7 =	vsub.f32 v1, v7  }
0x387: {  	v5 =	vmul.f32 v9, v5;
	v1 =	vsub.f32 v3, v1;
	[tilespmem:s31+$0x16918] =	vst v12  }
0x388: {  	v3 =	vsub.f32 v4, v8;
	[tilespmem:s31+$0x16788] =	vst v7  }
0x389: {  	v6 =	vmul.f32 v11, v6;
	v0 =	vmul.f32 v10, v0;
	v4 =	vsub.f32 v5, v4;
	[tilespmem:s31+$0x165F8] =	vst v1  }
0x38a: {  	v1 =	vmul.f32 v9, v2;
	v2 =	vsub.f32 v8, v5;
	[tilespmem:s31+$0x16AF8] =	vst v3  }
0x38b: {  	v3 =	vsub.f32 v0, v6;
	[tilespmem:s31+$0x16E18] =	vst v4  }
0x38c: {  	v0 =	vsub.f32 v1, v0;
	[tilespmem:s31+$0x16C88] =	vst v2  }
0x38d: {  	v1 =	vsub.f32 v6, v1;
	[tilespmem:s31+$0x16FF8] =	vst v3  }
0x38e: {  	[tilespmem:s31+$0x17318] =	vst v0  }
0x38f: {  	s3 =	simm.s32 $0x160F8;
	s4 =	simm.s32 $0x165F8;
	[tilespmem:s31+$0x17188] =	vst v1  }
0x390: {  	[spmem:s10] =	stream.indirect.scatter.add.f32 [tilespmem:s4], [sflag:$0xD], $0x1, s3, s30, $0xb8;
	[tilespmem:$0x1D8F8] =	vst v63  }
0x391: {  	s9 =	simm.s32 $0x16AF8  }
0x392: {  	[spmem:s14] =	stream.indirect.scatter.add.f32 [tilespmem:s9], [sflag:$0xD], $0x1, s3, s30, $0xb8;
	[tilespmem:$0x1D8F8] =	vst v63  }
0x393: {  	s17 =	simm.s32 $0x16FF8;
	s19 =	simm.s32 $0x6  }
0x394: {  	[spmem:s18] =	stream.indirect.scatter.add.f32 [tilespmem:s17], [sflag:$0xD], $0x1, s3, s30, $0xb8;
	[tilespmem:$0x1D8F8] =	vst v63  }
0x395: {  	_ =	swait.ge [sflag:s19], $0x4B0  }
0x396: {  	[sflag:s19] =	ssyncset.done $0x0  }
0x397: {  	[sflag:s19] =	ssyncadd.s32 $0xFFFFFB50  }
0x398: {  	_ =	swait.ge [sflag:s19], $0x4B0  }
0x399: {  	[sflag:s19] =	ssyncset.done $0x0  }
0x39a: {  	[sflag:s19] =	ssyncadd.s32 $0xFFFFFB50  }
0x39b: {  	_ =	swait.ge [sflag:s19], $0x4B0  }
0x39c: {  	[sflag:s19] =	ssyncset.done $0x0  }
0x39d: {  	s31 =	simm.s32 $0x0;
	[sflag:s19] =	ssyncadd.s32 $0xFFFFFB50  }
0x39e: {  	v0 =	vld [tilespmem:s31+$0x17D18]  }
0x39f: {  	v1 =	vld [tilespmem:s31+$0x17B88]  }
0x3a0: {  	v2 =	vld [tilespmem:s31+$0x179F8]  }
0x3a1: {  	v6 =	vld [tilespmem:s31+$0x17EF8]  }
0x3a2: {  	v5 =	vld [tilespmem:s31+$0x18218]  }
0x3a3: {  	v8 =	vld [tilespmem:s31+$0x18088]  }
0x3a4: {  	v9 =	vld [tilespmem:s31+$0x183F8]  }
0x3a5: {  	v10 =	vld [tilespmem:s31+$0x18718]  }
0x3a6: {  	v11 =	vld [tilespmem:s31+$0x18588]  }
0x3a7: {  	v3 =	vsub.f32 v0, v2  }
0x3a8: {  	v7 =	vsub.f32 v1, v0;
	v1 =	vsub.f32 v2, v1  }
0x3a9: {  	v4 =	vsub.f32 v5, v6;
	v5 =	vsub.f32 v8, v5  }
0x3aa: {  	v8 =	vsub.f32 v6, v8;
	v0 =	vsub.f32 v10, v9  }
0x3ab: {  	v6 =	vsub.f32 v9, v11;
	v13 =	vmul.f32 v3, v3;
	v14 =	vmul.f32 v4, v4  }
0x3ac: {  	v2 =	vsub.f32 v11, v10;
	v12 =	vmul.f32 v7, v7;
	v9 =	vmul.f32 v5, v5  }
0x3ad: {  	v11 =	vmul.f32 v0, v0;
	v10 =	vadd.f32 v14, v13;
	v13 =	vmul.f32 v1, v1  }
0x3ae: {  	v9 =	vadd.f32 v9, v12;
	v12 =	vmul.f32 v2, v2;
	v14 =	vmul.f32 v8, v8  }
0x3af: {  	v10 =	vadd.f32 v11, v10  }
0x3b0: {  	v9 =	vadd.f32 v12, v9;
	v11 =	vadd.f32 v14, v13;
	v12 =	vmul.f32 v6, v6;
	_ =	sdelay $0x1  }
0x3b1: {  	v11 =	vadd.f32 v12, v11;
	v12 =	vmul.f32 v9, v9;
	v13 =	vmul.f32 v10, v10;
	_ =	sdelay $0x1  }
0x3b2: {  	v14 =	vadd.f32 v10, v9;
	v12 =	vadd.f32 v13, v12;
	v13 =	vmul.f32 v11, v11;
	_ =	sdelay $0x1  }
0x3b3: {  	v14 =	vadd.f32 v14, v11;
	v12 =	vadd.f32 v12, v13;
	_ =	sdelay $0x1  }
0x3b4: {  	v13 =	vmul.f32 v14, v14;
	v12 =	vadd.f32 v12, v12;
	_ =	sdelay $0x1  }
0x3b5: {  	v12 =	vsub.f32 v13, v12;
	_ =	sdelay $0x1  }
0x3b6: {  	v13 =	vshra.s32 v12, $0x1;
	v12 =	vmul.f32 $5.000000000e-01, v12  }
0x3b7: {  	v13 =	vsub.s32 $0x5F3759DF, v13  }
0x3b8: {  	v15 =	vmul.f32 v13, v12;
	_ =	sdelay $0x1  }
0x3b9: {  	v15 =	vmul.f32 v13, v15  }
0x3ba: {  	v16 =	vsub.f32 v14, v9;
	v17 =	vsub.f32 v14, v10  }
0x3bb: {  	v14 =	vsub.f32 v14, v11;
	v15 =	vsub.f32 $1.500000000e+00, v15  }
0x3bc: {  	v9 =	vsub.f32 v16, v9  }
0x3bd: {  	s4 =	simm.s32 $0x40;
	v10 =	vsub.f32 v17, v10;
	v11 =	vsub.f32 v14, v11;
	v13 =	vmul.f32 v13, v15  }
.LBB2_12:
0x3be: {  	p0 =	sne.s32 s4, $0x600;
	s7 =	smov.u32 s4;
	s4 =	sadd.s32 $0x40, s4  }
0x3bf: {  	v14 =	vmul.f32 v13, v12;
	_ =	sdelay $0x1  }
0x3c0: {  	v14 =	vmul.f32 v14, v13;
	_ =	sdelay $0x1  }
0x3c1: {  	v14 =	vsub.f32 $1.500000000e+00, v14  }
0x3c2: {  	s7 =	sshra.s32 s7, $0x2  }
0x3c3: {  	v13 =	vmul.f32 v14, v13;
	_ =	sdelay $0x1  }
0x3c4: {  	v12 =	vmul.f32 v13, v12;
	_ =	sdelay $0x1  }
0x3c5: {  	v12 =	vmul.f32 v12, v13;
	_ =	sdelay $0x1  }
0x3c6: {  	v12 =	vsub.f32 $1.500000000e+00, v12;
	_ =	sdelay $0x1  }
0x3c7: {  	v12 =	vmul.f32 v12, v13;
	_ =	sdelay $0x1  }
0x3c8: {  	v12 =	vmul.f32 $5.000000000e-01, v12;
	_ =	sdelay $0x1  }
0x3c9: {  	v9 =	vmul.f32 v12, v9;
	v10 =	vmul.f32 v12, v10  }
0x3ca: {  	v11 =	vmul.f32 v12, v11  }
0x3cb: {  	v7 =	vmul.f32 v9, v7;
	v3 =	vmul.f32 v10, v3  }
0x3cc: {  	v1 =	vmul.f32 v11, v1;
	v8 =	vmul.f32 v11, v8  }
0x3cd: {  	v5 =	vmul.f32 v9, v5;
	v4 =	vmul.f32 v10, v4;
	v12 =	vsub.f32 v7, v3  }
0x3ce: {  	v6 =	vmul.f32 v11, v6;
	v3 =	vsub.f32 v3, v1;
	v1 =	vsub.f32 v1, v7  }
0x3cf: {  	v2 =	vmul.f32 v9, v2;
	v7 =	vsub.f32 v4, v8;
	v4 =	vsub.f32 v5, v4;
	[tilespmem:s31+$0x17D18] =	vst v12  }
0x3d0: {  	v0 =	vmul.f32 v10, v0;
	v9 =	vld [tilespmem:s7+$0x17D18];
	[tilespmem:s31+$0x17B88] =	vst v1;
	v1 =	vsub.f32 v8, v5  }
0x3d1: {  	v8 =	vsub.f32 v6, v2;
	v5 =	vld [tilespmem:s7+$0x17B88];
	[tilespmem:s31+$0x179F8] =	vst v3  }
0x3d2: {  	v6 =	vsub.f32 v0, v6;
	v0 =	vsub.f32 v2, v0;
	v3 =	vld [tilespmem:s7+$0x179F8];
	[tilespmem:s31+$0x17EF8] =	vst v7  }
0x3d3: {  	v2 =	vld [tilespmem:s7+$0x17EF8];
	[tilespmem:s31+$0x18218] =	vst v4  }
0x3d4: {  	v10 =	vld [tilespmem:s7+$0x18218];
	[tilespmem:s31+$0x18088] =	vst v1  }
0x3d5: {  	v11 =	vld [tilespmem:s7+$0x18088];
	[tilespmem:s31+$0x183F8] =	vst v6  }
0x3d6: {  	v6 =	vld [tilespmem:s7+$0x183F8];
	[tilespmem:s31+$0x18718] =	vst v0  }
0x3d7: {  	v12 =	vld [tilespmem:s7+$0x18718];
	v1 =	vsub.f32 v3, v5;
	v3 =	vsub.f32 v9, v3;
	[tilespmem:s31+$0x18588] =	vst v8;
	s31 =	smov.u32 s7  }
0x3d8: {  	v7 =	vsub.f32 v5, v9;
	v13 =	vld [tilespmem:s31+$0x18588];
	_ =	sdelay $0x1  }
0x3d9: {  	v9 =	vmul.f32 v7, v7;
	v4 =	vsub.f32 v10, v2  }
0x3da: {  	v5 =	vsub.f32 v11, v10;
	v10 =	vmul.f32 v3, v3  }
0x3db: {  	v8 =	vsub.f32 v2, v11;
	v11 =	vmul.f32 v4, v4;
	v0 =	vsub.f32 v12, v6  }
0x3dc: {  	v6 =	vsub.f32 v6, v13;
	v2 =	vsub.f32 v13, v12;
	v12 =	vmul.f32 v5, v5  }
0x3dd: {  	v10 =	vadd.f32 v11, v10;
	v13 =	vmul.f32 v1, v1;
	v11 =	vmul.f32 v0, v0  }
0x3de: {  	v14 =	vmul.f32 v8, v8;
	v9 =	vadd.f32 v12, v9;
	v12 =	vmul.f32 v2, v2  }
0x3df: {  	v10 =	vadd.f32 v11, v10  }
0x3e0: {  	v11 =	vadd.f32 v14, v13;
	v9 =	vadd.f32 v12, v9;
	v12 =	vmul.f32 v6, v6;
	_ =	sdelay $0x1  }
0x3e1: {  	v13 =	vmul.f32 v10, v10;
	v11 =	vadd.f32 v12, v11;
	v12 =	vmul.f32 v9, v9  }
0x3e2: {  	v14 =	vadd.f32 v10, v9  }
0x3e3: {  	v12 =	vadd.f32 v13, v12;
	v13 =	vmul.f32 v11, v11  }
0x3e4: {  	v14 =	vadd.f32 v14, v11  }
0x3e5: {  	v12 =	vadd.f32 v12, v13  }
0x3e6: {  	v13 =	vsub.f32 v14, v9;
	v15 =	vsub.f32 v14, v10  }
0x3e7: {  	v16 =	vmul.f32 v14, v14;
	v14 =	vsub.f32 v14, v11;
	v12 =	vadd.f32 v12, v12  }
0x3e8: {  	v9 =	vsub.f32 v13, v9;
	v10 =	vsub.f32 v15, v10  }
0x3e9: {  	v11 =	vsub.f32 v14, v11;
	v12 =	vsub.f32 v16, v12;
	_ =	sdelay $0x1  }
0x3ea: {  	v13 =	vshra.s32 v12, $0x1;
	v12 =	vmul.f32 $5.000000000e-01, v12  }
0x3eb: {  	v13 =	vsub.s32 $0x5F3759DF, v13  }
0x3ec: {  	v14 =	vmul.f32 v13, v12;
	_ =	sdelay $0x1  }
.Ltmp9:
0x3ed: {  	v14 =	vmul.f32 v13, v14;
	(pc) =	sbr.rel @p0 .LBB2_12-.Ltmp9, $3  }
0x3ee: {  	_ = 	snop  }
0x3ef: {  	v14 =	vsub.f32 $1.500000000e+00, v14;
	_ =	sdelay $0x1  }
0x3f0: {  	v13 =	vmul.f32 v13, v14  }
0x3f1: {  	_ = 	snop  }
0x3f2: {  	v14 =	vmul.f32 v13, v12;
	_ =	sdelay $0x1  }
0x3f3: {  	v14 =	vmul.f32 v14, v13;
	_ =	sdelay $0x1  }
0x3f4: {  	v14 =	vsub.f32 $1.500000000e+00, v14;
	_ =	sdelay $0x1  }
0x3f5: {  	v13 =	vmul.f32 v14, v13;
	_ =	sdelay $0x1  }
0x3f6: {  	v12 =	vmul.f32 v13, v12;
	_ =	sdelay $0x1  }
0x3f7: {  	v12 =	vmul.f32 v12, v13;
	_ =	sdelay $0x1  }
0x3f8: {  	v12 =	vsub.f32 $1.500000000e+00, v12;
	_ =	sdelay $0x1  }
0x3f9: {  	v12 =	vmul.f32 v12, v13;
	_ =	sdelay $0x1  }
0x3fa: {  	v12 =	vmul.f32 $5.000000000e-01, v12;
	_ =	sdelay $0x1  }
0x3fb: {  	v9 =	vmul.f32 v12, v9;
	v10 =	vmul.f32 v12, v10  }
0x3fc: {  	v11 =	vmul.f32 v12, v11  }
0x3fd: {  	v7 =	vmul.f32 v9, v7;
	v3 =	vmul.f32 v10, v3  }
0x3fe: {  	v1 =	vmul.f32 v11, v1  }
0x3ff: {  	v12 =	vsub.f32 v7, v3  }
0x400: {  	v8 =	vmul.f32 v11, v8;
	v4 =	vmul.f32 v10, v4;
	v7 =	vsub.f32 v1, v7  }
0x401: {  	v5 =	vmul.f32 v9, v5;
	v1 =	vsub.f32 v3, v1;
	[tilespmem:s31+$0x17D18] =	vst v12  }
0x402: {  	v3 =	vsub.f32 v4, v8;
	[tilespmem:s31+$0x17B88] =	vst v7  }
0x403: {  	v6 =	vmul.f32 v11, v6;
	v0 =	vmul.f32 v10, v0;
	v4 =	vsub.f32 v5, v4;
	[tilespmem:s31+$0x179F8] =	vst v1  }
0x404: {  	v1 =	vmul.f32 v9, v2;
	v2 =	vsub.f32 v8, v5;
	[tilespmem:s31+$0x17EF8] =	vst v3  }
0x405: {  	v3 =	vsub.f32 v0, v6;
	[tilespmem:s31+$0x18218] =	vst v4  }
0x406: {  	v0 =	vsub.f32 v1, v0;
	[tilespmem:s31+$0x18088] =	vst v2  }
0x407: {  	v1 =	vsub.f32 v6, v1;
	[tilespmem:s31+$0x183F8] =	vst v3  }
0x408: {  	[tilespmem:s31+$0x18718] =	vst v0  }
0x409: {  	s3 =	simm.s32 $0x174F8;
	s4 =	simm.s32 $0x179F8;
	[tilespmem:s31+$0x18588] =	vst v1  }
0x40a: {  	[spmem:s10] =	stream.indirect.scatter.add.f32 [tilespmem:s4], [sflag:$0xE], $0x1, s3, s30, $0xb8;
	[tilespmem:$0x1D8F8] =	vst v63  }
0x40b: {  	s9 =	simm.s32 $0x17EF8  }
0x40c: {  	[spmem:s14] =	stream.indirect.scatter.add.f32 [tilespmem:s9], [sflag:$0xE], $0x1, s3, s30, $0xb8;
	[tilespmem:$0x1D8F8] =	vst v63  }
0x40d: {  	s17 =	simm.s32 $0x183F8;
	s19 =	simm.s32 $0x7  }
0x40e: {  	[spmem:s18] =	stream.indirect.scatter.add.f32 [tilespmem:s17], [sflag:$0xE], $0x1, s3, s30, $0xb8;
	[tilespmem:$0x1D8F8] =	vst v63  }
0x40f: {  	_ =	swait.ge [sflag:s19], $0x4B0  }
0x410: {  	[sflag:s19] =	ssyncset.done $0x0  }
0x411: {  	[sflag:s19] =	ssyncadd.s32 $0xFFFFFB50  }
0x412: {  	_ =	swait.ge [sflag:s19], $0x4B0  }
0x413: {  	[sflag:s19] =	ssyncset.done $0x0  }
0x414: {  	[sflag:s19] =	ssyncadd.s32 $0xFFFFFB50  }
0x415: {  	_ =	swait.ge [sflag:s19], $0x4B0  }
0x416: {  	[sflag:s19] =	ssyncset.done $0x0  }
0x417: {  	s31 =	simm.s32 $0x0;
	[sflag:s19] =	ssyncadd.s32 $0xFFFFFB50  }
0x418: {  	v0 =	vld [tilespmem:s31+$0x19118]  }
0x419: {  	v1 =	vld [tilespmem:s31+$0x18F88]  }
0x41a: {  	v2 =	vld [tilespmem:s31+$0x18DF8]  }
0x41b: {  	v6 =	vld [tilespmem:s31+$0x192F8]  }
0x41c: {  	v5 =	vld [tilespmem:s31+$0x19618]  }
0x41d: {  	v8 =	vld [tilespmem:s31+$0x19488]  }
0x41e: {  	v9 =	vld [tilespmem:s31+$0x197F8]  }
0x41f: {  	v10 =	vld [tilespmem:s31+$0x19B18]  }
0x420: {  	v11 =	vld [tilespmem:s31+$0x19988]  }
0x421: {  	v3 =	vsub.f32 v0, v2  }
0x422: {  	v7 =	vsub.f32 v1, v0;
	v1 =	vsub.f32 v2, v1  }
0x423: {  	v4 =	vsub.f32 v5, v6;
	v5 =	vsub.f32 v8, v5  }
0x424: {  	v8 =	vsub.f32 v6, v8;
	v0 =	vsub.f32 v10, v9  }
0x425: {  	v6 =	vsub.f32 v9, v11;
	v13 =	vmul.f32 v3, v3;
	v14 =	vmul.f32 v4, v4  }
0x426: {  	v2 =	vsub.f32 v11, v10;
	v12 =	vmul.f32 v7, v7;
	v9 =	vmul.f32 v5, v5  }
0x427: {  	v11 =	vmul.f32 v0, v0;
	v10 =	vadd.f32 v14, v13;
	v13 =	vmul.f32 v1, v1  }
0x428: {  	v9 =	vadd.f32 v9, v12;
	v12 =	vmul.f32 v2, v2;
	v14 =	vmul.f32 v8, v8  }
0x429: {  	v10 =	vadd.f32 v11, v10  }
0x42a: {  	v9 =	vadd.f32 v12, v9;
	v11 =	vadd.f32 v14, v13;
	v12 =	vmul.f32 v6, v6;
	_ =	sdelay $0x1  }
0x42b: {  	v11 =	vadd.f32 v12, v11;
	v12 =	vmul.f32 v9, v9;
	v13 =	vmul.f32 v10, v10;
	_ =	sdelay $0x1  }
0x42c: {  	v14 =	vadd.f32 v10, v9;
	v12 =	vadd.f32 v13, v12;
	v13 =	vmul.f32 v11, v11;
	_ =	sdelay $0x1  }
0x42d: {  	v14 =	vadd.f32 v14, v11;
	v12 =	vadd.f32 v12, v13;
	_ =	sdelay $0x1  }
0x42e: {  	v13 =	vmul.f32 v14, v14;
	v12 =	vadd.f32 v12, v12;
	_ =	sdelay $0x1  }
0x42f: {  	v12 =	vsub.f32 v13, v12;
	_ =	sdelay $0x1  }
0x430: {  	v13 =	vshra.s32 v12, $0x1;
	v12 =	vmul.f32 $5.000000000e-01, v12  }
0x431: {  	v13 =	vsub.s32 $0x5F3759DF, v13  }
0x432: {  	v15 =	vmul.f32 v13, v12;
	_ =	sdelay $0x1  }
0x433: {  	v15 =	vmul.f32 v13, v15  }
0x434: {  	v16 =	vsub.f32 v14, v9;
	v17 =	vsub.f32 v14, v10  }
0x435: {  	v14 =	vsub.f32 v14, v11;
	v15 =	vsub.f32 $1.500000000e+00, v15  }
0x436: {  	v9 =	vsub.f32 v16, v9  }
0x437: {  	s4 =	simm.s32 $0x40;
	v10 =	vsub.f32 v17, v10;
	v11 =	vsub.f32 v14, v11;
	v13 =	vmul.f32 v13, v15  }
.LBB2_14:
0x438: {  	p0 =	sne.s32 s4, $0x600;
	s7 =	smov.u32 s4;
	s4 =	sadd.s32 $0x40, s4  }
0x439: {  	v14 =	vmul.f32 v13, v12;
	_ =	sdelay $0x1  }
0x43a: {  	v14 =	vmul.f32 v14, v13;
	_ =	sdelay $0x1  }
0x43b: {  	v14 =	vsub.f32 $1.500000000e+00, v14  }
0x43c: {  	s7 =	sshra.s32 s7, $0x2  }
0x43d: {  	v13 =	vmul.f32 v14, v13;
	_ =	sdelay $0x1  }
0x43e: {  	v12 =	vmul.f32 v13, v12;
	_ =	sdelay $0x1  }
0x43f: {  	v12 =	vmul.f32 v12, v13;
	_ =	sdelay $0x1  }
0x440: {  	v12 =	vsub.f32 $1.500000000e+00, v12;
	_ =	sdelay $0x1  }
0x441: {  	v12 =	vmul.f32 v12, v13;
	_ =	sdelay $0x1  }
0x442: {  	v12 =	vmul.f32 $5.000000000e-01, v12;
	_ =	sdelay $0x1  }
0x443: {  	v9 =	vmul.f32 v12, v9;
	v10 =	vmul.f32 v12, v10  }
0x444: {  	v11 =	vmul.f32 v12, v11  }
0x445: {  	v7 =	vmul.f32 v9, v7;
	v3 =	vmul.f32 v10, v3  }
0x446: {  	v1 =	vmul.f32 v11, v1;
	v8 =	vmul.f32 v11, v8  }
0x447: {  	v5 =	vmul.f32 v9, v5;
	v4 =	vmul.f32 v10, v4;
	v12 =	vsub.f32 v7, v3  }
0x448: {  	v6 =	vmul.f32 v11, v6;
	v3 =	vsub.f32 v3, v1;
	v1 =	vsub.f32 v1, v7  }
0x449: {  	v2 =	vmul.f32 v9, v2;
	v7 =	vsub.f32 v4, v8;
	v4 =	vsub.f32 v5, v4;
	[tilespmem:s31+$0x19118] =	vst v12  }
0x44a: {  	v0 =	vmul.f32 v10, v0;
	v9 =	vld [tilespmem:s7+$0x19118];
	[tilespmem:s31+$0x18F88] =	vst v1;
	v1 =	vsub.f32 v8, v5  }
0x44b: {  	v8 =	vsub.f32 v6, v2;
	v5 =	vld [tilespmem:s7+$0x18F88];
	[tilespmem:s31+$0x18DF8] =	vst v3  }
0x44c: {  	v6 =	vsub.f32 v0, v6;
	v0 =	vsub.f32 v2, v0;
	v3 =	vld [tilespmem:s7+$0x18DF8];
	[tilespmem:s31+$0x192F8] =	vst v7  }
0x44d: {  	v2 =	vld [tilespmem:s7+$0x192F8];
	[tilespmem:s31+$0x19618] =	vst v4  }
0x44e: {  	v10 =	vld [tilespmem:s7+$0x19618];
	[tilespmem:s31+$0x19488] =	vst v1  }
0x44f: {  	v11 =	vld [tilespmem:s7+$0x19488];
	[tilespmem:s31+$0x197F8] =	vst v6  }
0x450: {  	v6 =	vld [tilespmem:s7+$0x197F8];
	[tilespmem:s31+$0x19B18] =	vst v0  }
0x451: {  	v12 =	vld [tilespmem:s7+$0x19B18];
	v1 =	vsub.f32 v3, v5;
	v3 =	vsub.f32 v9, v3;
	[tilespmem:s31+$0x19988] =	vst v8;
	s31 =	smov.u32 s7  }
0x452: {  	v7 =	vsub.f32 v5, v9;
	v13 =	vld [tilespmem:s31+$0x19988];
	_ =	sdelay $0x1  }
0x453: {  	v9 =	vmul.f32 v7, v7;
	v4 =	vsub.f32 v10, v2  }
0x454: {  	v5 =	vsub.f32 v11, v10;
	v10 =	vmul.f32 v3, v3  }
0x455: {  	v8 =	vsub.f32 v2, v11;
	v11 =	vmul.f32 v4, v4;
	v0 =	vsub.f32 v12, v6  }
0x456: {  	v6 =	vsub.f32 v6, v13;
	v2 =	vsub.f32 v13, v12;
	v12 =	vmul.f32 v5, v5  }
0x457: {  	v10 =	vadd.f32 v11, v10;
	v13 =	vmul.f32 v1, v1;
	v11 =	vmul.f32 v0, v0  }
0x458: {  	v14 =	vmul.f32 v8, v8;
	v9 =	vadd.f32 v12, v9;
	v12 =	vmul.f32 v2, v2  }
0x459: {  	v10 =	vadd.f32 v11, v10  }
0x45a: {  	v11 =	vadd.f32 v14, v13;
	v9 =	vadd.f32 v12, v9;
	v12 =	vmul.f32 v6, v6;
	_ =	sdelay $0x1  }
0x45b: {  	v13 =	vmul.f32 v10, v10;
	v11 =	vadd.f32 v12, v11;
	v12 =	vmul.f32 v9, v9  }
0x45c: {  	v14 =	vadd.f32 v10, v9  }
0x45d: {  	v12 =	vadd.f32 v13, v12;
	v13 =	vmul.f32 v11, v11  }
0x45e: {  	v14 =	vadd.f32 v14, v11  }
0x45f: {  	v12 =	vadd.f32 v12, v13  }
0x460: {  	v13 =	vsub.f32 v14, v9;
	v15 =	vsub.f32 v14, v10  }
0x461: {  	v16 =	vmul.f32 v14, v14;
	v14 =	vsub.f32 v14, v11;
	v12 =	vadd.f32 v12, v12  }
0x462: {  	v9 =	vsub.f32 v13, v9;
	v10 =	vsub.f32 v15, v10  }
0x463: {  	v11 =	vsub.f32 v14, v11;
	v12 =	vsub.f32 v16, v12;
	_ =	sdelay $0x1  }
0x464: {  	v13 =	vshra.s32 v12, $0x1;
	v12 =	vmul.f32 $5.000000000e-01, v12  }
0x465: {  	v13 =	vsub.s32 $0x5F3759DF, v13  }
0x466: {  	v14 =	vmul.f32 v13, v12;
	_ =	sdelay $0x1  }
.Ltmp10:
0x467: {  	v14 =	vmul.f32 v13, v14;
	(pc) =	sbr.rel @p0 .LBB2_14-.Ltmp10, $3  }
0x468: {  	_ = 	snop  }
0x469: {  	v14 =	vsub.f32 $1.500000000e+00, v14;
	_ =	sdelay $0x1  }
0x46a: {  	v13 =	vmul.f32 v13, v14  }
0x46b: {  	_ = 	snop  }
0x46c: {  	v14 =	vmul.f32 v13, v12;
	_ =	sdelay $0x1  }
0x46d: {  	v14 =	vmul.f32 v14, v13;
	_ =	sdelay $0x1  }
0x46e: {  	v14 =	vsub.f32 $1.500000000e+00, v14;
	_ =	sdelay $0x1  }
0x46f: {  	v13 =	vmul.f32 v14, v13;
	_ =	sdelay $0x1  }
0x470: {  	v12 =	vmul.f32 v13, v12;
	_ =	sdelay $0x1  }
0x471: {  	v12 =	vmul.f32 v12, v13;
	_ =	sdelay $0x1  }
0x472: {  	v12 =	vsub.f32 $1.500000000e+00, v12;
	_ =	sdelay $0x1  }
0x473: {  	v12 =	vmul.f32 v12, v13;
	_ =	sdelay $0x1  }
0x474: {  	v12 =	vmul.f32 $5.000000000e-01, v12;
	_ =	sdelay $0x1  }
0x475: {  	v9 =	vmul.f32 v12, v9;
	v10 =	vmul.f32 v12, v10  }
0x476: {  	v11 =	vmul.f32 v12, v11  }
0x477: {  	v7 =	vmul.f32 v9, v7;
	v3 =	vmul.f32 v10, v3  }
0x478: {  	v1 =	vmul.f32 v11, v1  }
0x479: {  	v12 =	vsub.f32 v7, v3  }
0x47a: {  	v8 =	vmul.f32 v11, v8;
	v4 =	vmul.f32 v10, v4;
	v7 =	vsub.f32 v1, v7  }
0x47b: {  	v5 =	vmul.f32 v9, v5;
	v1 =	vsub.f32 v3, v1;
	[tilespmem:s31+$0x19118] =	vst v12  }
0x47c: {  	v3 =	vsub.f32 v4, v8;
	[tilespmem:s31+$0x18F88] =	vst v7  }
0x47d: {  	v6 =	vmul.f32 v11, v6;
	v0 =	vmul.f32 v10, v0;
	v4 =	vsub.f32 v5, v4;
	[tilespmem:s31+$0x18DF8] =	vst v1  }
0x47e: {  	v1 =	vmul.f32 v9, v2;
	v2 =	vsub.f32 v8, v5;
	[tilespmem:s31+$0x192F8] =	vst v3  }
0x47f: {  	v3 =	vsub.f32 v0, v6;
	[tilespmem:s31+$0x19618] =	vst v4  }
0x480: {  	v0 =	vsub.f32 v1, v0;
	[tilespmem:s31+$0x19488] =	vst v2  }
0x481: {  	v1 =	vsub.f32 v6, v1;
	[tilespmem:s31+$0x197F8] =	vst v3  }
0x482: {  	[tilespmem:s31+$0x19B18] =	vst v0  }
0x483: {  	s3 =	simm.s32 $0x188F8;
	s4 =	simm.s32 $0x18DF8;
	[tilespmem:s31+$0x19988] =	vst v1  }
0x484: {  	[spmem:s10] =	stream.indirect.scatter.add.f32 [tilespmem:s4], [sflag:$0xF], $0x1, s3, s30, $0xb8;
	[tilespmem:$0x1D8F8] =	vst v63  }
0x485: {  	s17 =	simm.s32 $0x192F8  }
0x486: {  	[spmem:s14] =	stream.indirect.scatter.add.f32 [tilespmem:s17], [sflag:$0xF], $0x1, s3, s30, $0xb8;
	[tilespmem:$0x1D8F8] =	vst v63  }
0x487: {  	s19 =	simm.s32 $0x197F8;
	s2 =	simm.s32 $0x8  }
0x488: {  	[spmem:s18] =	stream.indirect.scatter.add.f32 [tilespmem:s19], [sflag:$0xF], $0x1, s3, s30, $0xb8;
	[tilespmem:$0x1D8F8] =	vst v63  }
0x489: {  	_ =	swait.ge [sflag:s2], $0x4B0  }
0x48a: {  	[sflag:s2] =	ssyncset.done $0x0  }
0x48b: {  	[sflag:s2] =	ssyncadd.s32 $0xFFFFFB50  }
0x48c: {  	_ =	swait.ge [sflag:s2], $0x4B0  }
0x48d: {  	[sflag:s2] =	ssyncset.done $0x0  }
0x48e: {  	[sflag:s2] =	ssyncadd.s32 $0xFFFFFB50  }
0x48f: {  	_ =	swait.ge [sflag:s2], $0x4B0  }
0x490: {  	[sflag:s2] =	ssyncset.done $0x0  }
0x491: {  	s31 =	simm.s32 $0x0;
	[sflag:s2] =	ssyncadd.s32 $0xFFFFFB50  }
0x492: {  	v0 =	vld [tilespmem:s31+$0x1A518]  }
0x493: {  	v1 =	vld [tilespmem:s31+$0x1A388]  }
0x494: {  	v2 =	vld [tilespmem:s31+$0x1A1F8]  }
0x495: {  	v6 =	vld [tilespmem:s31+$0x1A6F8]  }
0x496: {  	v5 =	vld [tilespmem:s31+$0x1AA18]  }
0x497: {  	v8 =	vld [tilespmem:s31+$0x1A888]  }
0x498: {  	v9 =	vld [tilespmem:s31+$0x1ABF8]  }
0x499: {  	v10 =	vld [tilespmem:s31+$0x1AF18]  }
0x49a: {  	v11 =	vld [tilespmem:s31+$0x1AD88]  }
0x49b: {  	v3 =	vsub.f32 v0, v2  }
0x49c: {  	v7 =	vsub.f32 v1, v0;
	v1 =	vsub.f32 v2, v1  }
0x49d: {  	v4 =	vsub.f32 v5, v6;
	v5 =	vsub.f32 v8, v5  }
0x49e: {  	v8 =	vsub.f32 v6, v8;
	v0 =	vsub.f32 v10, v9  }
0x49f: {  	v6 =	vsub.f32 v9, v11;
	v13 =	vmul.f32 v3, v3;
	v14 =	vmul.f32 v4, v4  }
0x4a0: {  	v2 =	vsub.f32 v11, v10;
	v12 =	vmul.f32 v7, v7;
	v9 =	vmul.f32 v5, v5  }
0x4a1: {  	v11 =	vmul.f32 v0, v0;
	v10 =	vadd.f32 v14, v13;
	v13 =	vmul.f32 v1, v1  }
0x4a2: {  	v9 =	vadd.f32 v9, v12;
	v12 =	vmul.f32 v2, v2;
	v14 =	vmul.f32 v8, v8  }
0x4a3: {  	v10 =	vadd.f32 v11, v10  }
0x4a4: {  	v9 =	vadd.f32 v12, v9;
	v11 =	vadd.f32 v14, v13;
	v12 =	vmul.f32 v6, v6;
	_ =	sdelay $0x1  }
0x4a5: {  	v11 =	vadd.f32 v12, v11;
	v12 =	vmul.f32 v9, v9;
	v13 =	vmul.f32 v10, v10;
	_ =	sdelay $0x1  }
0x4a6: {  	v14 =	vadd.f32 v10, v9;
	v12 =	vadd.f32 v13, v12;
	v13 =	vmul.f32 v11, v11;
	_ =	sdelay $0x1  }
0x4a7: {  	v14 =	vadd.f32 v14, v11;
	v12 =	vadd.f32 v12, v13;
	_ =	sdelay $0x1  }
0x4a8: {  	v13 =	vmul.f32 v14, v14;
	v12 =	vadd.f32 v12, v12;
	_ =	sdelay $0x1  }
0x4a9: {  	v12 =	vsub.f32 v13, v12;
	_ =	sdelay $0x1  }
0x4aa: {  	v13 =	vshra.s32 v12, $0x1;
	v12 =	vmul.f32 $5.000000000e-01, v12  }
0x4ab: {  	v13 =	vsub.s32 $0x5F3759DF, v13  }
0x4ac: {  	v15 =	vmul.f32 v13, v12;
	_ =	sdelay $0x1  }
0x4ad: {  	v15 =	vmul.f32 v13, v15  }
0x4ae: {  	v16 =	vsub.f32 v14, v9;
	v17 =	vsub.f32 v14, v10  }
0x4af: {  	v14 =	vsub.f32 v14, v11;
	v15 =	vsub.f32 $1.500000000e+00, v15  }
0x4b0: {  	v9 =	vsub.f32 v16, v9  }
0x4b1: {  	s4 =	simm.s32 $0x40;
	v10 =	vsub.f32 v17, v10;
	v11 =	vsub.f32 v14, v11;
	v13 =	vmul.f32 v13, v15  }
.LBB2_16:
0x4b2: {  	p0 =	sne.s32 s4, $0x600;
	s7 =	smov.u32 s4;
	s4 =	sadd.s32 $0x40, s4  }
0x4b3: {  	v14 =	vmul.f32 v13, v12;
	_ =	sdelay $0x1  }
0x4b4: {  	v14 =	vmul.f32 v14, v13;
	_ =	sdelay $0x1  }
0x4b5: {  	v14 =	vsub.f32 $1.500000000e+00, v14  }
0x4b6: {  	s7 =	sshra.s32 s7, $0x2  }
0x4b7: {  	v13 =	vmul.f32 v14, v13;
	_ =	sdelay $0x1  }
0x4b8: {  	v12 =	vmul.f32 v13, v12;
	_ =	sdelay $0x1  }
0x4b9: {  	v12 =	vmul.f32 v12, v13;
	_ =	sdelay $0x1  }
0x4ba: {  	v12 =	vsub.f32 $1.500000000e+00, v12;
	_ =	sdelay $0x1  }
0x4bb: {  	v12 =	vmul.f32 v12, v13;
	_ =	sdelay $0x1  }
0x4bc: {  	v12 =	vmul.f32 $5.000000000e-01, v12;
	_ =	sdelay $0x1  }
0x4bd: {  	v9 =	vmul.f32 v12, v9;
	v10 =	vmul.f32 v12, v10  }
0x4be: {  	v11 =	vmul.f32 v12, v11  }
0x4bf: {  	v7 =	vmul.f32 v9, v7;
	v3 =	vmul.f32 v10, v3  }
0x4c0: {  	v1 =	vmul.f32 v11, v1;
	v8 =	vmul.f32 v11, v8  }
0x4c1: {  	v5 =	vmul.f32 v9, v5;
	v4 =	vmul.f32 v10, v4;
	v12 =	vsub.f32 v7, v3  }
0x4c2: {  	v6 =	vmul.f32 v11, v6;
	v3 =	vsub.f32 v3, v1;
	v1 =	vsub.f32 v1, v7  }
0x4c3: {  	v2 =	vmul.f32 v9, v2;
	v7 =	vsub.f32 v4, v8;
	v4 =	vsub.f32 v5, v4;
	[tilespmem:s31+$0x1A518] =	vst v12  }
0x4c4: {  	v0 =	vmul.f32 v10, v0;
	v9 =	vld [tilespmem:s7+$0x1A518];
	[tilespmem:s31+$0x1A388] =	vst v1;
	v1 =	vsub.f32 v8, v5  }
0x4c5: {  	v8 =	vsub.f32 v6, v2;
	v5 =	vld [tilespmem:s7+$0x1A388];
	[tilespmem:s31+$0x1A1F8] =	vst v3  }
0x4c6: {  	v6 =	vsub.f32 v0, v6;
	v0 =	vsub.f32 v2, v0;
	v3 =	vld [tilespmem:s7+$0x1A1F8];
	[tilespmem:s31+$0x1A6F8] =	vst v7  }
0x4c7: {  	v2 =	vld [tilespmem:s7+$0x1A6F8];
	[tilespmem:s31+$0x1AA18] =	vst v4  }
0x4c8: {  	v10 =	vld [tilespmem:s7+$0x1AA18];
	[tilespmem:s31+$0x1A888] =	vst v1  }
0x4c9: {  	v11 =	vld [tilespmem:s7+$0x1A888];
	[tilespmem:s31+$0x1ABF8] =	vst v6  }
0x4ca: {  	v6 =	vld [tilespmem:s7+$0x1ABF8];
	[tilespmem:s31+$0x1AF18] =	vst v0  }
0x4cb: {  	v12 =	vld [tilespmem:s7+$0x1AF18];
	v1 =	vsub.f32 v3, v5;
	v3 =	vsub.f32 v9, v3;
	[tilespmem:s31+$0x1AD88] =	vst v8;
	s31 =	smov.u32 s7  }
0x4cc: {  	v7 =	vsub.f32 v5, v9;
	v13 =	vld [tilespmem:s31+$0x1AD88];
	_ =	sdelay $0x1  }
0x4cd: {  	v9 =	vmul.f32 v7, v7;
	v4 =	vsub.f32 v10, v2  }
0x4ce: {  	v5 =	vsub.f32 v11, v10;
	v10 =	vmul.f32 v3, v3  }
0x4cf: {  	v8 =	vsub.f32 v2, v11;
	v11 =	vmul.f32 v4, v4;
	v0 =	vsub.f32 v12, v6  }
0x4d0: {  	v6 =	vsub.f32 v6, v13;
	v2 =	vsub.f32 v13, v12;
	v12 =	vmul.f32 v5, v5  }
0x4d1: {  	v10 =	vadd.f32 v11, v10;
	v13 =	vmul.f32 v1, v1;
	v11 =	vmul.f32 v0, v0  }
0x4d2: {  	v14 =	vmul.f32 v8, v8;
	v9 =	vadd.f32 v12, v9;
	v12 =	vmul.f32 v2, v2  }
0x4d3: {  	v10 =	vadd.f32 v11, v10  }
0x4d4: {  	v11 =	vadd.f32 v14, v13;
	v9 =	vadd.f32 v12, v9;
	v12 =	vmul.f32 v6, v6;
	_ =	sdelay $0x1  }
0x4d5: {  	v13 =	vmul.f32 v10, v10;
	v11 =	vadd.f32 v12, v11;
	v12 =	vmul.f32 v9, v9  }
0x4d6: {  	v14 =	vadd.f32 v10, v9  }
0x4d7: {  	v12 =	vadd.f32 v13, v12;
	v13 =	vmul.f32 v11, v11  }
0x4d8: {  	v14 =	vadd.f32 v14, v11  }
0x4d9: {  	v12 =	vadd.f32 v12, v13  }
0x4da: {  	v13 =	vsub.f32 v14, v9;
	v15 =	vsub.f32 v14, v10  }
0x4db: {  	v16 =	vmul.f32 v14, v14;
	v14 =	vsub.f32 v14, v11;
	v12 =	vadd.f32 v12, v12  }
0x4dc: {  	v9 =	vsub.f32 v13, v9;
	v10 =	vsub.f32 v15, v10  }
0x4dd: {  	v11 =	vsub.f32 v14, v11;
	v12 =	vsub.f32 v16, v12;
	_ =	sdelay $0x1  }
0x4de: {  	v13 =	vshra.s32 v12, $0x1;
	v12 =	vmul.f32 $5.000000000e-01, v12  }
0x4df: {  	v13 =	vsub.s32 $0x5F3759DF, v13  }
0x4e0: {  	v14 =	vmul.f32 v13, v12;
	_ =	sdelay $0x1  }
.Ltmp11:
0x4e1: {  	v14 =	vmul.f32 v13, v14;
	(pc) =	sbr.rel @p0 .LBB2_16-.Ltmp11, $3  }
0x4e2: {  	_ = 	snop  }
0x4e3: {  	v14 =	vsub.f32 $1.500000000e+00, v14;
	_ =	sdelay $0x1  }
0x4e4: {  	v13 =	vmul.f32 v13, v14  }
0x4e5: {  	_ = 	snop  }
0x4e6: {  	v14 =	vmul.f32 v13, v12;
	_ =	sdelay $0x1  }
0x4e7: {  	v14 =	vmul.f32 v14, v13;
	_ =	sdelay $0x1  }
0x4e8: {  	v14 =	vsub.f32 $1.500000000e+00, v14;
	_ =	sdelay $0x1  }
0x4e9: {  	v13 =	vmul.f32 v14, v13;
	_ =	sdelay $0x1  }
0x4ea: {  	v12 =	vmul.f32 v13, v12;
	_ =	sdelay $0x1  }
0x4eb: {  	v12 =	vmul.f32 v12, v13;
	_ =	sdelay $0x1  }
0x4ec: {  	v12 =	vsub.f32 $1.500000000e+00, v12;
	_ =	sdelay $0x1  }
0x4ed: {  	v12 =	vmul.f32 v12, v13;
	_ =	sdelay $0x1  }
0x4ee: {  	v12 =	vmul.f32 $5.000000000e-01, v12;
	_ =	sdelay $0x1  }
0x4ef: {  	v9 =	vmul.f32 v12, v9;
	v10 =	vmul.f32 v12, v10  }
0x4f0: {  	v11 =	vmul.f32 v12, v11  }
0x4f1: {  	v7 =	vmul.f32 v9, v7;
	v3 =	vmul.f32 v10, v3  }
0x4f2: {  	v1 =	vmul.f32 v11, v1  }
0x4f3: {  	v12 =	vsub.f32 v7, v3  }
0x4f4: {  	v8 =	vmul.f32 v11, v8;
	v4 =	vmul.f32 v10, v4;
	v7 =	vsub.f32 v1, v7  }
0x4f5: {  	v5 =	vmul.f32 v9, v5;
	v1 =	vsub.f32 v3, v1;
	[tilespmem:s31+$0x1A518] =	vst v12  }
0x4f6: {  	v3 =	vsub.f32 v4, v8;
	[tilespmem:s31+$0x1A388] =	vst v7  }
0x4f7: {  	v6 =	vmul.f32 v11, v6;
	v0 =	vmul.f32 v10, v0;
	v4 =	vsub.f32 v5, v4;
	[tilespmem:s31+$0x1A1F8] =	vst v1  }
0x4f8: {  	v1 =	vmul.f32 v9, v2;
	v2 =	vsub.f32 v8, v5;
	[tilespmem:s31+$0x1A6F8] =	vst v3  }
0x4f9: {  	v3 =	vsub.f32 v0, v6;
	[tilespmem:s31+$0x1AA18] =	vst v4  }
0x4fa: {  	v0 =	vsub.f32 v1, v0;
	[tilespmem:s31+$0x1A888] =	vst v2  }
0x4fb: {  	v1 =	vsub.f32 v6, v1;
	[tilespmem:s31+$0x1ABF8] =	vst v3  }
0x4fc: {  	[tilespmem:s31+$0x1AF18] =	vst v0  }
0x4fd: {  	s3 =	simm.s32 $0x19CF8;
	s4 =	simm.s32 $0x1A1F8;
	[tilespmem:s31+$0x1AD88] =	vst v1  }
0x4fe: {  	[spmem:s10] =	stream.indirect.scatter.add.f32 [tilespmem:s4], [sflag:$0x10], $0x1, s3, s30, $0xb8;
	[tilespmem:$0x1D8F8] =	vst v63  }
0x4ff: {  	s17 =	simm.s32 $0x1A6F8  }
0x500: {  	[spmem:s14] =	stream.indirect.scatter.add.f32 [tilespmem:s17], [sflag:$0x10], $0x1, s3, s30, $0xb8;
	[tilespmem:$0x1D8F8] =	vst v63  }
0x501: {  	s19 =	simm.s32 $0x1ABF8  }
0x502: {  	[spmem:s18] =	stream.indirect.scatter.add.f32 [tilespmem:s19], [sflag:$0x10], $0x1, s3, s30, $0xb8;
	[tilespmem:$0x1D8F8] =	vst v63  }
0x503: {  	_ =	swait.ge [sflag:s21], $0x4B0  }
0x504: {  	[sflag:s21] =	ssyncset.done $0x0  }
0x505: {  	[sflag:s21] =	ssyncadd.s32 $0xFFFFFB50  }
0x506: {  	_ =	swait.ge [sflag:s21], $0x4B0  }
0x507: {  	[sflag:s21] =	ssyncset.done $0x0  }
0x508: {  	[sflag:s21] =	ssyncadd.s32 $0xFFFFFB50  }
0x509: {  	_ =	swait.ge [sflag:s21], $0x4B0  }
0x50a: {  	[sflag:s21] =	ssyncset.done $0x0  }
0x50b: {  	s31 =	simm.s32 $0x0;
	[sflag:s21] =	ssyncadd.s32 $0xFFFFFB50  }
0x50c: {  	v0 =	vld [tilespmem:s31+$0x1B918]  }
0x50d: {  	v1 =	vld [tilespmem:s31+$0x1B788]  }
0x50e: {  	v2 =	vld [tilespmem:s31+$0x1B5F8]  }
0x50f: {  	v6 =	vld [tilespmem:s31+$0x1BAF8]  }
0x510: {  	v5 =	vld [tilespmem:s31+$0x1BE18]  }
0x511: {  	v8 =	vld [tilespmem:s31+$0x1BC88]  }
0x512: {  	v9 =	vld [tilespmem:s31+$0x1BFF8]  }
0x513: {  	v10 =	vld [tilespmem:s31+$0x1C318]  }
0x514: {  	v11 =	vld [tilespmem:s31+$0x1C188]  }
0x515: {  	v3 =	vsub.f32 v0, v2  }
0x516: {  	v7 =	vsub.f32 v1, v0;
	v1 =	vsub.f32 v2, v1  }
0x517: {  	v4 =	vsub.f32 v5, v6;
	v5 =	vsub.f32 v8, v5  }
0x518: {  	v8 =	vsub.f32 v6, v8;
	v0 =	vsub.f32 v10, v9  }
0x519: {  	v6 =	vsub.f32 v9, v11;
	v13 =	vmul.f32 v3, v3;
	v14 =	vmul.f32 v4, v4  }
0x51a: {  	v2 =	vsub.f32 v11, v10;
	v12 =	vmul.f32 v7, v7;
	v9 =	vmul.f32 v5, v5  }
0x51b: {  	v11 =	vmul.f32 v0, v0;
	v10 =	vadd.f32 v14, v13;
	v13 =	vmul.f32 v1, v1  }
0x51c: {  	v9 =	vadd.f32 v9, v12;
	v12 =	vmul.f32 v2, v2;
	v14 =	vmul.f32 v8, v8  }
0x51d: {  	v10 =	vadd.f32 v11, v10  }
0x51e: {  	v9 =	vadd.f32 v12, v9;
	v11 =	vadd.f32 v14, v13;
	v12 =	vmul.f32 v6, v6;
	_ =	sdelay $0x1  }
0x51f: {  	v11 =	vadd.f32 v12, v11;
	v12 =	vmul.f32 v9, v9;
	v13 =	vmul.f32 v10, v10;
	_ =	sdelay $0x1  }
0x520: {  	v14 =	vadd.f32 v10, v9;
	v12 =	vadd.f32 v13, v12;
	v13 =	vmul.f32 v11, v11;
	_ =	sdelay $0x1  }
0x521: {  	v14 =	vadd.f32 v14, v11;
	v12 =	vadd.f32 v12, v13;
	_ =	sdelay $0x1  }
0x522: {  	v13 =	vmul.f32 v14, v14;
	v12 =	vadd.f32 v12, v12;
	_ =	sdelay $0x1  }
0x523: {  	v12 =	vsub.f32 v13, v12;
	_ =	sdelay $0x1  }
0x524: {  	v13 =	vshra.s32 v12, $0x1;
	v12 =	vmul.f32 $5.000000000e-01, v12  }
0x525: {  	v13 =	vsub.s32 $0x5F3759DF, v13  }
0x526: {  	v15 =	vmul.f32 v13, v12;
	_ =	sdelay $0x1  }
0x527: {  	v15 =	vmul.f32 v13, v15  }
0x528: {  	v16 =	vsub.f32 v14, v9;
	v17 =	vsub.f32 v14, v10  }
0x529: {  	v14 =	vsub.f32 v14, v11;
	v15 =	vsub.f32 $1.500000000e+00, v15  }
0x52a: {  	v9 =	vsub.f32 v16, v9  }
0x52b: {  	s4 =	simm.s32 $0x40;
	v10 =	vsub.f32 v17, v10;
	v11 =	vsub.f32 v14, v11;
	v13 =	vmul.f32 v13, v15  }
.LBB2_18:
0x52c: {  	p0 =	sne.s32 s4, $0x600;
	s7 =	smov.u32 s4;
	s4 =	sadd.s32 $0x40, s4  }
0x52d: {  	v14 =	vmul.f32 v13, v12;
	_ =	sdelay $0x1  }
0x52e: {  	v14 =	vmul.f32 v14, v13;
	_ =	sdelay $0x1  }
0x52f: {  	v14 =	vsub.f32 $1.500000000e+00, v14  }
0x530: {  	s7 =	sshra.s32 s7, $0x2  }
0x531: {  	v13 =	vmul.f32 v14, v13;
	_ =	sdelay $0x1  }
0x532: {  	v12 =	vmul.f32 v13, v12;
	_ =	sdelay $0x1  }
0x533: {  	v12 =	vmul.f32 v12, v13;
	_ =	sdelay $0x1  }
0x534: {  	v12 =	vsub.f32 $1.500000000e+00, v12;
	_ =	sdelay $0x1  }
0x535: {  	v12 =	vmul.f32 v12, v13;
	_ =	sdelay $0x1  }
0x536: {  	v12 =	vmul.f32 $5.000000000e-01, v12;
	_ =	sdelay $0x1  }
0x537: {  	v9 =	vmul.f32 v12, v9;
	v10 =	vmul.f32 v12, v10  }
0x538: {  	v11 =	vmul.f32 v12, v11  }
0x539: {  	v7 =	vmul.f32 v9, v7;
	v3 =	vmul.f32 v10, v3  }
0x53a: {  	v1 =	vmul.f32 v11, v1;
	v8 =	vmul.f32 v11, v8  }
0x53b: {  	v5 =	vmul.f32 v9, v5;
	v4 =	vmul.f32 v10, v4;
	v12 =	vsub.f32 v7, v3  }
0x53c: {  	v6 =	vmul.f32 v11, v6;
	v3 =	vsub.f32 v3, v1;
	v1 =	vsub.f32 v1, v7  }
0x53d: {  	v2 =	vmul.f32 v9, v2;
	v7 =	vsub.f32 v4, v8;
	v4 =	vsub.f32 v5, v4;
	[tilespmem:s31+$0x1B918] =	vst v12  }
0x53e: {  	v0 =	vmul.f32 v10, v0;
	v9 =	vld [tilespmem:s7+$0x1B918];
	[tilespmem:s31+$0x1B788] =	vst v1;
	v1 =	vsub.f32 v8, v5  }
0x53f: {  	v8 =	vsub.f32 v6, v2;
	v5 =	vld [tilespmem:s7+$0x1B788];
	[tilespmem:s31+$0x1B5F8] =	vst v3  }
0x540: {  	v6 =	vsub.f32 v0, v6;
	v0 =	vsub.f32 v2, v0;
	v3 =	vld [tilespmem:s7+$0x1B5F8];
	[tilespmem:s31+$0x1BAF8] =	vst v7  }
0x541: {  	v2 =	vld [tilespmem:s7+$0x1BAF8];
	[tilespmem:s31+$0x1BE18] =	vst v4  }
0x542: {  	v10 =	vld [tilespmem:s7+$0x1BE18];
	[tilespmem:s31+$0x1BC88] =	vst v1  }
0x543: {  	v11 =	vld [tilespmem:s7+$0x1BC88];
	[tilespmem:s31+$0x1BFF8] =	vst v6  }
0x544: {  	v6 =	vld [tilespmem:s7+$0x1BFF8];
	[tilespmem:s31+$0x1C318] =	vst v0  }
0x545: {  	v12 =	vld [tilespmem:s7+$0x1C318];
	v1 =	vsub.f32 v3, v5;
	v3 =	vsub.f32 v9, v3;
	[tilespmem:s31+$0x1C188] =	vst v8;
	s31 =	smov.u32 s7  }
0x546: {  	v7 =	vsub.f32 v5, v9;
	v13 =	vld [tilespmem:s31+$0x1C188];
	_ =	sdelay $0x1  }
0x547: {  	v9 =	vmul.f32 v7, v7;
	v4 =	vsub.f32 v10, v2  }
0x548: {  	v5 =	vsub.f32 v11, v10;
	v10 =	vmul.f32 v3, v3  }
0x549: {  	v8 =	vsub.f32 v2, v11;
	v11 =	vmul.f32 v4, v4;
	v0 =	vsub.f32 v12, v6  }
0x54a: {  	v6 =	vsub.f32 v6, v13;
	v2 =	vsub.f32 v13, v12;
	v12 =	vmul.f32 v5, v5  }
0x54b: {  	v10 =	vadd.f32 v11, v10;
	v13 =	vmul.f32 v1, v1;
	v11 =	vmul.f32 v0, v0  }
0x54c: {  	v14 =	vmul.f32 v8, v8;
	v9 =	vadd.f32 v12, v9;
	v12 =	vmul.f32 v2, v2  }
0x54d: {  	v10 =	vadd.f32 v11, v10  }
0x54e: {  	v11 =	vadd.f32 v14, v13;
	v9 =	vadd.f32 v12, v9;
	v12 =	vmul.f32 v6, v6;
	_ =	sdelay $0x1  }
0x54f: {  	v13 =	vmul.f32 v10, v10;
	v11 =	vadd.f32 v12, v11;
	v12 =	vmul.f32 v9, v9  }
0x550: {  	v14 =	vadd.f32 v10, v9  }
0x551: {  	v12 =	vadd.f32 v13, v12;
	v13 =	vmul.f32 v11, v11  }
0x552: {  	v14 =	vadd.f32 v14, v11  }
0x553: {  	v12 =	vadd.f32 v12, v13  }
0x554: {  	v13 =	vsub.f32 v14, v9;
	v15 =	vsub.f32 v14, v10  }
0x555: {  	v16 =	vmul.f32 v14, v14;
	v14 =	vsub.f32 v14, v11;
	v12 =	vadd.f32 v12, v12  }
0x556: {  	v9 =	vsub.f32 v13, v9;
	v10 =	vsub.f32 v15, v10  }
0x557: {  	v11 =	vsub.f32 v14, v11;
	v12 =	vsub.f32 v16, v12;
	_ =	sdelay $0x1  }
0x558: {  	v13 =	vshra.s32 v12, $0x1;
	v12 =	vmul.f32 $5.000000000e-01, v12  }
0x559: {  	v13 =	vsub.s32 $0x5F3759DF, v13  }
0x55a: {  	v14 =	vmul.f32 v13, v12;
	_ =	sdelay $0x1  }
.Ltmp12:
0x55b: {  	v14 =	vmul.f32 v13, v14;
	(pc) =	sbr.rel @p0 .LBB2_18-.Ltmp12, $3  }
0x55c: {  	_ = 	snop  }
0x55d: {  	v14 =	vsub.f32 $1.500000000e+00, v14;
	_ =	sdelay $0x1  }
0x55e: {  	v13 =	vmul.f32 v13, v14  }
0x55f: {  	_ = 	snop  }
0x560: {  	v14 =	vmul.f32 v13, v12;
	_ =	sdelay $0x1  }
0x561: {  	v14 =	vmul.f32 v14, v13;
	_ =	sdelay $0x1  }
0x562: {  	v14 =	vsub.f32 $1.500000000e+00, v14;
	_ =	sdelay $0x1  }
0x563: {  	v57 =	vmul.f32 v14, v13;
	_ =	sdelay $0x1  }
0x564: {  	v58 =	vmul.f32 v57, v12;
	_ =	sdelay $0x1  }
0x565: {  	v12 =	vmul.f32 v58, v57;
	_ =	sdelay $0x1  }
0x566: {  	v12 =	vsub.f32 $1.500000000e+00, v12;
	_ =	sdelay $0x1  }
0x567: {  	v12 =	vmul.f32 v12, v57;
	_ =	sdelay $0x1  }
0x568: {  	v12 =	vmul.f32 $5.000000000e-01, v12;
	_ =	sdelay $0x1  }
0x569: {  	v9 =	vmul.f32 v12, v9;
	v10 =	vmul.f32 v12, v10  }
0x56a: {  	v11 =	vmul.f32 v12, v11  }
0x56b: {  	v7 =	vmul.f32 v9, v7;
	v3 =	vmul.f32 v10, v3  }
0x56c: {  	v1 =	vmul.f32 v11, v1  }
0x56d: {  	v59 =	vsub.f32 v7, v3  }
0x56e: {  	v8 =	vmul.f32 v11, v8;
	v4 =	vmul.f32 v10, v4;
	v7 =	vsub.f32 v1, v7  }
0x56f: {  	v5 =	vmul.f32 v9, v5;
	v1 =	vsub.f32 v3, v1;
	[tilespmem:s31+$0x1B918] =	vst v59  }
0x570: {  	v60 =	vsub.f32 v4, v8;
	[tilespmem:s31+$0x1B788] =	vst v7  }
0x571: {  	v6 =	vmul.f32 v11, v6;
	v0 =	vmul.f32 v10, v0;
	v4 =	vsub.f32 v5, v4;
	[tilespmem:s31+$0x1B5F8] =	vst v1  }
0x572: {  	v61 =	vmul.f32 v9, v2;
	v62 =	vsub.f32 v8, v5;
	[tilespmem:s31+$0x1BAF8] =	vst v60  }
0x573: {  	v63 =	vsub.f32 v0, v6;
	[tilespmem:s31+$0x1BE18] =	vst v4  }
0x574: {  	v0 =	vsub.f32 v61, v0;
	[tilespmem:s31+$0x1BC88] =	vst v62  }
0x575: {  	v1 =	vsub.f32 v6, v61;
	[tilespmem:s31+$0x1BFF8] =	vst v63  }
0x576: {  	[tilespmem:s31+$0x1C318] =	vst v0  }
0x577: {  	s3 =	simm.s32 $0x1B0F8;
	s4 =	simm.s32 $0x1B5F8;
	[tilespmem:s31+$0x1C188] =	vst v1  }
0x578: {  	[spmem:s10] =	stream.indirect.scatter.add.f32 [tilespmem:s4], [sflag:$0x11], $0x1, s3, s30, $0xb8;
	[tilespmem:$0x1D8F8] =	vst v63  }
0x579: {  	s17 =	simm.s32 $0x1BAF8  }
0x57a: {  	[spmem:s14] =	stream.indirect.scatter.add.f32 [tilespmem:s17], [sflag:$0x11], $0x1, s3, s30, $0xb8;
	[tilespmem:$0x1D8F8] =	vst v63  }
0x57b: {  	s19 =	simm.s32 $0x1BFF8  }
0x57c: {  	[spmem:s18] =	stream.indirect.scatter.add.f32 [tilespmem:s19], [sflag:$0x11], $0x1, s3, s30, $0xb8;
	[tilespmem:$0x1D8F8] =	vst v63  }
0x57d: {  	_ =	swait.ge [sflag:s25], $0x4B0  }
0x57e: {  	[sflag:s25] =	ssyncset.done $0x0  }
0x57f: {  	[sflag:s25] =	ssyncadd.s32 $0xFFFFFB50  }
0x580: {  	_ =	swait.ge [sflag:s25], $0x4B0  }
0x581: {  	[sflag:s25] =	ssyncset.done $0x0  }
0x582: {  	[sflag:s25] =	ssyncadd.s32 $0xFFFFFB50  }
0x583: {  	_ =	swait.ge [sflag:s25], $0x4B0  }
0x584: {  	[sflag:s25] =	ssyncset.done $0x0  }
0x585: {  	[sflag:s25] =	ssyncadd.s32 $0xFFFFFB50  }
0x586: {  	_ =	swait.ge [sflag:s26], $0x4B0  }
0x587: {  	[sflag:s26] =	ssyncset.done $0x0  }
0x588: {  	[sflag:s26] =	ssyncadd.s32 $0xFFFFFB50  }
0x589: {  	_ =	swait.ge [sflag:s26], $0x4B0  }
0x58a: {  	[sflag:s26] =	ssyncset.done $0x0  }
0x58b: {  	[sflag:s26] =	ssyncadd.s32 $0xFFFFFB50  }
0x58c: {  	_ =	swait.ge [sflag:s26], $0x4B0  }
0x58d: {  	[sflag:s26] =	ssyncset.done $0x0  }
0x58e: {  	[sflag:s26] =	ssyncadd.s32 $0xFFFFFB50  }
0x58f: {  	_ =	swait.ge [sflag:s0], $0x4B0  }
0x590: {  	[sflag:s0] =	ssyncset.done $0x0  }
0x591: {  	[sflag:s0] =	ssyncadd.s32 $0xFFFFFB50  }
0x592: {  	_ =	swait.ge [sflag:s0], $0x4B0  }
0x593: {  	[sflag:s0] =	ssyncset.done $0x0  }
0x594: {  	[sflag:s0] =	ssyncadd.s32 $0xFFFFFB50  }
0x595: {  	_ =	swait.ge [sflag:s0], $0x4B0  }
0x596: {  	[sflag:s0] =	ssyncset.done $0x0  }
0x597: {  	[sflag:s0] =	ssyncadd.s32 $0xFFFFFB50  }
0x598: {  	_ =	swait.ge [sflag:s22], $0x4B0  }
0x599: {  	[sflag:s22] =	ssyncset.done $0x0  }
0x59a: {  	[sflag:s22] =	ssyncadd.s32 $0xFFFFFB50  }
0x59b: {  	_ =	swait.ge [sflag:s22], $0x4B0  }
0x59c: {  	[sflag:s22] =	ssyncset.done $0x0  }
0x59d: {  	[sflag:s22] =	ssyncadd.s32 $0xFFFFFB50  }
0x59e: {  	_ =	swait.ge [sflag:s22], $0x4B0  }
0x59f: {  	[sflag:s22] =	ssyncset.done $0x0  }
0x5a0: {  	[sflag:s22] =	ssyncadd.s32 $0xFFFFFB50  }
0x5a1: {  	_ =	swait.ge [sflag:s15], $0x4B0  }
0x5a2: {  	[sflag:s15] =	ssyncset.done $0x0  }
0x5a3: {  	[sflag:s15] =	ssyncadd.s32 $0xFFFFFB50  }
0x5a4: {  	_ =	swait.ge [sflag:s15], $0x4B0  }
0x5a5: {  	[sflag:s15] =	ssyncset.done $0x0  }
0x5a6: {  	[sflag:s15] =	ssyncadd.s32 $0xFFFFFB50  }
0x5a7: {  	_ =	swait.ge [sflag:s15], $0x4B0  }
0x5a8: {  	[sflag:s15] =	ssyncset.done $0x0  }
0x5a9: {  	[sflag:s15] =	ssyncadd.s32 $0xFFFFFB50  }
0x5aa: {  	_ =	swait.ge [sflag:s24], $0x4B0  }
0x5ab: {  	[sflag:s24] =	ssyncset.done $0x0  }
0x5ac: {  	[sflag:s24] =	ssyncadd.s32 $0xFFFFFB50  }
0x5ad: {  	_ =	swait.ge [sflag:s24], $0x4B0  }
0x5ae: {  	[sflag:s24] =	ssyncset.done $0x0  }
0x5af: {  	[sflag:s24] =	ssyncadd.s32 $0xFFFFFB50  }
0x5b0: {  	_ =	swait.ge [sflag:s24], $0x4B0  }
0x5b1: {  	[sflag:s24] =	ssyncset.done $0x0  }
0x5b2: {  	[sflag:s24] =	ssyncadd.s32 $0xFFFFFB50  }
0x5b3: {  	_ =	swait.ge [sflag:s20], $0x4B0  }
0x5b4: {  	[sflag:s20] =	ssyncset.done $0x0  }
0x5b5: {  	[sflag:s20] =	ssyncadd.s32 $0xFFFFFB50  }
0x5b6: {  	_ =	swait.ge [sflag:s20], $0x4B0  }
0x5b7: {  	[sflag:s20] =	ssyncset.done $0x0  }
0x5b8: {  	[sflag:s20] =	ssyncadd.s32 $0xFFFFFB50  }
0x5b9: {  	_ =	swait.ge [sflag:s20], $0x4B0  }
0x5ba: {  	[sflag:s20] =	ssyncset.done $0x0  }
0x5bb: {  	[sflag:s20] =	ssyncadd.s32 $0xFFFFFB50  }
0x5bc: {  	_ =	swait.ge [sflag:s11], $0x4B0  }
0x5bd: {  	[sflag:s11] =	ssyncset.done $0x0  }
0x5be: {  	[sflag:s11] =	ssyncadd.s32 $0xFFFFFB50  }
0x5bf: {  	_ =	swait.ge [sflag:s11], $0x4B0  }
.Ltmp13:
0x5c0: {  	[sflag:s11] =	ssyncset.done $0x0;
	(pc) =	sbr.rel .LBB2_20-.Ltmp13, $4  }
0x5c1: {  	[sflag:s11] =	ssyncadd.s32 $0xFFFFFB50  }
0x5c2: {  	_ =	swait.ge [sflag:s11], $0x4B0  }
0x5c3: {  	[sflag:s11] =	ssyncset.done $0x0  }
0x5c4: {  	s31 =	stileid.u32;
	[sflag:s11] =	ssyncadd.s32 $0xFFFFFB50  }
.LBB2_22:
0x5c5: {  	_ =	sfence.sel $0x180000  }
0x5c6: {  	[bflag:$0x0] =	sbarrier.arrive $0xFFFF  }
0x5c7: {  	_ =	strace $0x90000047  }
0x5c8: {  	[bflag:$0x2] =	sbarrier.arrive $0xFFFF  }
0x5c9: {  	p0 =	sne.s32 s31, $0x0;
	s0 =	rddreg [dreg:$0x5]  }
0x5ca: {  	s0 =	sadd.s32 @!p0 $0x100000, s0  }
0x5cb: {  	[sflag:s0] =	ssyncadd.tile.s32 @!p0 $0x1;
	_ =	shalt  }
.Lfunc_end2:
_tile_overlayer_lowered:
.L_overlay_start_2:
0x5cc: {  	(tag) =	ssettag $0x2  }
0x5cd: {  	s0 =	rddreg [dreg:$0x0];
	s2 =	stileid.u32  }
0x5ce: {  	s1 =	rddreg [dreg:$0x1];
	p0 =	sne.s32 s2, $0x0  }
0x5cf: {  	s3 =	rddreg [dreg:$0x2];
	[bflag:$0x3] =	sbarrier.arrive $0xFFFF;
	s2 =	simm.s32 @!p0 $0x1C12  }
0x5d0: {  	[timem:s3], [sflag:s2] =	dma.local @!p0 [hbm:s0], s1  }
0x5d1: {  	s0 =	simm.s32 @!p0 $0x12  }
0x5d2: {  	_ =	swait.ge @!p0 [sflag:s0], s1  }
0x5d3: {  	s1 =	ssub.s32 @!p0 $0x0, s1;
	[sflag:s0] =	ssyncset.done @!p0 $0x0  }
0x5d4: {  	[sflag:s0] =	ssyncadd.s32 @!p0 s1  }
0x5d5: {  	[bflag:$0x3] =	sbarrier.arrive $0xFFFF  }
0x5d6: {  	_ =	shalt  }

</sc_bundles>
